<compile_context>
chip_gen: v7x
topology: tpu7x:2x2x1
jax: 0.10.2.dev20260603
libtpu: 0.0.44.dev20260713+nightly
codegen_flags: <defaults>
</compile_context>

<pallas_src>
import jax
import jax.numpy as jnp
from jax import lax
from jax.experimental import pallas as pl
from jax.experimental.pallas import tpu as pltpu
from jax.experimental.pallas import tpu_sc as plsc

N_MID = 1000000
EMB = 64
HID = 64
B = 4096
SEQ = 200

NC = 2
NS = 16
NW = NC * NS
BPW = B // NW
L = 16

CH0 = 128
CH1 = SEQ - CH0
NBUF = 6

BLK = 32768
QBLK = BLK // 4
NBLK = (N_MID + BLK - 1) // BLK
NPAD = NBLK * BLK
PW = EMB // 2

PI = (list(range(0, 32, 2)) + list(range(1, 32, 2))
      + list(range(32, 64, 2)) + list(range(33, 64, 2)))


def _relayout_body(xt_ref, hist_t_ref, out_ref, idx_ref):
  @pl.when(pl.program_id(0) == 0)
  def _():
    h = hist_t_ref[...]
    idx_ref[0:B, :] = h[0:CH0, :].T
    idx_ref[B:2 * B, 0:CH1] = h[CH0:SEQ, :].T

  x = xt_ref[...]
  xb = x.astype(jnp.bfloat16)
  xp = pltpu.bitcast(xb, jnp.float32)
  qs = [xp[:, q * QBLK:(q + 1) * QBLK] for q in range(4)]
  xs = jnp.concatenate(qs, axis=0)
  out_ref[...] = xs.T


def _relayout(table, hist_t):
  return pl.pallas_call(
      _relayout_body,
      grid=(NBLK,),
      in_specs=[pl.BlockSpec((EMB, BLK), lambda i: (0, i)),
                pl.BlockSpec((SEQ, B), lambda i: (0, 0))],
      out_specs=[pl.BlockSpec((QBLK, 4 * PW), lambda i: (i, 0)),
                 pl.BlockSpec((2 * B, CH0), lambda i: (0, 0))],
      out_shape=(jax.ShapeDtypeStruct((NBLK * QBLK, 4 * PW), jnp.float32),
                 jax.ShapeDtypeStruct((2 * B, CH0), jnp.int32)),
      compiler_params=pltpu.CompilerParams(vmem_limit_bytes=56 * 2**20),
      name="table_relayout_bf16",
  )(table.T, hist_t)


def _remap(r):
  return (r & ~(BLK - 1)) + 4 * (r & (QBLK - 1)) + ((r >> 13) & 3)


def _sc_body(table, hist_idx, item_idx, out_sum, out_item,
             idx0_v, idx1_v, buf_v, pooled_v, iidx_v, ibuf_v, item_v,
             sems, isem):
  wid = lax.axis_index("s") * NC + lax.axis_index("c")

  pltpu.sync_copy(hist_idx.at[pl.ds(wid * BPW, BPW)], idx0_v)
  pltpu.sync_copy(hist_idx.at[pl.ds(B + wid * BPW, BPW)], idx1_v)
  pltpu.sync_copy(item_idx.at[wid], iidx_v)

  def remap0(e, carry):
    for k in range(CH0 // L):
      idx0_v[e, pl.ds(k * L, L)] = _remap(idx0_v[e, pl.ds(k * L, L)])
    return carry
  lax.fori_loop(0, BPW, remap0, 0, unroll=4)

  def remap1(e, carry):
    for k in range((CH1 + L - 1) // L):
      idx1_v[e, pl.ds(k * L, L)] = _remap(idx1_v[e, pl.ds(k * L, L)])
    return carry
  lax.fori_loop(0, BPW, remap1, 0, unroll=4)

  for j in range(BPW // L):
    iidx_v[pl.ds(j * L, L)] = _remap(iidx_v[pl.ds(j * L, L)])

  pltpu.make_async_copy(table.at[iidx_v], ibuf_v, isem).start()

  def _copies(e, b):
    return (
        pltpu.make_async_copy(
            table.at[idx0_v.at[e]],
            buf_v.at[b, pl.ds(0, CH0), :], sems.at[b]),
        pltpu.make_async_copy(
            table.at[idx1_v.at[e, pl.ds(0, CH1)]],
            buf_v.at[b, pl.ds(CH0, CH1), :], sems.at[b]),
    )

  def fire(e, b):
    for c in _copies(e, b):
      c.start()

  def wait(e, b):
    for c in _copies(e, b):
      c.wait()

  for e in range(NBUF - 1):
    fire(e, e)

  zeros = jnp.zeros((L,), jnp.float32)

  def unpack_row(w0, w1):
    a0, a1 = plsc.unpack(plsc.bitcast(w0, jnp.bfloat16),
                         format=plsc.PackFormat.INTERLEAVED)
    a2, a3 = plsc.unpack(plsc.bitcast(w1, jnp.bfloat16),
                         format=plsc.PackFormat.INTERLEAVED)
    return a0, a1, a2, a3

  def accum_chunk(b, accs):
    def s_body(s, accs):
      a0, a1, a2, a3 = accs
      u0, u1, u2, u3 = unpack_row(buf_v[b, s, pl.ds(0, L)],
                                  buf_v[b, s, pl.ds(L, L)])
      return (a0 + u0, a1 + u1, a2 + u2, a3 + u3)
    return lax.fori_loop(0, SEQ, s_body, accs, unroll=8)

  def step(e, bb):
    wait(e, bb)
    accs = accum_chunk(bb, (zeros, zeros, zeros, zeros))

    @pl.when(e + NBUF - 1 < BPW)
    def _():
      fire(e + NBUF - 1, (bb + NBUF - 1) % NBUF)
    for j in range(4):
      pooled_v[e, pl.ds(j * L, L)] = accs[j]

  NG = (BPW // NBUF) * NBUF

  def outer(i, carry):
    for bb in range(NBUF):
      step(i * NBUF + bb, bb)
    return carry

  lax.fori_loop(0, NG // NBUF, outer, 0)
  for e in range(NG, BPW):
    step(e, e % NBUF)

  pltpu.sync_copy(pooled_v, out_sum.at[pl.ds(wid * BPW, BPW)])

  pltpu.make_async_copy(table.at[iidx_v], ibuf_v, isem).wait()

  def item_row(e, carry):
    u0, u1, u2, u3 = unpack_row(ibuf_v[e, pl.ds(0, L)],
                                ibuf_v[e, pl.ds(L, L)])
    item_v[e, pl.ds(0, L)] = u0
    item_v[e, pl.ds(L, L)] = u1
    item_v[e, pl.ds(2 * L, L)] = u2
    item_v[e, pl.ds(3 * L, L)] = u3
    return carry
  lax.fori_loop(0, BPW, item_row, 0, unroll=4)
  pltpu.sync_copy(item_v, out_item.at[pl.ds(wid * BPW, BPW)])


def _sc_gather(table_lin, hist_idx, item_idx):
  mesh = plsc.VectorSubcoreMesh(core_axis_name="c", subcore_axis_name="s")
  kern = pl.kernel(
      _sc_body,
      out_type=(
          jax.ShapeDtypeStruct((B, EMB), jnp.float32),
          jax.ShapeDtypeStruct((B, EMB), jnp.float32),
      ),
      mesh=mesh,
      scratch_types=[
          pltpu.VMEM((BPW, CH0), jnp.int32),
          pltpu.VMEM((BPW, CH0), jnp.int32),
          pltpu.VMEM((NBUF, SEQ, PW), jnp.float32),
          pltpu.VMEM((BPW, EMB), jnp.float32),
          pltpu.VMEM((BPW,), jnp.int32),
          pltpu.VMEM((BPW, PW), jnp.float32),
          pltpu.VMEM((BPW, EMB), jnp.float32),
          pltpu.SemaphoreType.DMA((NBUF,)),
          pltpu.SemaphoreType.DMA,
      ],
      compiler_params=pltpu.CompilerParams(use_tc_tiling_on_sc=False,
                                           needs_layout_passes=False),
      name="sc_embedding_bag",
  )
  return kern(table_lin, hist_idx, item_idx)


def _mm_body(sum_ref, w_ref, b_ref, item_ref, pmat_ref,
             user_ref, item_out_ref):
  mean = sum_ref[...] / jnp.float32(SEQ)
  user_ref[...] = (
      jnp.dot(mean, w_ref[...], preferred_element_type=jnp.float32)
      + b_ref[...]
  )
  item_out_ref[...] = jnp.dot(item_ref[...], pmat_ref[...],
                              preferred_element_type=jnp.float32)


def _project(pooled_sum, W_perm, b, item_perm, pmat):
  return pl.pallas_call(
      _mm_body,
      out_shape=(jax.ShapeDtypeStruct((B, HID), jnp.float32),
                 jax.ShapeDtypeStruct((B, EMB), jnp.float32)),
      name="mean_dense",
  )(pooled_sum, W_perm, b.reshape(1, HID), item_perm, pmat)


def kernel(mid_batch_ph, mid_his_batch_ph, mask, mid_embeddings_var, W, b):
  packed, idx_lin = _relayout(mid_embeddings_var, mid_his_batch_ph.T)
  table_lin = packed.reshape(NPAD, PW)
  item_idx = mid_batch_ph.reshape(NW, BPW)
  pooled_sum, item_perm = _sc_gather(table_lin, idx_lin, item_idx)
  pi = jnp.asarray(PI, dtype=jnp.int32)
  w_perm = W[pi, :]
  pmat = jnp.zeros((EMB, EMB), jnp.float32).at[jnp.arange(EMB), pi].set(1.0)
  del mask
  user_eb, item_eb = _project(pooled_sum, w_perm, b, item_perm, pmat)
  return (user_eb, item_eb)

# --- scband reference (transcript-rebuilt; emitter-appended) ---
"""Pipeline reference for scband-model-dnn-3186865733676 (READ-ONLY COPY).

The authoritative reference and input builder live on the scoring server;
editing this copy changes nothing except your own understanding.
"""

import jax, jax.numpy as jnp
import numpy as np

N_MID = 1000000
EMB = 64
HID = 64
B = 4096
SEQ = 200


def setup_inputs(seed: int = 0) -> dict:
    key = jax.random.key(seed)
    ks = jax.random.split(key, 5)
    mid_batch_ph = jax.random.randint(ks[0], (B,), 0, N_MID, dtype=jnp.int32)
    mid_his_batch_ph = jax.random.randint(ks[1], (B, SEQ), 0, N_MID, dtype=jnp.int32)
    mask = jnp.ones((B, SEQ), dtype=jnp.float32)
    mid_embeddings_var = jax.random.normal(ks[2], (N_MID, EMB), dtype=jnp.float32) * 0.05
    W = jax.random.normal(ks[3], (EMB, HID), dtype=jnp.float32) * 0.05
    b = jnp.zeros((HID,), dtype=jnp.float32)
    return {
        "mid_batch_ph": mid_batch_ph,
        "mid_his_batch_ph": mid_his_batch_ph,
        "mask": mask,
        "mid_embeddings_var": mid_embeddings_var,
        "W": W,
        "b": b,
    }


def reference(mid_batch_ph, mid_his_batch_ph, mask, mid_embeddings_var, W, b):
    # Embedding_layer: gather item and history embeddings
    item_eb = jnp.take(mid_embeddings_var, mid_batch_ph, axis=0)            # [B, EMB]
    mid_his_batch_embedded = jnp.take(mid_embeddings_var, mid_his_batch_ph, axis=0)  # [B, SEQ, EMB]
    item_his_eb = mid_his_batch_embedded * mask.reshape(-1, SEQ, 1)
    # Model_DNN: masked mean pooling over history
    masks = jnp.repeat(mask[:, :, None], EMB, axis=-1)                       # [B, SEQ, EMB]
    item_his_eb_mean = jnp.sum(item_his_eb, axis=1) / (jnp.sum(masks, axis=1) + 1e-09)
    # dense layer -> user embedding
    user_eb = item_his_eb_mean @ W + b                                       # [B, HID]
    return (user_eb, item_eb)

if __name__ == "__main__":
    import jax
    _d = setup_inputs()
    print(jax.jit(kernel)(*tuple(_d.values())))

</pallas_src>

<mosaic_0001>
#map = affine_map<(d0, d1) -> (0, 0)>
module attributes {stable_mosaic.version = 14 : i64} {
  func.func @sc_embedding_bag(%arg0: i32, %arg1: i32, %arg2: memref<1015808x32xf32, #tpu.memory_space<hbm>>, %arg3: memref<8192x128xi32, #tpu.memory_space<hbm>>, %arg4: memref<32x128xi32, #tpu.memory_space<hbm>>, %arg5: memref<4096x64xf32, #tpu.memory_space<hbm>>, %arg6: memref<4096x64xf32, #tpu.memory_space<hbm>>, %arg7: memref<128x128xi32, #tpu.memory_space<vmem>>, %arg8: memref<128x128xi32, #tpu.memory_space<vmem>>, %arg9: memref<6x200x32xf32, #tpu.memory_space<vmem>>, %arg10: memref<128x64xf32, #tpu.memory_space<vmem>>, %arg11: memref<128xi32, #tpu.memory_space<vmem>>, %arg12: memref<128x32xf32, #tpu.memory_space<vmem>>, %arg13: memref<128x64xf32, #tpu.memory_space<vmem>>, %arg14: memref<6x!tpu.dma_semaphore, #tpu.memory_space<semaphore_mem>>, %arg15: memref<!tpu.dma_semaphore, #tpu.memory_space<semaphore_mem>>) attributes {dimension_semantics = [#tpu.dimension_semantics<core_parallel>, #tpu.dimension_semantics<subcore_parallel>], iteration_bounds = array<i64: 2, 16>, scalar_prefetch = 0 : i64, scratch_operands = 9 : i64, tpu.core_type = #tpu.core_type<sc_vector_subcore>, window_params = [{transform_indices = #map}, {transform_indices = #map}, {transform_indices = #map}, {transform_indices = #map}, {transform_indices = #map}]} {
    %mul3A = arith.constant 2 : i32
    %mul3A_0 = arith.muli %arg1, %mul3A : i32
    %add3A = arith.addi %mul3A_0, %arg0 : i32
    %mul3A_1 = arith.constant 128 : i32
    %mul3A_2 = arith.muli %add3A, %mul3A_1 : i32
    "tpu.region"() ({
      %run_scoped3A = tpu.sem_alloc : memref<!tpu.dma_semaphore, #tpu.memory_space<semaphore_mem>>
      %dma_start3A_457 = arith.constant 0 : i32
      %dma_start3A_458 = tpu.memref_slice %arg3[%mul3A_2, %dma_start3A_457] : memref<8192x128xi32, #tpu.memory_space<hbm>> -> memref<128x128xi32, #tpu.memory_space<hbm>>
      %dma_start3A_459 = arith.constant 0 : i32
      %dma_start3A_460 = tpu.memref_slice %arg3[%mul3A_2, %dma_start3A_459] : memref<8192x128xi32, #tpu.memory_space<hbm>> -> memref<128x128xi32, #tpu.memory_space<hbm>>
      tpu.enqueue_dma source(%dma_start3A_460 : memref<128x128xi32, #tpu.memory_space<hbm>>) target(%arg7 : memref<128x128xi32, #tpu.memory_space<vmem>>) target_semaphore(%run_scoped3A : memref<!tpu.dma_semaphore, #tpu.memory_space<semaphore_mem>>)
      %dma_wait3A_461 = arith.constant 0 : i32
      %dma_wait3A_462 = tpu.memref_slice %arg3[%mul3A_2, %dma_wait3A_461] : memref<8192x128xi32, #tpu.memory_space<hbm>> -> memref<128x128xi32, #tpu.memory_space<hbm>>
      %dma_wait3A_463 = arith.constant 0 : i32
      %dma_wait3A_464 = tpu.memref_slice %arg3[%mul3A_2, %dma_wait3A_463] : memref<8192x128xi32, #tpu.memory_space<hbm>> -> memref<128x128xi32, #tpu.memory_space<hbm>>
      tpu.wait_dma2 semaphore(%run_scoped3A : memref<!tpu.dma_semaphore, #tpu.memory_space<semaphore_mem>>) src(%dma_wait3A_464 : memref<128x128xi32, #tpu.memory_space<hbm>>) dst(%arg7 : memref<128x128xi32, #tpu.memory_space<vmem>>)
      tpu.yield
    }) : () -> ()
    %mul3A_3 = arith.constant 128 : i32
    %mul3A_4 = arith.muli %add3A, %mul3A_3 : i32
    %add3A_5 = arith.constant 4096 : i32
    %add3A_6 = arith.addi %add3A_5, %mul3A_4 : i32
    "tpu.region"() ({
      %run_scoped3A = tpu.sem_alloc : memref<!tpu.dma_semaphore, #tpu.memory_space<semaphore_mem>>
      %dma_start3A_457 = arith.constant 0 : i32
      %dma_start3A_458 = tpu.memref_slice %arg3[%add3A_6, %dma_start3A_457] : memref<8192x128xi32, #tpu.memory_space<hbm>> -> memref<128x128xi32, #tpu.memory_space<hbm>>
      %dma_start3A_459 = arith.constant 0 : i32
      %dma_start3A_460 = tpu.memref_slice %arg3[%add3A_6, %dma_start3A_459] : memref<8192x128xi32, #tpu.memory_space<hbm>> -> memref<128x128xi32, #tpu.memory_space<hbm>>
      tpu.enqueue_dma source(%dma_start3A_460 : memref<128x128xi32, #tpu.memory_space<hbm>>) target(%arg8 : memref<128x128xi32, #tpu.memory_space<vmem>>) target_semaphore(%run_scoped3A : memref<!tpu.dma_semaphore, #tpu.memory_space<semaphore_mem>>)
      %dma_wait3A_461 = arith.constant 0 : i32
      %dma_wait3A_462 = tpu.memref_slice %arg3[%add3A_6, %dma_wait3A_461] : memref<8192x128xi32, #tpu.memory_space<hbm>> -> memref<128x128xi32, #tpu.memory_space<hbm>>
      %dma_wait3A_463 = arith.constant 0 : i32
      %dma_wait3A_464 = tpu.memref_slice %arg3[%add3A_6, %dma_wait3A_463] : memref<8192x128xi32, #tpu.memory_space<hbm>> -> memref<128x128xi32, #tpu.memory_space<hbm>>
      tpu.wait_dma2 semaphore(%run_scoped3A : memref<!tpu.dma_semaphore, #tpu.memory_space<semaphore_mem>>) src(%dma_wait3A_464 : memref<128x128xi32, #tpu.memory_space<hbm>>) dst(%arg8 : memref<128x128xi32, #tpu.memory_space<vmem>>)
      tpu.yield
    }) : () -> ()
    "tpu.region"() ({
      %run_scoped3A = tpu.sem_alloc : memref<!tpu.dma_semaphore, #tpu.memory_space<semaphore_mem>>
      %dma_start3A_457 = arith.constant 0 : i32
      %dma_start3A_458 = tpu.memref_slice %arg4[%add3A, %dma_start3A_457] : memref<32x128xi32, #tpu.memory_space<hbm>> -> memref<1x128xi32, #tpu.memory_space<hbm>>
      %dma_start3A_459 = tpu.memref_squeeze %dma_start3A_458 : memref<1x128xi32, #tpu.memory_space<hbm>> -> memref<128xi32, #tpu.memory_space<hbm>>
      %dma_start3A_460 = arith.constant 0 : i32
      %dma_start3A_461 = tpu.memref_slice %arg4[%add3A, %dma_start3A_460] : memref<32x128xi32, #tpu.memory_space<hbm>> -> memref<1x128xi32, #tpu.memory_space<hbm>>
      %dma_start3A_462 = tpu.memref_squeeze %dma_start3A_461 : memref<1x128xi32, #tpu.memory_space<hbm>> -> memref<128xi32, #tpu.memory_space<hbm>>
      tpu.enqueue_dma source(%dma_start3A_462 : memref<128xi32, #tpu.memory_space<hbm>>) target(%arg11 : memref<128xi32, #tpu.memory_space<vmem>>) target_semaphore(%run_scoped3A : memref<!tpu.dma_semaphore, #tpu.memory_space<semaphore_mem>>)
      %dma_wait3A_463 = arith.constant 0 : i32
      %dma_wait3A_464 = tpu.memref_slice %arg4[%add3A, %dma_wait3A_463] : memref<32x128xi32, #tpu.memory_space<hbm>> -> memref<1x128xi32, #tpu.memory_space<hbm>>
      %dma_wait3A_465 = tpu.memref_squeeze %dma_wait3A_464 : memref<1x128xi32, #tpu.memory_space<hbm>> -> memref<128xi32, #tpu.memory_space<hbm>>
      %dma_wait3A_466 = arith.constant 0 : i32
      %dma_wait3A_467 = tpu.memref_slice %arg4[%add3A, %dma_wait3A_466] : memref<32x128xi32, #tpu.memory_space<hbm>> -> memref<1x128xi32, #tpu.memory_space<hbm>>
      %dma_wait3A_468 = tpu.memref_squeeze %dma_wait3A_467 : memref<1x128xi32, #tpu.memory_space<hbm>> -> memref<128xi32, #tpu.memory_space<hbm>>
      tpu.wait_dma2 semaphore(%run_scoped3A : memref<!tpu.dma_semaphore, #tpu.memory_space<semaphore_mem>>) src(%dma_wait3A_468 : memref<128xi32, #tpu.memory_space<hbm>>) dst(%arg11 : memref<128xi32, #tpu.memory_space<vmem>>)
      tpu.yield
    }) : () -> ()
    %scan3A = arith.constant 0 : i32
    %scan3A_7 = arith.constant 0 : i32
    %scan3A_8 = arith.constant 128 : i32
    %scan3A_9 = arith.addi %scan3A_7, %scan3A_8 : i32
    %scan3A_10 = arith.constant 4 : i32
    scf.for %scan3A_457 = %scan3A_7 to %scan3A_9 step %scan3A_10  : i32 {
      %get3A_458 = arith.index_cast %scan3A_457 : i32 to index
      %get3A_459 = arith.constant 0 : index
      %get3A_460 = tpu.vector_load %arg7[%get3A_458, %get3A_459] {strides = array<i32>} : memref<128x128xi32, #tpu.memory_space<vmem>>, vector<16xi32>,
      %and3A_461 = arith.constant -32768 : i32
      %and3A_462 = vector.broadcast %and3A_461 : i32 to vector<16xi32>
      %and3A_463 = arith.andi %get3A_460, %and3A_462 : vector<16xi32>
      %and3A_464 = arith.constant 8191 : i32
      %and3A_465 = vector.broadcast %and3A_464 : i32 to vector<16xi32>
      %and3A_466 = arith.andi %get3A_460, %and3A_465 : vector<16xi32>
      %mul3A_467 = arith.constant 4 : i32
      %mul3A_468 = vector.broadcast %mul3A_467 : i32 to vector<16xi32>
      %mul3A_469 = arith.muli %mul3A_468, %and3A_466 : vector<16xi32>
      %add3A_470 = arith.addi %and3A_463, %mul3A_469 : vector<16xi32>
      %shift_right_arithmetic3A_471 = arith.constant 13 : i32
      %shift_right_arithmetic3A_472 = vector.broadcast %shift_right_arithmetic3A_471 : i32 to vector<16xi32>
      %shift_right_arithmetic3A_473 = arith.shrsi %get3A_460, %shift_right_arithmetic3A_472 : vector<16xi32>
      %and3A_474 = arith.constant 3 : i32
      %and3A_475 = vector.broadcast %and3A_474 : i32 to vector<16xi32>
      %and3A_476 = arith.andi %shift_right_arithmetic3A_473, %and3A_475 : vector<16xi32>
      %add3A_477 = arith.addi %add3A_470, %and3A_476 : vector<16xi32>
      %swap3A_478 = arith.index_cast %scan3A_457 : i32 to index
      %swap3A_479 = arith.constant 0 : index
      %swap3A_480 = tpu.vector_load %arg7[%swap3A_478, %swap3A_479] {strides = array<i32>} : memref<128x128xi32, #tpu.memory_space<vmem>>, vector<16xi32>,
      tpu.vector_store %arg7[%swap3A_478, %swap3A_479], %add3A_477 {strides = array<i32>} : memref<128x128xi32, #tpu.memory_space<vmem>>, vector<16xi32>,
      %get3A_481 = arith.index_cast %scan3A_457 : i32 to index
      %get3A_482 = arith.constant 16 : index
      %get3A_483 = tpu.vector_load %arg7[%get3A_481, %get3A_482] {strides = array<i32>} : memref<128x128xi32, #tpu.memory_space<vmem>>, vector<16xi32>,
      %and3A_484 = arith.constant -32768 : i32
      %and3A_485 = vector.broadcast %and3A_484 : i32 to vector<16xi32>
      %and3A_486 = arith.andi %get3A_483, %and3A_485 : vector<16xi32>
      %and3A_487 = arith.constant 8191 : i32
      %and3A_488 = vector.broadcast %and3A_487 : i32 to vector<16xi32>
      %and3A_489 = arith.andi %get3A_483, %and3A_488 : vector<16xi32>
      %mul3A_490 = arith.constant 4 : i32
      %mul3A_491 = vector.broadcast %mul3A_490 : i32 to vector<16xi32>
      %mul3A_492 = arith.muli %mul3A_491, %and3A_489 : vector<16xi32>
      %add3A_493 = arith.addi %and3A_486, %mul3A_492 : vector<16xi32>
      %shift_right_arithmetic3A_494 = arith.constant 13 : i32
      %shift_right_arithmetic3A_495 = vector.broadcast %shift_right_arithmetic3A_494 : i32 to vector<16xi32>
      %shift_right_arithmetic3A_496 = arith.shrsi %get3A_483, %shift_right_arithmetic3A_495 : vector<16xi32>
      %and3A_497 = arith.constant 3 : i32
      %and3A_498 = vector.broadcast %and3A_497 : i32 to vector<16xi32>
      %and3A_499 = arith.andi %shift_right_arithmetic3A_496, %and3A_498 : vector<16xi32>
      %add3A_500 = arith.addi %add3A_493, %and3A_499 : vector<16xi32>
      %swap3A_501 = arith.index_cast %scan3A_457 : i32 to index
      %swap3A_502 = arith.constant 16 : index
      %swap3A_503 = tpu.vector_load %arg7[%swap3A_501, %swap3A_502] {strides = array<i32>} : memref<128x128xi32, #tpu.memory_space<vmem>>, vector<16xi32>,
      tpu.vector_store %arg7[%swap3A_501, %swap3A_502], %add3A_500 {strides = array<i32>} : memref<128x128xi32, #tpu.memory_space<vmem>>, vector<16xi32>,
      %get3A_504 = arith.index_cast %scan3A_457 : i32 to index
      %get3A_505 = arith.constant 32 : index
      %get3A_506 = tpu.vector_load %arg7[%get3A_504, %get3A_505] {strides = array<i32>} : memref<128x128xi32, #tpu.memory_space<vmem>>, vector<16xi32>,
      %and3A_507 = arith.constant -32768 : i32
      %and3A_508 = vector.broadcast %and3A_507 : i32 to vector<16xi32>
      %and3A_509 = arith.andi %get3A_506, %and3A_508 : vector<16xi32>
      %and3A_510 = arith.constant 8191 : i32
      %and3A_511 = vector.broadcast %and3A_510 : i32 to vector<16xi32>
      %and3A_512 = arith.andi %get3A_506, %and3A_511 : vector<16xi32>
      %mul3A_513 = arith.constant 4 : i32
      %mul3A_514 = vector.broadcast %mul3A_513 : i32 to vector<16xi32>
      %mul3A_515 = arith.muli %mul3A_514, %and3A_512 : vector<16xi32>
      %add3A_516 = arith.addi %and3A_509, %mul3A_515 : vector<16xi32>
      %shift_right_arithmetic3A_517 = arith.constant 13 : i32
      %shift_right_arithmetic3A_518 = vector.broadcast %shift_right_arithmetic3A_517 : i32 to vector<16xi32>
      %shift_right_arithmetic3A_519 = arith.shrsi %get3A_506, %shift_right_arithmetic3A_518 : vector<16xi32>
      %and3A_520 = arith.constant 3 : i32
      %and3A_521 = vector.broadcast %and3A_520 : i32 to vector<16xi32>
      %and3A_522 = arith.andi %shift_right_arithmetic3A_519, %and3A_521 : vector<16xi32>
      %add3A_523 = arith.addi %add3A_516, %and3A_522 : vector<16xi32>
      %swap3A_524 = arith.index_cast %scan3A_457 : i32 to index
      %swap3A_525 = arith.constant 32 : index
      %swap3A_526 = tpu.vector_load %arg7[%swap3A_524, %swap3A_525] {strides = array<i32>} : memref<128x128xi32, #tpu.memory_space<vmem>>, vector<16xi32>,
      tpu.vector_store %arg7[%swap3A_524, %swap3A_525], %add3A_523 {strides = array<i32>} : memref<128x128xi32, #tpu.memory_space<vmem>>, vector<16xi32>,
      %get3A_527 = arith.index_cast %scan3A_457 : i32 to index
      %get3A_528 = arith.constant 48 : index
      %get3A_529 = tpu.vector_load %arg7[%get3A_527, %get3A_528] {strides = array<i32>} : memref<128x128xi32, #tpu.memory_space<vmem>>, vector<16xi32>,
      %and3A_530 = arith.constant -32768 : i32
      %and3A_531 = vector.broadcast %and3A_530 : i32 to vector<16xi32>
      %and3A_532 = arith.andi %get3A_529, %and3A_531 : vector<16xi32>
      %and3A_533 = arith.constant 8191 : i32
      %and3A_534 = vector.broadcast %and3A_533 : i32 to vector<16xi32>
      %and3A_535 = arith.andi %get3A_529, %and3A_534 : vector<16xi32>
      %mul3A_536 = arith.constant 4 : i32
      %mul3A_537 = vector.broadcast %mul3A_536 : i32 to vector<16xi32>
      %mul3A_538 = arith.muli %mul3A_537, %and3A_535 : vector<16xi32>
      %add3A_539 = arith.addi %and3A_532, %mul3A_538 : vector<16xi32>
      %shift_right_arithmetic3A_540 = arith.constant 13 : i32
      %shift_right_arithmetic3A_541 = vector.broadcast %shift_right_arithmetic3A_540 : i32 to vector<16xi32>
      %shift_right_arithmetic3A_542 = arith.shrsi %get3A_529, %shift_right_arithmetic3A_541 : vector<16xi32>
      %and3A_543 = arith.constant 3 : i32
      %and3A_544 = vector.broadcast %and3A_543 : i32 to vector<16xi32>
      %and3A_545 = arith.andi %shift_right_arithmetic3A_542, %and3A_544 : vector<16xi32>
      %add3A_546 = arith.addi %add3A_539, %and3A_545 : vector<16xi32>
      %swap3A_547 = arith.index_cast %scan3A_457 : i32 to index
      %swap3A_548 = arith.constant 48 : index
      %swap3A_549 = tpu.vector_load %arg7[%swap3A_547, %swap3A_548] {strides = array<i32>} : memref<128x128xi32, #tpu.memory_space<vmem>>, vector<16xi32>,
      tpu.vector_store %arg7[%swap3A_547, %swap3A_548], %add3A_546 {strides = array<i32>} : memref<128x128xi32, #tpu.memory_space<vmem>>, vector<16xi32>,
      %get3A_550 = arith.index_cast %scan3A_457 : i32 to index
      %get3A_551 = arith.constant 64 : index
      %get3A_552 = tpu.vector_load %arg7[%get3A_550, %get3A_551] {strides = array<i32>} : memref<128x128xi32, #tpu.memory_space<vmem>>, vector<16xi32>,
      %and3A_553 = arith.constant -32768 : i32
      %and3A_554 = vector.broadcast %and3A_553 : i32 to vector<16xi32>
      %and3A_555 = arith.andi %get3A_552, %and3A_554 : vector<16xi32>
      %and3A_556 = arith.constant 8191 : i32
      %and3A_557 = vector.broadcast %and3A_556 : i32 to vector<16xi32>
      %and3A_558 = arith.andi %get3A_552, %and3A_557 : vector<16xi32>
      %mul3A_559 = arith.constant 4 : i32
      %mul3A_560 = vector.broadcast %mul3A_559 : i32 to vector<16xi32>
      %mul3A_561 = arith.muli %mul3A_560, %and3A_558 : vector<16xi32>
      %add3A_562 = arith.addi %and3A_555, %mul3A_561 : vector<16xi32>
      %shift_right_arithmetic3A_563 = arith.constant 13 : i32
      %shift_right_arithmetic3A_564 = vector.broadcast %shift_right_arithmetic3A_563 : i32 to vector<16xi32>
      %shift_right_arithmetic3A_565 = arith.shrsi %get3A_552, %shift_right_arithmetic3A_564 : vector<16xi32>
      %and3A_566 = arith.constant 3 : i32
      %and3A_567 = vector.broadcast %and3A_566 : i32 to vector<16xi32>
      %and3A_568 = arith.andi %shift_right_arithmetic3A_565, %and3A_567 : vector<16xi32>
      %add3A_569 = arith.addi %add3A_562, %and3A_568 : vector<16xi32>
      %swap3A_570 = arith.index_cast %scan3A_457 : i32 to index
      %swap3A_571 = arith.constant 64 : index
      %swap3A_572 = tpu.vector_load %arg7[%swap3A_570, %swap3A_571] {strides = array<i32>} : memref<128x128xi32, #tpu.memory_space<vmem>>, vector<16xi32>,
      tpu.vector_store %arg7[%swap3A_570, %swap3A_571], %add3A_569 {strides = array<i32>} : memref<128x128xi32, #tpu.memory_space<vmem>>, vector<16xi32>,
      %get3A_573 = arith.index_cast %scan3A_457 : i32 to index
      %get3A_574 = arith.constant 80 : index
      %get3A_575 = tpu.vector_load %arg7[%get3A_573, %get3A_574] {strides = array<i32>} : memref<128x128xi32, #tpu.memory_space<vmem>>, vector<16xi32>,
      %and3A_576 = arith.constant -32768 : i32
      %and3A_577 = vector.broadcast %and3A_576 : i32 to vector<16xi32>
      %and3A_578 = arith.andi %get3A_575, %and3A_577 : vector<16xi32>
      %and3A_579 = arith.constant 8191 : i32
      %and3A_580 = vector.broadcast %and3A_579 : i32 to vector<16xi32>
      %and3A_581 = arith.andi %get3A_575, %and3A_580 : vector<16xi32>
      %mul3A_582 = arith.constant 4 : i32
      %mul3A_583 = vector.broadcast %mul3A_582 : i32 to vector<16xi32>
      %mul3A_584 = arith.muli %mul3A_583, %and3A_581 : vector<16xi32>
      %add3A_585 = arith.addi %and3A_578, %mul3A_584 : vector<16xi32>
      %shift_right_arithmetic3A_586 = arith.constant 13 : i32
      %shift_right_arithmetic3A_587 = vector.broadcast %shift_right_arithmetic3A_586 : i32 to vector<16xi32>
      %shift_right_arithmetic3A_588 = arith.shrsi %get3A_575, %shift_right_arithmetic3A_587 : vector<16xi32>
      %and3A_589 = arith.constant 3 : i32
      %and3A_590 = vector.broadcast %and3A_589 : i32 to vector<16xi32>
      %and3A_591 = arith.andi %shift_right_arithmetic3A_588, %and3A_590 : vector<16xi32>
      %add3A_592 = arith.addi %add3A_585, %and3A_591 : vector<16xi32>
      %swap3A_593 = arith.index_cast %scan3A_457 : i32 to index
      %swap3A_594 = arith.constant 80 : index
      %swap3A_595 = tpu.vector_load %arg7[%swap3A_593, %swap3A_594] {strides = array<i32>} : memref<128x128xi32, #tpu.memory_space<vmem>>, vector<16xi32>,
      tpu.vector_store %arg7[%swap3A_593, %swap3A_594], %add3A_592 {strides = array<i32>} : memref<128x128xi32, #tpu.memory_space<vmem>>, vector<16xi32>,
      %get3A_596 = arith.index_cast %scan3A_457 : i32 to index
      %get3A_597 = arith.constant 96 : index
      %get3A_598 = tpu.vector_load %arg7[%get3A_596, %get3A_597] {strides = array<i32>} : memref<128x128xi32, #tpu.memory_space<vmem>>, vector<16xi32>,
      %and3A_599 = arith.constant -32768 : i32
      %and3A_600 = vector.broadcast %and3A_599 : i32 to vector<16xi32>
      %and3A_601 = arith.andi %get3A_598, %and3A_600 : vector<16xi32>
      %and3A_602 = arith.constant 8191 : i32
      %and3A_603 = vector.broadcast %and3A_602 : i32 to vector<16xi32>
      %and3A_604 = arith.andi %get3A_598, %and3A_603 : vector<16xi32>
      %mul3A_605 = arith.constant 4 : i32
      %mul3A_606 = vector.broadcast %mul3A_605 : i32 to vector<16xi32>
      %mul3A_607 = arith.muli %mul3A_606, %and3A_604 : vector<16xi32>
      %add3A_608 = arith.addi %and3A_601, %mul3A_607 : vector<16xi32>
      %shift_right_arithmetic3A_609 = arith.constant 13 : i32
      %shift_right_arithmetic3A_610 = vector.broadcast %shift_right_arithmetic3A_609 : i32 to vector<16xi32>
      %shift_right_arithmetic3A_611 = arith.shrsi %get3A_598, %shift_right_arithmetic3A_610 : vector<16xi32>
      %and3A_612 = arith.constant 3 : i32
      %and3A_613 = vector.broadcast %and3A_612 : i32 to vector<16xi32>
      %and3A_614 = arith.andi %shift_right_arithmetic3A_611, %and3A_613 : vector<16xi32>
      %add3A_615 = arith.addi %add3A_608, %and3A_614 : vector<16xi32>
      %swap3A_616 = arith.index_cast %scan3A_457 : i32 to index
      %swap3A_617 = arith.constant 96 : index
      %swap3A_618 = tpu.vector_load %arg7[%swap3A_616, %swap3A_617] {strides = array<i32>} : memref<128x128xi32, #tpu.memory_space<vmem>>, vector<16xi32>,
      tpu.vector_store %arg7[%swap3A_616, %swap3A_617], %add3A_615 {strides = array<i32>} : memref<128x128xi32, #tpu.memory_space<vmem>>, vector<16xi32>,
      %get3A_619 = arith.index_cast %scan3A_457 : i32 to index
      %get3A_620 = arith.constant 112 : index
      %get3A_621 = tpu.vector_load %arg7[%get3A_619, %get3A_620] {strides = array<i32>} : memref<128x128xi32, #tpu.memory_space<vmem>>, vector<16xi32>,
      %and3A_622 = arith.constant -32768 : i32
      %and3A_623 = vector.broadcast %and3A_622 : i32 to vector<16xi32>
      %and3A_624 = arith.andi %get3A_621, %and3A_623 : vector<16xi32>
      %and3A_625 = arith.constant 8191 : i32
      %and3A_626 = vector.broadcast %and3A_625 : i32 to vector<16xi32>
      %and3A_627 = arith.andi %get3A_621, %and3A_626 : vector<16xi32>
      %mul3A_628 = arith.constant 4 : i32
      %mul3A_629 = vector.broadcast %mul3A_628 : i32 to vector<16xi32>
      %mul3A_630 = arith.muli %mul3A_629, %and3A_627 : vector<16xi32>
      %add3A_631 = arith.addi %and3A_624, %mul3A_630 : vector<16xi32>
      %shift_right_arithmetic3A_632 = arith.constant 13 : i32
      %shift_right_arithmetic3A_633 = vector.broadcast %shift_right_arithmetic3A_632 : i32 to vector<16xi32>
      %shift_right_arithmetic3A_634 = arith.shrsi %get3A_621, %shift_right_arithmetic3A_633 : vector<16xi32>
      %and3A_635 = arith.constant 3 : i32
      %and3A_636 = vector.broadcast %and3A_635 : i32 to vector<16xi32>
      %and3A_637 = arith.andi %shift_right_arithmetic3A_634, %and3A_636 : vector<16xi32>
      %add3A_638 = arith.addi %add3A_631, %and3A_637 : vector<16xi32>
      %swap3A_639 = arith.index_cast %scan3A_457 : i32 to index
      %swap3A_640 = arith.constant 112 : index
      %swap3A_641 = tpu.vector_load %arg7[%swap3A_639, %swap3A_640] {strides = array<i32>} : memref<128x128xi32, #tpu.memory_space<vmem>>, vector<16xi32>,
      tpu.vector_store %arg7[%swap3A_639, %swap3A_640], %add3A_638 {strides = array<i32>} : memref<128x128xi32, #tpu.memory_space<vmem>>, vector<16xi32>,
      %scan3A_642 = arith.constant 1 : i32
      %scan3A_643 = arith.addi %scan3A_457, %scan3A_642 : i32
      %get3A_644 = arith.index_cast %scan3A_643 : i32 to index
      %get3A_645 = arith.constant 0 : index
      %get3A_646 = tpu.vector_load %arg7[%get3A_644, %get3A_645] {strides = array<i32>} : memref<128x128xi32, #tpu.memory_space<vmem>>, vector<16xi32>,
      %and3A_647 = arith.constant -32768 : i32
      %and3A_648 = vector.broadcast %and3A_647 : i32 to vector<16xi32>
      %and3A_649 = arith.andi %get3A_646, %and3A_648 : vector<16xi32>
      %and3A_650 = arith.constant 8191 : i32
      %and3A_651 = vector.broadcast %and3A_650 : i32 to vector<16xi32>
      %and3A_652 = arith.andi %get3A_646, %and3A_651 : vector<16xi32>
      %mul3A_653 = arith.constant 4 : i32
      %mul3A_654 = vector.broadcast %mul3A_653 : i32 to vector<16xi32>
      %mul3A_655 = arith.muli %mul3A_654, %and3A_652 : vector<16xi32>
      %add3A_656 = arith.addi %and3A_649, %mul3A_655 : vector<16xi32>
      %shift_right_arithmetic3A_657 = arith.constant 13 : i32
      %shift_right_arithmetic3A_658 = vector.broadcast %shift_right_arithmetic3A_657 : i32 to vector<16xi32>
      %shift_right_arithmetic3A_659 = arith.shrsi %get3A_646, %shift_right_arithmetic3A_658 : vector<16xi32>
      %and3A_660 = arith.constant 3 : i32
      %and3A_661 = vector.broadcast %and3A_660 : i32 to vector<16xi32>
      %and3A_662 = arith.andi %shift_right_arithmetic3A_659, %and3A_661 : vector<16xi32>
      %add3A_663 = arith.addi %add3A_656, %and3A_662 : vector<16xi32>
      %swap3A_664 = arith.index_cast %scan3A_643 : i32 to index
      %swap3A_665 = arith.constant 0 : index
      %swap3A_666 = tpu.vector_load %arg7[%swap3A_664, %swap3A_665] {strides = array<i32>} : memref<128x128xi32, #tpu.memory_space<vmem>>, vector<16xi32>,
      tpu.vector_store %arg7[%swap3A_664, %swap3A_665], %add3A_663 {strides = array<i32>} : memref<128x128xi32, #tpu.memory_space<vmem>>, vector<16xi32>,
      %get3A_667 = arith.index_cast %scan3A_643 : i32 to index
      %get3A_668 = arith.constant 16 : index
      %get3A_669 = tpu.vector_load %arg7[%get3A_667, %get3A_668] {strides = array<i32>} : memref<128x128xi32, #tpu.memory_space<vmem>>, vector<16xi32>,
      %and3A_670 = arith.constant -32768 : i32
      %and3A_671 = vector.broadcast %and3A_670 : i32 to vector<16xi32>
      %and3A_672 = arith.andi %get3A_669, %and3A_671 : vector<16xi32>
      %and3A_673 = arith.constant 8191 : i32
      %and3A_674 = vector.broadcast %and3A_673 : i32 to vector<16xi32>
      %and3A_675 = arith.andi %get3A_669, %and3A_674 : vector<16xi32>
      %mul3A_676 = arith.constant 4 : i32
      %mul3A_677 = vector.broadcast %mul3A_676 : i32 to vector<16xi32>
      %mul3A_678 = arith.muli %mul3A_677, %and3A_675 : vector<16xi32>
      %add3A_679 = arith.addi %and3A_672, %mul3A_678 : vector<16xi32>
      %shift_right_arithmetic3A_680 = arith.constant 13 : i32
      %shift_right_arithmetic3A_681 = vector.broadcast %shift_right_arithmetic3A_680 : i32 to vector<16xi32>
      %shift_right_arithmetic3A_682 = arith.shrsi %get3A_669, %shift_right_arithmetic3A_681 : vector<16xi32>
      %and3A_683 = arith.constant 3 : i32
      %and3A_684 = vector.broadcast %and3A_683 : i32 to vector<16xi32>
      %and3A_685 = arith.andi %shift_right_arithmetic3A_682, %and3A_684 : vector<16xi32>
      %add3A_686 = arith.addi %add3A_679, %and3A_685 : vector<16xi32>
      %swap3A_687 = arith.index_cast %scan3A_643 : i32 to index
      %swap3A_688 = arith.constant 16 : index
      %swap3A_689 = tpu.vector_load %arg7[%swap3A_687, %swap3A_688] {strides = array<i32>} : memref<128x128xi32, #tpu.memory_space<vmem>>, vector<16xi32>,
      tpu.vector_store %arg7[%swap3A_687, %swap3A_688], %add3A_686 {strides = array<i32>} : memref<128x128xi32, #tpu.memory_space<vmem>>, vector<16xi32>,
      %get3A_690 = arith.index_cast %scan3A_643 : i32 to index
      %get3A_691 = arith.constant 32 : index
      %get3A_692 = tpu.vector_load %arg7[%get3A_690, %get3A_691] {strides = array<i32>} : memref<128x128xi32, #tpu.memory_space<vmem>>, vector<16xi32>,
      %and3A_693 = arith.constant -32768 : i32
      %and3A_694 = vector.broadcast %and3A_693 : i32 to vector<16xi32>
      %and3A_695 = arith.andi %get3A_692, %and3A_694 : vector<16xi32>
      %and3A_696 = arith.constant 8191 : i32
      %and3A_697 = vector.broadcast %and3A_696 : i32 to vector<16xi32>
      %and3A_698 = arith.andi %get3A_692, %and3A_697 : vector<16xi32>
      %mul3A_699 = arith.constant 4 : i32
      %mul3A_700 = vector.broadcast %mul3A_699 : i32 to vector<16xi32>
      %mul3A_701 = arith.muli %mul3A_700, %and3A_698 : vector<16xi32>
      %add3A_702 = arith.addi %and3A_695, %mul3A_701 : vector<16xi32>
      %shift_right_arithmetic3A_703 = arith.constant 13 : i32
      %shift_right_arithmetic3A_704 = vector.broadcast %shift_right_arithmetic3A_703 : i32 to vector<16xi32>
      %shift_right_arithmetic3A_705 = arith.shrsi %get3A_692, %shift_right_arithmetic3A_704 : vector<16xi32>
      %and3A_706 = arith.constant 3 : i32
      %and3A_707 = vector.broadcast %and3A_706 : i32 to vector<16xi32>
      %and3A_708 = arith.andi %shift_right_arithmetic3A_705, %and3A_707 : vector<16xi32>
      %add3A_709 = arith.addi %add3A_702, %and3A_708 : vector<16xi32>
      %swap3A_710 = arith.index_cast %scan3A_643 : i32 to index
      %swap3A_711 = arith.constant 32 : index
      %swap3A_712 = tpu.vector_load %arg7[%swap3A_710, %swap3A_711] {strides = array<i32>} : memref<128x128xi32, #tpu.memory_space<vmem>>, vector<16xi32>,
      tpu.vector_store %arg7[%swap3A_710, %swap3A_711], %add3A_709 {strides = array<i32>} : memref<128x128xi32, #tpu.memory_space<vmem>>, vector<16xi32>,
      %get3A_713 = arith.index_cast %scan3A_643 : i32 to index
      %get3A_714 = arith.constant 48 : index
      %get3A_715 = tpu.vector_load %arg7[%get3A_713, %get3A_714] {strides = array<i32>} : memref<128x128xi32, #tpu.memory_space<vmem>>, vector<16xi32>,
      %and3A_716 = arith.constant -32768 : i32
      %and3A_717 = vector.broadcast %and3A_716 : i32 to vector<16xi32>
      %and3A_718 = arith.andi %get3A_715, %and3A_717 : vector<16xi32>
      %and3A_719 = arith.constant 8191 : i32
      %and3A_720 = vector.broadcast %and3A_719 : i32 to vector<16xi32>
      %and3A_721 = arith.andi %get3A_715, %and3A_720 : vector<16xi32>
      %mul3A_722 = arith.constant 4 : i32
      %mul3A_723 = vector.broadcast %mul3A_722 : i32 to vector<16xi32>
      %mul3A_724 = arith.muli %mul3A_723, %and3A_721 : vector<16xi32>
      %add3A_725 = arith.addi %and3A_718, %mul3A_724 : vector<16xi32>
      %shift_right_arithmetic3A_726 = arith.constant 13 : i32
      %shift_right_arithmetic3A_727 = vector.broadcast %shift_right_arithmetic3A_726 : i32 to vector<16xi32>
      %shift_right_arithmetic3A_728 = arith.shrsi %get3A_715, %shift_right_arithmetic3A_727 : vector<16xi32>
      %and3A_729 = arith.constant 3 : i32
      %and3A_730 = vector.broadcast %and3A_729 : i32 to vector<16xi32>
      %and3A_731 = arith.andi %shift_right_arithmetic3A_728, %and3A_730 : vector<16xi32>
      %add3A_732 = arith.addi %add3A_725, %and3A_731 : vector<16xi32>
      %swap3A_733 = arith.index_cast %scan3A_643 : i32 to index
      %swap3A_734 = arith.constant 48 : index
      %swap3A_735 = tpu.vector_load %arg7[%swap3A_733, %swap3A_734] {strides = array<i32>} : memref<128x128xi32, #tpu.memory_space<vmem>>, vector<16xi32>,
      tpu.vector_store %arg7[%swap3A_733, %swap3A_734], %add3A_732 {strides = array<i32>} : memref<128x128xi32, #tpu.memory_space<vmem>>, vector<16xi32>,
      %get3A_736 = arith.index_cast %scan3A_643 : i32 to index
      %get3A_737 = arith.constant 64 : index
      %get3A_738 = tpu.vector_load %arg7[%get3A_736, %get3A_737] {strides = array<i32>} : memref<128x128xi32, #tpu.memory_space<vmem>>, vector<16xi32>,
      %and3A_739 = arith.constant -32768 : i32
      %and3A_740 = vector.broadcast %and3A_739 : i32 to vector<16xi32>
      %and3A_741 = arith.andi %get3A_738, %and3A_740 : vector<16xi32>
      %and3A_742 = arith.constant 8191 : i32
      %and3A_743 = vector.broadcast %and3A_742 : i32 to vector<16xi32>
      %and3A_744 = arith.andi %get3A_738, %and3A_743 : vector<16xi32>
      %mul3A_745 = arith.constant 4 : i32
      %mul3A_746 = vector.broadcast %mul3A_745 : i32 to vector<16xi32>
      %mul3A_747 = arith.muli %mul3A_746, %and3A_744 : vector<16xi32>
      %add3A_748 = arith.addi %and3A_741, %mul3A_747 : vector<16xi32>
      %shift_right_arithmetic3A_749 = arith.constant 13 : i32
      %shift_right_arithmetic3A_750 = vector.broadcast %shift_right_arithmetic3A_749 : i32 to vector<16xi32>
      %shift_right_arithmetic3A_751 = arith.shrsi %get3A_738, %shift_right_arithmetic3A_750 : vector<16xi32>
      %and3A_752 = arith.constant 3 : i32
      %and3A_753 = vector.broadcast %and3A_752 : i32 to vector<16xi32>
      %and3A_754 = arith.andi %shift_right_arithmetic3A_751, %and3A_753 : vector<16xi32>
      %add3A_755 = arith.addi %add3A_748, %and3A_754 : vector<16xi32>
      %swap3A_756 = arith.index_cast %scan3A_643 : i32 to index
      %swap3A_757 = arith.constant 64 : index
      %swap3A_758 = tpu.vector_load %arg7[%swap3A_756, %swap3A_757] {strides = array<i32>} : memref<128x128xi32, #tpu.memory_space<vmem>>, vector<16xi32>,
      tpu.vector_store %arg7[%swap3A_756, %swap3A_757], %add3A_755 {strides = array<i32>} : memref<128x128xi32, #tpu.memory_space<vmem>>, vector<16xi32>,
      %get3A_759 = arith.index_cast %scan3A_643 : i32 to index
      %get3A_760 = arith.constant 80 : index
      %get3A_761 = tpu.vector_load %arg7[%get3A_759, %get3A_760] {strides = array<i32>} : memref<128x128xi32, #tpu.memory_space<vmem>>, vector<16xi32>,
      %and3A_762 = arith.constant -32768 : i32
      %and3A_763 = vector.broadcast %and3A_762 : i32 to vector<16xi32>
      %and3A_764 = arith.andi %get3A_761, %and3A_763 : vector<16xi32>
      %and3A_765 = arith.constant 8191 : i32
      %and3A_766 = vector.broadcast %and3A_765 : i32 to vector<16xi32>
      %and3A_767 = arith.andi %get3A_761, %and3A_766 : vector<16xi32>
      %mul3A_768 = arith.constant 4 : i32
      %mul3A_769 = vector.broadcast %mul3A_768 : i32 to vector<16xi32>
      %mul3A_770 = arith.muli %mul3A_769, %and3A_767 : vector<16xi32>
      %add3A_771 = arith.addi %and3A_764, %mul3A_770 : vector<16xi32>
      %shift_right_arithmetic3A_772 = arith.constant 13 : i32
      %shift_right_arithmetic3A_773 = vector.broadcast %shift_right_arithmetic3A_772 : i32 to vector<16xi32>
      %shift_right_arithmetic3A_774 = arith.shrsi %get3A_761, %shift_right_arithmetic3A_773 : vector<16xi32>
      %and3A_775 = arith.constant 3 : i32
      %and3A_776 = vector.broadcast %and3A_775 : i32 to vector<16xi32>
      %and3A_777 = arith.andi %shift_right_arithmetic3A_774, %and3A_776 : vector<16xi32>
      %add3A_778 = arith.addi %add3A_771, %and3A_777 : vector<16xi32>
      %swap3A_779 = arith.index_cast %scan3A_643 : i32 to index
      %swap3A_780 = arith.constant 80 : index
      %swap3A_781 = tpu.vector_load %arg7[%swap3A_779, %swap3A_780] {strides = array<i32>} : memref<128x128xi32, #tpu.memory_space<vmem>>, vector<16xi32>,
      tpu.vector_store %arg7[%swap3A_779, %swap3A_780], %add3A_778 {strides = array<i32>} : memref<128x128xi32, #tpu.memory_space<vmem>>, vector<16xi32>,
      %get3A_782 = arith.index_cast %scan3A_643 : i32 to index
      %get3A_783 = arith.constant 96 : index
      %get3A_784 = tpu.vector_load %arg7[%get3A_782, %get3A_783] {strides = array<i32>} : memref<128x128xi32, #tpu.memory_space<vmem>>, vector<16xi32>,
      %and3A_785 = arith.constant -32768 : i32
      %and3A_786 = vector.broadcast %and3A_785 : i32 to vector<16xi32>
      %and3A_787 = arith.andi %get3A_784, %and3A_786 : vector<16xi32>
      %and3A_788 = arith.constant 8191 : i32
      %and3A_789 = vector.broadcast %and3A_788 : i32 to vector<16xi32>
      %and3A_790 = arith.andi %get3A_784, %and3A_789 : vector<16xi32>
      %mul3A_791 = arith.constant 4 : i32
      %mul3A_792 = vector.broadcast %mul3A_791 : i32 to vector<16xi32>
      %mul3A_793 = arith.muli %mul3A_792, %and3A_790 : vector<16xi32>
      %add3A_794 = arith.addi %and3A_787, %mul3A_793 : vector<16xi32>
      %shift_right_arithmetic3A_795 = arith.constant 13 : i32
      %shift_right_arithmetic3A_796 = vector.broadcast %shift_right_arithmetic3A_795 : i32 to vector<16xi32>
      %shift_right_arithmetic3A_797 = arith.shrsi %get3A_784, %shift_right_arithmetic3A_796 : vector<16xi32>
      %and3A_798 = arith.constant 3 : i32
      %and3A_799 = vector.broadcast %and3A_798 : i32 to vector<16xi32>
      %and3A_800 = arith.andi %shift_right_arithmetic3A_797, %and3A_799 : vector<16xi32>
      %add3A_801 = arith.addi %add3A_794, %and3A_800 : vector<16xi32>
      %swap3A_802 = arith.index_cast %scan3A_643 : i32 to index
      %swap3A_803 = arith.constant 96 : index
      %swap3A_804 = tpu.vector_load %arg7[%swap3A_802, %swap3A_803] {strides = array<i32>} : memref<128x128xi32, #tpu.memory_space<vmem>>, vector<16xi32>,
      tpu.vector_store %arg7[%swap3A_802, %swap3A_803], %add3A_801 {strides = array<i32>} : memref<128x128xi32, #tpu.memory_space<vmem>>, vector<16xi32>,
      %get3A_805 = arith.index_cast %scan3A_643 : i32 to index
      %get3A_806 = arith.constant 112 : index
      %get3A_807 = tpu.vector_load %arg7[%get3A_805, %get3A_806] {strides = array<i32>} : memref<128x128xi32, #tpu.memory_space<vmem>>, vector<16xi32>,
      %and3A_808 = arith.constant -32768 : i32
      %and3A_809 = vector.broadcast %and3A_808 : i32 to vector<16xi32>
      %and3A_810 = arith.andi %get3A_807, %and3A_809 : vector<16xi32>
      %and3A_811 = arith.constant 8191 : i32
      %and3A_812 = vector.broadcast %and3A_811 : i32 to vector<16xi32>
      %and3A_813 = arith.andi %get3A_807, %and3A_812 : vector<16xi32>
      %mul3A_814 = arith.constant 4 : i32
      %mul3A_815 = vector.broadcast %mul3A_814 : i32 to vector<16xi32>
      %mul3A_816 = arith.muli %mul3A_815, %and3A_813 : vector<16xi32>
      %add3A_817 = arith.addi %and3A_810, %mul3A_816 : vector<16xi32>
      %shift_right_arithmetic3A_818 = arith.constant 13 : i32
      %shift_right_arithmetic3A_819 = vector.broadcast %shift_right_arithmetic3A_818 : i32 to vector<16xi32>
      %shift_right_arithmetic3A_820 = arith.shrsi %get3A_807, %shift_right_arithmetic3A_819 : vector<16xi32>
      %and3A_821 = arith.constant 3 : i32
      %and3A_822 = vector.broadcast %and3A_821 : i32 to vector<16xi32>
      %and3A_823 = arith.andi %shift_right_arithmetic3A_820, %and3A_822 : vector<16xi32>
      %add3A_824 = arith.addi %add3A_817, %and3A_823 : vector<16xi32>
      %swap3A_825 = arith.index_cast %scan3A_643 : i32 to index
      %swap3A_826 = arith.constant 112 : index
      %swap3A_827 = tpu.vector_load %arg7[%swap3A_825, %swap3A_826] {strides = array<i32>} : memref<128x128xi32, #tpu.memory_space<vmem>>, vector<16xi32>,
      tpu.vector_store %arg7[%swap3A_825, %swap3A_826], %add3A_824 {strides = array<i32>} : memref<128x128xi32, #tpu.memory_space<vmem>>, vector<16xi32>,
      %scan3A_828 = arith.constant 2 : i32
      %scan3A_829 = arith.addi %scan3A_457, %scan3A_828 : i32
      %get3A_830 = arith.index_cast %scan3A_829 : i32 to index
      %get3A_831 = arith.constant 0 : index
      %get3A_832 = tpu.vector_load %arg7[%get3A_830, %get3A_831] {strides = array<i32>} : memref<128x128xi32, #tpu.memory_space<vmem>>, vector<16xi32>,
      %and3A_833 = arith.constant -32768 : i32
      %and3A_834 = vector.broadcast %and3A_833 : i32 to vector<16xi32>
      %and3A_835 = arith.andi %get3A_832, %and3A_834 : vector<16xi32>
      %and3A_836 = arith.constant 8191 : i32
      %and3A_837 = vector.broadcast %and3A_836 : i32 to vector<16xi32>
      %and3A_838 = arith.andi %get3A_832, %and3A_837 : vector<16xi32>
      %mul3A_839 = arith.constant 4 : i32
      %mul3A_840 = vector.broadcast %mul3A_839 : i32 to vector<16xi32>
      %mul3A_841 = arith.muli %mul3A_840, %and3A_838 : vector<16xi32>
      %add3A_842 = arith.addi %and3A_835, %mul3A_841 : vector<16xi32>
      %shift_right_arithmetic3A_843 = arith.constant 13 : i32
      %shift_right_arithmetic3A_844 = vector.broadcast %shift_right_arithmetic3A_843 : i32 to vector<16xi32>
      %shift_right_arithmetic3A_845 = arith.shrsi %get3A_832, %shift_right_arithmetic3A_844 : vector<16xi32>
      %and3A_846 = arith.constant 3 : i32
      %and3A_847 = vector.broadcast %and3A_846 : i32 to vector<16xi32>
      %and3A_848 = arith.andi %shift_right_arithmetic3A_845, %and3A_847 : vector<16xi32>
      %add3A_849 = arith.addi %add3A_842, %and3A_848 : vector<16xi32>
      %swap3A_850 = arith.index_cast %scan3A_829 : i32 to index
      %swap3A_851 = arith.constant 0 : index
      %swap3A_852 = tpu.vector_load %arg7[%swap3A_850, %swap3A_851] {strides = array<i32>} : memref<128x128xi32, #tpu.memory_space<vmem>>, vector<16xi32>,
      tpu.vector_store %arg7[%swap3A_850, %swap3A_851], %add3A_849 {strides = array<i32>} : memref<128x128xi32, #tpu.memory_space<vmem>>, vector<16xi32>,
      %get3A_853 = arith.index_cast %scan3A_829 : i32 to index
      %get3A_854 = arith.constant 16 : index
      %get3A_855 = tpu.vector_load %arg7[%get3A_853, %get3A_854] {strides = array<i32>} : memref<128x128xi32, #tpu.memory_space<vmem>>, vector<16xi32>,
      %and3A_856 = arith.constant -32768 : i32
      %and3A_857 = vector.broadcast %and3A_856 : i32 to vector<16xi32>
      %and3A_858 = arith.andi %get3A_855, %and3A_857 : vector<16xi32>
      %and3A_859 = arith.constant 8191 : i32
      %and3A_860 = vector.broadcast %and3A_859 : i32 to vector<16xi32>
      %and3A_861 = arith.andi %get3A_855, %and3A_860 : vector<16xi32>
      %mul3A_862 = arith.constant 4 : i32
      %mul3A_863 = vector.broadcast %mul3A_862 : i32 to vector<16xi32>
      %mul3A_864 = arith.muli %mul3A_863, %and3A_861 : vector<16xi32>
      %add3A_865 = arith.addi %and3A_858, %mul3A_864 : vector<16xi32>
      %shift_right_arithmetic3A_866 = arith.constant 13 : i32
      %shift_right_arithmetic3A_867 = vector.broadcast %shift_right_arithmetic3A_866 : i32 to vector<16xi32>
      %shift_right_arithmetic3A_868 = arith.shrsi %get3A_855, %shift_right_arithmetic3A_867 : vector<16xi32>
      %and3A_869 = arith.constant 3 : i32
      %and3A_870 = vector.broadcast %and3A_869 : i32 to vector<16xi32>
      %and3A_871 = arith.andi %shift_right_arithmetic3A_868, %and3A_870 : vector<16xi32>
      %add3A_872 = arith.addi %add3A_865, %and3A_871 : vector<16xi32>
      %swap3A_873 = arith.index_cast %scan3A_829 : i32 to index
      %swap3A_874 = arith.constant 16 : index
      %swap3A_875 = tpu.vector_load %arg7[%swap3A_873, %swap3A_874] {strides = array<i32>} : memref<128x128xi32, #tpu.memory_space<vmem>>, vector<16xi32>,
      tpu.vector_store %arg7[%swap3A_873, %swap3A_874], %add3A_872 {strides = array<i32>} : memref<128x128xi32, #tpu.memory_space<vmem>>, vector<16xi32>,
      %get3A_876 = arith.index_cast %scan3A_829 : i32 to index
      %get3A_877 = arith.constant 32 : index
      %get3A_878 = tpu.vector_load %arg7[%get3A_876, %get3A_877] {strides = array<i32>} : memref<128x128xi32, #tpu.memory_space<vmem>>, vector<16xi32>,
      %and3A_879 = arith.constant -32768 : i32
      %and3A_880 = vector.broadcast %and3A_879 : i32 to vector<16xi32>
      %and3A_881 = arith.andi %get3A_878, %and3A_880 : vector<16xi32>
      %and3A_882 = arith.constant 8191 : i32
      %and3A_883 = vector.broadcast %and3A_882 : i32 to vector<16xi32>
      %and3A_884 = arith.andi %get3A_878, %and3A_883 : vector<16xi32>
      %mul3A_885 = arith.constant 4 : i32
      %mul3A_886 = vector.broadcast %mul3A_885 : i32 to vector<16xi32>
      %mul3A_887 = arith.muli %mul3A_886, %and3A_884 : vector<16xi32>
      %add3A_888 = arith.addi %and3A_881, %mul3A_887 : vector<16xi32>
      %shift_right_arithmetic3A_889 = arith.constant 13 : i32
      %shift_right_arithmetic3A_890 = vector.broadcast %shift_right_arithmetic3A_889 : i32 to vector<16xi32>
      %shift_right_arithmetic3A_891 = arith.shrsi %get3A_878, %shift_right_arithmetic3A_890 : vector<16xi32>
      %and3A_892 = arith.constant 3 : i32
      %and3A_893 = vector.broadcast %and3A_892 : i32 to vector<16xi32>
      %and3A_894 = arith.andi %shift_right_arithmetic3A_891, %and3A_893 : vector<16xi32>
      %add3A_895 = arith.addi %add3A_888, %and3A_894 : vector<16xi32>
      %swap3A_896 = arith.index_cast %scan3A_829 : i32 to index
      %swap3A_897 = arith.constant 32 : index
      %swap3A_898 = tpu.vector_load %arg7[%swap3A_896, %swap3A_897] {strides = array<i32>} : memref<128x128xi32, #tpu.memory_space<vmem>>, vector<16xi32>,
      tpu.vector_store %arg7[%swap3A_896, %swap3A_897], %add3A_895 {strides = array<i32>} : memref<128x128xi32, #tpu.memory_space<vmem>>, vector<16xi32>,
      %get3A_899 = arith.index_cast %scan3A_829 : i32 to index
      %get3A_900 = arith.constant 48 : index
      %get3A_901 = tpu.vector_load %arg7[%get3A_899, %get3A_900] {strides = array<i32>} : memref<128x128xi32, #tpu.memory_space<vmem>>, vector<16xi32>,
      %and3A_902 = arith.constant -32768 : i32
      %and3A_903 = vector.broadcast %and3A_902 : i32 to vector<16xi32>
      %and3A_904 = arith.andi %get3A_901, %and3A_903 : vector<16xi32>
      %and3A_905 = arith.constant 8191 : i32
      %and3A_906 = vector.broadcast %and3A_905 : i32 to vector<16xi32>
      %and3A_907 = arith.andi %get3A_901, %and3A_906 : vector<16xi32>
      %mul3A_908 = arith.constant 4 : i32
      %mul3A_909 = vector.broadcast %mul3A_908 : i32 to vector<16xi32>
      %mul3A_910 = arith.muli %mul3A_909, %and3A_907 : vector<16xi32>
      %add3A_911 = arith.addi %and3A_904, %mul3A_910 : vector<16xi32>
      %shift_right_arithmetic3A_912 = arith.constant 13 : i32
      %shift_right_arithmetic3A_913 = vector.broadcast %shift_right_arithmetic3A_912 : i32 to vector<16xi32>
      %shift_right_arithmetic3A_914 = arith.shrsi %get3A_901, %shift_right_arithmetic3A_913 : vector<16xi32>
      %and3A_915 = arith.constant 3 : i32
      %and3A_916 = vector.broadcast %and3A_915 : i32 to vector<16xi32>
      %and3A_917 = arith.andi %shift_right_arithmetic3A_914, %and3A_916 : vector<16xi32>
      %add3A_918 = arith.addi %add3A_911, %and3A_917 : vector<16xi32>
      %swap3A_919 = arith.index_cast %scan3A_829 : i32 to index
      %swap3A_920 = arith.constant 48 : index
      %swap3A_921 = tpu.vector_load %arg7[%swap3A_919, %swap3A_920] {strides = array<i32>} : memref<128x128xi32, #tpu.memory_space<vmem>>, vector<16xi32>,
      tpu.vector_store %arg7[%swap3A_919, %swap3A_920], %add3A_918 {strides = array<i32>} : memref<128x128xi32, #tpu.memory_space<vmem>>, vector<16xi32>,
      %get3A_922 = arith.index_cast %scan3A_829 : i32 to index
      %get3A_923 = arith.constant 64 : index
      %get3A_924 = tpu.vector_load %arg7[%get3A_922, %get3A_923] {strides = array<i32>} : memref<128x128xi32, #tpu.memory_space<vmem>>, vector<16xi32>,
      %and3A_925 = arith.constant -32768 : i32
      %and3A_926 = vector.broadcast %and3A_925 : i32 to vector<16xi32>
      %and3A_927 = arith.andi %get3A_924, %and3A_926 : vector<16xi32>
      %and3A_928 = arith.constant 8191 : i32
      %and3A_929 = vector.broadcast %and3A_928 : i32 to vector<16xi32>
      %and3A_930 = arith.andi %get3A_924, %and3A_929 : vector<16xi32>
      %mul3A_931 = arith.constant 4 : i32
      %mul3A_932 = vector.broadcast %mul3A_931 : i32 to vector<16xi32>
      %mul3A_933 = arith.muli %mul3A_932, %and3A_930 : vector<16xi32>
      %add3A_934 = arith.addi %and3A_927, %mul3A_933 : vector<16xi32>
      %shift_right_arithmetic3A_935 = arith.constant 13 : i32
      %shift_right_arithmetic3A_936 = vector.broadcast %shift_right_arithmetic3A_935 : i32 to vector<16xi32>
      %shift_right_arithmetic3A_937 = arith.shrsi %get3A_924, %shift_right_arithmetic3A_936 : vector<16xi32>
      %and3A_938 = arith.constant 3 : i32
      %and3A_939 = vector.broadcast %and3A_938 : i32 to vector<16xi32>
      %and3A_940 = arith.andi %shift_right_arithmetic3A_937, %and3A_939 : vector<16xi32>
      %add3A_941 = arith.addi %add3A_934, %and3A_940 : vector<16xi32>
      %swap3A_942 = arith.index_cast %scan3A_829 : i32 to index
      %swap3A_943 = arith.constant 64 : index
      %swap3A_944 = tpu.vector_load %arg7[%swap3A_942, %swap3A_943] {strides = array<i32>} : memref<128x128xi32, #tpu.memory_space<vmem>>, vector<16xi32>,
      tpu.vector_store %arg7[%swap3A_942, %swap3A_943], %add3A_941 {strides = array<i32>} : memref<128x128xi32, #tpu.memory_space<vmem>>, vector<16xi32>,
      %get3A_945 = arith.index_cast %scan3A_829 : i32 to index
      %get3A_946 = arith.constant 80 : index
      %get3A_947 = tpu.vector_load %arg7[%get3A_945, %get3A_946] {strides = array<i32>} : memref<128x128xi32, #tpu.memory_space<vmem>>, vector<16xi32>,
      %and3A_948 = arith.constant -32768 : i32
      %and3A_949 = vector.broadcast %and3A_948 : i32 to vector<16xi32>
      %and3A_950 = arith.andi %get3A_947, %and3A_949 : vector<16xi32>
      %and3A_951 = arith.constant 8191 : i32
      %and3A_952 = vector.broadcast %and3A_951 : i32 to vector<16xi32>
      %and3A_953 = arith.andi %get3A_947, %and3A_952 : vector<16xi32>
      %mul3A_954 = arith.constant 4 : i32
      %mul3A_955 = vector.broadcast %mul3A_954 : i32 to vector<16xi32>
      %mul3A_956 = arith.muli %mul3A_955, %and3A_953 : vector<16xi32>
      %add3A_957 = arith.addi %and3A_950, %mul3A_956 : vector<16xi32>
      %shift_right_arithmetic3A_958 = arith.constant 13 : i32
      %shift_right_arithmetic3A_959 = vector.broadcast %shift_right_arithmetic3A_958 : i32 to vector<16xi32>
      %shift_right_arithmetic3A_960 = arith.shrsi %get3A_947, %shift_right_arithmetic3A_959 : vector<16xi32>
      %and3A_961 = arith.constant 3 : i32
      %and3A_962 = vector.broadcast %and3A_961 : i32 to vector<16xi32>
      %and3A_963 = arith.andi %shift_right_arithmetic3A_960, %and3A_962 : vector<16xi32>
      %add3A_964 = arith.addi %add3A_957, %and3A_963 : vector<16xi32>
      %swap3A_965 = arith.index_cast %scan3A_829 : i32 to index
      %swap3A_966 = arith.constant 80 : index
      %swap3A_967 = tpu.vector_load %arg7[%swap3A_965, %swap3A_966] {strides = array<i32>} : memref<128x128xi32, #tpu.memory_space<vmem>>, vector<16xi32>,
      tpu.vector_store %arg7[%swap3A_965, %swap3A_966], %add3A_964 {strides = array<i32>} : memref<128x128xi32, #tpu.memory_space<vmem>>, vector<16xi32>,
      %get3A_968 = arith.index_cast %scan3A_829 : i32 to index
      %get3A_969 = arith.constant 96 : index
      %get3A_970 = tpu.vector_load %arg7[%get3A_968, %get3A_969] {strides = array<i32>} : memref<128x128xi32, #tpu.memory_space<vmem>>, vector<16xi32>,
      %and3A_971 = arith.constant -32768 : i32
      %and3A_972 = vector.broadcast %and3A_971 : i32 to vector<16xi32>
      %and3A_973 = arith.andi %get3A_970, %and3A_972 : vector<16xi32>
      %and3A_974 = arith.constant 8191 : i32
      %and3A_975 = vector.broadcast %and3A_974 : i32 to vector<16xi32>
      %and3A_976 = arith.andi %get3A_970, %and3A_975 : vector<16xi32>
      %mul3A_977 = arith.constant 4 : i32
      %mul3A_978 = vector.broadcast %mul3A_977 : i32 to vector<16xi32>
      %mul3A_979 = arith.muli %mul3A_978, %and3A_976 : vector<16xi32>
      %add3A_980 = arith.addi %and3A_973, %mul3A_979 : vector<16xi32>
      %shift_right_arithmetic3A_981 = arith.constant 13 : i32
      %shift_right_arithmetic3A_982 = vector.broadcast %shift_right_arithmetic3A_981 : i32 to vector<16xi32>
      %shift_right_arithmetic3A_983 = arith.shrsi %get3A_970, %shift_right_arithmetic3A_982 : vector<16xi32>
      %and3A_984 = arith.constant 3 : i32
      %and3A_985 = vector.broadcast %and3A_984 : i32 to vector<16xi32>
      %and3A_986 = arith.andi %shift_right_arithmetic3A_983, %and3A_985 : vector<16xi32>
      %add3A_987 = arith.addi %add3A_980, %and3A_986 : vector<16xi32>
      %swap3A_988 = arith.index_cast %scan3A_829 : i32 to index
      %swap3A_989 = arith.constant 96 : index
      %swap3A_990 = tpu.vector_load %arg7[%swap3A_988, %swap3A_989] {strides = array<i32>} : memref<128x128xi32, #tpu.memory_space<vmem>>, vector<16xi32>,
      tpu.vector_store %arg7[%swap3A_988, %swap3A_989], %add3A_987 {strides = array<i32>} : memref<128x128xi32, #tpu.memory_space<vmem>>, vector<16xi32>,
      %get3A_991 = arith.index_cast %scan3A_829 : i32 to index
      %get3A_992 = arith.constant 112 : index
      %get3A_993 = tpu.vector_load %arg7[%get3A_991, %get3A_992] {strides = array<i32>} : memref<128x128xi32, #tpu.memory_space<vmem>>, vector<16xi32>,
      %and3A_994 = arith.constant -32768 : i32
      %and3A_995 = vector.broadcast %and3A_994 : i32 to vector<16xi32>
      %and3A_996 = arith.andi %get3A_993, %and3A_995 : vector<16xi32>
      %and3A_997 = arith.constant 8191 : i32
      %and3A_998 = vector.broadcast %and3A_997 : i32 to vector<16xi32>
      %and3A_999 = arith.andi %get3A_993, %and3A_998 : vector<16xi32>
      %mul3A_1000 = arith.constant 4 : i32
      %mul3A_1001 = vector.broadcast %mul3A_1000 : i32 to vector<16xi32>
      %mul3A_1002 = arith.muli %mul3A_1001, %and3A_999 : vector<16xi32>
      %add3A_1003 = arith.addi %and3A_996, %mul3A_1002 : vector<16xi32>
      %shift_right_arithmetic3A_1004 = arith.constant 13 : i32
      %shift_right_arithmetic3A_1005 = vector.broadcast %shift_right_arithmetic3A_1004 : i32 to vector<16xi32>
      %shift_right_arithmetic3A_1006 = arith.shrsi %get3A_993, %shift_right_arithmetic3A_1005 : vector<16xi32>
      %and3A_1007 = arith.constant 3 : i32
      %and3A_1008 = vector.broadcast %and3A_1007 : i32 to vector<16xi32>
      %and3A_1009 = arith.andi %shift_right_arithmetic3A_1006, %and3A_1008 : vector<16xi32>
      %add3A_1010 = arith.addi %add3A_1003, %and3A_1009 : vector<16xi32>
      %swap3A_1011 = arith.index_cast %scan3A_829 : i32 to index
      %swap3A_1012 = arith.constant 112 : index
      %swap3A_1013 = tpu.vector_load %arg7[%swap3A_1011, %swap3A_1012] {strides = array<i32>} : memref<128x128xi32, #tpu.memory_space<vmem>>, vector<16xi32>,
      tpu.vector_store %arg7[%swap3A_1011, %swap3A_1012], %add3A_1010 {strides = array<i32>} : memref<128x128xi32, #tpu.memory_space<vmem>>, vector<16xi32>,
      %scan3A_1014 = arith.constant 3 : i32
      %scan3A_1015 = arith.addi %scan3A_457, %scan3A_1014 : i32
      %get3A_1016 = arith.index_cast %scan3A_1015 : i32 to index
      %get3A_1017 = arith.constant 0 : index
      %get3A_1018 = tpu.vector_load %arg7[%get3A_1016, %get3A_1017] {strides = array<i32>} : memref<128x128xi32, #tpu.memory_space<vmem>>, vector<16xi32>,
      %and3A_1019 = arith.constant -32768 : i32
      %and3A_1020 = vector.broadcast %and3A_1019 : i32 to vector<16xi32>
      %and3A_1021 = arith.andi %get3A_1018, %and3A_1020 : vector<16xi32>
      %and3A_1022 = arith.constant 8191 : i32
      %and3A_1023 = vector.broadcast %and3A_1022 : i32 to vector<16xi32>
      %and3A_1024 = arith.andi %get3A_1018, %and3A_1023 : vector<16xi32>
      %mul3A_1025 = arith.constant 4 : i32
      %mul3A_1026 = vector.broadcast %mul3A_1025 : i32 to vector<16xi32>
      %mul3A_1027 = arith.muli %mul3A_1026, %and3A_1024 : vector<16xi32>
      %add3A_1028 = arith.addi %and3A_1021, %mul3A_1027 : vector<16xi32>
      %shift_right_arithmetic3A_1029 = arith.constant 13 : i32
      %shift_right_arithmetic3A_1030 = vector.broadcast %shift_right_arithmetic3A_1029 : i32 to vector<16xi32>
      %shift_right_arithmetic3A_1031 = arith.shrsi %get3A_1018, %shift_right_arithmetic3A_1030 : vector<16xi32>
      %and3A_1032 = arith.constant 3 : i32
      %and3A_1033 = vector.broadcast %and3A_1032 : i32 to vector<16xi32>
      %and3A_1034 = arith.andi %shift_right_arithmetic3A_1031, %and3A_1033 : vector<16xi32>
      %add3A_1035 = arith.addi %add3A_1028, %and3A_1034 : vector<16xi32>
      %swap3A_1036 = arith.index_cast %scan3A_1015 : i32 to index
      %swap3A_1037 = arith.constant 0 : index
      %swap3A_1038 = tpu.vector_load %arg7[%swap3A_1036, %swap3A_1037] {strides = array<i32>} : memref<128x128xi32, #tpu.memory_space<vmem>>, vector<16xi32>,
      tpu.vector_store %arg7[%swap3A_1036, %swap3A_1037], %add3A_1035 {strides = array<i32>} : memref<128x128xi32, #tpu.memory_space<vmem>>, vector<16xi32>,
      %get3A_1039 = arith.index_cast %scan3A_1015 : i32 to index
      %get3A_1040 = arith.constant 16 : index
      %get3A_1041 = tpu.vector_load %arg7[%get3A_1039, %get3A_1040] {strides = array<i32>} : memref<128x128xi32, #tpu.memory_space<vmem>>, vector<16xi32>,
      %and3A_1042 = arith.constant -32768 : i32
      %and3A_1043 = vector.broadcast %and3A_1042 : i32 to vector<16xi32>
      %and3A_1044 = arith.andi %get3A_1041, %and3A_1043 : vector<16xi32>
      %and3A_1045 = arith.constant 8191 : i32
      %and3A_1046 = vector.broadcast %and3A_1045 : i32 to vector<16xi32>
      %and3A_1047 = arith.andi %get3A_1041, %and3A_1046 : vector<16xi32>
      %mul3A_1048 = arith.constant 4 : i32
      %mul3A_1049 = vector.broadcast %mul3A_1048 : i32 to vector<16xi32>
      %mul3A_1050 = arith.muli %mul3A_1049, %and3A_1047 : vector<16xi32>
      %add3A_1051 = arith.addi %and3A_1044, %mul3A_1050 : vector<16xi32>
      %shift_right_arithmetic3A_1052 = arith.constant 13 : i32
      %shift_right_arithmetic3A_1053 = vector.broadcast %shift_right_arithmetic3A_1052 : i32 to vector<16xi32>
      %shift_right_arithmetic3A_1054 = arith.shrsi %get3A_1041, %shift_right_arithmetic3A_1053 : vector<16xi32>
      %and3A_1055 = arith.constant 3 : i32
      %and3A_1056 = vector.broadcast %and3A_1055 : i32 to vector<16xi32>
      %and3A_1057 = arith.andi %shift_right_arithmetic3A_1054, %and3A_1056 : vector<16xi32>
      %add3A_1058 = arith.addi %add3A_1051, %and3A_1057 : vector<16xi32>
      %swap3A_1059 = arith.index_cast %scan3A_1015 : i32 to index
      %swap3A_1060 = arith.constant 16 : index
      %swap3A_1061 = tpu.vector_load %arg7[%swap3A_1059, %swap3A_1060] {strides = array<i32>} : memref<128x128xi32, #tpu.memory_space<vmem>>, vector<16xi32>,
      tpu.vector_store %arg7[%swap3A_1059, %swap3A_1060], %add3A_1058 {strides = array<i32>} : memref<128x128xi32, #tpu.memory_space<vmem>>, vector<16xi32>,
      %get3A_1062 = arith.index_cast %scan3A_1015 : i32 to index
      %get3A_1063 = arith.constant 32 : index
      %get3A_1064 = tpu.vector_load %arg7[%get3A_1062, %get3A_1063] {strides = array<i32>} : memref<128x128xi32, #tpu.memory_space<vmem>>, vector<16xi32>,
      %and3A_1065 = arith.constant -32768 : i32
      %and3A_1066 = vector.broadcast %and3A_1065 : i32 to vector<16xi32>
      %and3A_1067 = arith.andi %get3A_1064, %and3A_1066 : vector<16xi32>
      %and3A_1068 = arith.constant 8191 : i32
      %and3A_1069 = vector.broadcast %and3A_1068 : i32 to vector<16xi32>
      %and3A_1070 = arith.andi %get3A_1064, %and3A_1069 : vector<16xi32>
      %mul3A_1071 = arith.constant 4 : i32
      %mul3A_1072 = vector.broadcast %mul3A_1071 : i32 to vector<16xi32>
      %mul3A_1073 = arith.muli %mul3A_1072, %and3A_1070 : vector<16xi32>
      %add3A_1074 = arith.addi %and3A_1067, %mul3A_1073 : vector<16xi32>
      %shift_right_arithmetic3A_1075 = arith.constant 13 : i32
      %shift_right_arithmetic3A_1076 = vector.broadcast %shift_right_arithmetic3A_1075 : i32 to vector<16xi32>
      %shift_right_arithmetic3A_1077 = arith.shrsi %get3A_1064, %shift_right_arithmetic3A_1076 : vector<16xi32>
      %and3A_1078 = arith.constant 3 : i32
      %and3A_1079 = vector.broadcast %and3A_1078 : i32 to vector<16xi32>
      %and3A_1080 = arith.andi %shift_right_arithmetic3A_1077, %and3A_1079 : vector<16xi32>
      %add3A_1081 = arith.addi %add3A_1074, %and3A_1080 : vector<16xi32>
      %swap3A_1082 = arith.index_cast %scan3A_1015 : i32 to index
      %swap3A_1083 = arith.constant 32 : index
      %swap3A_1084 = tpu.vector_load %arg7[%swap3A_1082, %swap3A_1083] {strides = array<i32>} : memref<128x128xi32, #tpu.memory_space<vmem>>, vector<16xi32>,
      tpu.vector_store %arg7[%swap3A_1082, %swap3A_1083], %add3A_1081 {strides = array<i32>} : memref<128x128xi32, #tpu.memory_space<vmem>>, vector<16xi32>,
      %get3A_1085 = arith.index_cast %scan3A_1015 : i32 to index
      %get3A_1086 = arith.constant 48 : index
      %get3A_1087 = tpu.vector_load %arg7[%get3A_1085, %get3A_1086] {strides = array<i32>} : memref<128x128xi32, #tpu.memory_space<vmem>>, vector<16xi32>,
      %and3A_1088 = arith.constant -32768 : i32
      %and3A_1089 = vector.broadcast %and3A_1088 : i32 to vector<16xi32>
      %and3A_1090 = arith.andi %get3A_1087, %and3A_1089 : vector<16xi32>
      %and3A_1091 = arith.constant 8191 : i32
      %and3A_1092 = vector.broadcast %and3A_1091 : i32 to vector<16xi32>
      %and3A_1093 = arith.andi %get3A_1087, %and3A_1092 : vector<16xi32>
      %mul3A_1094 = arith.constant 4 : i32
      %mul3A_1095 = vector.broadcast %mul3A_1094 : i32 to vector<16xi32>
      %mul3A_1096 = arith.muli %mul3A_1095, %and3A_1093 : vector<16xi32>
      %add3A_1097 = arith.addi %and3A_1090, %mul3A_1096 : vector<16xi32>
      %shift_right_arithmetic3A_1098 = arith.constant 13 : i32
      %shift_right_arithmetic3A_1099 = vector.broadcast %shift_right_arithmetic3A_1098 : i32 to vector<16xi32>
      %shift_right_arithmetic3A_1100 = arith.shrsi %get3A_1087, %shift_right_arithmetic3A_1099 : vector<16xi32>
      %and3A_1101 = arith.constant 3 : i32
      %and3A_1102 = vector.broadcast %and3A_1101 : i32 to vector<16xi32>
      %and3A_1103 = arith.andi %shift_right_arithmetic3A_1100, %and3A_1102 : vector<16xi32>
      %add3A_1104 = arith.addi %add3A_1097, %and3A_1103 : vector<16xi32>
      %swap3A_1105 = arith.index_cast %scan3A_1015 : i32 to index
      %swap3A_1106 = arith.constant 48 : index
      %swap3A_1107 = tpu.vector_load %arg7[%swap3A_1105, %swap3A_1106] {strides = array<i32>} : memref<128x128xi32, #tpu.memory_space<vmem>>, vector<16xi32>,
      tpu.vector_store %arg7[%swap3A_1105, %swap3A_1106], %add3A_1104 {strides = array<i32>} : memref<128x128xi32, #tpu.memory_space<vmem>>, vector<16xi32>,
      %get3A_1108 = arith.index_cast %scan3A_1015 : i32 to index
      %get3A_1109 = arith.constant 64 : index
      %get3A_1110 = tpu.vector_load %arg7[%get3A_1108, %get3A_1109] {strides = array<i32>} : memref<128x128xi32, #tpu.memory_space<vmem>>, vector<16xi32>,
      %and3A_1111 = arith.constant -32768 : i32
      %and3A_1112 = vector.broadcast %and3A_1111 : i32 to vector<16xi32>
      %and3A_1113 = arith.andi %get3A_1110, %and3A_1112 : vector<16xi32>
      %and3A_1114 = arith.constant 8191 : i32
      %and3A_1115 = vector.broadcast %and3A_1114 : i32 to vector<16xi32>
      %and3A_1116 = arith.andi %get3A_1110, %and3A_1115 : vector<16xi32>
      %mul3A_1117 = arith.constant 4 : i32
      %mul3A_1118 = vector.broadcast %mul3A_1117 : i32 to vector<16xi32>
      %mul3A_1119 = arith.muli %mul3A_1118, %and3A_1116 : vector<16xi32>
      %add3A_1120 = arith.addi %and3A_1113, %mul3A_1119 : vector<16xi32>
      %shift_right_arithmetic3A_1121 = arith.constant 13 : i32
      %shift_right_arithmetic3A_1122 = vector.broadcast %shift_right_arithmetic3A_1121 : i32 to vector<16xi32>
      %shift_right_arithmetic3A_1123 = arith.shrsi %get3A_1110, %shift_right_arithmetic3A_1122 : vector<16xi32>
      %and3A_1124 = arith.constant 3 : i32
      %and3A_1125 = vector.broadcast %and3A_1124 : i32 to vector<16xi32>
      %and3A_1126 = arith.andi %shift_right_arithmetic3A_1123, %and3A_1125 : vector<16xi32>
      %add3A_1127 = arith.addi %add3A_1120, %and3A_1126 : vector<16xi32>
      %swap3A_1128 = arith.index_cast %scan3A_1015 : i32 to index
      %swap3A_1129 = arith.constant 64 : index
      %swap3A_1130 = tpu.vector_load %arg7[%swap3A_1128, %swap3A_1129] {strides = array<i32>} : memref<128x128xi32, #tpu.memory_space<vmem>>, vector<16xi32>,
      tpu.vector_store %arg7[%swap3A_1128, %swap3A_1129], %add3A_1127 {strides = array<i32>} : memref<128x128xi32, #tpu.memory_space<vmem>>, vector<16xi32>,
      %get3A_1131 = arith.index_cast %scan3A_1015 : i32 to index
      %get3A_1132 = arith.constant 80 : index
      %get3A_1133 = tpu.vector_load %arg7[%get3A_1131, %get3A_1132] {strides = array<i32>} : memref<128x128xi32, #tpu.memory_space<vmem>>, vector<16xi32>,
      %and3A_1134 = arith.constant -32768 : i32
      %and3A_1135 = vector.broadcast %and3A_1134 : i32 to vector<16xi32>
      %and3A_1136 = arith.andi %get3A_1133, %and3A_1135 : vector<16xi32>
      %and3A_1137 = arith.constant 8191 : i32
      %and3A_1138 = vector.broadcast %and3A_1137 : i32 to vector<16xi32>
      %and3A_1139 = arith.andi %get3A_1133, %and3A_1138 : vector<16xi32>
      %mul3A_1140 = arith.constant 4 : i32
      %mul3A_1141 = vector.broadcast %mul3A_1140 : i32 to vector<16xi32>
      %mul3A_1142 = arith.muli %mul3A_1141, %and3A_1139 : vector<16xi32>
      %add3A_1143 = arith.addi %and3A_1136, %mul3A_1142 : vector<16xi32>
      %shift_right_arithmetic3A_1144 = arith.constant 13 : i32
      %shift_right_arithmetic3A_1145 = vector.broadcast %shift_right_arithmetic3A_1144 : i32 to vector<16xi32>
      %shift_right_arithmetic3A_1146 = arith.shrsi %get3A_1133, %shift_right_arithmetic3A_1145 : vector<16xi32>
      %and3A_1147 = arith.constant 3 : i32
      %and3A_1148 = vector.broadcast %and3A_1147 : i32 to vector<16xi32>
      %and3A_1149 = arith.andi %shift_right_arithmetic3A_1146, %and3A_1148 : vector<16xi32>
      %add3A_1150 = arith.addi %add3A_1143, %and3A_1149 : vector<16xi32>
      %swap3A_1151 = arith.index_cast %scan3A_1015 : i32 to index
      %swap3A_1152 = arith.constant 80 : index
      %swap3A_1153 = tpu.vector_load %arg7[%swap3A_1151, %swap3A_1152] {strides = array<i32>} : memref<128x128xi32, #tpu.memory_space<vmem>>, vector<16xi32>,
      tpu.vector_store %arg7[%swap3A_1151, %swap3A_1152], %add3A_1150 {strides = array<i32>} : memref<128x128xi32, #tpu.memory_space<vmem>>, vector<16xi32>,
      %get3A_1154 = arith.index_cast %scan3A_1015 : i32 to index
      %get3A_1155 = arith.constant 96 : index
      %get3A_1156 = tpu.vector_load %arg7[%get3A_1154, %get3A_1155] {strides = array<i32>} : memref<128x128xi32, #tpu.memory_space<vmem>>, vector<16xi32>,
      %and3A_1157 = arith.constant -32768 : i32
      %and3A_1158 = vector.broadcast %and3A_1157 : i32 to vector<16xi32>
      %and3A_1159 = arith.andi %get3A_1156, %and3A_1158 : vector<16xi32>
      %and3A_1160 = arith.constant 8191 : i32
      %and3A_1161 = vector.broadcast %and3A_1160 : i32 to vector<16xi32>
      %and3A_1162 = arith.andi %get3A_1156, %and3A_1161 : vector<16xi32>
      %mul3A_1163 = arith.constant 4 : i32
      %mul3A_1164 = vector.broadcast %mul3A_1163 : i32 to vector<16xi32>
      %mul3A_1165 = arith.muli %mul3A_1164, %and3A_1162 : vector<16xi32>
      %add3A_1166 = arith.addi %and3A_1159, %mul3A_1165 : vector<16xi32>
      %shift_right_arithmetic3A_1167 = arith.constant 13 : i32
      %shift_right_arithmetic3A_1168 = vector.broadcast %shift_right_arithmetic3A_1167 : i32 to vector<16xi32>
      %shift_right_arithmetic3A_1169 = arith.shrsi %get3A_1156, %shift_right_arithmetic3A_1168 : vector<16xi32>
      %and3A_1170 = arith.constant 3 : i32
      %and3A_1171 = vector.broadcast %and3A_1170 : i32 to vector<16xi32>
      %and3A_1172 = arith.andi %shift_right_arithmetic3A_1169, %and3A_1171 : vector<16xi32>
      %add3A_1173 = arith.addi %add3A_1166, %and3A_1172 : vector<16xi32>
      %swap3A_1174 = arith.index_cast %scan3A_1015 : i32 to index
      %swap3A_1175 = arith.constant 96 : index
      %swap3A_1176 = tpu.vector_load %arg7[%swap3A_1174, %swap3A_1175] {strides = array<i32>} : memref<128x128xi32, #tpu.memory_space<vmem>>, vector<16xi32>,
      tpu.vector_store %arg7[%swap3A_1174, %swap3A_1175], %add3A_1173 {strides = array<i32>} : memref<128x128xi32, #tpu.memory_space<vmem>>, vector<16xi32>,
      %get3A_1177 = arith.index_cast %scan3A_1015 : i32 to index
      %get3A_1178 = arith.constant 112 : index
      %get3A_1179 = tpu.vector_load %arg7[%get3A_1177, %get3A_1178] {strides = array<i32>} : memref<128x128xi32, #tpu.memory_space<vmem>>, vector<16xi32>,
      %and3A_1180 = arith.constant -32768 : i32
      %and3A_1181 = vector.broadcast %and3A_1180 : i32 to vector<16xi32>
      %and3A_1182 = arith.andi %get3A_1179, %and3A_1181 : vector<16xi32>
      %and3A_1183 = arith.constant 8191 : i32
      %and3A_1184 = vector.broadcast %and3A_1183 : i32 to vector<16xi32>
      %and3A_1185 = arith.andi %get3A_1179, %and3A_1184 : vector<16xi32>
      %mul3A_1186 = arith.constant 4 : i32
      %mul3A_1187 = vector.broadcast %mul3A_1186 : i32 to vector<16xi32>
      %mul3A_1188 = arith.muli %mul3A_1187, %and3A_1185 : vector<16xi32>
      %add3A_1189 = arith.addi %and3A_1182, %mul3A_1188 : vector<16xi32>
      %shift_right_arithmetic3A_1190 = arith.constant 13 : i32
      %shift_right_arithmetic3A_1191 = vector.broadcast %shift_right_arithmetic3A_1190 : i32 to vector<16xi32>
      %shift_right_arithmetic3A_1192 = arith.shrsi %get3A_1179, %shift_right_arithmetic3A_1191 : vector<16xi32>
      %and3A_1193 = arith.constant 3 : i32
      %and3A_1194 = vector.broadcast %and3A_1193 : i32 to vector<16xi32>
      %and3A_1195 = arith.andi %shift_right_arithmetic3A_1192, %and3A_1194 : vector<16xi32>
      %add3A_1196 = arith.addi %add3A_1189, %and3A_1195 : vector<16xi32>
      %swap3A_1197 = arith.index_cast %scan3A_1015 : i32 to index
      %swap3A_1198 = arith.constant 112 : index
      %swap3A_1199 = tpu.vector_load %arg7[%swap3A_1197, %swap3A_1198] {strides = array<i32>} : memref<128x128xi32, #tpu.memory_space<vmem>>, vector<16xi32>,
      tpu.vector_store %arg7[%swap3A_1197, %swap3A_1198], %add3A_1196 {strides = array<i32>} : memref<128x128xi32, #tpu.memory_space<vmem>>, vector<16xi32>,
    }
    %scan3A_11 = arith.constant 128 : i32
    %scan3A_12 = arith.constant 0 : i32
    %scan3A_13 = arith.constant 0 : i32
    %scan3A_14 = arith.constant 128 : i32
    %scan3A_15 = arith.addi %scan3A_13, %scan3A_14 : i32
    %scan3A_16 = arith.constant 4 : i32
    scf.for %scan3A_457 = %scan3A_13 to %scan3A_15 step %scan3A_16  : i32 {
      %get3A_458 = arith.index_cast %scan3A_457 : i32 to index
      %get3A_459 = arith.constant 0 : index
      %get3A_460 = tpu.vector_load %arg8[%get3A_458, %get3A_459] {strides = array<i32>} : memref<128x128xi32, #tpu.memory_space<vmem>>, vector<16xi32>,
      %and3A_461 = arith.constant -32768 : i32
      %and3A_462 = vector.broadcast %and3A_461 : i32 to vector<16xi32>
      %and3A_463 = arith.andi %get3A_460, %and3A_462 : vector<16xi32>
      %and3A_464 = arith.constant 8191 : i32
      %and3A_465 = vector.broadcast %and3A_464 : i32 to vector<16xi32>
      %and3A_466 = arith.andi %get3A_460, %and3A_465 : vector<16xi32>
      %mul3A_467 = arith.constant 4 : i32
      %mul3A_468 = vector.broadcast %mul3A_467 : i32 to vector<16xi32>
      %mul3A_469 = arith.muli %mul3A_468, %and3A_466 : vector<16xi32>
      %add3A_470 = arith.addi %and3A_463, %mul3A_469 : vector<16xi32>
      %shift_right_arithmetic3A_471 = arith.constant 13 : i32
      %shift_right_arithmetic3A_472 = vector.broadcast %shift_right_arithmetic3A_471 : i32 to vector<16xi32>
      %shift_right_arithmetic3A_473 = arith.shrsi %get3A_460, %shift_right_arithmetic3A_472 : vector<16xi32>
      %and3A_474 = arith.constant 3 : i32
      %and3A_475 = vector.broadcast %and3A_474 : i32 to vector<16xi32>
      %and3A_476 = arith.andi %shift_right_arithmetic3A_473, %and3A_475 : vector<16xi32>
      %add3A_477 = arith.addi %add3A_470, %and3A_476 : vector<16xi32>
      %swap3A_478 = arith.index_cast %scan3A_457 : i32 to index
      %swap3A_479 = arith.constant 0 : index
      %swap3A_480 = tpu.vector_load %arg8[%swap3A_478, %swap3A_479] {strides = array<i32>} : memref<128x128xi32, #tpu.memory_space<vmem>>, vector<16xi32>,
      tpu.vector_store %arg8[%swap3A_478, %swap3A_479], %add3A_477 {strides = array<i32>} : memref<128x128xi32, #tpu.memory_space<vmem>>, vector<16xi32>,
      %get3A_481 = arith.index_cast %scan3A_457 : i32 to index
      %get3A_482 = arith.constant 16 : index
      %get3A_483 = tpu.vector_load %arg8[%get3A_481, %get3A_482] {strides = array<i32>} : memref<128x128xi32, #tpu.memory_space<vmem>>, vector<16xi32>,
      %and3A_484 = arith.constant -32768 : i32
      %and3A_485 = vector.broadcast %and3A_484 : i32 to vector<16xi32>
      %and3A_486 = arith.andi %get3A_483, %and3A_485 : vector<16xi32>
      %and3A_487 = arith.constant 8191 : i32
      %and3A_488 = vector.broadcast %and3A_487 : i32 to vector<16xi32>
      %and3A_489 = arith.andi %get3A_483, %and3A_488 : vector<16xi32>
      %mul3A_490 = arith.constant 4 : i32
      %mul3A_491 = vector.broadcast %mul3A_490 : i32 to vector<16xi32>
      %mul3A_492 = arith.muli %mul3A_491, %and3A_489 : vector<16xi32>
      %add3A_493 = arith.addi %and3A_486, %mul3A_492 : vector<16xi32>
      %shift_right_arithmetic3A_494 = arith.constant 13 : i32
      %shift_right_arithmetic3A_495 = vector.broadcast %shift_right_arithmetic3A_494 : i32 to vector<16xi32>
      %shift_right_arithmetic3A_496 = arith.shrsi %get3A_483, %shift_right_arithmetic3A_495 : vector<16xi32>
      %and3A_497 = arith.constant 3 : i32
      %and3A_498 = vector.broadcast %and3A_497 : i32 to vector<16xi32>
      %and3A_499 = arith.andi %shift_right_arithmetic3A_496, %and3A_498 : vector<16xi32>
      %add3A_500 = arith.addi %add3A_493, %and3A_499 : vector<16xi32>
      %swap3A_501 = arith.index_cast %scan3A_457 : i32 to index
      %swap3A_502 = arith.constant 16 : index
      %swap3A_503 = tpu.vector_load %arg8[%swap3A_501, %swap3A_502] {strides = array<i32>} : memref<128x128xi32, #tpu.memory_space<vmem>>, vector<16xi32>,
      tpu.vector_store %arg8[%swap3A_501, %swap3A_502], %add3A_500 {strides = array<i32>} : memref<128x128xi32, #tpu.memory_space<vmem>>, vector<16xi32>,
      %get3A_504 = arith.index_cast %scan3A_457 : i32 to index
      %get3A_505 = arith.constant 32 : index
      %get3A_506 = tpu.vector_load %arg8[%get3A_504, %get3A_505] {strides = array<i32>} : memref<128x128xi32, #tpu.memory_space<vmem>>, vector<16xi32>,
      %and3A_507 = arith.constant -32768 : i32
      %and3A_508 = vector.broadcast %and3A_507 : i32 to vector<16xi32>
      %and3A_509 = arith.andi %get3A_506, %and3A_508 : vector<16xi32>
      %and3A_510 = arith.constant 8191 : i32
      %and3A_511 = vector.broadcast %and3A_510 : i32 to vector<16xi32>
      %and3A_512 = arith.andi %get3A_506, %and3A_511 : vector<16xi32>
      %mul3A_513 = arith.constant 4 : i32
      %mul3A_514 = vector.broadcast %mul3A_513 : i32 to vector<16xi32>
      %mul3A_515 = arith.muli %mul3A_514, %and3A_512 : vector<16xi32>
      %add3A_516 = arith.addi %and3A_509, %mul3A_515 : vector<16xi32>
      %shift_right_arithmetic3A_517 = arith.constant 13 : i32
      %shift_right_arithmetic3A_518 = vector.broadcast %shift_right_arithmetic3A_517 : i32 to vector<16xi32>
      %shift_right_arithmetic3A_519 = arith.shrsi %get3A_506, %shift_right_arithmetic3A_518 : vector<16xi32>
      %and3A_520 = arith.constant 3 : i32
      %and3A_521 = vector.broadcast %and3A_520 : i32 to vector<16xi32>
      %and3A_522 = arith.andi %shift_right_arithmetic3A_519, %and3A_521 : vector<16xi32>
      %add3A_523 = arith.addi %add3A_516, %and3A_522 : vector<16xi32>
      %swap3A_524 = arith.index_cast %scan3A_457 : i32 to index
      %swap3A_525 = arith.constant 32 : index
      %swap3A_526 = tpu.vector_load %arg8[%swap3A_524, %swap3A_525] {strides = array<i32>} : memref<128x128xi32, #tpu.memory_space<vmem>>, vector<16xi32>,
      tpu.vector_store %arg8[%swap3A_524, %swap3A_525], %add3A_523 {strides = array<i32>} : memref<128x128xi32, #tpu.memory_space<vmem>>, vector<16xi32>,
      %get3A_527 = arith.index_cast %scan3A_457 : i32 to index
      %get3A_528 = arith.constant 48 : index
      %get3A_529 = tpu.vector_load %arg8[%get3A_527, %get3A_528] {strides = array<i32>} : memref<128x128xi32, #tpu.memory_space<vmem>>, vector<16xi32>,
      %and3A_530 = arith.constant -32768 : i32
      %and3A_531 = vector.broadcast %and3A_530 : i32 to vector<16xi32>
      %and3A_532 = arith.andi %get3A_529, %and3A_531 : vector<16xi32>
      %and3A_533 = arith.constant 8191 : i32
      %and3A_534 = vector.broadcast %and3A_533 : i32 to vector<16xi32>
      %and3A_535 = arith.andi %get3A_529, %and3A_534 : vector<16xi32>
      %mul3A_536 = arith.constant 4 : i32
      %mul3A_537 = vector.broadcast %mul3A_536 : i32 to vector<16xi32>
      %mul3A_538 = arith.muli %mul3A_537, %and3A_535 : vector<16xi32>
      %add3A_539 = arith.addi %and3A_532, %mul3A_538 : vector<16xi32>
      %shift_right_arithmetic3A_540 = arith.constant 13 : i32
      %shift_right_arithmetic3A_541 = vector.broadcast %shift_right_arithmetic3A_540 : i32 to vector<16xi32>
      %shift_right_arithmetic3A_542 = arith.shrsi %get3A_529, %shift_right_arithmetic3A_541 : vector<16xi32>
      %and3A_543 = arith.constant 3 : i32
      %and3A_544 = vector.broadcast %and3A_543 : i32 to vector<16xi32>
      %and3A_545 = arith.andi %shift_right_arithmetic3A_542, %and3A_544 : vector<16xi32>
      %add3A_546 = arith.addi %add3A_539, %and3A_545 : vector<16xi32>
      %swap3A_547 = arith.index_cast %scan3A_457 : i32 to index
      %swap3A_548 = arith.constant 48 : index
      %swap3A_549 = tpu.vector_load %arg8[%swap3A_547, %swap3A_548] {strides = array<i32>} : memref<128x128xi32, #tpu.memory_space<vmem>>, vector<16xi32>,
      tpu.vector_store %arg8[%swap3A_547, %swap3A_548], %add3A_546 {strides = array<i32>} : memref<128x128xi32, #tpu.memory_space<vmem>>, vector<16xi32>,
      %get3A_550 = arith.index_cast %scan3A_457 : i32 to index
      %get3A_551 = arith.constant 64 : index
      %get3A_552 = tpu.vector_load %arg8[%get3A_550, %get3A_551] {strides = array<i32>} : memref<128x128xi32, #tpu.memory_space<vmem>>, vector<16xi32>,
      %and3A_553 = arith.constant -32768 : i32
      %and3A_554 = vector.broadcast %and3A_553 : i32 to vector<16xi32>
      %and3A_555 = arith.andi %get3A_552, %and3A_554 : vector<16xi32>
      %and3A_556 = arith.constant 8191 : i32
      %and3A_557 = vector.broadcast %and3A_556 : i32 to vector<16xi32>
      %and3A_558 = arith.andi %get3A_552, %and3A_557 : vector<16xi32>
      %mul3A_559 = arith.constant 4 : i32
      %mul3A_560 = vector.broadcast %mul3A_559 : i32 to vector<16xi32>
      %mul3A_561 = arith.muli %mul3A_560, %and3A_558 : vector<16xi32>
      %add3A_562 = arith.addi %and3A_555, %mul3A_561 : vector<16xi32>
      %shift_right_arithmetic3A_563 = arith.constant 13 : i32
      %shift_right_arithmetic3A_564 = vector.broadcast %shift_right_arithmetic3A_563 : i32 to vector<16xi32>
      %shift_right_arithmetic3A_565 = arith.shrsi %get3A_552, %shift_right_arithmetic3A_564 : vector<16xi32>
      %and3A_566 = arith.constant 3 : i32
      %and3A_567 = vector.broadcast %and3A_566 : i32 to vector<16xi32>
      %and3A_568 = arith.andi %shift_right_arithmetic3A_565, %and3A_567 : vector<16xi32>
      %add3A_569 = arith.addi %add3A_562, %and3A_568 : vector<16xi32>
      %swap3A_570 = arith.index_cast %scan3A_457 : i32 to index
      %swap3A_571 = arith.constant 64 : index
      %swap3A_572 = tpu.vector_load %arg8[%swap3A_570, %swap3A_571] {strides = array<i32>} : memref<128x128xi32, #tpu.memory_space<vmem>>, vector<16xi32>,
      tpu.vector_store %arg8[%swap3A_570, %swap3A_571], %add3A_569 {strides = array<i32>} : memref<128x128xi32, #tpu.memory_space<vmem>>, vector<16xi32>,
      %scan3A_573 = arith.constant 1 : i32
      %scan3A_574 = arith.addi %scan3A_457, %scan3A_573 : i32
      %get3A_575 = arith.index_cast %scan3A_574 : i32 to index
      %get3A_576 = arith.constant 0 : index
      %get3A_577 = tpu.vector_load %arg8[%get3A_575, %get3A_576] {strides = array<i32>} : memref<128x128xi32, #tpu.memory_space<vmem>>, vector<16xi32>,
      %and3A_578 = arith.constant -32768 : i32
      %and3A_579 = vector.broadcast %and3A_578 : i32 to vector<16xi32>
      %and3A_580 = arith.andi %get3A_577, %and3A_579 : vector<16xi32>
      %and3A_581 = arith.constant 8191 : i32
      %and3A_582 = vector.broadcast %and3A_581 : i32 to vector<16xi32>
      %and3A_583 = arith.andi %get3A_577, %and3A_582 : vector<16xi32>
      %mul3A_584 = arith.constant 4 : i32
      %mul3A_585 = vector.broadcast %mul3A_584 : i32 to vector<16xi32>
      %mul3A_586 = arith.muli %mul3A_585, %and3A_583 : vector<16xi32>
      %add3A_587 = arith.addi %and3A_580, %mul3A_586 : vector<16xi32>
      %shift_right_arithmetic3A_588 = arith.constant 13 : i32
      %shift_right_arithmetic3A_589 = vector.broadcast %shift_right_arithmetic3A_588 : i32 to vector<16xi32>
      %shift_right_arithmetic3A_590 = arith.shrsi %get3A_577, %shift_right_arithmetic3A_589 : vector<16xi32>
      %and3A_591 = arith.constant 3 : i32
      %and3A_592 = vector.broadcast %and3A_591 : i32 to vector<16xi32>
      %and3A_593 = arith.andi %shift_right_arithmetic3A_590, %and3A_592 : vector<16xi32>
      %add3A_594 = arith.addi %add3A_587, %and3A_593 : vector<16xi32>
      %swap3A_595 = arith.index_cast %scan3A_574 : i32 to index
      %swap3A_596 = arith.constant 0 : index
      %swap3A_597 = tpu.vector_load %arg8[%swap3A_595, %swap3A_596] {strides = array<i32>} : memref<128x128xi32, #tpu.memory_space<vmem>>, vector<16xi32>,
      tpu.vector_store %arg8[%swap3A_595, %swap3A_596], %add3A_594 {strides = array<i32>} : memref<128x128xi32, #tpu.memory_space<vmem>>, vector<16xi32>,
      %get3A_598 = arith.index_cast %scan3A_574 : i32 to index
      %get3A_599 = arith.constant 16 : index
      %get3A_600 = tpu.vector_load %arg8[%get3A_598, %get3A_599] {strides = array<i32>} : memref<128x128xi32, #tpu.memory_space<vmem>>, vector<16xi32>,
      %and3A_601 = arith.constant -32768 : i32
      %and3A_602 = vector.broadcast %and3A_601 : i32 to vector<16xi32>
      %and3A_603 = arith.andi %get3A_600, %and3A_602 : vector<16xi32>
      %and3A_604 = arith.constant 8191 : i32
      %and3A_605 = vector.broadcast %and3A_604 : i32 to vector<16xi32>
      %and3A_606 = arith.andi %get3A_600, %and3A_605 : vector<16xi32>
      %mul3A_607 = arith.constant 4 : i32
      %mul3A_608 = vector.broadcast %mul3A_607 : i32 to vector<16xi32>
      %mul3A_609 = arith.muli %mul3A_608, %and3A_606 : vector<16xi32>
      %add3A_610 = arith.addi %and3A_603, %mul3A_609 : vector<16xi32>
      %shift_right_arithmetic3A_611 = arith.constant 13 : i32
      %shift_right_arithmetic3A_612 = vector.broadcast %shift_right_arithmetic3A_611 : i32 to vector<16xi32>
      %shift_right_arithmetic3A_613 = arith.shrsi %get3A_600, %shift_right_arithmetic3A_612 : vector<16xi32>
      %and3A_614 = arith.constant 3 : i32
      %and3A_615 = vector.broadcast %and3A_614 : i32 to vector<16xi32>
      %and3A_616 = arith.andi %shift_right_arithmetic3A_613, %and3A_615 : vector<16xi32>
      %add3A_617 = arith.addi %add3A_610, %and3A_616 : vector<16xi32>
      %swap3A_618 = arith.index_cast %scan3A_574 : i32 to index
      %swap3A_619 = arith.constant 16 : index
      %swap3A_620 = tpu.vector_load %arg8[%swap3A_618, %swap3A_619] {strides = array<i32>} : memref<128x128xi32, #tpu.memory_space<vmem>>, vector<16xi32>,
      tpu.vector_store %arg8[%swap3A_618, %swap3A_619], %add3A_617 {strides = array<i32>} : memref<128x128xi32, #tpu.memory_space<vmem>>, vector<16xi32>,
      %get3A_621 = arith.index_cast %scan3A_574 : i32 to index
      %get3A_622 = arith.constant 32 : index
      %get3A_623 = tpu.vector_load %arg8[%get3A_621, %get3A_622] {strides = array<i32>} : memref<128x128xi32, #tpu.memory_space<vmem>>, vector<16xi32>,
      %and3A_624 = arith.constant -32768 : i32
      %and3A_625 = vector.broadcast %and3A_624 : i32 to vector<16xi32>
      %and3A_626 = arith.andi %get3A_623, %and3A_625 : vector<16xi32>
      %and3A_627 = arith.constant 8191 : i32
      %and3A_628 = vector.broadcast %and3A_627 : i32 to vector<16xi32>
      %and3A_629 = arith.andi %get3A_623, %and3A_628 : vector<16xi32>
      %mul3A_630 = arith.constant 4 : i32
      %mul3A_631 = vector.broadcast %mul3A_630 : i32 to vector<16xi32>
      %mul3A_632 = arith.muli %mul3A_631, %and3A_629 : vector<16xi32>
      %add3A_633 = arith.addi %and3A_626, %mul3A_632 : vector<16xi32>
      %shift_right_arithmetic3A_634 = arith.constant 13 : i32
      %shift_right_arithmetic3A_635 = vector.broadcast %shift_right_arithmetic3A_634 : i32 to vector<16xi32>
      %shift_right_arithmetic3A_636 = arith.shrsi %get3A_623, %shift_right_arithmetic3A_635 : vector<16xi32>
      %and3A_637 = arith.constant 3 : i32
      %and3A_638 = vector.broadcast %and3A_637 : i32 to vector<16xi32>
      %and3A_639 = arith.andi %shift_right_arithmetic3A_636, %and3A_638 : vector<16xi32>
      %add3A_640 = arith.addi %add3A_633, %and3A_639 : vector<16xi32>
      %swap3A_641 = arith.index_cast %scan3A_574 : i32 to index
      %swap3A_642 = arith.constant 32 : index
      %swap3A_643 = tpu.vector_load %arg8[%swap3A_641, %swap3A_642] {strides = array<i32>} : memref<128x128xi32, #tpu.memory_space<vmem>>, vector<16xi32>,
      tpu.vector_store %arg8[%swap3A_641, %swap3A_642], %add3A_640 {strides = array<i32>} : memref<128x128xi32, #tpu.memory_space<vmem>>, vector<16xi32>,
      %get3A_644 = arith.index_cast %scan3A_574 : i32 to index
      %get3A_645 = arith.constant 48 : index
      %get3A_646 = tpu.vector_load %arg8[%get3A_644, %get3A_645] {strides = array<i32>} : memref<128x128xi32, #tpu.memory_space<vmem>>, vector<16xi32>,
      %and3A_647 = arith.constant -32768 : i32
      %and3A_648 = vector.broadcast %and3A_647 : i32 to vector<16xi32>
      %and3A_649 = arith.andi %get3A_646, %and3A_648 : vector<16xi32>
      %and3A_650 = arith.constant 8191 : i32
      %and3A_651 = vector.broadcast %and3A_650 : i32 to vector<16xi32>
      %and3A_652 = arith.andi %get3A_646, %and3A_651 : vector<16xi32>
      %mul3A_653 = arith.constant 4 : i32
      %mul3A_654 = vector.broadcast %mul3A_653 : i32 to vector<16xi32>
      %mul3A_655 = arith.muli %mul3A_654, %and3A_652 : vector<16xi32>
      %add3A_656 = arith.addi %and3A_649, %mul3A_655 : vector<16xi32>
      %shift_right_arithmetic3A_657 = arith.constant 13 : i32
      %shift_right_arithmetic3A_658 = vector.broadcast %shift_right_arithmetic3A_657 : i32 to vector<16xi32>
      %shift_right_arithmetic3A_659 = arith.shrsi %get3A_646, %shift_right_arithmetic3A_658 : vector<16xi32>
      %and3A_660 = arith.constant 3 : i32
      %and3A_661 = vector.broadcast %and3A_660 : i32 to vector<16xi32>
      %and3A_662 = arith.andi %shift_right_arithmetic3A_659, %and3A_661 : vector<16xi32>
      %add3A_663 = arith.addi %add3A_656, %and3A_662 : vector<16xi32>
      %swap3A_664 = arith.index_cast %scan3A_574 : i32 to index
      %swap3A_665 = arith.constant 48 : index
      %swap3A_666 = tpu.vector_load %arg8[%swap3A_664, %swap3A_665] {strides = array<i32>} : memref<128x128xi32, #tpu.memory_space<vmem>>, vector<16xi32>,
      tpu.vector_store %arg8[%swap3A_664, %swap3A_665], %add3A_663 {strides = array<i32>} : memref<128x128xi32, #tpu.memory_space<vmem>>, vector<16xi32>,
      %get3A_667 = arith.index_cast %scan3A_574 : i32 to index
      %get3A_668 = arith.constant 64 : index
      %get3A_669 = tpu.vector_load %arg8[%get3A_667, %get3A_668] {strides = array<i32>} : memref<128x128xi32, #tpu.memory_space<vmem>>, vector<16xi32>,
      %and3A_670 = arith.constant -32768 : i32
      %and3A_671 = vector.broadcast %and3A_670 : i32 to vector<16xi32>
      %and3A_672 = arith.andi %get3A_669, %and3A_671 : vector<16xi32>
      %and3A_673 = arith.constant 8191 : i32
      %and3A_674 = vector.broadcast %and3A_673 : i32 to vector<16xi32>
      %and3A_675 = arith.andi %get3A_669, %and3A_674 : vector<16xi32>
      %mul3A_676 = arith.constant 4 : i32
      %mul3A_677 = vector.broadcast %mul3A_676 : i32 to vector<16xi32>
      %mul3A_678 = arith.muli %mul3A_677, %and3A_675 : vector<16xi32>
      %add3A_679 = arith.addi %and3A_672, %mul3A_678 : vector<16xi32>
      %shift_right_arithmetic3A_680 = arith.constant 13 : i32
      %shift_right_arithmetic3A_681 = vector.broadcast %shift_right_arithmetic3A_680 : i32 to vector<16xi32>
      %shift_right_arithmetic3A_682 = arith.shrsi %get3A_669, %shift_right_arithmetic3A_681 : vector<16xi32>
      %and3A_683 = arith.constant 3 : i32
      %and3A_684 = vector.broadcast %and3A_683 : i32 to vector<16xi32>
      %and3A_685 = arith.andi %shift_right_arithmetic3A_682, %and3A_684 : vector<16xi32>
      %add3A_686 = arith.addi %add3A_679, %and3A_685 : vector<16xi32>
      %swap3A_687 = arith.index_cast %scan3A_574 : i32 to index
      %swap3A_688 = arith.constant 64 : index
      %swap3A_689 = tpu.vector_load %arg8[%swap3A_687, %swap3A_688] {strides = array<i32>} : memref<128x128xi32, #tpu.memory_space<vmem>>, vector<16xi32>,
      tpu.vector_store %arg8[%swap3A_687, %swap3A_688], %add3A_686 {strides = array<i32>} : memref<128x128xi32, #tpu.memory_space<vmem>>, vector<16xi32>,
      %scan3A_690 = arith.constant 2 : i32
      %scan3A_691 = arith.addi %scan3A_457, %scan3A_690 : i32
      %get3A_692 = arith.index_cast %scan3A_691 : i32 to index
      %get3A_693 = arith.constant 0 : index
      %get3A_694 = tpu.vector_load %arg8[%get3A_692, %get3A_693] {strides = array<i32>} : memref<128x128xi32, #tpu.memory_space<vmem>>, vector<16xi32>,
      %and3A_695 = arith.constant -32768 : i32
      %and3A_696 = vector.broadcast %and3A_695 : i32 to vector<16xi32>
      %and3A_697 = arith.andi %get3A_694, %and3A_696 : vector<16xi32>
      %and3A_698 = arith.constant 8191 : i32
      %and3A_699 = vector.broadcast %and3A_698 : i32 to vector<16xi32>
      %and3A_700 = arith.andi %get3A_694, %and3A_699 : vector<16xi32>
      %mul3A_701 = arith.constant 4 : i32
      %mul3A_702 = vector.broadcast %mul3A_701 : i32 to vector<16xi32>
      %mul3A_703 = arith.muli %mul3A_702, %and3A_700 : vector<16xi32>
      %add3A_704 = arith.addi %and3A_697, %mul3A_703 : vector<16xi32>
      %shift_right_arithmetic3A_705 = arith.constant 13 : i32
      %shift_right_arithmetic3A_706 = vector.broadcast %shift_right_arithmetic3A_705 : i32 to vector<16xi32>
      %shift_right_arithmetic3A_707 = arith.shrsi %get3A_694, %shift_right_arithmetic3A_706 : vector<16xi32>
      %and3A_708 = arith.constant 3 : i32
      %and3A_709 = vector.broadcast %and3A_708 : i32 to vector<16xi32>
      %and3A_710 = arith.andi %shift_right_arithmetic3A_707, %and3A_709 : vector<16xi32>
      %add3A_711 = arith.addi %add3A_704, %and3A_710 : vector<16xi32>
      %swap3A_712 = arith.index_cast %scan3A_691 : i32 to index
      %swap3A_713 = arith.constant 0 : index
      %swap3A_714 = tpu.vector_load %arg8[%swap3A_712, %swap3A_713] {strides = array<i32>} : memref<128x128xi32, #tpu.memory_space<vmem>>, vector<16xi32>,
      tpu.vector_store %arg8[%swap3A_712, %swap3A_713], %add3A_711 {strides = array<i32>} : memref<128x128xi32, #tpu.memory_space<vmem>>, vector<16xi32>,
      %get3A_715 = arith.index_cast %scan3A_691 : i32 to index
      %get3A_716 = arith.constant 16 : index
      %get3A_717 = tpu.vector_load %arg8[%get3A_715, %get3A_716] {strides = array<i32>} : memref<128x128xi32, #tpu.memory_space<vmem>>, vector<16xi32>,
      %and3A_718 = arith.constant -32768 : i32
      %and3A_719 = vector.broadcast %and3A_718 : i32 to vector<16xi32>
      %and3A_720 = arith.andi %get3A_717, %and3A_719 : vector<16xi32>
      %and3A_721 = arith.constant 8191 : i32
      %and3A_722 = vector.broadcast %and3A_721 : i32 to vector<16xi32>
      %and3A_723 = arith.andi %get3A_717, %and3A_722 : vector<16xi32>
      %mul3A_724 = arith.constant 4 : i32
      %mul3A_725 = vector.broadcast %mul3A_724 : i32 to vector<16xi32>
      %mul3A_726 = arith.muli %mul3A_725, %and3A_723 : vector<16xi32>
      %add3A_727 = arith.addi %and3A_720, %mul3A_726 : vector<16xi32>
      %shift_right_arithmetic3A_728 = arith.constant 13 : i32
      %shift_right_arithmetic3A_729 = vector.broadcast %shift_right_arithmetic3A_728 : i32 to vector<16xi32>
      %shift_right_arithmetic3A_730 = arith.shrsi %get3A_717, %shift_right_arithmetic3A_729 : vector<16xi32>
      %and3A_731 = arith.constant 3 : i32
      %and3A_732 = vector.broadcast %and3A_731 : i32 to vector<16xi32>
      %and3A_733 = arith.andi %shift_right_arithmetic3A_730, %and3A_732 : vector<16xi32>
      %add3A_734 = arith.addi %add3A_727, %and3A_733 : vector<16xi32>
      %swap3A_735 = arith.index_cast %scan3A_691 : i32 to index
      %swap3A_736 = arith.constant 16 : index
      %swap3A_737 = tpu.vector_load %arg8[%swap3A_735, %swap3A_736] {strides = array<i32>} : memref<128x128xi32, #tpu.memory_space<vmem>>, vector<16xi32>,
      tpu.vector_store %arg8[%swap3A_735, %swap3A_736], %add3A_734 {strides = array<i32>} : memref<128x128xi32, #tpu.memory_space<vmem>>, vector<16xi32>,
      %get3A_738 = arith.index_cast %scan3A_691 : i32 to index
      %get3A_739 = arith.constant 32 : index
      %get3A_740 = tpu.vector_load %arg8[%get3A_738, %get3A_739] {strides = array<i32>} : memref<128x128xi32, #tpu.memory_space<vmem>>, vector<16xi32>,
      %and3A_741 = arith.constant -32768 : i32
      %and3A_742 = vector.broadcast %and3A_741 : i32 to vector<16xi32>
      %and3A_743 = arith.andi %get3A_740, %and3A_742 : vector<16xi32>
      %and3A_744 = arith.constant 8191 : i32
      %and3A_745 = vector.broadcast %and3A_744 : i32 to vector<16xi32>
      %and3A_746 = arith.andi %get3A_740, %and3A_745 : vector<16xi32>
      %mul3A_747 = arith.constant 4 : i32
      %mul3A_748 = vector.broadcast %mul3A_747 : i32 to vector<16xi32>
      %mul3A_749 = arith.muli %mul3A_748, %and3A_746 : vector<16xi32>
      %add3A_750 = arith.addi %and3A_743, %mul3A_749 : vector<16xi32>
      %shift_right_arithmetic3A_751 = arith.constant 13 : i32
      %shift_right_arithmetic3A_752 = vector.broadcast %shift_right_arithmetic3A_751 : i32 to vector<16xi32>
      %shift_right_arithmetic3A_753 = arith.shrsi %get3A_740, %shift_right_arithmetic3A_752 : vector<16xi32>
      %and3A_754 = arith.constant 3 : i32
      %and3A_755 = vector.broadcast %and3A_754 : i32 to vector<16xi32>
      %and3A_756 = arith.andi %shift_right_arithmetic3A_753, %and3A_755 : vector<16xi32>
      %add3A_757 = arith.addi %add3A_750, %and3A_756 : vector<16xi32>
      %swap3A_758 = arith.index_cast %scan3A_691 : i32 to index
      %swap3A_759 = arith.constant 32 : index
      %swap3A_760 = tpu.vector_load %arg8[%swap3A_758, %swap3A_759] {strides = array<i32>} : memref<128x128xi32, #tpu.memory_space<vmem>>, vector<16xi32>,
      tpu.vector_store %arg8[%swap3A_758, %swap3A_759], %add3A_757 {strides = array<i32>} : memref<128x128xi32, #tpu.memory_space<vmem>>, vector<16xi32>,
      %get3A_761 = arith.index_cast %scan3A_691 : i32 to index
      %get3A_762 = arith.constant 48 : index
      %get3A_763 = tpu.vector_load %arg8[%get3A_761, %get3A_762] {strides = array<i32>} : memref<128x128xi32, #tpu.memory_space<vmem>>, vector<16xi32>,
      %and3A_764 = arith.constant -32768 : i32
      %and3A_765 = vector.broadcast %and3A_764 : i32 to vector<16xi32>
      %and3A_766 = arith.andi %get3A_763, %and3A_765 : vector<16xi32>
      %and3A_767 = arith.constant 8191 : i32
      %and3A_768 = vector.broadcast %and3A_767 : i32 to vector<16xi32>
      %and3A_769 = arith.andi %get3A_763, %and3A_768 : vector<16xi32>
      %mul3A_770 = arith.constant 4 : i32
      %mul3A_771 = vector.broadcast %mul3A_770 : i32 to vector<16xi32>
      %mul3A_772 = arith.muli %mul3A_771, %and3A_769 : vector<16xi32>
      %add3A_773 = arith.addi %and3A_766, %mul3A_772 : vector<16xi32>
      %shift_right_arithmetic3A_774 = arith.constant 13 : i32
      %shift_right_arithmetic3A_775 = vector.broadcast %shift_right_arithmetic3A_774 : i32 to vector<16xi32>
      %shift_right_arithmetic3A_776 = arith.shrsi %get3A_763, %shift_right_arithmetic3A_775 : vector<16xi32>
      %and3A_777 = arith.constant 3 : i32
      %and3A_778 = vector.broadcast %and3A_777 : i32 to vector<16xi32>
      %and3A_779 = arith.andi %shift_right_arithmetic3A_776, %and3A_778 : vector<16xi32>
      %add3A_780 = arith.addi %add3A_773, %and3A_779 : vector<16xi32>
      %swap3A_781 = arith.index_cast %scan3A_691 : i32 to index
      %swap3A_782 = arith.constant 48 : index
      %swap3A_783 = tpu.vector_load %arg8[%swap3A_781, %swap3A_782] {strides = array<i32>} : memref<128x128xi32, #tpu.memory_space<vmem>>, vector<16xi32>,
      tpu.vector_store %arg8[%swap3A_781, %swap3A_782], %add3A_780 {strides = array<i32>} : memref<128x128xi32, #tpu.memory_space<vmem>>, vector<16xi32>,
      %get3A_784 = arith.index_cast %scan3A_691 : i32 to index
      %get3A_785 = arith.constant 64 : index
      %get3A_786 = tpu.vector_load %arg8[%get3A_784, %get3A_785] {strides = array<i32>} : memref<128x128xi32, #tpu.memory_space<vmem>>, vector<16xi32>,
      %and3A_787 = arith.constant -32768 : i32
      %and3A_788 = vector.broadcast %and3A_787 : i32 to vector<16xi32>
      %and3A_789 = arith.andi %get3A_786, %and3A_788 : vector<16xi32>
      %and3A_790 = arith.constant 8191 : i32
      %and3A_791 = vector.broadcast %and3A_790 : i32 to vector<16xi32>
      %and3A_792 = arith.andi %get3A_786, %and3A_791 : vector<16xi32>
      %mul3A_793 = arith.constant 4 : i32
      %mul3A_794 = vector.broadcast %mul3A_793 : i32 to vector<16xi32>
      %mul3A_795 = arith.muli %mul3A_794, %and3A_792 : vector<16xi32>
      %add3A_796 = arith.addi %and3A_789, %mul3A_795 : vector<16xi32>
      %shift_right_arithmetic3A_797 = arith.constant 13 : i32
      %shift_right_arithmetic3A_798 = vector.broadcast %shift_right_arithmetic3A_797 : i32 to vector<16xi32>
      %shift_right_arithmetic3A_799 = arith.shrsi %get3A_786, %shift_right_arithmetic3A_798 : vector<16xi32>
      %and3A_800 = arith.constant 3 : i32
      %and3A_801 = vector.broadcast %and3A_800 : i32 to vector<16xi32>
      %and3A_802 = arith.andi %shift_right_arithmetic3A_799, %and3A_801 : vector<16xi32>
      %add3A_803 = arith.addi %add3A_796, %and3A_802 : vector<16xi32>
      %swap3A_804 = arith.index_cast %scan3A_691 : i32 to index
      %swap3A_805 = arith.constant 64 : index
      %swap3A_806 = tpu.vector_load %arg8[%swap3A_804, %swap3A_805] {strides = array<i32>} : memref<128x128xi32, #tpu.memory_space<vmem>>, vector<16xi32>,
      tpu.vector_store %arg8[%swap3A_804, %swap3A_805], %add3A_803 {strides = array<i32>} : memref<128x128xi32, #tpu.memory_space<vmem>>, vector<16xi32>,
      %scan3A_807 = arith.constant 3 : i32
      %scan3A_808 = arith.addi %scan3A_457, %scan3A_807 : i32
      %get3A_809 = arith.index_cast %scan3A_808 : i32 to index
      %get3A_810 = arith.constant 0 : index
      %get3A_811 = tpu.vector_load %arg8[%get3A_809, %get3A_810] {strides = array<i32>} : memref<128x128xi32, #tpu.memory_space<vmem>>, vector<16xi32>,
      %and3A_812 = arith.constant -32768 : i32
      %and3A_813 = vector.broadcast %and3A_812 : i32 to vector<16xi32>
      %and3A_814 = arith.andi %get3A_811, %and3A_813 : vector<16xi32>
      %and3A_815 = arith.constant 8191 : i32
      %and3A_816 = vector.broadcast %and3A_815 : i32 to vector<16xi32>
      %and3A_817 = arith.andi %get3A_811, %and3A_816 : vector<16xi32>
      %mul3A_818 = arith.constant 4 : i32
      %mul3A_819 = vector.broadcast %mul3A_818 : i32 to vector<16xi32>
      %mul3A_820 = arith.muli %mul3A_819, %and3A_817 : vector<16xi32>
      %add3A_821 = arith.addi %and3A_814, %mul3A_820 : vector<16xi32>
      %shift_right_arithmetic3A_822 = arith.constant 13 : i32
      %shift_right_arithmetic3A_823 = vector.broadcast %shift_right_arithmetic3A_822 : i32 to vector<16xi32>
      %shift_right_arithmetic3A_824 = arith.shrsi %get3A_811, %shift_right_arithmetic3A_823 : vector<16xi32>
      %and3A_825 = arith.constant 3 : i32
      %and3A_826 = vector.broadcast %and3A_825 : i32 to vector<16xi32>
      %and3A_827 = arith.andi %shift_right_arithmetic3A_824, %and3A_826 : vector<16xi32>
      %add3A_828 = arith.addi %add3A_821, %and3A_827 : vector<16xi32>
      %swap3A_829 = arith.index_cast %scan3A_808 : i32 to index
      %swap3A_830 = arith.constant 0 : index
      %swap3A_831 = tpu.vector_load %arg8[%swap3A_829, %swap3A_830] {strides = array<i32>} : memref<128x128xi32, #tpu.memory_space<vmem>>, vector<16xi32>,
      tpu.vector_store %arg8[%swap3A_829, %swap3A_830], %add3A_828 {strides = array<i32>} : memref<128x128xi32, #tpu.memory_space<vmem>>, vector<16xi32>,
      %get3A_832 = arith.index_cast %scan3A_808 : i32 to index
      %get3A_833 = arith.constant 16 : index
      %get3A_834 = tpu.vector_load %arg8[%get3A_832, %get3A_833] {strides = array<i32>} : memref<128x128xi32, #tpu.memory_space<vmem>>, vector<16xi32>,
      %and3A_835 = arith.constant -32768 : i32
      %and3A_836 = vector.broadcast %and3A_835 : i32 to vector<16xi32>
      %and3A_837 = arith.andi %get3A_834, %and3A_836 : vector<16xi32>
      %and3A_838 = arith.constant 8191 : i32
      %and3A_839 = vector.broadcast %and3A_838 : i32 to vector<16xi32>
      %and3A_840 = arith.andi %get3A_834, %and3A_839 : vector<16xi32>
      %mul3A_841 = arith.constant 4 : i32
      %mul3A_842 = vector.broadcast %mul3A_841 : i32 to vector<16xi32>
      %mul3A_843 = arith.muli %mul3A_842, %and3A_840 : vector<16xi32>
      %add3A_844 = arith.addi %and3A_837, %mul3A_843 : vector<16xi32>
      %shift_right_arithmetic3A_845 = arith.constant 13 : i32
      %shift_right_arithmetic3A_846 = vector.broadcast %shift_right_arithmetic3A_845 : i32 to vector<16xi32>
      %shift_right_arithmetic3A_847 = arith.shrsi %get3A_834, %shift_right_arithmetic3A_846 : vector<16xi32>
      %and3A_848 = arith.constant 3 : i32
      %and3A_849 = vector.broadcast %and3A_848 : i32 to vector<16xi32>
      %and3A_850 = arith.andi %shift_right_arithmetic3A_847, %and3A_849 : vector<16xi32>
      %add3A_851 = arith.addi %add3A_844, %and3A_850 : vector<16xi32>
      %swap3A_852 = arith.index_cast %scan3A_808 : i32 to index
      %swap3A_853 = arith.constant 16 : index
      %swap3A_854 = tpu.vector_load %arg8[%swap3A_852, %swap3A_853] {strides = array<i32>} : memref<128x128xi32, #tpu.memory_space<vmem>>, vector<16xi32>,
      tpu.vector_store %arg8[%swap3A_852, %swap3A_853], %add3A_851 {strides = array<i32>} : memref<128x128xi32, #tpu.memory_space<vmem>>, vector<16xi32>,
      %get3A_855 = arith.index_cast %scan3A_808 : i32 to index
      %get3A_856 = arith.constant 32 : index
      %get3A_857 = tpu.vector_load %arg8[%get3A_855, %get3A_856] {strides = array<i32>} : memref<128x128xi32, #tpu.memory_space<vmem>>, vector<16xi32>,
      %and3A_858 = arith.constant -32768 : i32
      %and3A_859 = vector.broadcast %and3A_858 : i32 to vector<16xi32>
      %and3A_860 = arith.andi %get3A_857, %and3A_859 : vector<16xi32>
      %and3A_861 = arith.constant 8191 : i32
      %and3A_862 = vector.broadcast %and3A_861 : i32 to vector<16xi32>
      %and3A_863 = arith.andi %get3A_857, %and3A_862 : vector<16xi32>
      %mul3A_864 = arith.constant 4 : i32
      %mul3A_865 = vector.broadcast %mul3A_864 : i32 to vector<16xi32>
      %mul3A_866 = arith.muli %mul3A_865, %and3A_863 : vector<16xi32>
      %add3A_867 = arith.addi %and3A_860, %mul3A_866 : vector<16xi32>
      %shift_right_arithmetic3A_868 = arith.constant 13 : i32
      %shift_right_arithmetic3A_869 = vector.broadcast %shift_right_arithmetic3A_868 : i32 to vector<16xi32>
      %shift_right_arithmetic3A_870 = arith.shrsi %get3A_857, %shift_right_arithmetic3A_869 : vector<16xi32>
      %and3A_871 = arith.constant 3 : i32
      %and3A_872 = vector.broadcast %and3A_871 : i32 to vector<16xi32>
      %and3A_873 = arith.andi %shift_right_arithmetic3A_870, %and3A_872 : vector<16xi32>
      %add3A_874 = arith.addi %add3A_867, %and3A_873 : vector<16xi32>
      %swap3A_875 = arith.index_cast %scan3A_808 : i32 to index
      %swap3A_876 = arith.constant 32 : index
      %swap3A_877 = tpu.vector_load %arg8[%swap3A_875, %swap3A_876] {strides = array<i32>} : memref<128x128xi32, #tpu.memory_space<vmem>>, vector<16xi32>,
      tpu.vector_store %arg8[%swap3A_875, %swap3A_876], %add3A_874 {strides = array<i32>} : memref<128x128xi32, #tpu.memory_space<vmem>>, vector<16xi32>,
      %get3A_878 = arith.index_cast %scan3A_808 : i32 to index
      %get3A_879 = arith.constant 48 : index
      %get3A_880 = tpu.vector_load %arg8[%get3A_878, %get3A_879] {strides = array<i32>} : memref<128x128xi32, #tpu.memory_space<vmem>>, vector<16xi32>,
      %and3A_881 = arith.constant -32768 : i32
      %and3A_882 = vector.broadcast %and3A_881 : i32 to vector<16xi32>
      %and3A_883 = arith.andi %get3A_880, %and3A_882 : vector<16xi32>
      %and3A_884 = arith.constant 8191 : i32
      %and3A_885 = vector.broadcast %and3A_884 : i32 to vector<16xi32>
      %and3A_886 = arith.andi %get3A_880, %and3A_885 : vector<16xi32>
      %mul3A_887 = arith.constant 4 : i32
      %mul3A_888 = vector.broadcast %mul3A_887 : i32 to vector<16xi32>
      %mul3A_889 = arith.muli %mul3A_888, %and3A_886 : vector<16xi32>
      %add3A_890 = arith.addi %and3A_883, %mul3A_889 : vector<16xi32>
      %shift_right_arithmetic3A_891 = arith.constant 13 : i32
      %shift_right_arithmetic3A_892 = vector.broadcast %shift_right_arithmetic3A_891 : i32 to vector<16xi32>
      %shift_right_arithmetic3A_893 = arith.shrsi %get3A_880, %shift_right_arithmetic3A_892 : vector<16xi32>
      %and3A_894 = arith.constant 3 : i32
      %and3A_895 = vector.broadcast %and3A_894 : i32 to vector<16xi32>
      %and3A_896 = arith.andi %shift_right_arithmetic3A_893, %and3A_895 : vector<16xi32>
      %add3A_897 = arith.addi %add3A_890, %and3A_896 : vector<16xi32>
      %swap3A_898 = arith.index_cast %scan3A_808 : i32 to index
      %swap3A_899 = arith.constant 48 : index
      %swap3A_900 = tpu.vector_load %arg8[%swap3A_898, %swap3A_899] {strides = array<i32>} : memref<128x128xi32, #tpu.memory_space<vmem>>, vector<16xi32>,
      tpu.vector_store %arg8[%swap3A_898, %swap3A_899], %add3A_897 {strides = array<i32>} : memref<128x128xi32, #tpu.memory_space<vmem>>, vector<16xi32>,
      %get3A_901 = arith.index_cast %scan3A_808 : i32 to index
      %get3A_902 = arith.constant 64 : index
      %get3A_903 = tpu.vector_load %arg8[%get3A_901, %get3A_902] {strides = array<i32>} : memref<128x128xi32, #tpu.memory_space<vmem>>, vector<16xi32>,
      %and3A_904 = arith.constant -32768 : i32
      %and3A_905 = vector.broadcast %and3A_904 : i32 to vector<16xi32>
      %and3A_906 = arith.andi %get3A_903, %and3A_905 : vector<16xi32>
      %and3A_907 = arith.constant 8191 : i32
      %and3A_908 = vector.broadcast %and3A_907 : i32 to vector<16xi32>
      %and3A_909 = arith.andi %get3A_903, %and3A_908 : vector<16xi32>
      %mul3A_910 = arith.constant 4 : i32
      %mul3A_911 = vector.broadcast %mul3A_910 : i32 to vector<16xi32>
      %mul3A_912 = arith.muli %mul3A_911, %and3A_909 : vector<16xi32>
      %add3A_913 = arith.addi %and3A_906, %mul3A_912 : vector<16xi32>
      %shift_right_arithmetic3A_914 = arith.constant 13 : i32
      %shift_right_arithmetic3A_915 = vector.broadcast %shift_right_arithmetic3A_914 : i32 to vector<16xi32>
      %shift_right_arithmetic3A_916 = arith.shrsi %get3A_903, %shift_right_arithmetic3A_915 : vector<16xi32>
      %and3A_917 = arith.constant 3 : i32
      %and3A_918 = vector.broadcast %and3A_917 : i32 to vector<16xi32>
      %and3A_919 = arith.andi %shift_right_arithmetic3A_916, %and3A_918 : vector<16xi32>
      %add3A_920 = arith.addi %add3A_913, %and3A_919 : vector<16xi32>
      %swap3A_921 = arith.index_cast %scan3A_808 : i32 to index
      %swap3A_922 = arith.constant 64 : index
      %swap3A_923 = tpu.vector_load %arg8[%swap3A_921, %swap3A_922] {strides = array<i32>} : memref<128x128xi32, #tpu.memory_space<vmem>>, vector<16xi32>,
      tpu.vector_store %arg8[%swap3A_921, %swap3A_922], %add3A_920 {strides = array<i32>} : memref<128x128xi32, #tpu.memory_space<vmem>>, vector<16xi32>,
    }
    %scan3A_17 = arith.constant 128 : i32
    %get3A = arith.constant 0 : index
    %get3A_18 = tpu.vector_load %arg11[%get3A] {strides = array<i32>} : memref<128xi32, #tpu.memory_space<vmem>>, vector<16xi32>,
    %and3A = arith.constant -32768 : i32
    %and3A_19 = vector.broadcast %and3A : i32 to vector<16xi32>
    %and3A_20 = arith.andi %get3A_18, %and3A_19 : vector<16xi32>
    %and3A_21 = arith.constant 8191 : i32
    %and3A_22 = vector.broadcast %and3A_21 : i32 to vector<16xi32>
    %and3A_23 = arith.andi %get3A_18, %and3A_22 : vector<16xi32>
    %mul3A_24 = arith.constant 4 : i32
    %mul3A_25 = vector.broadcast %mul3A_24 : i32 to vector<16xi32>
    %mul3A_26 = arith.muli %mul3A_25, %and3A_23 : vector<16xi32>
    %add3A_27 = arith.addi %and3A_20, %mul3A_26 : vector<16xi32>
    %shift_right_arithmetic3A = arith.constant 13 : i32
    %shift_right_arithmetic3A_28 = vector.broadcast %shift_right_arithmetic3A : i32 to vector<16xi32>
    %shift_right_arithmetic3A_29 = arith.shrsi %get3A_18, %shift_right_arithmetic3A_28 : vector<16xi32>
    %and3A_30 = arith.constant 3 : i32
    %and3A_31 = vector.broadcast %and3A_30 : i32 to vector<16xi32>
    %and3A_32 = arith.andi %shift_right_arithmetic3A_29, %and3A_31 : vector<16xi32>
    %add3A_33 = arith.addi %add3A_27, %and3A_32 : vector<16xi32>
    %swap3A = arith.constant 0 : index
    %swap3A_34 = tpu.vector_load %arg11[%swap3A] {strides = array<i32>} : memref<128xi32, #tpu.memory_space<vmem>>, vector<16xi32>,
    tpu.vector_store %arg11[%swap3A], %add3A_33 {strides = array<i32>} : memref<128xi32, #tpu.memory_space<vmem>>, vector<16xi32>,
    %get3A_35 = arith.constant 16 : index
    %get3A_36 = tpu.vector_load %arg11[%get3A_35] {strides = array<i32>} : memref<128xi32, #tpu.memory_space<vmem>>, vector<16xi32>,
    %and3A_37 = arith.constant -32768 : i32
    %and3A_38 = vector.broadcast %and3A_37 : i32 to vector<16xi32>
    %and3A_39 = arith.andi %get3A_36, %and3A_38 : vector<16xi32>
    %and3A_40 = arith.constant 8191 : i32
    %and3A_41 = vector.broadcast %and3A_40 : i32 to vector<16xi32>
    %and3A_42 = arith.andi %get3A_36, %and3A_41 : vector<16xi32>
    %mul3A_43 = arith.constant 4 : i32
    %mul3A_44 = vector.broadcast %mul3A_43 : i32 to vector<16xi32>
    %mul3A_45 = arith.muli %mul3A_44, %and3A_42 : vector<16xi32>
    %add3A_46 = arith.addi %and3A_39, %mul3A_45 : vector<16xi32>
    %shift_right_arithmetic3A_47 = arith.constant 13 : i32
    %shift_right_arithmetic3A_48 = vector.broadcast %shift_right_arithmetic3A_47 : i32 to vector<16xi32>
    %shift_right_arithmetic3A_49 = arith.shrsi %get3A_36, %shift_right_arithmetic3A_48 : vector<16xi32>
    %and3A_50 = arith.constant 3 : i32
    %and3A_51 = vector.broadcast %and3A_50 : i32 to vector<16xi32>
    %and3A_52 = arith.andi %shift_right_arithmetic3A_49, %and3A_51 : vector<16xi32>
    %add3A_53 = arith.addi %add3A_46, %and3A_52 : vector<16xi32>
    %swap3A_54 = arith.constant 16 : index
    %swap3A_55 = tpu.vector_load %arg11[%swap3A_54] {strides = array<i32>} : memref<128xi32, #tpu.memory_space<vmem>>, vector<16xi32>,
    tpu.vector_store %arg11[%swap3A_54], %add3A_53 {strides = array<i32>} : memref<128xi32, #tpu.memory_space<vmem>>, vector<16xi32>,
    %get3A_56 = arith.constant 32 : index
    %get3A_57 = tpu.vector_load %arg11[%get3A_56] {strides = array<i32>} : memref<128xi32, #tpu.memory_space<vmem>>, vector<16xi32>,
    %and3A_58 = arith.constant -32768 : i32
    %and3A_59 = vector.broadcast %and3A_58 : i32 to vector<16xi32>
    %and3A_60 = arith.andi %get3A_57, %and3A_59 : vector<16xi32>
    %and3A_61 = arith.constant 8191 : i32
    %and3A_62 = vector.broadcast %and3A_61 : i32 to vector<16xi32>
    %and3A_63 = arith.andi %get3A_57, %and3A_62 : vector<16xi32>
    %mul3A_64 = arith.constant 4 : i32
    %mul3A_65 = vector.broadcast %mul3A_64 : i32 to vector<16xi32>
    %mul3A_66 = arith.muli %mul3A_65, %and3A_63 : vector<16xi32>
    %add3A_67 = arith.addi %and3A_60, %mul3A_66 : vector<16xi32>
    %shift_right_arithmetic3A_68 = arith.constant 13 : i32
    %shift_right_arithmetic3A_69 = vector.broadcast %shift_right_arithmetic3A_68 : i32 to vector<16xi32>
    %shift_right_arithmetic3A_70 = arith.shrsi %get3A_57, %shift_right_arithmetic3A_69 : vector<16xi32>
    %and3A_71 = arith.constant 3 : i32
    %and3A_72 = vector.broadcast %and3A_71 : i32 to vector<16xi32>
    %and3A_73 = arith.andi %shift_right_arithmetic3A_70, %and3A_72 : vector<16xi32>
    %add3A_74 = arith.addi %add3A_67, %and3A_73 : vector<16xi32>
    %swap3A_75 = arith.constant 32 : index
    %swap3A_76 = tpu.vector_load %arg11[%swap3A_75] {strides = array<i32>} : memref<128xi32, #tpu.memory_space<vmem>>, vector<16xi32>,
    tpu.vector_store %arg11[%swap3A_75], %add3A_74 {strides = array<i32>} : memref<128xi32, #tpu.memory_space<vmem>>, vector<16xi32>,
    %get3A_77 = arith.constant 48 : index
    %get3A_78 = tpu.vector_load %arg11[%get3A_77] {strides = array<i32>} : memref<128xi32, #tpu.memory_space<vmem>>, vector<16xi32>,
    %and3A_79 = arith.constant -32768 : i32
    %and3A_80 = vector.broadcast %and3A_79 : i32 to vector<16xi32>
    %and3A_81 = arith.andi %get3A_78, %and3A_80 : vector<16xi32>
    %and3A_82 = arith.constant 8191 : i32
    %and3A_83 = vector.broadcast %and3A_82 : i32 to vector<16xi32>
    %and3A_84 = arith.andi %get3A_78, %and3A_83 : vector<16xi32>
    %mul3A_85 = arith.constant 4 : i32
    %mul3A_86 = vector.broadcast %mul3A_85 : i32 to vector<16xi32>
    %mul3A_87 = arith.muli %mul3A_86, %and3A_84 : vector<16xi32>
    %add3A_88 = arith.addi %and3A_81, %mul3A_87 : vector<16xi32>
    %shift_right_arithmetic3A_89 = arith.constant 13 : i32
    %shift_right_arithmetic3A_90 = vector.broadcast %shift_right_arithmetic3A_89 : i32 to vector<16xi32>
    %shift_right_arithmetic3A_91 = arith.shrsi %get3A_78, %shift_right_arithmetic3A_90 : vector<16xi32>
    %and3A_92 = arith.constant 3 : i32
    %and3A_93 = vector.broadcast %and3A_92 : i32 to vector<16xi32>
    %and3A_94 = arith.andi %shift_right_arithmetic3A_91, %and3A_93 : vector<16xi32>
    %add3A_95 = arith.addi %add3A_88, %and3A_94 : vector<16xi32>
    %swap3A_96 = arith.constant 48 : index
    %swap3A_97 = tpu.vector_load %arg11[%swap3A_96] {strides = array<i32>} : memref<128xi32, #tpu.memory_space<vmem>>, vector<16xi32>,
    tpu.vector_store %arg11[%swap3A_96], %add3A_95 {strides = array<i32>} : memref<128xi32, #tpu.memory_space<vmem>>, vector<16xi32>,
    %get3A_98 = arith.constant 64 : index
    %get3A_99 = tpu.vector_load %arg11[%get3A_98] {strides = array<i32>} : memref<128xi32, #tpu.memory_space<vmem>>, vector<16xi32>,
    %and3A_100 = arith.constant -32768 : i32
    %and3A_101 = vector.broadcast %and3A_100 : i32 to vector<16xi32>
    %and3A_102 = arith.andi %get3A_99, %and3A_101 : vector<16xi32>
    %and3A_103 = arith.constant 8191 : i32
    %and3A_104 = vector.broadcast %and3A_103 : i32 to vector<16xi32>
    %and3A_105 = arith.andi %get3A_99, %and3A_104 : vector<16xi32>
    %mul3A_106 = arith.constant 4 : i32
    %mul3A_107 = vector.broadcast %mul3A_106 : i32 to vector<16xi32>
    %mul3A_108 = arith.muli %mul3A_107, %and3A_105 : vector<16xi32>
    %add3A_109 = arith.addi %and3A_102, %mul3A_108 : vector<16xi32>
    %shift_right_arithmetic3A_110 = arith.constant 13 : i32
    %shift_right_arithmetic3A_111 = vector.broadcast %shift_right_arithmetic3A_110 : i32 to vector<16xi32>
    %shift_right_arithmetic3A_112 = arith.shrsi %get3A_99, %shift_right_arithmetic3A_111 : vector<16xi32>
    %and3A_113 = arith.constant 3 : i32
    %and3A_114 = vector.broadcast %and3A_113 : i32 to vector<16xi32>
    %and3A_115 = arith.andi %shift_right_arithmetic3A_112, %and3A_114 : vector<16xi32>
    %add3A_116 = arith.addi %add3A_109, %and3A_115 : vector<16xi32>
    %swap3A_117 = arith.constant 64 : index
    %swap3A_118 = tpu.vector_load %arg11[%swap3A_117] {strides = array<i32>} : memref<128xi32, #tpu.memory_space<vmem>>, vector<16xi32>,
    tpu.vector_store %arg11[%swap3A_117], %add3A_116 {strides = array<i32>} : memref<128xi32, #tpu.memory_space<vmem>>, vector<16xi32>,
    %get3A_119 = arith.constant 80 : index
    %get3A_120 = tpu.vector_load %arg11[%get3A_119] {strides = array<i32>} : memref<128xi32, #tpu.memory_space<vmem>>, vector<16xi32>,
    %and3A_121 = arith.constant -32768 : i32
    %and3A_122 = vector.broadcast %and3A_121 : i32 to vector<16xi32>
    %and3A_123 = arith.andi %get3A_120, %and3A_122 : vector<16xi32>
    %and3A_124 = arith.constant 8191 : i32
    %and3A_125 = vector.broadcast %and3A_124 : i32 to vector<16xi32>
    %and3A_126 = arith.andi %get3A_120, %and3A_125 : vector<16xi32>
    %mul3A_127 = arith.constant 4 : i32
    %mul3A_128 = vector.broadcast %mul3A_127 : i32 to vector<16xi32>
    %mul3A_129 = arith.muli %mul3A_128, %and3A_126 : vector<16xi32>
    %add3A_130 = arith.addi %and3A_123, %mul3A_129 : vector<16xi32>
    %shift_right_arithmetic3A_131 = arith.constant 13 : i32
    %shift_right_arithmetic3A_132 = vector.broadcast %shift_right_arithmetic3A_131 : i32 to vector<16xi32>
    %shift_right_arithmetic3A_133 = arith.shrsi %get3A_120, %shift_right_arithmetic3A_132 : vector<16xi32>
    %and3A_134 = arith.constant 3 : i32
    %and3A_135 = vector.broadcast %and3A_134 : i32 to vector<16xi32>
    %and3A_136 = arith.andi %shift_right_arithmetic3A_133, %and3A_135 : vector<16xi32>
    %add3A_137 = arith.addi %add3A_130, %and3A_136 : vector<16xi32>
    %swap3A_138 = arith.constant 80 : index
    %swap3A_139 = tpu.vector_load %arg11[%swap3A_138] {strides = array<i32>} : memref<128xi32, #tpu.memory_space<vmem>>, vector<16xi32>,
    tpu.vector_store %arg11[%swap3A_138], %add3A_137 {strides = array<i32>} : memref<128xi32, #tpu.memory_space<vmem>>, vector<16xi32>,
    %get3A_140 = arith.constant 96 : index
    %get3A_141 = tpu.vector_load %arg11[%get3A_140] {strides = array<i32>} : memref<128xi32, #tpu.memory_space<vmem>>, vector<16xi32>,
    %and3A_142 = arith.constant -32768 : i32
    %and3A_143 = vector.broadcast %and3A_142 : i32 to vector<16xi32>
    %and3A_144 = arith.andi %get3A_141, %and3A_143 : vector<16xi32>
    %and3A_145 = arith.constant 8191 : i32
    %and3A_146 = vector.broadcast %and3A_145 : i32 to vector<16xi32>
    %and3A_147 = arith.andi %get3A_141, %and3A_146 : vector<16xi32>
    %mul3A_148 = arith.constant 4 : i32
    %mul3A_149 = vector.broadcast %mul3A_148 : i32 to vector<16xi32>
    %mul3A_150 = arith.muli %mul3A_149, %and3A_147 : vector<16xi32>
    %add3A_151 = arith.addi %and3A_144, %mul3A_150 : vector<16xi32>
    %shift_right_arithmetic3A_152 = arith.constant 13 : i32
    %shift_right_arithmetic3A_153 = vector.broadcast %shift_right_arithmetic3A_152 : i32 to vector<16xi32>
    %shift_right_arithmetic3A_154 = arith.shrsi %get3A_141, %shift_right_arithmetic3A_153 : vector<16xi32>
    %and3A_155 = arith.constant 3 : i32
    %and3A_156 = vector.broadcast %and3A_155 : i32 to vector<16xi32>
    %and3A_157 = arith.andi %shift_right_arithmetic3A_154, %and3A_156 : vector<16xi32>
    %add3A_158 = arith.addi %add3A_151, %and3A_157 : vector<16xi32>
    %swap3A_159 = arith.constant 96 : index
    %swap3A_160 = tpu.vector_load %arg11[%swap3A_159] {strides = array<i32>} : memref<128xi32, #tpu.memory_space<vmem>>, vector<16xi32>,
    tpu.vector_store %arg11[%swap3A_159], %add3A_158 {strides = array<i32>} : memref<128xi32, #tpu.memory_space<vmem>>, vector<16xi32>,
    %get3A_161 = arith.constant 112 : index
    %get3A_162 = tpu.vector_load %arg11[%get3A_161] {strides = array<i32>} : memref<128xi32, #tpu.memory_space<vmem>>, vector<16xi32>,
    %and3A_163 = arith.constant -32768 : i32
    %and3A_164 = vector.broadcast %and3A_163 : i32 to vector<16xi32>
    %and3A_165 = arith.andi %get3A_162, %and3A_164 : vector<16xi32>
    %and3A_166 = arith.constant 8191 : i32
    %and3A_167 = vector.broadcast %and3A_166 : i32 to vector<16xi32>
    %and3A_168 = arith.andi %get3A_162, %and3A_167 : vector<16xi32>
    %mul3A_169 = arith.constant 4 : i32
    %mul3A_170 = vector.broadcast %mul3A_169 : i32 to vector<16xi32>
    %mul3A_171 = arith.muli %mul3A_170, %and3A_168 : vector<16xi32>
    %add3A_172 = arith.addi %and3A_165, %mul3A_171 : vector<16xi32>
    %shift_right_arithmetic3A_173 = arith.constant 13 : i32
    %shift_right_arithmetic3A_174 = vector.broadcast %shift_right_arithmetic3A_173 : i32 to vector<16xi32>
    %shift_right_arithmetic3A_175 = arith.shrsi %get3A_162, %shift_right_arithmetic3A_174 : vector<16xi32>
    %and3A_176 = arith.constant 3 : i32
    %and3A_177 = vector.broadcast %and3A_176 : i32 to vector<16xi32>
    %and3A_178 = arith.andi %shift_right_arithmetic3A_175, %and3A_177 : vector<16xi32>
    %add3A_179 = arith.addi %add3A_172, %and3A_178 : vector<16xi32>
    %swap3A_180 = arith.constant 112 : index
    %swap3A_181 = tpu.vector_load %arg11[%swap3A_180] {strides = array<i32>} : memref<128xi32, #tpu.memory_space<vmem>>, vector<16xi32>,
    tpu.vector_store %arg11[%swap3A_180], %add3A_179 {strides = array<i32>} : memref<128xi32, #tpu.memory_space<vmem>>, vector<16xi32>,
    %dma_start3A = arith.constant 0 : i32
    %dma_start3A_182 = arith.constant 0 : i32
    %dma_start3A_183 = tpu.memref_slice %arg2[%dma_start3A, %dma_start3A_182] : memref<1015808x32xf32, #tpu.memory_space<hbm>> -> memref<1015808x32xf32, #tpu.memory_space<hbm>>
    tpu.enqueue_indirect_dma source(%dma_start3A_183 : memref<1015808x32xf32, #tpu.memory_space<hbm>>) target(%arg12 : memref<128x32xf32, #tpu.memory_space<vmem>>) offsets(%arg11 : memref<128xi32, #tpu.memory_space<vmem>>) semaphore(%arg15 : memref<!tpu.dma_semaphore, #tpu.memory_space<semaphore_mem>>)
    %dma_start3A_184 = arith.constant 0 : i32
    %dma_start3A_185 = arith.constant 0 : i32
    %dma_start3A_186 = arith.constant 0 : i32
    %dma_start3A_187 = arith.constant 0 : i32
    %dma_start3A_188 = arith.constant 0 : i32
    %dma_start3A_189 = tpu.memref_slice %arg9[%dma_start3A_185, %dma_start3A_187, %dma_start3A_188] : memref<6x200x32xf32, #tpu.memory_space<vmem>> -> memref<1x128x32xf32, #tpu.memory_space<vmem>>
    %dma_start3A_190 = tpu.memref_squeeze %dma_start3A_189 : memref<1x128x32xf32, #tpu.memory_space<vmem>> -> memref<128x32xf32, #tpu.memory_space<vmem>>
    %dma_start3A_191 = arith.constant 0 : i32
    %dma_start3A_192 = tpu.memref_slice %arg7[%dma_start3A_184, %dma_start3A_191] : memref<128x128xi32, #tpu.memory_space<vmem>> -> memref<1x128xi32, #tpu.memory_space<vmem>>
    %dma_start3A_193 = tpu.memref_squeeze %dma_start3A_192 : memref<1x128xi32, #tpu.memory_space<vmem>> -> memref<128xi32, #tpu.memory_space<vmem>>
    %dma_start3A_194 = arith.constant 0 : i32
    %dma_start3A_195 = arith.constant 0 : i32
    %dma_start3A_196 = tpu.memref_slice %arg2[%dma_start3A_194, %dma_start3A_195] : memref<1015808x32xf32, #tpu.memory_space<hbm>> -> memref<1015808x32xf32, #tpu.memory_space<hbm>>
    %dma_start3A_197 = tpu.memref_slice %arg14[%dma_start3A_186] : memref<6x!tpu.dma_semaphore, #tpu.memory_space<semaphore_mem>> -> memref<1x!tpu.dma_semaphore, #tpu.memory_space<semaphore_mem>>
    %dma_start3A_198 = tpu.memref_squeeze %dma_start3A_197 : memref<1x!tpu.dma_semaphore, #tpu.memory_space<semaphore_mem>> -> memref<!tpu.dma_semaphore, #tpu.memory_space<semaphore_mem>>
    tpu.enqueue_indirect_dma source(%dma_start3A_196 : memref<1015808x32xf32, #tpu.memory_space<hbm>>) target(%dma_start3A_190 : memref<128x32xf32, #tpu.memory_space<vmem>>) offsets(%dma_start3A_193 : memref<128xi32, #tpu.memory_space<vmem>>) semaphore(%dma_start3A_198 : memref<!tpu.dma_semaphore, #tpu.memory_space<semaphore_mem>>)
    %dma_start3A_199 = arith.constant 0 : i32
    %dma_start3A_200 = arith.constant 0 : i32
    %dma_start3A_201 = arith.constant 0 : i32
    %dma_start3A_202 = arith.constant 128 : i32
    %dma_start3A_203 = arith.constant 0 : i32
    %dma_start3A_204 = tpu.memref_slice %arg9[%dma_start3A_200, %dma_start3A_202, %dma_start3A_203] : memref<6x200x32xf32, #tpu.memory_space<vmem>> -> memref<1x72x32xf32, #tpu.memory_space<vmem>>
    %dma_start3A_205 = tpu.memref_squeeze %dma_start3A_204 : memref<1x72x32xf32, #tpu.memory_space<vmem>> -> memref<72x32xf32, #tpu.memory_space<vmem>>
    %dma_start3A_206 = arith.constant 0 : i32
    %dma_start3A_207 = tpu.memref_slice %arg8[%dma_start3A_199, %dma_start3A_206] : memref<128x128xi32, #tpu.memory_space<vmem>> -> memref<1x72xi32, #tpu.memory_space<vmem>>
    %dma_start3A_208 = tpu.memref_squeeze %dma_start3A_207 : memref<1x72xi32, #tpu.memory_space<vmem>> -> memref<72xi32, #tpu.memory_space<vmem>>
    %dma_start3A_209 = arith.constant 0 : i32
    %dma_start3A_210 = arith.constant 0 : i32
    %dma_start3A_211 = tpu.memref_slice %arg2[%dma_start3A_209, %dma_start3A_210] : memref<1015808x32xf32, #tpu.memory_space<hbm>> -> memref<1015808x32xf32, #tpu.memory_space<hbm>>
    %dma_start3A_212 = tpu.memref_slice %arg14[%dma_start3A_201] : memref<6x!tpu.dma_semaphore, #tpu.memory_space<semaphore_mem>> -> memref<1x!tpu.dma_semaphore, #tpu.memory_space<semaphore_mem>>
    %dma_start3A_213 = tpu.memref_squeeze %dma_start3A_212 : memref<1x!tpu.dma_semaphore, #tpu.memory_space<semaphore_mem>> -> memref<!tpu.dma_semaphore, #tpu.memory_space<semaphore_mem>>
    tpu.enqueue_indirect_dma source(%dma_start3A_211 : memref<1015808x32xf32, #tpu.memory_space<hbm>>) target(%dma_start3A_205 : memref<72x32xf32, #tpu.memory_space<vmem>>) offsets(%dma_start3A_208 : memref<72xi32, #tpu.memory_space<vmem>>) semaphore(%dma_start3A_213 : memref<!tpu.dma_semaphore, #tpu.memory_space<semaphore_mem>>)
    %dma_start3A_214 = arith.constant 1 : i32
    %dma_start3A_215 = arith.constant 1 : i32
    %dma_start3A_216 = arith.constant 1 : i32
    %dma_start3A_217 = arith.constant 0 : i32
    %dma_start3A_218 = arith.constant 0 : i32
    %dma_start3A_219 = tpu.memref_slice %arg9[%dma_start3A_215, %dma_start3A_217, %dma_start3A_218] : memref<6x200x32xf32, #tpu.memory_space<vmem>> -> memref<1x128x32xf32, #tpu.memory_space<vmem>>
    %dma_start3A_220 = tpu.memref_squeeze %dma_start3A_219 : memref<1x128x32xf32, #tpu.memory_space<vmem>> -> memref<128x32xf32, #tpu.memory_space<vmem>>
    %dma_start3A_221 = arith.constant 0 : i32
    %dma_start3A_222 = tpu.memref_slice %arg7[%dma_start3A_214, %dma_start3A_221] : memref<128x128xi32, #tpu.memory_space<vmem>> -> memref<1x128xi32, #tpu.memory_space<vmem>>
    %dma_start3A_223 = tpu.memref_squeeze %dma_start3A_222 : memref<1x128xi32, #tpu.memory_space<vmem>> -> memref<128xi32, #tpu.memory_space<vmem>>
    %dma_start3A_224 = arith.constant 0 : i32
    %dma_start3A_225 = arith.constant 0 : i32
    %dma_start3A_226 = tpu.memref_slice %arg2[%dma_start3A_224, %dma_start3A_225] : memref<1015808x32xf32, #tpu.memory_space<hbm>> -> memref<1015808x32xf32, #tpu.memory_space<hbm>>
    %dma_start3A_227 = tpu.memref_slice %arg14[%dma_start3A_216] : memref<6x!tpu.dma_semaphore, #tpu.memory_space<semaphore_mem>> -> memref<1x!tpu.dma_semaphore, #tpu.memory_space<semaphore_mem>>
    %dma_start3A_228 = tpu.memref_squeeze %dma_start3A_227 : memref<1x!tpu.dma_semaphore, #tpu.memory_space<semaphore_mem>> -> memref<!tpu.dma_semaphore, #tpu.memory_space<semaphore_mem>>
    tpu.enqueue_indirect_dma source(%dma_start3A_226 : memref<1015808x32xf32, #tpu.memory_space<hbm>>) target(%dma_start3A_220 : memref<128x32xf32, #tpu.memory_space<vmem>>) offsets(%dma_start3A_223 : memref<128xi32, #tpu.memory_space<vmem>>) semaphore(%dma_start3A_228 : memref<!tpu.dma_semaphore, #tpu.memory_space<semaphore_mem>>)
    %dma_start3A_229 = arith.constant 1 : i32
    %dma_start3A_230 = arith.constant 1 : i32
    %dma_start3A_231 = arith.constant 1 : i32
    %dma_start3A_232 = arith.constant 128 : i32
    %dma_start3A_233 = arith.constant 0 : i32
    %dma_start3A_234 = tpu.memref_slice %arg9[%dma_start3A_230, %dma_start3A_232, %dma_start3A_233] : memref<6x200x32xf32, #tpu.memory_space<vmem>> -> memref<1x72x32xf32, #tpu.memory_space<vmem>>
    %dma_start3A_235 = tpu.memref_squeeze %dma_start3A_234 : memref<1x72x32xf32, #tpu.memory_space<vmem>> -> memref<72x32xf32, #tpu.memory_space<vmem>>
    %dma_start3A_236 = arith.constant 0 : i32
    %dma_start3A_237 = tpu.memref_slice %arg8[%dma_start3A_229, %dma_start3A_236] : memref<128x128xi32, #tpu.memory_space<vmem>> -> memref<1x72xi32, #tpu.memory_space<vmem>>
    %dma_start3A_238 = tpu.memref_squeeze %dma_start3A_237 : memref<1x72xi32, #tpu.memory_space<vmem>> -> memref<72xi32, #tpu.memory_space<vmem>>
    %dma_start3A_239 = arith.constant 0 : i32
    %dma_start3A_240 = arith.constant 0 : i32
    %dma_start3A_241 = tpu.memref_slice %arg2[%dma_start3A_239, %dma_start3A_240] : memref<1015808x32xf32, #tpu.memory_space<hbm>> -> memref<1015808x32xf32, #tpu.memory_space<hbm>>
    %dma_start3A_242 = tpu.memref_slice %arg14[%dma_start3A_231] : memref<6x!tpu.dma_semaphore, #tpu.memory_space<semaphore_mem>> -> memref<1x!tpu.dma_semaphore, #tpu.memory_space<semaphore_mem>>
    %dma_start3A_243 = tpu.memref_squeeze %dma_start3A_242 : memref<1x!tpu.dma_semaphore, #tpu.memory_space<semaphore_mem>> -> memref<!tpu.dma_semaphore, #tpu.memory_space<semaphore_mem>>
    tpu.enqueue_indirect_dma source(%dma_start3A_241 : memref<1015808x32xf32, #tpu.memory_space<hbm>>) target(%dma_start3A_235 : memref<72x32xf32, #tpu.memory_space<vmem>>) offsets(%dma_start3A_238 : memref<72xi32, #tpu.memory_space<vmem>>) semaphore(%dma_start3A_243 : memref<!tpu.dma_semaphore, #tpu.memory_space<semaphore_mem>>)
    %dma_start3A_244 = arith.constant 2 : i32
    %dma_start3A_245 = arith.constant 2 : i32
    %dma_start3A_246 = arith.constant 2 : i32
    %dma_start3A_247 = arith.constant 0 : i32
    %dma_start3A_248 = arith.constant 0 : i32
    %dma_start3A_249 = tpu.memref_slice %arg9[%dma_start3A_245, %dma_start3A_247, %dma_start3A_248] : memref<6x200x32xf32, #tpu.memory_space<vmem>> -> memref<1x128x32xf32, #tpu.memory_space<vmem>>
    %dma_start3A_250 = tpu.memref_squeeze %dma_start3A_249 : memref<1x128x32xf32, #tpu.memory_space<vmem>> -> memref<128x32xf32, #tpu.memory_space<vmem>>
    %dma_start3A_251 = arith.constant 0 : i32
    %dma_start3A_252 = tpu.memref_slice %arg7[%dma_start3A_244, %dma_start3A_251] : memref<128x128xi32, #tpu.memory_space<vmem>> -> memref<1x128xi32, #tpu.memory_space<vmem>>
    %dma_start3A_253 = tpu.memref_squeeze %dma_start3A_252 : memref<1x128xi32, #tpu.memory_space<vmem>> -> memref<128xi32, #tpu.memory_space<vmem>>
    %dma_start3A_254 = arith.constant 0 : i32
    %dma_start3A_255 = arith.constant 0 : i32
    %dma_start3A_256 = tpu.memref_slice %arg2[%dma_start3A_254, %dma_start3A_255] : memref<1015808x32xf32, #tpu.memory_space<hbm>> -> memref<1015808x32xf32, #tpu.memory_space<hbm>>
    %dma_start3A_257 = tpu.memref_slice %arg14[%dma_start3A_246] : memref<6x!tpu.dma_semaphore, #tpu.memory_space<semaphore_mem>> -> memref<1x!tpu.dma_semaphore, #tpu.memory_space<semaphore_mem>>
    %dma_start3A_258 = tpu.memref_squeeze %dma_start3A_257 : memref<1x!tpu.dma_semaphore, #tpu.memory_space<semaphore_mem>> -> memref<!tpu.dma_semaphore, #tpu.memory_space<semaphore_mem>>
    tpu.enqueue_indirect_dma source(%dma_start3A_256 : memref<1015808x32xf32, #tpu.memory_space<hbm>>) target(%dma_start3A_250 : memref<128x32xf32, #tpu.memory_space<vmem>>) offsets(%dma_start3A_253 : memref<128xi32, #tpu.memory_space<vmem>>) semaphore(%dma_start3A_258 : memref<!tpu.dma_semaphore, #tpu.memory_space<semaphore_mem>>)
    %dma_start3A_259 = arith.constant 2 : i32
    %dma_start3A_260 = arith.constant 2 : i32
    %dma_start3A_261 = arith.constant 2 : i32
    %dma_start3A_262 = arith.constant 128 : i32
    %dma_start3A_263 = arith.constant 0 : i32
    %dma_start3A_264 = tpu.memref_slice %arg9[%dma_start3A_260, %dma_start3A_262, %dma_start3A_263] : memref<6x200x32xf32, #tpu.memory_space<vmem>> -> memref<1x72x32xf32, #tpu.memory_space<vmem>>
    %dma_start3A_265 = tpu.memref_squeeze %dma_start3A_264 : memref<1x72x32xf32, #tpu.memory_space<vmem>> -> memref<72x32xf32, #tpu.memory_space<vmem>>
    %dma_start3A_266 = arith.constant 0 : i32
    %dma_start3A_267 = tpu.memref_slice %arg8[%dma_start3A_259, %dma_start3A_266] : memref<128x128xi32, #tpu.memory_space<vmem>> -> memref<1x72xi32, #tpu.memory_space<vmem>>
    %dma_start3A_268 = tpu.memref_squeeze %dma_start3A_267 : memref<1x72xi32, #tpu.memory_space<vmem>> -> memref<72xi32, #tpu.memory_space<vmem>>
    %dma_start3A_269 = arith.constant 0 : i32
    %dma_start3A_270 = arith.constant 0 : i32
    %dma_start3A_271 = tpu.memref_slice %arg2[%dma_start3A_269, %dma_start3A_270] : memref<1015808x32xf32, #tpu.memory_space<hbm>> -> memref<1015808x32xf32, #tpu.memory_space<hbm>>
    %dma_start3A_272 = tpu.memref_slice %arg14[%dma_start3A_261] : memref<6x!tpu.dma_semaphore, #tpu.memory_space<semaphore_mem>> -> memref<1x!tpu.dma_semaphore, #tpu.memory_space<semaphore_mem>>
    %dma_start3A_273 = tpu.memref_squeeze %dma_start3A_272 : memref<1x!tpu.dma_semaphore, #tpu.memory_space<semaphore_mem>> -> memref<!tpu.dma_semaphore, #tpu.memory_space<semaphore_mem>>
    tpu.enqueue_indirect_dma source(%dma_start3A_271 : memref<1015808x32xf32, #tpu.memory_space<hbm>>) target(%dma_start3A_265 : memref<72x32xf32, #tpu.memory_space<vmem>>) offsets(%dma_start3A_268 : memref<72xi32, #tpu.memory_space<vmem>>) semaphore(%dma_start3A_273 : memref<!tpu.dma_semaphore, #tpu.memory_space<semaphore_mem>>)
    %dma_start3A_274 = arith.constant 3 : i32
    %dma_start3A_275 = arith.constant 3 : i32
    %dma_start3A_276 = arith.constant 3 : i32
    %dma_start3A_277 = arith.constant 0 : i32
    %dma_start3A_278 = arith.constant 0 : i32
    %dma_start3A_279 = tpu.memref_slice %arg9[%dma_start3A_275, %dma_start3A_277, %dma_start3A_278] : memref<6x200x32xf32, #tpu.memory_space<vmem>> -> memref<1x128x32xf32, #tpu.memory_space<vmem>>
    %dma_start3A_280 = tpu.memref_squeeze %dma_start3A_279 : memref<1x128x32xf32, #tpu.memory_space<vmem>> -> memref<128x32xf32, #tpu.memory_space<vmem>>
    %dma_start3A_281 = arith.constant 0 : i32
    %dma_start3A_282 = tpu.memref_slice %arg7[%dma_start3A_274, %dma_start3A_281] : memref<128x128xi32, #tpu.memory_space<vmem>> -> memref<1x128xi32, #tpu.memory_space<vmem>>
    %dma_start3A_283 = tpu.memref_squeeze %dma_start3A_282 : memref<1x128xi32, #tpu.memory_space<vmem>> -> memref<128xi32, #tpu.memory_space<vmem>>
    %dma_start3A_284 = arith.constant 0 : i32
    %dma_start3A_285 = arith.constant 0 : i32
    %dma_start3A_286 = tpu.memref_slice %arg2[%dma_start3A_284, %dma_start3A_285] : memref<1015808x32xf32, #tpu.memory_space<hbm>> -> memref<1015808x32xf32, #tpu.memory_space<hbm>>
    %dma_start3A_287 = tpu.memref_slice %arg14[%dma_start3A_276] : memref<6x!tpu.dma_semaphore, #tpu.memory_space<semaphore_mem>> -> memref<1x!tpu.dma_semaphore, #tpu.memory_space<semaphore_mem>>
    %dma_start3A_288 = tpu.memref_squeeze %dma_start3A_287 : memref<1x!tpu.dma_semaphore, #tpu.memory_space<semaphore_mem>> -> memref<!tpu.dma_semaphore, #tpu.memory_space<semaphore_mem>>
    tpu.enqueue_indirect_dma source(%dma_start3A_286 : memref<1015808x32xf32, #tpu.memory_space<hbm>>) target(%dma_start3A_280 : memref<128x32xf32, #tpu.memory_space<vmem>>) offsets(%dma_start3A_283 : memref<128xi32, #tpu.memory_space<vmem>>) semaphore(%dma_start3A_288 : memref<!tpu.dma_semaphore, #tpu.memory_space<semaphore_mem>>)
    %dma_start3A_289 = arith.constant 3 : i32
    %dma_start3A_290 = arith.constant 3 : i32
    %dma_start3A_291 = arith.constant 3 : i32
    %dma_start3A_292 = arith.constant 128 : i32
    %dma_start3A_293 = arith.constant 0 : i32
    %dma_start3A_294 = tpu.memref_slice %arg9[%dma_start3A_290, %dma_start3A_292, %dma_start3A_293] : memref<6x200x32xf32, #tpu.memory_space<vmem>> -> memref<1x72x32xf32, #tpu.memory_space<vmem>>
    %dma_start3A_295 = tpu.memref_squeeze %dma_start3A_294 : memref<1x72x32xf32, #tpu.memory_space<vmem>> -> memref<72x32xf32, #tpu.memory_space<vmem>>
    %dma_start3A_296 = arith.constant 0 : i32
    %dma_start3A_297 = tpu.memref_slice %arg8[%dma_start3A_289, %dma_start3A_296] : memref<128x128xi32, #tpu.memory_space<vmem>> -> memref<1x72xi32, #tpu.memory_space<vmem>>
    %dma_start3A_298 = tpu.memref_squeeze %dma_start3A_297 : memref<1x72xi32, #tpu.memory_space<vmem>> -> memref<72xi32, #tpu.memory_space<vmem>>
    %dma_start3A_299 = arith.constant 0 : i32
    %dma_start3A_300 = arith.constant 0 : i32
    %dma_start3A_301 = tpu.memref_slice %arg2[%dma_start3A_299, %dma_start3A_300] : memref<1015808x32xf32, #tpu.memory_space<hbm>> -> memref<1015808x32xf32, #tpu.memory_space<hbm>>
    %dma_start3A_302 = tpu.memref_slice %arg14[%dma_start3A_291] : memref<6x!tpu.dma_semaphore, #tpu.memory_space<semaphore_mem>> -> memref<1x!tpu.dma_semaphore, #tpu.memory_space<semaphore_mem>>
    %dma_start3A_303 = tpu.memref_squeeze %dma_start3A_302 : memref<1x!tpu.dma_semaphore, #tpu.memory_space<semaphore_mem>> -> memref<!tpu.dma_semaphore, #tpu.memory_space<semaphore_mem>>
    tpu.enqueue_indirect_dma source(%dma_start3A_301 : memref<1015808x32xf32, #tpu.memory_space<hbm>>) target(%dma_start3A_295 : memref<72x32xf32, #tpu.memory_space<vmem>>) offsets(%dma_start3A_298 : memref<72xi32, #tpu.memory_space<vmem>>) semaphore(%dma_start3A_303 : memref<!tpu.dma_semaphore, #tpu.memory_space<semaphore_mem>>)
    %dma_start3A_304 = arith.constant 4 : i32
    %dma_start3A_305 = arith.constant 4 : i32
    %dma_start3A_306 = arith.constant 4 : i32
    %dma_start3A_307 = arith.constant 0 : i32
    %dma_start3A_308 = arith.constant 0 : i32
    %dma_start3A_309 = tpu.memref_slice %arg9[%dma_start3A_305, %dma_start3A_307, %dma_start3A_308] : memref<6x200x32xf32, #tpu.memory_space<vmem>> -> memref<1x128x32xf32, #tpu.memory_space<vmem>>
    %dma_start3A_310 = tpu.memref_squeeze %dma_start3A_309 : memref<1x128x32xf32, #tpu.memory_space<vmem>> -> memref<128x32xf32, #tpu.memory_space<vmem>>
    %dma_start3A_311 = arith.constant 0 : i32
    %dma_start3A_312 = tpu.memref_slice %arg7[%dma_start3A_304, %dma_start3A_311] : memref<128x128xi32, #tpu.memory_space<vmem>> -> memref<1x128xi32, #tpu.memory_space<vmem>>
    %dma_start3A_313 = tpu.memref_squeeze %dma_start3A_312 : memref<1x128xi32, #tpu.memory_space<vmem>> -> memref<128xi32, #tpu.memory_space<vmem>>
    %dma_start3A_314 = arith.constant 0 : i32
    %dma_start3A_315 = arith.constant 0 : i32
    %dma_start3A_316 = tpu.memref_slice %arg2[%dma_start3A_314, %dma_start3A_315] : memref<1015808x32xf32, #tpu.memory_space<hbm>> -> memref<1015808x32xf32, #tpu.memory_space<hbm>>
    %dma_start3A_317 = tpu.memref_slice %arg14[%dma_start3A_306] : memref<6x!tpu.dma_semaphore, #tpu.memory_space<semaphore_mem>> -> memref<1x!tpu.dma_semaphore, #tpu.memory_space<semaphore_mem>>
    %dma_start3A_318 = tpu.memref_squeeze %dma_start3A_317 : memref<1x!tpu.dma_semaphore, #tpu.memory_space<semaphore_mem>> -> memref<!tpu.dma_semaphore, #tpu.memory_space<semaphore_mem>>
    tpu.enqueue_indirect_dma source(%dma_start3A_316 : memref<1015808x32xf32, #tpu.memory_space<hbm>>) target(%dma_start3A_310 : memref<128x32xf32, #tpu.memory_space<vmem>>) offsets(%dma_start3A_313 : memref<128xi32, #tpu.memory_space<vmem>>) semaphore(%dma_start3A_318 : memref<!tpu.dma_semaphore, #tpu.memory_space<semaphore_mem>>)
    %dma_start3A_319 = arith.constant 4 : i32
    %dma_start3A_320 = arith.constant 4 : i32
    %dma_start3A_321 = arith.constant 4 : i32
    %dma_start3A_322 = arith.constant 128 : i32
    %dma_start3A_323 = arith.constant 0 : i32
    %dma_start3A_324 = tpu.memref_slice %arg9[%dma_start3A_320, %dma_start3A_322, %dma_start3A_323] : memref<6x200x32xf32, #tpu.memory_space<vmem>> -> memref<1x72x32xf32, #tpu.memory_space<vmem>>
    %dma_start3A_325 = tpu.memref_squeeze %dma_start3A_324 : memref<1x72x32xf32, #tpu.memory_space<vmem>> -> memref<72x32xf32, #tpu.memory_space<vmem>>
    %dma_start3A_326 = arith.constant 0 : i32
    %dma_start3A_327 = tpu.memref_slice %arg8[%dma_start3A_319, %dma_start3A_326] : memref<128x128xi32, #tpu.memory_space<vmem>> -> memref<1x72xi32, #tpu.memory_space<vmem>>
    %dma_start3A_328 = tpu.memref_squeeze %dma_start3A_327 : memref<1x72xi32, #tpu.memory_space<vmem>> -> memref<72xi32, #tpu.memory_space<vmem>>
    %dma_start3A_329 = arith.constant 0 : i32
    %dma_start3A_330 = arith.constant 0 : i32
    %dma_start3A_331 = tpu.memref_slice %arg2[%dma_start3A_329, %dma_start3A_330] : memref<1015808x32xf32, #tpu.memory_space<hbm>> -> memref<1015808x32xf32, #tpu.memory_space<hbm>>
    %dma_start3A_332 = tpu.memref_slice %arg14[%dma_start3A_321] : memref<6x!tpu.dma_semaphore, #tpu.memory_space<semaphore_mem>> -> memref<1x!tpu.dma_semaphore, #tpu.memory_space<semaphore_mem>>
    %dma_start3A_333 = tpu.memref_squeeze %dma_start3A_332 : memref<1x!tpu.dma_semaphore, #tpu.memory_space<semaphore_mem>> -> memref<!tpu.dma_semaphore, #tpu.memory_space<semaphore_mem>>
    tpu.enqueue_indirect_dma source(%dma_start3A_331 : memref<1015808x32xf32, #tpu.memory_space<hbm>>) target(%dma_start3A_325 : memref<72x32xf32, #tpu.memory_space<vmem>>) offsets(%dma_start3A_328 : memref<72xi32, #tpu.memory_space<vmem>>) semaphore(%dma_start3A_333 : memref<!tpu.dma_semaphore, #tpu.memory_space<semaphore_mem>>)
    %broadcast_in_dim3A = arith.constant 0.000000e+00 : f32
    %broadcast_in_dim3A_334 = vector.broadcast %broadcast_in_dim3A : f32 to vector<16xf32>
    %scan3A_335 = arith.constant 0 : i32
    %scan3A_336 = arith.constant 0 : i32
    %scan3A_337 = arith.constant 21 : i32
    %scan3A_338 = arith.addi %scan3A_336, %scan3A_337 : i32
    %scan3A_339 = arith.constant 1 : i32
    scf.for %scan3A_457 = %scan3A_336 to %scan3A_338 step %scan3A_339  : i32 {
      %mul3A_458 = arith.constant 6 : i32
      %mul3A_459 = arith.muli %scan3A_457, %mul3A_458 : i32
      %add3A_460 = arith.constant 0 : i32
      %add3A_461 = arith.addi %mul3A_459, %add3A_460 : i32
      %dma_wait3A_462 = arith.constant 0 : i32
      %dma_wait3A_463 = arith.constant 0 : i32
      %dma_wait3A_464 = arith.constant 0 : i32
      %dma_wait3A_465 = arith.constant 0 : i32
      %dma_wait3A_466 = tpu.memref_slice %arg9[%dma_wait3A_462, %dma_wait3A_464, %dma_wait3A_465] : memref<6x200x32xf32, #tpu.memory_space<vmem>> -> memref<1x128x32xf32, #tpu.memory_space<vmem>>
      %dma_wait3A_467 = tpu.memref_squeeze %dma_wait3A_466 : memref<1x128x32xf32, #tpu.memory_space<vmem>> -> memref<128x32xf32, #tpu.memory_space<vmem>>
      %dma_wait3A_468 = arith.constant 0 : i32
      %dma_wait3A_469 = tpu.memref_slice %arg7[%add3A_461, %dma_wait3A_468] : memref<128x128xi32, #tpu.memory_space<vmem>> -> memref<1x128xi32, #tpu.memory_space<vmem>>
      %dma_wait3A_470 = tpu.memref_squeeze %dma_wait3A_469 : memref<1x128xi32, #tpu.memory_space<vmem>> -> memref<128xi32, #tpu.memory_space<vmem>>
      %dma_wait3A_471 = arith.constant 0 : i32
      %dma_wait3A_472 = arith.constant 0 : i32
      %dma_wait3A_473 = tpu.memref_slice %arg2[%dma_wait3A_471, %dma_wait3A_472] : memref<1015808x32xf32, #tpu.memory_space<hbm>> -> memref<1015808x32xf32, #tpu.memory_space<hbm>>
      %dma_wait3A_474 = tpu.memref_slice %arg14[%dma_wait3A_463] : memref<6x!tpu.dma_semaphore, #tpu.memory_space<semaphore_mem>> -> memref<1x!tpu.dma_semaphore, #tpu.memory_space<semaphore_mem>>
      %dma_wait3A_475 = tpu.memref_squeeze %dma_wait3A_474 : memref<1x!tpu.dma_semaphore, #tpu.memory_space<semaphore_mem>> -> memref<!tpu.dma_semaphore, #tpu.memory_space<semaphore_mem>>
      tpu.wait_indirect_dma semaphore(%dma_wait3A_475 : memref<!tpu.dma_semaphore, #tpu.memory_space<semaphore_mem>>) src(%dma_wait3A_473 : memref<1015808x32xf32, #tpu.memory_space<hbm>>) dst(%dma_wait3A_467 : memref<128x32xf32, #tpu.memory_space<vmem>>)
      %dma_wait3A_476 = arith.constant 0 : i32
      %dma_wait3A_477 = arith.constant 0 : i32
      %dma_wait3A_478 = arith.constant 128 : i32
      %dma_wait3A_479 = arith.constant 0 : i32
      %dma_wait3A_480 = tpu.memref_slice %arg9[%dma_wait3A_476, %dma_wait3A_478, %dma_wait3A_479] : memref<6x200x32xf32, #tpu.memory_space<vmem>> -> memref<1x72x32xf32, #tpu.memory_space<vmem>>
      %dma_wait3A_481 = tpu.memref_squeeze %dma_wait3A_480 : memref<1x72x32xf32, #tpu.memory_space<vmem>> -> memref<72x32xf32, #tpu.memory_space<vmem>>
      %dma_wait3A_482 = arith.constant 0 : i32
      %dma_wait3A_483 = tpu.memref_slice %arg8[%add3A_461, %dma_wait3A_482] : memref<128x128xi32, #tpu.memory_space<vmem>> -> memref<1x72xi32, #tpu.memory_space<vmem>>
      %dma_wait3A_484 = tpu.memref_squeeze %dma_wait3A_483 : memref<1x72xi32, #tpu.memory_space<vmem>> -> memref<72xi32, #tpu.memory_space<vmem>>
      %dma_wait3A_485 = arith.constant 0 : i32
      %dma_wait3A_486 = arith.constant 0 : i32
      %dma_wait3A_487 = tpu.memref_slice %arg2[%dma_wait3A_485, %dma_wait3A_486] : memref<1015808x32xf32, #tpu.memory_space<hbm>> -> memref<1015808x32xf32, #tpu.memory_space<hbm>>
      %dma_wait3A_488 = tpu.memref_slice %arg14[%dma_wait3A_477] : memref<6x!tpu.dma_semaphore, #tpu.memory_space<semaphore_mem>> -> memref<1x!tpu.dma_semaphore, #tpu.memory_space<semaphore_mem>>
      %dma_wait3A_489 = tpu.memref_squeeze %dma_wait3A_488 : memref<1x!tpu.dma_semaphore, #tpu.memory_space<semaphore_mem>> -> memref<!tpu.dma_semaphore, #tpu.memory_space<semaphore_mem>>
      tpu.wait_indirect_dma semaphore(%dma_wait3A_489 : memref<!tpu.dma_semaphore, #tpu.memory_space<semaphore_mem>>) src(%dma_wait3A_487 : memref<1015808x32xf32, #tpu.memory_space<hbm>>) dst(%dma_wait3A_481 : memref<72x32xf32, #tpu.memory_space<vmem>>)
      %scan3A_490 = arith.constant 0 : i32
      %scan3A_491 = arith.constant 200 : i32
      %scan3A_492 = arith.addi %scan3A_490, %scan3A_491 : i32
      %scan3A_493 = arith.constant 8 : i32
      %scan3A_494:4 = scf.for %scan3A_808 = %scan3A_490 to %scan3A_492 step %scan3A_493 iter_args(%scan3A_809 = %broadcast_in_dim3A_334, %scan3A_810 = %broadcast_in_dim3A_334, %scan3A_811 = %broadcast_in_dim3A_334, %scan3A_812 = %broadcast_in_dim3A_334) -> (vector<16xf32>, vector<16xf32>, vector<16xf32>, vector<16xf32>)  : i32 {
        %get3A_813 = arith.constant 0 : i32
        %get3A_814 = arith.index_cast %get3A_813 : i32 to index
        %get3A_815 = arith.index_cast %scan3A_808 : i32 to index
        %get3A_816 = arith.constant 0 : index
        %get3A_817 = tpu.vector_load %arg9[%get3A_814, %get3A_815, %get3A_816] {strides = array<i32>} : memref<6x200x32xf32, #tpu.memory_space<vmem>>, vector<16xf32>,
        %get3A_818 = arith.constant 0 : i32
        %get3A_819 = arith.index_cast %get3A_818 : i32 to index
        %get3A_820 = arith.index_cast %scan3A_808 : i32 to index
        %get3A_821 = arith.constant 16 : index
        %get3A_822 = tpu.vector_load %arg9[%get3A_819, %get3A_820, %get3A_821] {strides = array<i32>} : memref<6x200x32xf32, #tpu.memory_space<vmem>>, vector<16xf32>,
        %bitcast3A = vector.bitcast %get3A_817 : vector<16xf32> to vector<32xbf16>
        %unpack3A = tpu.unpack_subelements %bitcast3A, 0 {pack_format = #tpu.pack_format<interleaved>} : vector<32xbf16> -> vector<16xf32>
        %unpack3A_823 = tpu.unpack_subelements %bitcast3A, 1 {pack_format = #tpu.pack_format<interleaved>} : vector<32xbf16> -> vector<16xf32>
        %bitcast3A_824 = vector.bitcast %get3A_822 : vector<16xf32> to vector<32xbf16>
        %unpack3A_825 = tpu.unpack_subelements %bitcast3A_824, 0 {pack_format = #tpu.pack_format<interleaved>} : vector<32xbf16> -> vector<16xf32>
        %unpack3A_826 = tpu.unpack_subelements %bitcast3A_824, 1 {pack_format = #tpu.pack_format<interleaved>} : vector<32xbf16> -> vector<16xf32>
        %add3A_827 = arith.addf %scan3A_809, %unpack3A : vector<16xf32>
        %add3A_828 = arith.addf %scan3A_810, %unpack3A_823 : vector<16xf32>
        %add3A_829 = arith.addf %scan3A_811, %unpack3A_825 : vector<16xf32>
        %add3A_830 = arith.addf %scan3A_812, %unpack3A_826 : vector<16xf32>
        %scan3A_831 = arith.constant 1 : i32
        %scan3A_832 = arith.addi %scan3A_808, %scan3A_831 : i32
        %get3A_833 = arith.constant 0 : i32
        %get3A_834 = arith.index_cast %get3A_833 : i32 to index
        %get3A_835 = arith.index_cast %scan3A_832 : i32 to index
        %get3A_836 = arith.constant 0 : index
        %get3A_837 = tpu.vector_load %arg9[%get3A_834, %get3A_835, %get3A_836] {strides = array<i32>} : memref<6x200x32xf32, #tpu.memory_space<vmem>>, vector<16xf32>,
        %get3A_838 = arith.constant 0 : i32
        %get3A_839 = arith.index_cast %get3A_838 : i32 to index
        %get3A_840 = arith.index_cast %scan3A_832 : i32 to index
        %get3A_841 = arith.constant 16 : index
        %get3A_842 = tpu.vector_load %arg9[%get3A_839, %get3A_840, %get3A_841] {strides = array<i32>} : memref<6x200x32xf32, #tpu.memory_space<vmem>>, vector<16xf32>,
        %bitcast3A_843 = vector.bitcast %get3A_837 : vector<16xf32> to vector<32xbf16>
        %unpack3A_844 = tpu.unpack_subelements %bitcast3A_843, 0 {pack_format = #tpu.pack_format<interleaved>} : vector<32xbf16> -> vector<16xf32>
        %unpack3A_845 = tpu.unpack_subelements %bitcast3A_843, 1 {pack_format = #tpu.pack_format<interleaved>} : vector<32xbf16> -> vector<16xf32>
        %bitcast3A_846 = vector.bitcast %get3A_842 : vector<16xf32> to vector<32xbf16>
        %unpack3A_847 = tpu.unpack_subelements %bitcast3A_846, 0 {pack_format = #tpu.pack_format<interleaved>} : vector<32xbf16> -> vector<16xf32>
        %unpack3A_848 = tpu.unpack_subelements %bitcast3A_846, 1 {pack_format = #tpu.pack_format<interleaved>} : vector<32xbf16> -> vector<16xf32>
        %add3A_849 = arith.addf %add3A_827, %unpack3A_844 : vector<16xf32>
        %add3A_850 = arith.addf %add3A_828, %unpack3A_845 : vector<16xf32>
        %add3A_851 = arith.addf %add3A_829, %unpack3A_847 : vector<16xf32>
        %add3A_852 = arith.addf %add3A_830, %unpack3A_848 : vector<16xf32>
        %scan3A_853 = arith.constant 2 : i32
        %scan3A_854 = arith.addi %scan3A_808, %scan3A_853 : i32
        %get3A_855 = arith.constant 0 : i32
        %get3A_856 = arith.index_cast %get3A_855 : i32 to index
        %get3A_857 = arith.index_cast %scan3A_854 : i32 to index
        %get3A_858 = arith.constant 0 : index
        %get3A_859 = tpu.vector_load %arg9[%get3A_856, %get3A_857, %get3A_858] {strides = array<i32>} : memref<6x200x32xf32, #tpu.memory_space<vmem>>, vector<16xf32>,
        %get3A_860 = arith.constant 0 : i32
        %get3A_861 = arith.index_cast %get3A_860 : i32 to index
        %get3A_862 = arith.index_cast %scan3A_854 : i32 to index
        %get3A_863 = arith.constant 16 : index
        %get3A_864 = tpu.vector_load %arg9[%get3A_861, %get3A_862, %get3A_863] {strides = array<i32>} : memref<6x200x32xf32, #tpu.memory_space<vmem>>, vector<16xf32>,
        %bitcast3A_865 = vector.bitcast %get3A_859 : vector<16xf32> to vector<32xbf16>
        %unpack3A_866 = tpu.unpack_subelements %bitcast3A_865, 0 {pack_format = #tpu.pack_format<interleaved>} : vector<32xbf16> -> vector<16xf32>
        %unpack3A_867 = tpu.unpack_subelements %bitcast3A_865, 1 {pack_format = #tpu.pack_format<interleaved>} : vector<32xbf16> -> vector<16xf32>
        %bitcast3A_868 = vector.bitcast %get3A_864 : vector<16xf32> to vector<32xbf16>
        %unpack3A_869 = tpu.unpack_subelements %bitcast3A_868, 0 {pack_format = #tpu.pack_format<interleaved>} : vector<32xbf16> -> vector<16xf32>
        %unpack3A_870 = tpu.unpack_subelements %bitcast3A_868, 1 {pack_format = #tpu.pack_format<interleaved>} : vector<32xbf16> -> vector<16xf32>
        %add3A_871 = arith.addf %add3A_849, %unpack3A_866 : vector<16xf32>
        %add3A_872 = arith.addf %add3A_850, %unpack3A_867 : vector<16xf32>
        %add3A_873 = arith.addf %add3A_851, %unpack3A_869 : vector<16xf32>
        %add3A_874 = arith.addf %add3A_852, %unpack3A_870 : vector<16xf32>
        %scan3A_875 = arith.constant 3 : i32
        %scan3A_876 = arith.addi %scan3A_808, %scan3A_875 : i32
        %get3A_877 = arith.constant 0 : i32
        %get3A_878 = arith.index_cast %get3A_877 : i32 to index
        %get3A_879 = arith.index_cast %scan3A_876 : i32 to index
        %get3A_880 = arith.constant 0 : index
        %get3A_881 = tpu.vector_load %arg9[%get3A_878, %get3A_879, %get3A_880] {strides = array<i32>} : memref<6x200x32xf32, #tpu.memory_space<vmem>>, vector<16xf32>,
        %get3A_882 = arith.constant 0 : i32
        %get3A_883 = arith.index_cast %get3A_882 : i32 to index
        %get3A_884 = arith.index_cast %scan3A_876 : i32 to index
        %get3A_885 = arith.constant 16 : index
        %get3A_886 = tpu.vector_load %arg9[%get3A_883, %get3A_884, %get3A_885] {strides = array<i32>} : memref<6x200x32xf32, #tpu.memory_space<vmem>>, vector<16xf32>,
        %bitcast3A_887 = vector.bitcast %get3A_881 : vector<16xf32> to vector<32xbf16>
        %unpack3A_888 = tpu.unpack_subelements %bitcast3A_887, 0 {pack_format = #tpu.pack_format<interleaved>} : vector<32xbf16> -> vector<16xf32>
        %unpack3A_889 = tpu.unpack_subelements %bitcast3A_887, 1 {pack_format = #tpu.pack_format<interleaved>} : vector<32xbf16> -> vector<16xf32>
        %bitcast3A_890 = vector.bitcast %get3A_886 : vector<16xf32> to vector<32xbf16>
        %unpack3A_891 = tpu.unpack_subelements %bitcast3A_890, 0 {pack_format = #tpu.pack_format<interleaved>} : vector<32xbf16> -> vector<16xf32>
        %unpack3A_892 = tpu.unpack_subelements %bitcast3A_890, 1 {pack_format = #tpu.pack_format<interleaved>} : vector<32xbf16> -> vector<16xf32>
        %add3A_893 = arith.addf %add3A_871, %unpack3A_888 : vector<16xf32>
        %add3A_894 = arith.addf %add3A_872, %unpack3A_889 : vector<16xf32>
        %add3A_895 = arith.addf %add3A_873, %unpack3A_891 : vector<16xf32>
        %add3A_896 = arith.addf %add3A_874, %unpack3A_892 : vector<16xf32>
        %scan3A_897 = arith.constant 4 : i32
        %scan3A_898 = arith.addi %scan3A_808, %scan3A_897 : i32
        %get3A_899 = arith.constant 0 : i32
        %get3A_900 = arith.index_cast %get3A_899 : i32 to index
        %get3A_901 = arith.index_cast %scan3A_898 : i32 to index
        %get3A_902 = arith.constant 0 : index
        %get3A_903 = tpu.vector_load %arg9[%get3A_900, %get3A_901, %get3A_902] {strides = array<i32>} : memref<6x200x32xf32, #tpu.memory_space<vmem>>, vector<16xf32>,
        %get3A_904 = arith.constant 0 : i32
        %get3A_905 = arith.index_cast %get3A_904 : i32 to index
        %get3A_906 = arith.index_cast %scan3A_898 : i32 to index
        %get3A_907 = arith.constant 16 : index
        %get3A_908 = tpu.vector_load %arg9[%get3A_905, %get3A_906, %get3A_907] {strides = array<i32>} : memref<6x200x32xf32, #tpu.memory_space<vmem>>, vector<16xf32>,
        %bitcast3A_909 = vector.bitcast %get3A_903 : vector<16xf32> to vector<32xbf16>
        %unpack3A_910 = tpu.unpack_subelements %bitcast3A_909, 0 {pack_format = #tpu.pack_format<interleaved>} : vector<32xbf16> -> vector<16xf32>
        %unpack3A_911 = tpu.unpack_subelements %bitcast3A_909, 1 {pack_format = #tpu.pack_format<interleaved>} : vector<32xbf16> -> vector<16xf32>
        %bitcast3A_912 = vector.bitcast %get3A_908 : vector<16xf32> to vector<32xbf16>
        %unpack3A_913 = tpu.unpack_subelements %bitcast3A_912, 0 {pack_format = #tpu.pack_format<interleaved>} : vector<32xbf16> -> vector<16xf32>
        %unpack3A_914 = tpu.unpack_subelements %bitcast3A_912, 1 {pack_format = #tpu.pack_format<interleaved>} : vector<32xbf16> -> vector<16xf32>
        %add3A_915 = arith.addf %add3A_893, %unpack3A_910 : vector<16xf32>
        %add3A_916 = arith.addf %add3A_894, %unpack3A_911 : vector<16xf32>
        %add3A_917 = arith.addf %add3A_895, %unpack3A_913 : vector<16xf32>
        %add3A_918 = arith.addf %add3A_896, %unpack3A_914 : vector<16xf32>
        %scan3A_919 = arith.constant 5 : i32
        %scan3A_920 = arith.addi %scan3A_808, %scan3A_919 : i32
        %get3A_921 = arith.constant 0 : i32
        %get3A_922 = arith.index_cast %get3A_921 : i32 to index
        %get3A_923 = arith.index_cast %scan3A_920 : i32 to index
        %get3A_924 = arith.constant 0 : index
        %get3A_925 = tpu.vector_load %arg9[%get3A_922, %get3A_923, %get3A_924] {strides = array<i32>} : memref<6x200x32xf32, #tpu.memory_space<vmem>>, vector<16xf32>,
        %get3A_926 = arith.constant 0 : i32
        %get3A_927 = arith.index_cast %get3A_926 : i32 to index
        %get3A_928 = arith.index_cast %scan3A_920 : i32 to index
        %get3A_929 = arith.constant 16 : index
        %get3A_930 = tpu.vector_load %arg9[%get3A_927, %get3A_928, %get3A_929] {strides = array<i32>} : memref<6x200x32xf32, #tpu.memory_space<vmem>>, vector<16xf32>,
        %bitcast3A_931 = vector.bitcast %get3A_925 : vector<16xf32> to vector<32xbf16>
        %unpack3A_932 = tpu.unpack_subelements %bitcast3A_931, 0 {pack_format = #tpu.pack_format<interleaved>} : vector<32xbf16> -> vector<16xf32>
        %unpack3A_933 = tpu.unpack_subelements %bitcast3A_931, 1 {pack_format = #tpu.pack_format<interleaved>} : vector<32xbf16> -> vector<16xf32>
        %bitcast3A_934 = vector.bitcast %get3A_930 : vector<16xf32> to vector<32xbf16>
        %unpack3A_935 = tpu.unpack_subelements %bitcast3A_934, 0 {pack_format = #tpu.pack_format<interleaved>} : vector<32xbf16> -> vector<16xf32>
        %unpack3A_936 = tpu.unpack_subelements %bitcast3A_934, 1 {pack_format = #tpu.pack_format<interleaved>} : vector<32xbf16> -> vector<16xf32>
        %add3A_937 = arith.addf %add3A_915, %unpack3A_932 : vector<16xf32>
        %add3A_938 = arith.addf %add3A_916, %unpack3A_933 : vector<16xf32>
        %add3A_939 = arith.addf %add3A_917, %unpack3A_935 : vector<16xf32>
        %add3A_940 = arith.addf %add3A_918, %unpack3A_936 : vector<16xf32>
        %scan3A_941 = arith.constant 6 : i32
        %scan3A_942 = arith.addi %scan3A_808, %scan3A_941 : i32
        %get3A_943 = arith.constant 0 : i32
        %get3A_944 = arith.index_cast %get3A_943 : i32 to index
        %get3A_945 = arith.index_cast %scan3A_942 : i32 to index
        %get3A_946 = arith.constant 0 : index
        %get3A_947 = tpu.vector_load %arg9[%get3A_944, %get3A_945, %get3A_946] {strides = array<i32>} : memref<6x200x32xf32, #tpu.memory_space<vmem>>, vector<16xf32>,
        %get3A_948 = arith.constant 0 : i32
        %get3A_949 = arith.index_cast %get3A_948 : i32 to index
        %get3A_950 = arith.index_cast %scan3A_942 : i32 to index
        %get3A_951 = arith.constant 16 : index
        %get3A_952 = tpu.vector_load %arg9[%get3A_949, %get3A_950, %get3A_951] {strides = array<i32>} : memref<6x200x32xf32, #tpu.memory_space<vmem>>, vector<16xf32>,
        %bitcast3A_953 = vector.bitcast %get3A_947 : vector<16xf32> to vector<32xbf16>
        %unpack3A_954 = tpu.unpack_subelements %bitcast3A_953, 0 {pack_format = #tpu.pack_format<interleaved>} : vector<32xbf16> -> vector<16xf32>
        %unpack3A_955 = tpu.unpack_subelements %bitcast3A_953, 1 {pack_format = #tpu.pack_format<interleaved>} : vector<32xbf16> -> vector<16xf32>
        %bitcast3A_956 = vector.bitcast %get3A_952 : vector<16xf32> to vector<32xbf16>
        %unpack3A_957 = tpu.unpack_subelements %bitcast3A_956, 0 {pack_format = #tpu.pack_format<interleaved>} : vector<32xbf16> -> vector<16xf32>
        %unpack3A_958 = tpu.unpack_subelements %bitcast3A_956, 1 {pack_format = #tpu.pack_format<interleaved>} : vector<32xbf16> -> vector<16xf32>
        %add3A_959 = arith.addf %add3A_937, %unpack3A_954 : vector<16xf32>
        %add3A_960 = arith.addf %add3A_938, %unpack3A_955 : vector<16xf32>
        %add3A_961 = arith.addf %add3A_939, %unpack3A_957 : vector<16xf32>
        %add3A_962 = arith.addf %add3A_940, %unpack3A_958 : vector<16xf32>
        %scan3A_963 = arith.constant 7 : i32
        %scan3A_964 = arith.addi %scan3A_808, %scan3A_963 : i32
        %get3A_965 = arith.constant 0 : i32
        %get3A_966 = arith.index_cast %get3A_965 : i32 to index
        %get3A_967 = arith.index_cast %scan3A_964 : i32 to index
        %get3A_968 = arith.constant 0 : index
        %get3A_969 = tpu.vector_load %arg9[%get3A_966, %get3A_967, %get3A_968] {strides = array<i32>} : memref<6x200x32xf32, #tpu.memory_space<vmem>>, vector<16xf32>,
        %get3A_970 = arith.constant 0 : i32
        %get3A_971 = arith.index_cast %get3A_970 : i32 to index
        %get3A_972 = arith.index_cast %scan3A_964 : i32 to index
        %get3A_973 = arith.constant 16 : index
        %get3A_974 = tpu.vector_load %arg9[%get3A_971, %get3A_972, %get3A_973] {strides = array<i32>} : memref<6x200x32xf32, #tpu.memory_space<vmem>>, vector<16xf32>,
        %bitcast3A_975 = vector.bitcast %get3A_969 : vector<16xf32> to vector<32xbf16>
        %unpack3A_976 = tpu.unpack_subelements %bitcast3A_975, 0 {pack_format = #tpu.pack_format<interleaved>} : vector<32xbf16> -> vector<16xf32>
        %unpack3A_977 = tpu.unpack_subelements %bitcast3A_975, 1 {pack_format = #tpu.pack_format<interleaved>} : vector<32xbf16> -> vector<16xf32>
        %bitcast3A_978 = vector.bitcast %get3A_974 : vector<16xf32> to vector<32xbf16>
        %unpack3A_979 = tpu.unpack_subelements %bitcast3A_978, 0 {pack_format = #tpu.pack_format<interleaved>} : vector<32xbf16> -> vector<16xf32>
        %unpack3A_980 = tpu.unpack_subelements %bitcast3A_978, 1 {pack_format = #tpu.pack_format<interleaved>} : vector<32xbf16> -> vector<16xf32>
        %add3A_981 = arith.addf %add3A_959, %unpack3A_976 : vector<16xf32>
        %add3A_982 = arith.addf %add3A_960, %unpack3A_977 : vector<16xf32>
        %add3A_983 = arith.addf %add3A_961, %unpack3A_979 : vector<16xf32>
        %add3A_984 = arith.addf %add3A_962, %unpack3A_980 : vector<16xf32>
        scf.yield %add3A_981, %add3A_982, %add3A_983, %add3A_984 : vector<16xf32>, vector<16xf32>, vector<16xf32>, vector<16xf32>
      }
      %scan3A_495 = arith.constant 200 : i32
      %add3A_496 = arith.constant 6 : i32
      %add3A_497 = arith.addi %add3A_461, %add3A_496 : i32
      %sub3A = arith.constant 1 : i32
      %sub3A_498 = arith.subi %add3A_497, %sub3A : i32
      %lt3A = arith.constant 128 : i32
      %lt3A_499 = arith.cmpi slt, %sub3A_498, %lt3A : i32
      %convert_element_type3A = arith.extui %lt3A_499 : i1 to i32
      %cond3A = arith.constant 0 : i32
      %cond3A_500 = arith.cmpi ne, %convert_element_type3A, %cond3A : i32
      scf.if %cond3A_500 {
        %add3A_808 = arith.constant 6 : i32
        %add3A_809 = arith.addi %add3A_461, %add3A_808 : i32
        %sub3A_810 = arith.constant 1 : i32
        %sub3A_811 = arith.subi %add3A_809, %sub3A_810 : i32
        %dma_start3A_812 = arith.constant 5 : i32
        %dma_start3A_813 = arith.constant 5 : i32
        %dma_start3A_814 = arith.constant 0 : i32
        %dma_start3A_815 = arith.constant 0 : i32
        %dma_start3A_816 = tpu.memref_slice %arg9[%dma_start3A_812, %dma_start3A_814, %dma_start3A_815] : memref<6x200x32xf32, #tpu.memory_space<vmem>> -> memref<1x128x32xf32, #tpu.memory_space<vmem>>
        %dma_start3A_817 = tpu.memref_squeeze %dma_start3A_816 : memref<1x128x32xf32, #tpu.memory_space<vmem>> -> memref<128x32xf32, #tpu.memory_space<vmem>>
        %dma_start3A_818 = arith.constant 0 : i32
        %dma_start3A_819 = tpu.memref_slice %arg7[%sub3A_811, %dma_start3A_818] : memref<128x128xi32, #tpu.memory_space<vmem>> -> memref<1x128xi32, #tpu.memory_space<vmem>>
        %dma_start3A_820 = tpu.memref_squeeze %dma_start3A_819 : memref<1x128xi32, #tpu.memory_space<vmem>> -> memref<128xi32, #tpu.memory_space<vmem>>
        %dma_start3A_821 = arith.constant 0 : i32
        %dma_start3A_822 = arith.constant 0 : i32
        %dma_start3A_823 = tpu.memref_slice %arg2[%dma_start3A_821, %dma_start3A_822] : memref<1015808x32xf32, #tpu.memory_space<hbm>> -> memref<1015808x32xf32, #tpu.memory_space<hbm>>
        %dma_start3A_824 = tpu.memref_slice %arg14[%dma_start3A_813] : memref<6x!tpu.dma_semaphore, #tpu.memory_space<semaphore_mem>> -> memref<1x!tpu.dma_semaphore, #tpu.memory_space<semaphore_mem>>
        %dma_start3A_825 = tpu.memref_squeeze %dma_start3A_824 : memref<1x!tpu.dma_semaphore, #tpu.memory_space<semaphore_mem>> -> memref<!tpu.dma_semaphore, #tpu.memory_space<semaphore_mem>>
        tpu.enqueue_indirect_dma source(%dma_start3A_823 : memref<1015808x32xf32, #tpu.memory_space<hbm>>) target(%dma_start3A_817 : memref<128x32xf32, #tpu.memory_space<vmem>>) offsets(%dma_start3A_820 : memref<128xi32, #tpu.memory_space<vmem>>) semaphore(%dma_start3A_825 : memref<!tpu.dma_semaphore, #tpu.memory_space<semaphore_mem>>)
        %dma_start3A_826 = arith.constant 5 : i32
        %dma_start3A_827 = arith.constant 5 : i32
        %dma_start3A_828 = arith.constant 128 : i32
        %dma_start3A_829 = arith.constant 0 : i32
        %dma_start3A_830 = tpu.memref_slice %arg9[%dma_start3A_826, %dma_start3A_828, %dma_start3A_829] : memref<6x200x32xf32, #tpu.memory_space<vmem>> -> memref<1x72x32xf32, #tpu.memory_space<vmem>>
        %dma_start3A_831 = tpu.memref_squeeze %dma_start3A_830 : memref<1x72x32xf32, #tpu.memory_space<vmem>> -> memref<72x32xf32, #tpu.memory_space<vmem>>
        %dma_start3A_832 = arith.constant 0 : i32
        %dma_start3A_833 = tpu.memref_slice %arg8[%sub3A_811, %dma_start3A_832] : memref<128x128xi32, #tpu.memory_space<vmem>> -> memref<1x72xi32, #tpu.memory_space<vmem>>
        %dma_start3A_834 = tpu.memref_squeeze %dma_start3A_833 : memref<1x72xi32, #tpu.memory_space<vmem>> -> memref<72xi32, #tpu.memory_space<vmem>>
        %dma_start3A_835 = arith.constant 0 : i32
        %dma_start3A_836 = arith.constant 0 : i32
        %dma_start3A_837 = tpu.memref_slice %arg2[%dma_start3A_835, %dma_start3A_836] : memref<1015808x32xf32, #tpu.memory_space<hbm>> -> memref<1015808x32xf32, #tpu.memory_space<hbm>>
        %dma_start3A_838 = tpu.memref_slice %arg14[%dma_start3A_827] : memref<6x!tpu.dma_semaphore, #tpu.memory_space<semaphore_mem>> -> memref<1x!tpu.dma_semaphore, #tpu.memory_space<semaphore_mem>>
        %dma_start3A_839 = tpu.memref_squeeze %dma_start3A_838 : memref<1x!tpu.dma_semaphore, #tpu.memory_space<semaphore_mem>> -> memref<!tpu.dma_semaphore, #tpu.memory_space<semaphore_mem>>
        tpu.enqueue_indirect_dma source(%dma_start3A_837 : memref<1015808x32xf32, #tpu.memory_space<hbm>>) target(%dma_start3A_831 : memref<72x32xf32, #tpu.memory_space<vmem>>) offsets(%dma_start3A_834 : memref<72xi32, #tpu.memory_space<vmem>>) semaphore(%dma_start3A_839 : memref<!tpu.dma_semaphore, #tpu.memory_space<semaphore_mem>>)
      } else {
      }
      %swap3A_501 = arith.index_cast %add3A_461 : i32 to index
      %swap3A_502 = arith.constant 0 : index
      %swap3A_503 = tpu.vector_load %arg10[%swap3A_501, %swap3A_502] {strides = array<i32>} : memref<128x64xf32, #tpu.memory_space<vmem>>, vector<16xf32>,
      tpu.vector_store %arg10[%swap3A_501, %swap3A_502], %scan3A_494#0 {strides = array<i32>} : memref<128x64xf32, #tpu.memory_space<vmem>>, vector<16xf32>,
      %swap3A_504 = arith.index_cast %add3A_461 : i32 to index
      %swap3A_505 = arith.constant 16 : index
      %swap3A_506 = tpu.vector_load %arg10[%swap3A_504, %swap3A_505] {strides = array<i32>} : memref<128x64xf32, #tpu.memory_space<vmem>>, vector<16xf32>,
      tpu.vector_store %arg10[%swap3A_504, %swap3A_505], %scan3A_494#1 {strides = array<i32>} : memref<128x64xf32, #tpu.memory_space<vmem>>, vector<16xf32>,
      %swap3A_507 = arith.index_cast %add3A_461 : i32 to index
      %swap3A_508 = arith.constant 32 : index
      %swap3A_509 = tpu.vector_load %arg10[%swap3A_507, %swap3A_508] {strides = array<i32>} : memref<128x64xf32, #tpu.memory_space<vmem>>, vector<16xf32>,
      tpu.vector_store %arg10[%swap3A_507, %swap3A_508], %scan3A_494#2 {strides = array<i32>} : memref<128x64xf32, #tpu.memory_space<vmem>>, vector<16xf32>,
      %swap3A_510 = arith.index_cast %add3A_461 : i32 to index
      %swap3A_511 = arith.constant 48 : index
      %swap3A_512 = tpu.vector_load %arg10[%swap3A_510, %swap3A_511] {strides = array<i32>} : memref<128x64xf32, #tpu.memory_space<vmem>>, vector<16xf32>,
      tpu.vector_store %arg10[%swap3A_510, %swap3A_511], %scan3A_494#3 {strides = array<i32>} : memref<128x64xf32, #tpu.memory_space<vmem>>, vector<16xf32>,
      %mul3A_513 = arith.constant 6 : i32
      %mul3A_514 = arith.muli %scan3A_457, %mul3A_513 : i32
      %add3A_515 = arith.constant 1 : i32
      %add3A_516 = arith.addi %mul3A_514, %add3A_515 : i32
      %dma_wait3A_517 = arith.constant 1 : i32
      %dma_wait3A_518 = arith.constant 1 : i32
      %dma_wait3A_519 = arith.constant 0 : i32
      %dma_wait3A_520 = arith.constant 0 : i32
      %dma_wait3A_521 = tpu.memref_slice %arg9[%dma_wait3A_517, %dma_wait3A_519, %dma_wait3A_520] : memref<6x200x32xf32, #tpu.memory_space<vmem>> -> memref<1x128x32xf32, #tpu.memory_space<vmem>>
      %dma_wait3A_522 = tpu.memref_squeeze %dma_wait3A_521 : memref<1x128x32xf32, #tpu.memory_space<vmem>> -> memref<128x32xf32, #tpu.memory_space<vmem>>
      %dma_wait3A_523 = arith.constant 0 : i32
      %dma_wait3A_524 = tpu.memref_slice %arg7[%add3A_516, %dma_wait3A_523] : memref<128x128xi32, #tpu.memory_space<vmem>> -> memref<1x128xi32, #tpu.memory_space<vmem>>
      %dma_wait3A_525 = tpu.memref_squeeze %dma_wait3A_524 : memref<1x128xi32, #tpu.memory_space<vmem>> -> memref<128xi32, #tpu.memory_space<vmem>>
      %dma_wait3A_526 = arith.constant 0 : i32
      %dma_wait3A_527 = arith.constant 0 : i32
      %dma_wait3A_528 = tpu.memref_slice %arg2[%dma_wait3A_526, %dma_wait3A_527] : memref<1015808x32xf32, #tpu.memory_space<hbm>> -> memref<1015808x32xf32, #tpu.memory_space<hbm>>
      %dma_wait3A_529 = tpu.memref_slice %arg14[%dma_wait3A_518] : memref<6x!tpu.dma_semaphore, #tpu.memory_space<semaphore_mem>> -> memref<1x!tpu.dma_semaphore, #tpu.memory_space<semaphore_mem>>
      %dma_wait3A_530 = tpu.memref_squeeze %dma_wait3A_529 : memref<1x!tpu.dma_semaphore, #tpu.memory_space<semaphore_mem>> -> memref<!tpu.dma_semaphore, #tpu.memory_space<semaphore_mem>>
      tpu.wait_indirect_dma semaphore(%dma_wait3A_530 : memref<!tpu.dma_semaphore, #tpu.memory_space<semaphore_mem>>) src(%dma_wait3A_528 : memref<1015808x32xf32, #tpu.memory_space<hbm>>) dst(%dma_wait3A_522 : memref<128x32xf32, #tpu.memory_space<vmem>>)
      %dma_wait3A_531 = arith.constant 1 : i32
      %dma_wait3A_532 = arith.constant 1 : i32
      %dma_wait3A_533 = arith.constant 128 : i32
      %dma_wait3A_534 = arith.constant 0 : i32
      %dma_wait3A_535 = tpu.memref_slice %arg9[%dma_wait3A_531, %dma_wait3A_533, %dma_wait3A_534] : memref<6x200x32xf32, #tpu.memory_space<vmem>> -> memref<1x72x32xf32, #tpu.memory_space<vmem>>
      %dma_wait3A_536 = tpu.memref_squeeze %dma_wait3A_535 : memref<1x72x32xf32, #tpu.memory_space<vmem>> -> memref<72x32xf32, #tpu.memory_space<vmem>>
      %dma_wait3A_537 = arith.constant 0 : i32
      %dma_wait3A_538 = tpu.memref_slice %arg8[%add3A_516, %dma_wait3A_537] : memref<128x128xi32, #tpu.memory_space<vmem>> -> memref<1x72xi32, #tpu.memory_space<vmem>>
      %dma_wait3A_539 = tpu.memref_squeeze %dma_wait3A_538 : memref<1x72xi32, #tpu.memory_space<vmem>> -> memref<72xi32, #tpu.memory_space<vmem>>
      %dma_wait3A_540 = arith.constant 0 : i32
      %dma_wait3A_541 = arith.constant 0 : i32
      %dma_wait3A_542 = tpu.memref_slice %arg2[%dma_wait3A_540, %dma_wait3A_541] : memref<1015808x32xf32, #tpu.memory_space<hbm>> -> memref<1015808x32xf32, #tpu.memory_space<hbm>>
      %dma_wait3A_543 = tpu.memref_slice %arg14[%dma_wait3A_532] : memref<6x!tpu.dma_semaphore, #tpu.memory_space<semaphore_mem>> -> memref<1x!tpu.dma_semaphore, #tpu.memory_space<semaphore_mem>>
      %dma_wait3A_544 = tpu.memref_squeeze %dma_wait3A_543 : memref<1x!tpu.dma_semaphore, #tpu.memory_space<semaphore_mem>> -> memref<!tpu.dma_semaphore, #tpu.memory_space<semaphore_mem>>
      tpu.wait_indirect_dma semaphore(%dma_wait3A_544 : memref<!tpu.dma_semaphore, #tpu.memory_space<semaphore_mem>>) src(%dma_wait3A_542 : memref<1015808x32xf32, #tpu.memory_space<hbm>>) dst(%dma_wait3A_536 : memref<72x32xf32, #tpu.memory_space<vmem>>)
      %scan3A_545 = arith.constant 0 : i32
      %scan3A_546 = arith.constant 200 : i32
      %scan3A_547 = arith.addi %scan3A_545, %scan3A_546 : i32
      %scan3A_548 = arith.constant 8 : i32
      %scan3A_549:4 = scf.for %scan3A_808 = %scan3A_545 to %scan3A_547 step %scan3A_548 iter_args(%scan3A_809 = %broadcast_in_dim3A_334, %scan3A_810 = %broadcast_in_dim3A_334, %scan3A_811 = %broadcast_in_dim3A_334, %scan3A_812 = %broadcast_in_dim3A_334) -> (vector<16xf32>, vector<16xf32>, vector<16xf32>, vector<16xf32>)  : i32 {
        %get3A_813 = arith.constant 1 : i32
        %get3A_814 = arith.index_cast %get3A_813 : i32 to index
        %get3A_815 = arith.index_cast %scan3A_808 : i32 to index
        %get3A_816 = arith.constant 0 : index
        %get3A_817 = tpu.vector_load %arg9[%get3A_814, %get3A_815, %get3A_816] {strides = array<i32>} : memref<6x200x32xf32, #tpu.memory_space<vmem>>, vector<16xf32>,
        %get3A_818 = arith.constant 1 : i32
        %get3A_819 = arith.index_cast %get3A_818 : i32 to index
        %get3A_820 = arith.index_cast %scan3A_808 : i32 to index
        %get3A_821 = arith.constant 16 : index
        %get3A_822 = tpu.vector_load %arg9[%get3A_819, %get3A_820, %get3A_821] {strides = array<i32>} : memref<6x200x32xf32, #tpu.memory_space<vmem>>, vector<16xf32>,
        %bitcast3A = vector.bitcast %get3A_817 : vector<16xf32> to vector<32xbf16>
        %unpack3A = tpu.unpack_subelements %bitcast3A, 0 {pack_format = #tpu.pack_format<interleaved>} : vector<32xbf16> -> vector<16xf32>
        %unpack3A_823 = tpu.unpack_subelements %bitcast3A, 1 {pack_format = #tpu.pack_format<interleaved>} : vector<32xbf16> -> vector<16xf32>
        %bitcast3A_824 = vector.bitcast %get3A_822 : vector<16xf32> to vector<32xbf16>
        %unpack3A_825 = tpu.unpack_subelements %bitcast3A_824, 0 {pack_format = #tpu.pack_format<interleaved>} : vector<32xbf16> -> vector<16xf32>
        %unpack3A_826 = tpu.unpack_subelements %bitcast3A_824, 1 {pack_format = #tpu.pack_format<interleaved>} : vector<32xbf16> -> vector<16xf32>
        %add3A_827 = arith.addf %scan3A_809, %unpack3A : vector<16xf32>
        %add3A_828 = arith.addf %scan3A_810, %unpack3A_823 : vector<16xf32>
        %add3A_829 = arith.addf %scan3A_811, %unpack3A_825 : vector<16xf32>
        %add3A_830 = arith.addf %scan3A_812, %unpack3A_826 : vector<16xf32>
        %scan3A_831 = arith.constant 1 : i32
        %scan3A_832 = arith.addi %scan3A_808, %scan3A_831 : i32
        %get3A_833 = arith.constant 1 : i32
        %get3A_834 = arith.index_cast %get3A_833 : i32 to index
        %get3A_835 = arith.index_cast %scan3A_832 : i32 to index
        %get3A_836 = arith.constant 0 : index
        %get3A_837 = tpu.vector_load %arg9[%get3A_834, %get3A_835, %get3A_836] {strides = array<i32>} : memref<6x200x32xf32, #tpu.memory_space<vmem>>, vector<16xf32>,
        %get3A_838 = arith.constant 1 : i32
        %get3A_839 = arith.index_cast %get3A_838 : i32 to index
        %get3A_840 = arith.index_cast %scan3A_832 : i32 to index
        %get3A_841 = arith.constant 16 : index
        %get3A_842 = tpu.vector_load %arg9[%get3A_839, %get3A_840, %get3A_841] {strides = array<i32>} : memref<6x200x32xf32, #tpu.memory_space<vmem>>, vector<16xf32>,
        %bitcast3A_843 = vector.bitcast %get3A_837 : vector<16xf32> to vector<32xbf16>
        %unpack3A_844 = tpu.unpack_subelements %bitcast3A_843, 0 {pack_format = #tpu.pack_format<interleaved>} : vector<32xbf16> -> vector<16xf32>
        %unpack3A_845 = tpu.unpack_subelements %bitcast3A_843, 1 {pack_format = #tpu.pack_format<interleaved>} : vector<32xbf16> -> vector<16xf32>
        %bitcast3A_846 = vector.bitcast %get3A_842 : vector<16xf32> to vector<32xbf16>
        %unpack3A_847 = tpu.unpack_subelements %bitcast3A_846, 0 {pack_format = #tpu.pack_format<interleaved>} : vector<32xbf16> -> vector<16xf32>
        %unpack3A_848 = tpu.unpack_subelements %bitcast3A_846, 1 {pack_format = #tpu.pack_format<interleaved>} : vector<32xbf16> -> vector<16xf32>
        %add3A_849 = arith.addf %add3A_827, %unpack3A_844 : vector<16xf32>
        %add3A_850 = arith.addf %add3A_828, %unpack3A_845 : vector<16xf32>
        %add3A_851 = arith.addf %add3A_829, %unpack3A_847 : vector<16xf32>
        %add3A_852 = arith.addf %add3A_830, %unpack3A_848 : vector<16xf32>
        %scan3A_853 = arith.constant 2 : i32
        %scan3A_854 = arith.addi %scan3A_808, %scan3A_853 : i32
        %get3A_855 = arith.constant 1 : i32
        %get3A_856 = arith.index_cast %get3A_855 : i32 to index
        %get3A_857 = arith.index_cast %scan3A_854 : i32 to index
        %get3A_858 = arith.constant 0 : index
        %get3A_859 = tpu.vector_load %arg9[%get3A_856, %get3A_857, %get3A_858] {strides = array<i32>} : memref<6x200x32xf32, #tpu.memory_space<vmem>>, vector<16xf32>,
        %get3A_860 = arith.constant 1 : i32
        %get3A_861 = arith.index_cast %get3A_860 : i32 to index
        %get3A_862 = arith.index_cast %scan3A_854 : i32 to index
        %get3A_863 = arith.constant 16 : index
        %get3A_864 = tpu.vector_load %arg9[%get3A_861, %get3A_862, %get3A_863] {strides = array<i32>} : memref<6x200x32xf32, #tpu.memory_space<vmem>>, vector<16xf32>,
        %bitcast3A_865 = vector.bitcast %get3A_859 : vector<16xf32> to vector<32xbf16>
        %unpack3A_866 = tpu.unpack_subelements %bitcast3A_865, 0 {pack_format = #tpu.pack_format<interleaved>} : vector<32xbf16> -> vector<16xf32>
        %unpack3A_867 = tpu.unpack_subelements %bitcast3A_865, 1 {pack_format = #tpu.pack_format<interleaved>} : vector<32xbf16> -> vector<16xf32>
        %bitcast3A_868 = vector.bitcast %get3A_864 : vector<16xf32> to vector<32xbf16>
        %unpack3A_869 = tpu.unpack_subelements %bitcast3A_868, 0 {pack_format = #tpu.pack_format<interleaved>} : vector<32xbf16> -> vector<16xf32>
        %unpack3A_870 = tpu.unpack_subelements %bitcast3A_868, 1 {pack_format = #tpu.pack_format<interleaved>} : vector<32xbf16> -> vector<16xf32>
        %add3A_871 = arith.addf %add3A_849, %unpack3A_866 : vector<16xf32>
        %add3A_872 = arith.addf %add3A_850, %unpack3A_867 : vector<16xf32>
        %add3A_873 = arith.addf %add3A_851, %unpack3A_869 : vector<16xf32>
        %add3A_874 = arith.addf %add3A_852, %unpack3A_870 : vector<16xf32>
        %scan3A_875 = arith.constant 3 : i32
        %scan3A_876 = arith.addi %scan3A_808, %scan3A_875 : i32
        %get3A_877 = arith.constant 1 : i32
        %get3A_878 = arith.index_cast %get3A_877 : i32 to index
        %get3A_879 = arith.index_cast %scan3A_876 : i32 to index
        %get3A_880 = arith.constant 0 : index
        %get3A_881 = tpu.vector_load %arg9[%get3A_878, %get3A_879, %get3A_880] {strides = array<i32>} : memref<6x200x32xf32, #tpu.memory_space<vmem>>, vector<16xf32>,
        %get3A_882 = arith.constant 1 : i32
        %get3A_883 = arith.index_cast %get3A_882 : i32 to index
        %get3A_884 = arith.index_cast %scan3A_876 : i32 to index
        %get3A_885 = arith.constant 16 : index
        %get3A_886 = tpu.vector_load %arg9[%get3A_883, %get3A_884, %get3A_885] {strides = array<i32>} : memref<6x200x32xf32, #tpu.memory_space<vmem>>, vector<16xf32>,
        %bitcast3A_887 = vector.bitcast %get3A_881 : vector<16xf32> to vector<32xbf16>
        %unpack3A_888 = tpu.unpack_subelements %bitcast3A_887, 0 {pack_format = #tpu.pack_format<interleaved>} : vector<32xbf16> -> vector<16xf32>
        %unpack3A_889 = tpu.unpack_subelements %bitcast3A_887, 1 {pack_format = #tpu.pack_format<interleaved>} : vector<32xbf16> -> vector<16xf32>
        %bitcast3A_890 = vector.bitcast %get3A_886 : vector<16xf32> to vector<32xbf16>
        %unpack3A_891 = tpu.unpack_subelements %bitcast3A_890, 0 {pack_format = #tpu.pack_format<interleaved>} : vector<32xbf16> -> vector<16xf32>
        %unpack3A_892 = tpu.unpack_subelements %bitcast3A_890, 1 {pack_format = #tpu.pack_format<interleaved>} : vector<32xbf16> -> vector<16xf32>
        %add3A_893 = arith.addf %add3A_871, %unpack3A_888 : vector<16xf32>
        %add3A_894 = arith.addf %add3A_872, %unpack3A_889 : vector<16xf32>
        %add3A_895 = arith.addf %add3A_873, %unpack3A_891 : vector<16xf32>
        %add3A_896 = arith.addf %add3A_874, %unpack3A_892 : vector<16xf32>
        %scan3A_897 = arith.constant 4 : i32
        %scan3A_898 = arith.addi %scan3A_808, %scan3A_897 : i32
        %get3A_899 = arith.constant 1 : i32
        %get3A_900 = arith.index_cast %get3A_899 : i32 to index
        %get3A_901 = arith.index_cast %scan3A_898 : i32 to index
        %get3A_902 = arith.constant 0 : index
        %get3A_903 = tpu.vector_load %arg9[%get3A_900, %get3A_901, %get3A_902] {strides = array<i32>} : memref<6x200x32xf32, #tpu.memory_space<vmem>>, vector<16xf32>,
        %get3A_904 = arith.constant 1 : i32
        %get3A_905 = arith.index_cast %get3A_904 : i32 to index
        %get3A_906 = arith.index_cast %scan3A_898 : i32 to index
        %get3A_907 = arith.constant 16 : index
        %get3A_908 = tpu.vector_load %arg9[%get3A_905, %get3A_906, %get3A_907] {strides = array<i32>} : memref<6x200x32xf32, #tpu.memory_space<vmem>>, vector<16xf32>,
        %bitcast3A_909 = vector.bitcast %get3A_903 : vector<16xf32> to vector<32xbf16>
        %unpack3A_910 = tpu.unpack_subelements %bitcast3A_909, 0 {pack_format = #tpu.pack_format<interleaved>} : vector<32xbf16> -> vector<16xf32>
        %unpack3A_911 = tpu.unpack_subelements %bitcast3A_909, 1 {pack_format = #tpu.pack_format<interleaved>} : vector<32xbf16> -> vector<16xf32>
        %bitcast3A_912 = vector.bitcast %get3A_908 : vector<16xf32> to vector<32xbf16>
        %unpack3A_913 = tpu.unpack_subelements %bitcast3A_912, 0 {pack_format = #tpu.pack_format<interleaved>} : vector<32xbf16> -> vector<16xf32>
        %unpack3A_914 = tpu.unpack_subelements %bitcast3A_912, 1 {pack_format = #tpu.pack_format<interleaved>} : vector<32xbf16> -> vector<16xf32>
        %add3A_915 = arith.addf %add3A_893, %unpack3A_910 : vector<16xf32>
        %add3A_916 = arith.addf %add3A_894, %unpack3A_911 : vector<16xf32>
        %add3A_917 = arith.addf %add3A_895, %unpack3A_913 : vector<16xf32>
        %add3A_918 = arith.addf %add3A_896, %unpack3A_914 : vector<16xf32>
        %scan3A_919 = arith.constant 5 : i32
        %scan3A_920 = arith.addi %scan3A_808, %scan3A_919 : i32
        %get3A_921 = arith.constant 1 : i32
        %get3A_922 = arith.index_cast %get3A_921 : i32 to index
        %get3A_923 = arith.index_cast %scan3A_920 : i32 to index
        %get3A_924 = arith.constant 0 : index
        %get3A_925 = tpu.vector_load %arg9[%get3A_922, %get3A_923, %get3A_924] {strides = array<i32>} : memref<6x200x32xf32, #tpu.memory_space<vmem>>, vector<16xf32>,
        %get3A_926 = arith.constant 1 : i32
        %get3A_927 = arith.index_cast %get3A_926 : i32 to index
        %get3A_928 = arith.index_cast %scan3A_920 : i32 to index
        %get3A_929 = arith.constant 16 : index
        %get3A_930 = tpu.vector_load %arg9[%get3A_927, %get3A_928, %get3A_929] {strides = array<i32>} : memref<6x200x32xf32, #tpu.memory_space<vmem>>, vector<16xf32>,
        %bitcast3A_931 = vector.bitcast %get3A_925 : vector<16xf32> to vector<32xbf16>
        %unpack3A_932 = tpu.unpack_subelements %bitcast3A_931, 0 {pack_format = #tpu.pack_format<interleaved>} : vector<32xbf16> -> vector<16xf32>
        %unpack3A_933 = tpu.unpack_subelements %bitcast3A_931, 1 {pack_format = #tpu.pack_format<interleaved>} : vector<32xbf16> -> vector<16xf32>
        %bitcast3A_934 = vector.bitcast %get3A_930 : vector<16xf32> to vector<32xbf16>
        %unpack3A_935 = tpu.unpack_subelements %bitcast3A_934, 0 {pack_format = #tpu.pack_format<interleaved>} : vector<32xbf16> -> vector<16xf32>
        %unpack3A_936 = tpu.unpack_subelements %bitcast3A_934, 1 {pack_format = #tpu.pack_format<interleaved>} : vector<32xbf16> -> vector<16xf32>
        %add3A_937 = arith.addf %add3A_915, %unpack3A_932 : vector<16xf32>
        %add3A_938 = arith.addf %add3A_916, %unpack3A_933 : vector<16xf32>
        %add3A_939 = arith.addf %add3A_917, %unpack3A_935 : vector<16xf32>
        %add3A_940 = arith.addf %add3A_918, %unpack3A_936 : vector<16xf32>
        %scan3A_941 = arith.constant 6 : i32
        %scan3A_942 = arith.addi %scan3A_808, %scan3A_941 : i32
        %get3A_943 = arith.constant 1 : i32
        %get3A_944 = arith.index_cast %get3A_943 : i32 to index
        %get3A_945 = arith.index_cast %scan3A_942 : i32 to index
        %get3A_946 = arith.constant 0 : index
        %get3A_947 = tpu.vector_load %arg9[%get3A_944, %get3A_945, %get3A_946] {strides = array<i32>} : memref<6x200x32xf32, #tpu.memory_space<vmem>>, vector<16xf32>,
        %get3A_948 = arith.constant 1 : i32
        %get3A_949 = arith.index_cast %get3A_948 : i32 to index
        %get3A_950 = arith.index_cast %scan3A_942 : i32 to index
        %get3A_951 = arith.constant 16 : index
        %get3A_952 = tpu.vector_load %arg9[%get3A_949, %get3A_950, %get3A_951] {strides = array<i32>} : memref<6x200x32xf32, #tpu.memory_space<vmem>>, vector<16xf32>,
        %bitcast3A_953 = vector.bitcast %get3A_947 : vector<16xf32> to vector<32xbf16>
        %unpack3A_954 = tpu.unpack_subelements %bitcast3A_953, 0 {pack_format = #tpu.pack_format<interleaved>} : vector<32xbf16> -> vector<16xf32>
        %unpack3A_955 = tpu.unpack_subelements %bitcast3A_953, 1 {pack_format = #tpu.pack_format<interleaved>} : vector<32xbf16> -> vector<16xf32>
        %bitcast3A_956 = vector.bitcast %get3A_952 : vector<16xf32> to vector<32xbf16>
        %unpack3A_957 = tpu.unpack_subelements %bitcast3A_956, 0 {pack_format = #tpu.pack_format<interleaved>} : vector<32xbf16> -> vector<16xf32>
        %unpack3A_958 = tpu.unpack_subelements %bitcast3A_956, 1 {pack_format = #tpu.pack_format<interleaved>} : vector<32xbf16> -> vector<16xf32>
        %add3A_959 = arith.addf %add3A_937, %unpack3A_954 : vector<16xf32>
        %add3A_960 = arith.addf %add3A_938, %unpack3A_955 : vector<16xf32>
        %add3A_961 = arith.addf %add3A_939, %unpack3A_957 : vector<16xf32>
        %add3A_962 = arith.addf %add3A_940, %unpack3A_958 : vector<16xf32>
        %scan3A_963 = arith.constant 7 : i32
        %scan3A_964 = arith.addi %scan3A_808, %scan3A_963 : i32
        %get3A_965 = arith.constant 1 : i32
        %get3A_966 = arith.index_cast %get3A_965 : i32 to index
        %get3A_967 = arith.index_cast %scan3A_964 : i32 to index
        %get3A_968 = arith.constant 0 : index
        %get3A_969 = tpu.vector_load %arg9[%get3A_966, %get3A_967, %get3A_968] {strides = array<i32>} : memref<6x200x32xf32, #tpu.memory_space<vmem>>, vector<16xf32>,
        %get3A_970 = arith.constant 1 : i32
        %get3A_971 = arith.index_cast %get3A_970 : i32 to index
        %get3A_972 = arith.index_cast %scan3A_964 : i32 to index
        %get3A_973 = arith.constant 16 : index
        %get3A_974 = tpu.vector_load %arg9[%get3A_971, %get3A_972, %get3A_973] {strides = array<i32>} : memref<6x200x32xf32, #tpu.memory_space<vmem>>, vector<16xf32>,
        %bitcast3A_975 = vector.bitcast %get3A_969 : vector<16xf32> to vector<32xbf16>
        %unpack3A_976 = tpu.unpack_subelements %bitcast3A_975, 0 {pack_format = #tpu.pack_format<interleaved>} : vector<32xbf16> -> vector<16xf32>
        %unpack3A_977 = tpu.unpack_subelements %bitcast3A_975, 1 {pack_format = #tpu.pack_format<interleaved>} : vector<32xbf16> -> vector<16xf32>
        %bitcast3A_978 = vector.bitcast %get3A_974 : vector<16xf32> to vector<32xbf16>
        %unpack3A_979 = tpu.unpack_subelements %bitcast3A_978, 0 {pack_format = #tpu.pack_format<interleaved>} : vector<32xbf16> -> vector<16xf32>
        %unpack3A_980 = tpu.unpack_subelements %bitcast3A_978, 1 {pack_format = #tpu.pack_format<interleaved>} : vector<32xbf16> -> vector<16xf32>
        %add3A_981 = arith.addf %add3A_959, %unpack3A_976 : vector<16xf32>
        %add3A_982 = arith.addf %add3A_960, %unpack3A_977 : vector<16xf32>
        %add3A_983 = arith.addf %add3A_961, %unpack3A_979 : vector<16xf32>
        %add3A_984 = arith.addf %add3A_962, %unpack3A_980 : vector<16xf32>
        scf.yield %add3A_981, %add3A_982, %add3A_983, %add3A_984 : vector<16xf32>, vector<16xf32>, vector<16xf32>, vector<16xf32>
      }
      %scan3A_550 = arith.constant 200 : i32
      %add3A_551 = arith.constant 6 : i32
      %add3A_552 = arith.addi %add3A_516, %add3A_551 : i32
      %sub3A_553 = arith.constant 1 : i32
      %sub3A_554 = arith.subi %add3A_552, %sub3A_553 : i32
      %lt3A_555 = arith.constant 128 : i32
      %lt3A_556 = arith.cmpi slt, %sub3A_554, %lt3A_555 : i32
      %convert_element_type3A_557 = arith.extui %lt3A_556 : i1 to i32
      %cond3A_558 = arith.constant 0 : i32
      %cond3A_559 = arith.cmpi ne, %convert_element_type3A_557, %cond3A_558 : i32
      scf.if %cond3A_559 {
        %add3A_808 = arith.constant 6 : i32
        %add3A_809 = arith.addi %add3A_516, %add3A_808 : i32
        %sub3A_810 = arith.constant 1 : i32
        %sub3A_811 = arith.subi %add3A_809, %sub3A_810 : i32
        %dma_start3A_812 = arith.constant 0 : i32
        %dma_start3A_813 = arith.constant 0 : i32
        %dma_start3A_814 = arith.constant 0 : i32
        %dma_start3A_815 = arith.constant 0 : i32
        %dma_start3A_816 = tpu.memref_slice %arg9[%dma_start3A_812, %dma_start3A_814, %dma_start3A_815] : memref<6x200x32xf32, #tpu.memory_space<vmem>> -> memref<1x128x32xf32, #tpu.memory_space<vmem>>
        %dma_start3A_817 = tpu.memref_squeeze %dma_start3A_816 : memref<1x128x32xf32, #tpu.memory_space<vmem>> -> memref<128x32xf32, #tpu.memory_space<vmem>>
        %dma_start3A_818 = arith.constant 0 : i32
        %dma_start3A_819 = tpu.memref_slice %arg7[%sub3A_811, %dma_start3A_818] : memref<128x128xi32, #tpu.memory_space<vmem>> -> memref<1x128xi32, #tpu.memory_space<vmem>>
        %dma_start3A_820 = tpu.memref_squeeze %dma_start3A_819 : memref<1x128xi32, #tpu.memory_space<vmem>> -> memref<128xi32, #tpu.memory_space<vmem>>
        %dma_start3A_821 = arith.constant 0 : i32
        %dma_start3A_822 = arith.constant 0 : i32
        %dma_start3A_823 = tpu.memref_slice %arg2[%dma_start3A_821, %dma_start3A_822] : memref<1015808x32xf32, #tpu.memory_space<hbm>> -> memref<1015808x32xf32, #tpu.memory_space<hbm>>
        %dma_start3A_824 = tpu.memref_slice %arg14[%dma_start3A_813] : memref<6x!tpu.dma_semaphore, #tpu.memory_space<semaphore_mem>> -> memref<1x!tpu.dma_semaphore, #tpu.memory_space<semaphore_mem>>
        %dma_start3A_825 = tpu.memref_squeeze %dma_start3A_824 : memref<1x!tpu.dma_semaphore, #tpu.memory_space<semaphore_mem>> -> memref<!tpu.dma_semaphore, #tpu.memory_space<semaphore_mem>>
        tpu.enqueue_indirect_dma source(%dma_start3A_823 : memref<1015808x32xf32, #tpu.memory_space<hbm>>) target(%dma_start3A_817 : memref<128x32xf32, #tpu.memory_space<vmem>>) offsets(%dma_start3A_820 : memref<128xi32, #tpu.memory_space<vmem>>) semaphore(%dma_start3A_825 : memref<!tpu.dma_semaphore, #tpu.memory_space<semaphore_mem>>)
        %dma_start3A_826 = arith.constant 0 : i32
        %dma_start3A_827 = arith.constant 0 : i32
        %dma_start3A_828 = arith.constant 128 : i32
        %dma_start3A_829 = arith.constant 0 : i32
        %dma_start3A_830 = tpu.memref_slice %arg9[%dma_start3A_826, %dma_start3A_828, %dma_start3A_829] : memref<6x200x32xf32, #tpu.memory_space<vmem>> -> memref<1x72x32xf32, #tpu.memory_space<vmem>>
        %dma_start3A_831 = tpu.memref_squeeze %dma_start3A_830 : memref<1x72x32xf32, #tpu.memory_space<vmem>> -> memref<72x32xf32, #tpu.memory_space<vmem>>
        %dma_start3A_832 = arith.constant 0 : i32
        %dma_start3A_833 = tpu.memref_slice %arg8[%sub3A_811, %dma_start3A_832] : memref<128x128xi32, #tpu.memory_space<vmem>> -> memref<1x72xi32, #tpu.memory_space<vmem>>
        %dma_start3A_834 = tpu.memref_squeeze %dma_start3A_833 : memref<1x72xi32, #tpu.memory_space<vmem>> -> memref<72xi32, #tpu.memory_space<vmem>>
        %dma_start3A_835 = arith.constant 0 : i32
        %dma_start3A_836 = arith.constant 0 : i32
        %dma_start3A_837 = tpu.memref_slice %arg2[%dma_start3A_835, %dma_start3A_836] : memref<1015808x32xf32, #tpu.memory_space<hbm>> -> memref<1015808x32xf32, #tpu.memory_space<hbm>>
        %dma_start3A_838 = tpu.memref_slice %arg14[%dma_start3A_827] : memref<6x!tpu.dma_semaphore, #tpu.memory_space<semaphore_mem>> -> memref<1x!tpu.dma_semaphore, #tpu.memory_space<semaphore_mem>>
        %dma_start3A_839 = tpu.memref_squeeze %dma_start3A_838 : memref<1x!tpu.dma_semaphore, #tpu.memory_space<semaphore_mem>> -> memref<!tpu.dma_semaphore, #tpu.memory_space<semaphore_mem>>
        tpu.enqueue_indirect_dma source(%dma_start3A_837 : memref<1015808x32xf32, #tpu.memory_space<hbm>>) target(%dma_start3A_831 : memref<72x32xf32, #tpu.memory_space<vmem>>) offsets(%dma_start3A_834 : memref<72xi32, #tpu.memory_space<vmem>>) semaphore(%dma_start3A_839 : memref<!tpu.dma_semaphore, #tpu.memory_space<semaphore_mem>>)
      } else {
      }
      %swap3A_560 = arith.index_cast %add3A_516 : i32 to index
      %swap3A_561 = arith.constant 0 : index
      %swap3A_562 = tpu.vector_load %arg10[%swap3A_560, %swap3A_561] {strides = array<i32>} : memref<128x64xf32, #tpu.memory_space<vmem>>, vector<16xf32>,
      tpu.vector_store %arg10[%swap3A_560, %swap3A_561], %scan3A_549#0 {strides = array<i32>} : memref<128x64xf32, #tpu.memory_space<vmem>>, vector<16xf32>,
      %swap3A_563 = arith.index_cast %add3A_516 : i32 to index
      %swap3A_564 = arith.constant 16 : index
      %swap3A_565 = tpu.vector_load %arg10[%swap3A_563, %swap3A_564] {strides = array<i32>} : memref<128x64xf32, #tpu.memory_space<vmem>>, vector<16xf32>,
      tpu.vector_store %arg10[%swap3A_563, %swap3A_564], %scan3A_549#1 {strides = array<i32>} : memref<128x64xf32, #tpu.memory_space<vmem>>, vector<16xf32>,
      %swap3A_566 = arith.index_cast %add3A_516 : i32 to index
      %swap3A_567 = arith.constant 32 : index
      %swap3A_568 = tpu.vector_load %arg10[%swap3A_566, %swap3A_567] {strides = array<i32>} : memref<128x64xf32, #tpu.memory_space<vmem>>, vector<16xf32>,
      tpu.vector_store %arg10[%swap3A_566, %swap3A_567], %scan3A_549#2 {strides = array<i32>} : memref<128x64xf32, #tpu.memory_space<vmem>>, vector<16xf32>,
      %swap3A_569 = arith.index_cast %add3A_516 : i32 to index
      %swap3A_570 = arith.constant 48 : index
      %swap3A_571 = tpu.vector_load %arg10[%swap3A_569, %swap3A_570] {strides = array<i32>} : memref<128x64xf32, #tpu.memory_space<vmem>>, vector<16xf32>,
      tpu.vector_store %arg10[%swap3A_569, %swap3A_570], %scan3A_549#3 {strides = array<i32>} : memref<128x64xf32, #tpu.memory_space<vmem>>, vector<16xf32>,
      %mul3A_572 = arith.constant 6 : i32
      %mul3A_573 = arith.muli %scan3A_457, %mul3A_572 : i32
      %add3A_574 = arith.constant 2 : i32
      %add3A_575 = arith.addi %mul3A_573, %add3A_574 : i32
      %dma_wait3A_576 = arith.constant 2 : i32
      %dma_wait3A_577 = arith.constant 2 : i32
      %dma_wait3A_578 = arith.constant 0 : i32
      %dma_wait3A_579 = arith.constant 0 : i32
      %dma_wait3A_580 = tpu.memref_slice %arg9[%dma_wait3A_576, %dma_wait3A_578, %dma_wait3A_579] : memref<6x200x32xf32, #tpu.memory_space<vmem>> -> memref<1x128x32xf32, #tpu.memory_space<vmem>>
      %dma_wait3A_581 = tpu.memref_squeeze %dma_wait3A_580 : memref<1x128x32xf32, #tpu.memory_space<vmem>> -> memref<128x32xf32, #tpu.memory_space<vmem>>
      %dma_wait3A_582 = arith.constant 0 : i32
      %dma_wait3A_583 = tpu.memref_slice %arg7[%add3A_575, %dma_wait3A_582] : memref<128x128xi32, #tpu.memory_space<vmem>> -> memref<1x128xi32, #tpu.memory_space<vmem>>
      %dma_wait3A_584 = tpu.memref_squeeze %dma_wait3A_583 : memref<1x128xi32, #tpu.memory_space<vmem>> -> memref<128xi32, #tpu.memory_space<vmem>>
      %dma_wait3A_585 = arith.constant 0 : i32
      %dma_wait3A_586 = arith.constant 0 : i32
      %dma_wait3A_587 = tpu.memref_slice %arg2[%dma_wait3A_585, %dma_wait3A_586] : memref<1015808x32xf32, #tpu.memory_space<hbm>> -> memref<1015808x32xf32, #tpu.memory_space<hbm>>
      %dma_wait3A_588 = tpu.memref_slice %arg14[%dma_wait3A_577] : memref<6x!tpu.dma_semaphore, #tpu.memory_space<semaphore_mem>> -> memref<1x!tpu.dma_semaphore, #tpu.memory_space<semaphore_mem>>
      %dma_wait3A_589 = tpu.memref_squeeze %dma_wait3A_588 : memref<1x!tpu.dma_semaphore, #tpu.memory_space<semaphore_mem>> -> memref<!tpu.dma_semaphore, #tpu.memory_space<semaphore_mem>>
      tpu.wait_indirect_dma semaphore(%dma_wait3A_589 : memref<!tpu.dma_semaphore, #tpu.memory_space<semaphore_mem>>) src(%dma_wait3A_587 : memref<1015808x32xf32, #tpu.memory_space<hbm>>) dst(%dma_wait3A_581 : memref<128x32xf32, #tpu.memory_space<vmem>>)
      %dma_wait3A_590 = arith.constant 2 : i32
      %dma_wait3A_591 = arith.constant 2 : i32
      %dma_wait3A_592 = arith.constant 128 : i32
      %dma_wait3A_593 = arith.constant 0 : i32
      %dma_wait3A_594 = tpu.memref_slice %arg9[%dma_wait3A_590, %dma_wait3A_592, %dma_wait3A_593] : memref<6x200x32xf32, #tpu.memory_space<vmem>> -> memref<1x72x32xf32, #tpu.memory_space<vmem>>
      %dma_wait3A_595 = tpu.memref_squeeze %dma_wait3A_594 : memref<1x72x32xf32, #tpu.memory_space<vmem>> -> memref<72x32xf32, #tpu.memory_space<vmem>>
      %dma_wait3A_596 = arith.constant 0 : i32
      %dma_wait3A_597 = tpu.memref_slice %arg8[%add3A_575, %dma_wait3A_596] : memref<128x128xi32, #tpu.memory_space<vmem>> -> memref<1x72xi32, #tpu.memory_space<vmem>>
      %dma_wait3A_598 = tpu.memref_squeeze %dma_wait3A_597 : memref<1x72xi32, #tpu.memory_space<vmem>> -> memref<72xi32, #tpu.memory_space<vmem>>
      %dma_wait3A_599 = arith.constant 0 : i32
      %dma_wait3A_600 = arith.constant 0 : i32
      %dma_wait3A_601 = tpu.memref_slice %arg2[%dma_wait3A_599, %dma_wait3A_600] : memref<1015808x32xf32, #tpu.memory_space<hbm>> -> memref<1015808x32xf32, #tpu.memory_space<hbm>>
      %dma_wait3A_602 = tpu.memref_slice %arg14[%dma_wait3A_591] : memref<6x!tpu.dma_semaphore, #tpu.memory_space<semaphore_mem>> -> memref<1x!tpu.dma_semaphore, #tpu.memory_space<semaphore_mem>>
      %dma_wait3A_603 = tpu.memref_squeeze %dma_wait3A_602 : memref<1x!tpu.dma_semaphore, #tpu.memory_space<semaphore_mem>> -> memref<!tpu.dma_semaphore, #tpu.memory_space<semaphore_mem>>
      tpu.wait_indirect_dma semaphore(%dma_wait3A_603 : memref<!tpu.dma_semaphore, #tpu.memory_space<semaphore_mem>>) src(%dma_wait3A_601 : memref<1015808x32xf32, #tpu.memory_space<hbm>>) dst(%dma_wait3A_595 : memref<72x32xf32, #tpu.memory_space<vmem>>)
      %scan3A_604 = arith.constant 0 : i32
      %scan3A_605 = arith.constant 200 : i32
      %scan3A_606 = arith.addi %scan3A_604, %scan3A_605 : i32
      %scan3A_607 = arith.constant 8 : i32
      %scan3A_608:4 = scf.for %scan3A_808 = %scan3A_604 to %scan3A_606 step %scan3A_607 iter_args(%scan3A_809 = %broadcast_in_dim3A_334, %scan3A_810 = %broadcast_in_dim3A_334, %scan3A_811 = %broadcast_in_dim3A_334, %scan3A_812 = %broadcast_in_dim3A_334) -> (vector<16xf32>, vector<16xf32>, vector<16xf32>, vector<16xf32>)  : i32 {
        %get3A_813 = arith.constant 2 : i32
        %get3A_814 = arith.index_cast %get3A_813 : i32 to index
        %get3A_815 = arith.index_cast %scan3A_808 : i32 to index
        %get3A_816 = arith.constant 0 : index
        %get3A_817 = tpu.vector_load %arg9[%get3A_814, %get3A_815, %get3A_816] {strides = array<i32>} : memref<6x200x32xf32, #tpu.memory_space<vmem>>, vector<16xf32>,
        %get3A_818 = arith.constant 2 : i32
        %get3A_819 = arith.index_cast %get3A_818 : i32 to index
        %get3A_820 = arith.index_cast %scan3A_808 : i32 to index
        %get3A_821 = arith.constant 16 : index
        %get3A_822 = tpu.vector_load %arg9[%get3A_819, %get3A_820, %get3A_821] {strides = array<i32>} : memref<6x200x32xf32, #tpu.memory_space<vmem>>, vector<16xf32>,
        %bitcast3A = vector.bitcast %get3A_817 : vector<16xf32> to vector<32xbf16>
        %unpack3A = tpu.unpack_subelements %bitcast3A, 0 {pack_format = #tpu.pack_format<interleaved>} : vector<32xbf16> -> vector<16xf32>
        %unpack3A_823 = tpu.unpack_subelements %bitcast3A, 1 {pack_format = #tpu.pack_format<interleaved>} : vector<32xbf16> -> vector<16xf32>
        %bitcast3A_824 = vector.bitcast %get3A_822 : vector<16xf32> to vector<32xbf16>
        %unpack3A_825 = tpu.unpack_subelements %bitcast3A_824, 0 {pack_format = #tpu.pack_format<interleaved>} : vector<32xbf16> -> vector<16xf32>
        %unpack3A_826 = tpu.unpack_subelements %bitcast3A_824, 1 {pack_format = #tpu.pack_format<interleaved>} : vector<32xbf16> -> vector<16xf32>
        %add3A_827 = arith.addf %scan3A_809, %unpack3A : vector<16xf32>
        %add3A_828 = arith.addf %scan3A_810, %unpack3A_823 : vector<16xf32>
        %add3A_829 = arith.addf %scan3A_811, %unpack3A_825 : vector<16xf32>
        %add3A_830 = arith.addf %scan3A_812, %unpack3A_826 : vector<16xf32>
        %scan3A_831 = arith.constant 1 : i32
        %scan3A_832 = arith.addi %scan3A_808, %scan3A_831 : i32
        %get3A_833 = arith.constant 2 : i32
        %get3A_834 = arith.index_cast %get3A_833 : i32 to index
        %get3A_835 = arith.index_cast %scan3A_832 : i32 to index
        %get3A_836 = arith.constant 0 : index
        %get3A_837 = tpu.vector_load %arg9[%get3A_834, %get3A_835, %get3A_836] {strides = array<i32>} : memref<6x200x32xf32, #tpu.memory_space<vmem>>, vector<16xf32>,
        %get3A_838 = arith.constant 2 : i32
        %get3A_839 = arith.index_cast %get3A_838 : i32 to index
        %get3A_840 = arith.index_cast %scan3A_832 : i32 to index
        %get3A_841 = arith.constant 16 : index
        %get3A_842 = tpu.vector_load %arg9[%get3A_839, %get3A_840, %get3A_841] {strides = array<i32>} : memref<6x200x32xf32, #tpu.memory_space<vmem>>, vector<16xf32>,
        %bitcast3A_843 = vector.bitcast %get3A_837 : vector<16xf32> to vector<32xbf16>
        %unpack3A_844 = tpu.unpack_subelements %bitcast3A_843, 0 {pack_format = #tpu.pack_format<interleaved>} : vector<32xbf16> -> vector<16xf32>
        %unpack3A_845 = tpu.unpack_subelements %bitcast3A_843, 1 {pack_format = #tpu.pack_format<interleaved>} : vector<32xbf16> -> vector<16xf32>
        %bitcast3A_846 = vector.bitcast %get3A_842 : vector<16xf32> to vector<32xbf16>
        %unpack3A_847 = tpu.unpack_subelements %bitcast3A_846, 0 {pack_format = #tpu.pack_format<interleaved>} : vector<32xbf16> -> vector<16xf32>
        %unpack3A_848 = tpu.unpack_subelements %bitcast3A_846, 1 {pack_format = #tpu.pack_format<interleaved>} : vector<32xbf16> -> vector<16xf32>
        %add3A_849 = arith.addf %add3A_827, %unpack3A_844 : vector<16xf32>
        %add3A_850 = arith.addf %add3A_828, %unpack3A_845 : vector<16xf32>
        %add3A_851 = arith.addf %add3A_829, %unpack3A_847 : vector<16xf32>
        %add3A_852 = arith.addf %add3A_830, %unpack3A_848 : vector<16xf32>
        %scan3A_853 = arith.constant 2 : i32
        %scan3A_854 = arith.addi %scan3A_808, %scan3A_853 : i32
        %get3A_855 = arith.constant 2 : i32
        %get3A_856 = arith.index_cast %get3A_855 : i32 to index
        %get3A_857 = arith.index_cast %scan3A_854 : i32 to index
        %get3A_858 = arith.constant 0 : index
        %get3A_859 = tpu.vector_load %arg9[%get3A_856, %get3A_857, %get3A_858] {strides = array<i32>} : memref<6x200x32xf32, #tpu.memory_space<vmem>>, vector<16xf32>,
        %get3A_860 = arith.constant 2 : i32
        %get3A_861 = arith.index_cast %get3A_860 : i32 to index
        %get3A_862 = arith.index_cast %scan3A_854 : i32 to index
        %get3A_863 = arith.constant 16 : index
        %get3A_864 = tpu.vector_load %arg9[%get3A_861, %get3A_862, %get3A_863] {strides = array<i32>} : memref<6x200x32xf32, #tpu.memory_space<vmem>>, vector<16xf32>,
        %bitcast3A_865 = vector.bitcast %get3A_859 : vector<16xf32> to vector<32xbf16>
        %unpack3A_866 = tpu.unpack_subelements %bitcast3A_865, 0 {pack_format = #tpu.pack_format<interleaved>} : vector<32xbf16> -> vector<16xf32>
        %unpack3A_867 = tpu.unpack_subelements %bitcast3A_865, 1 {pack_format = #tpu.pack_format<interleaved>} : vector<32xbf16> -> vector<16xf32>
        %bitcast3A_868 = vector.bitcast %get3A_864 : vector<16xf32> to vector<32xbf16>
        %unpack3A_869 = tpu.unpack_subelements %bitcast3A_868, 0 {pack_format = #tpu.pack_format<interleaved>} : vector<32xbf16> -> vector<16xf32>
        %unpack3A_870 = tpu.unpack_subelements %bitcast3A_868, 1 {pack_format = #tpu.pack_format<interleaved>} : vector<32xbf16> -> vector<16xf32>
        %add3A_871 = arith.addf %add3A_849, %unpack3A_866 : vector<16xf32>
        %add3A_872 = arith.addf %add3A_850, %unpack3A_867 : vector<16xf32>
        %add3A_873 = arith.addf %add3A_851, %unpack3A_869 : vector<16xf32>
        %add3A_874 = arith.addf %add3A_852, %unpack3A_870 : vector<16xf32>
        %scan3A_875 = arith.constant 3 : i32
        %scan3A_876 = arith.addi %scan3A_808, %scan3A_875 : i32
        %get3A_877 = arith.constant 2 : i32
        %get3A_878 = arith.index_cast %get3A_877 : i32 to index
        %get3A_879 = arith.index_cast %scan3A_876 : i32 to index
        %get3A_880 = arith.constant 0 : index
        %get3A_881 = tpu.vector_load %arg9[%get3A_878, %get3A_879, %get3A_880] {strides = array<i32>} : memref<6x200x32xf32, #tpu.memory_space<vmem>>, vector<16xf32>,
        %get3A_882 = arith.constant 2 : i32
        %get3A_883 = arith.index_cast %get3A_882 : i32 to index
        %get3A_884 = arith.index_cast %scan3A_876 : i32 to index
        %get3A_885 = arith.constant 16 : index
        %get3A_886 = tpu.vector_load %arg9[%get3A_883, %get3A_884, %get3A_885] {strides = array<i32>} : memref<6x200x32xf32, #tpu.memory_space<vmem>>, vector<16xf32>,
        %bitcast3A_887 = vector.bitcast %get3A_881 : vector<16xf32> to vector<32xbf16>
        %unpack3A_888 = tpu.unpack_subelements %bitcast3A_887, 0 {pack_format = #tpu.pack_format<interleaved>} : vector<32xbf16> -> vector<16xf32>
        %unpack3A_889 = tpu.unpack_subelements %bitcast3A_887, 1 {pack_format = #tpu.pack_format<interleaved>} : vector<32xbf16> -> vector<16xf32>
        %bitcast3A_890 = vector.bitcast %get3A_886 : vector<16xf32> to vector<32xbf16>
        %unpack3A_891 = tpu.unpack_subelements %bitcast3A_890, 0 {pack_format = #tpu.pack_format<interleaved>} : vector<32xbf16> -> vector<16xf32>
        %unpack3A_892 = tpu.unpack_subelements %bitcast3A_890, 1 {pack_format = #tpu.pack_format<interleaved>} : vector<32xbf16> -> vector<16xf32>
        %add3A_893 = arith.addf %add3A_871, %unpack3A_888 : vector<16xf32>
        %add3A_894 = arith.addf %add3A_872, %unpack3A_889 : vector<16xf32>
        %add3A_895 = arith.addf %add3A_873, %unpack3A_891 : vector<16xf32>
        %add3A_896 = arith.addf %add3A_874, %unpack3A_892 : vector<16xf32>
        %scan3A_897 = arith.constant 4 : i32
        %scan3A_898 = arith.addi %scan3A_808, %scan3A_897 : i32
        %get3A_899 = arith.constant 2 : i32
        %get3A_900 = arith.index_cast %get3A_899 : i32 to index
        %get3A_901 = arith.index_cast %scan3A_898 : i32 to index
        %get3A_902 = arith.constant 0 : index
        %get3A_903 = tpu.vector_load %arg9[%get3A_900, %get3A_901, %get3A_902] {strides = array<i32>} : memref<6x200x32xf32, #tpu.memory_space<vmem>>, vector<16xf32>,
        %get3A_904 = arith.constant 2 : i32
        %get3A_905 = arith.index_cast %get3A_904 : i32 to index
        %get3A_906 = arith.index_cast %scan3A_898 : i32 to index
        %get3A_907 = arith.constant 16 : index
        %get3A_908 = tpu.vector_load %arg9[%get3A_905, %get3A_906, %get3A_907] {strides = array<i32>} : memref<6x200x32xf32, #tpu.memory_space<vmem>>, vector<16xf32>,
        %bitcast3A_909 = vector.bitcast %get3A_903 : vector<16xf32> to vector<32xbf16>
        %unpack3A_910 = tpu.unpack_subelements %bitcast3A_909, 0 {pack_format = #tpu.pack_format<interleaved>} : vector<32xbf16> -> vector<16xf32>
        %unpack3A_911 = tpu.unpack_subelements %bitcast3A_909, 1 {pack_format = #tpu.pack_format<interleaved>} : vector<32xbf16> -> vector<16xf32>
        %bitcast3A_912 = vector.bitcast %get3A_908 : vector<16xf32> to vector<32xbf16>
        %unpack3A_913 = tpu.unpack_subelements %bitcast3A_912, 0 {pack_format = #tpu.pack_format<interleaved>} : vector<32xbf16> -> vector<16xf32>
        %unpack3A_914 = tpu.unpack_subelements %bitcast3A_912, 1 {pack_format = #tpu.pack_format<interleaved>} : vector<32xbf16> -> vector<16xf32>
        %add3A_915 = arith.addf %add3A_893, %unpack3A_910 : vector<16xf32>
        %add3A_916 = arith.addf %add3A_894, %unpack3A_911 : vector<16xf32>
        %add3A_917 = arith.addf %add3A_895, %unpack3A_913 : vector<16xf32>
        %add3A_918 = arith.addf %add3A_896, %unpack3A_914 : vector<16xf32>
        %scan3A_919 = arith.constant 5 : i32
        %scan3A_920 = arith.addi %scan3A_808, %scan3A_919 : i32
        %get3A_921 = arith.constant 2 : i32
        %get3A_922 = arith.index_cast %get3A_921 : i32 to index
        %get3A_923 = arith.index_cast %scan3A_920 : i32 to index
        %get3A_924 = arith.constant 0 : index
        %get3A_925 = tpu.vector_load %arg9[%get3A_922, %get3A_923, %get3A_924] {strides = array<i32>} : memref<6x200x32xf32, #tpu.memory_space<vmem>>, vector<16xf32>,
        %get3A_926 = arith.constant 2 : i32
        %get3A_927 = arith.index_cast %get3A_926 : i32 to index
        %get3A_928 = arith.index_cast %scan3A_920 : i32 to index
        %get3A_929 = arith.constant 16 : index
        %get3A_930 = tpu.vector_load %arg9[%get3A_927, %get3A_928, %get3A_929] {strides = array<i32>} : memref<6x200x32xf32, #tpu.memory_space<vmem>>, vector<16xf32>,
        %bitcast3A_931 = vector.bitcast %get3A_925 : vector<16xf32> to vector<32xbf16>
        %unpack3A_932 = tpu.unpack_subelements %bitcast3A_931, 0 {pack_format = #tpu.pack_format<interleaved>} : vector<32xbf16> -> vector<16xf32>
        %unpack3A_933 = tpu.unpack_subelements %bitcast3A_931, 1 {pack_format = #tpu.pack_format<interleaved>} : vector<32xbf16> -> vector<16xf32>
        %bitcast3A_934 = vector.bitcast %get3A_930 : vector<16xf32> to vector<32xbf16>
        %unpack3A_935 = tpu.unpack_subelements %bitcast3A_934, 0 {pack_format = #tpu.pack_format<interleaved>} : vector<32xbf16> -> vector<16xf32>
        %unpack3A_936 = tpu.unpack_subelements %bitcast3A_934, 1 {pack_format = #tpu.pack_format<interleaved>} : vector<32xbf16> -> vector<16xf32>
        %add3A_937 = arith.addf %add3A_915, %unpack3A_932 : vector<16xf32>
        %add3A_938 = arith.addf %add3A_916, %unpack3A_933 : vector<16xf32>
        %add3A_939 = arith.addf %add3A_917, %unpack3A_935 : vector<16xf32>
        %add3A_940 = arith.addf %add3A_918, %unpack3A_936 : vector<16xf32>
        %scan3A_941 = arith.constant 6 : i32
        %scan3A_942 = arith.addi %scan3A_808, %scan3A_941 : i32
        %get3A_943 = arith.constant 2 : i32
        %get3A_944 = arith.index_cast %get3A_943 : i32 to index
        %get3A_945 = arith.index_cast %scan3A_942 : i32 to index
        %get3A_946 = arith.constant 0 : index
        %get3A_947 = tpu.vector_load %arg9[%get3A_944, %get3A_945, %get3A_946] {strides = array<i32>} : memref<6x200x32xf32, #tpu.memory_space<vmem>>, vector<16xf32>,
        %get3A_948 = arith.constant 2 : i32
        %get3A_949 = arith.index_cast %get3A_948 : i32 to index
        %get3A_950 = arith.index_cast %scan3A_942 : i32 to index
        %get3A_951 = arith.constant 16 : index
        %get3A_952 = tpu.vector_load %arg9[%get3A_949, %get3A_950, %get3A_951] {strides = array<i32>} : memref<6x200x32xf32, #tpu.memory_space<vmem>>, vector<16xf32>,
        %bitcast3A_953 = vector.bitcast %get3A_947 : vector<16xf32> to vector<32xbf16>
        %unpack3A_954 = tpu.unpack_subelements %bitcast3A_953, 0 {pack_format = #tpu.pack_format<interleaved>} : vector<32xbf16> -> vector<16xf32>
        %unpack3A_955 = tpu.unpack_subelements %bitcast3A_953, 1 {pack_format = #tpu.pack_format<interleaved>} : vector<32xbf16> -> vector<16xf32>
        %bitcast3A_956 = vector.bitcast %get3A_952 : vector<16xf32> to vector<32xbf16>
        %unpack3A_957 = tpu.unpack_subelements %bitcast3A_956, 0 {pack_format = #tpu.pack_format<interleaved>} : vector<32xbf16> -> vector<16xf32>
        %unpack3A_958 = tpu.unpack_subelements %bitcast3A_956, 1 {pack_format = #tpu.pack_format<interleaved>} : vector<32xbf16> -> vector<16xf32>
        %add3A_959 = arith.addf %add3A_937, %unpack3A_954 : vector<16xf32>
        %add3A_960 = arith.addf %add3A_938, %unpack3A_955 : vector<16xf32>
        %add3A_961 = arith.addf %add3A_939, %unpack3A_957 : vector<16xf32>
        %add3A_962 = arith.addf %add3A_940, %unpack3A_958 : vector<16xf32>
        %scan3A_963 = arith.constant 7 : i32
        %scan3A_964 = arith.addi %scan3A_808, %scan3A_963 : i32
        %get3A_965 = arith.constant 2 : i32
        %get3A_966 = arith.index_cast %get3A_965 : i32 to index
        %get3A_967 = arith.index_cast %scan3A_964 : i32 to index
        %get3A_968 = arith.constant 0 : index
        %get3A_969 = tpu.vector_load %arg9[%get3A_966, %get3A_967, %get3A_968] {strides = array<i32>} : memref<6x200x32xf32, #tpu.memory_space<vmem>>, vector<16xf32>,
        %get3A_970 = arith.constant 2 : i32
        %get3A_971 = arith.index_cast %get3A_970 : i32 to index
        %get3A_972 = arith.index_cast %scan3A_964 : i32 to index
        %get3A_973 = arith.constant 16 : index
        %get3A_974 = tpu.vector_load %arg9[%get3A_971, %get3A_972, %get3A_973] {strides = array<i32>} : memref<6x200x32xf32, #tpu.memory_space<vmem>>, vector<16xf32>,
        %bitcast3A_975 = vector.bitcast %get3A_969 : vector<16xf32> to vector<32xbf16>
        %unpack3A_976 = tpu.unpack_subelements %bitcast3A_975, 0 {pack_format = #tpu.pack_format<interleaved>} : vector<32xbf16> -> vector<16xf32>
        %unpack3A_977 = tpu.unpack_subelements %bitcast3A_975, 1 {pack_format = #tpu.pack_format<interleaved>} : vector<32xbf16> -> vector<16xf32>
        %bitcast3A_978 = vector.bitcast %get3A_974 : vector<16xf32> to vector<32xbf16>
        %unpack3A_979 = tpu.unpack_subelements %bitcast3A_978, 0 {pack_format = #tpu.pack_format<interleaved>} : vector<32xbf16> -> vector<16xf32>
        %unpack3A_980 = tpu.unpack_subelements %bitcast3A_978, 1 {pack_format = #tpu.pack_format<interleaved>} : vector<32xbf16> -> vector<16xf32>
        %add3A_981 = arith.addf %add3A_959, %unpack3A_976 : vector<16xf32>
        %add3A_982 = arith.addf %add3A_960, %unpack3A_977 : vector<16xf32>
        %add3A_983 = arith.addf %add3A_961, %unpack3A_979 : vector<16xf32>
        %add3A_984 = arith.addf %add3A_962, %unpack3A_980 : vector<16xf32>
        scf.yield %add3A_981, %add3A_982, %add3A_983, %add3A_984 : vector<16xf32>, vector<16xf32>, vector<16xf32>, vector<16xf32>
      }
      %scan3A_609 = arith.constant 200 : i32
      %add3A_610 = arith.constant 6 : i32
      %add3A_611 = arith.addi %add3A_575, %add3A_610 : i32
      %sub3A_612 = arith.constant 1 : i32
      %sub3A_613 = arith.subi %add3A_611, %sub3A_612 : i32
      %lt3A_614 = arith.constant 128 : i32
      %lt3A_615 = arith.cmpi slt, %sub3A_613, %lt3A_614 : i32
      %convert_element_type3A_616 = arith.extui %lt3A_615 : i1 to i32
      %cond3A_617 = arith.constant 0 : i32
      %cond3A_618 = arith.cmpi ne, %convert_element_type3A_616, %cond3A_617 : i32
      scf.if %cond3A_618 {
        %add3A_808 = arith.constant 6 : i32
        %add3A_809 = arith.addi %add3A_575, %add3A_808 : i32
        %sub3A_810 = arith.constant 1 : i32
        %sub3A_811 = arith.subi %add3A_809, %sub3A_810 : i32
        %dma_start3A_812 = arith.constant 1 : i32
        %dma_start3A_813 = arith.constant 1 : i32
        %dma_start3A_814 = arith.constant 0 : i32
        %dma_start3A_815 = arith.constant 0 : i32
        %dma_start3A_816 = tpu.memref_slice %arg9[%dma_start3A_812, %dma_start3A_814, %dma_start3A_815] : memref<6x200x32xf32, #tpu.memory_space<vmem>> -> memref<1x128x32xf32, #tpu.memory_space<vmem>>
        %dma_start3A_817 = tpu.memref_squeeze %dma_start3A_816 : memref<1x128x32xf32, #tpu.memory_space<vmem>> -> memref<128x32xf32, #tpu.memory_space<vmem>>
        %dma_start3A_818 = arith.constant 0 : i32
        %dma_start3A_819 = tpu.memref_slice %arg7[%sub3A_811, %dma_start3A_818] : memref<128x128xi32, #tpu.memory_space<vmem>> -> memref<1x128xi32, #tpu.memory_space<vmem>>
        %dma_start3A_820 = tpu.memref_squeeze %dma_start3A_819 : memref<1x128xi32, #tpu.memory_space<vmem>> -> memref<128xi32, #tpu.memory_space<vmem>>
        %dma_start3A_821 = arith.constant 0 : i32
        %dma_start3A_822 = arith.constant 0 : i32
        %dma_start3A_823 = tpu.memref_slice %arg2[%dma_start3A_821, %dma_start3A_822] : memref<1015808x32xf32, #tpu.memory_space<hbm>> -> memref<1015808x32xf32, #tpu.memory_space<hbm>>
        %dma_start3A_824 = tpu.memref_slice %arg14[%dma_start3A_813] : memref<6x!tpu.dma_semaphore, #tpu.memory_space<semaphore_mem>> -> memref<1x!tpu.dma_semaphore, #tpu.memory_space<semaphore_mem>>
        %dma_start3A_825 = tpu.memref_squeeze %dma_start3A_824 : memref<1x!tpu.dma_semaphore, #tpu.memory_space<semaphore_mem>> -> memref<!tpu.dma_semaphore, #tpu.memory_space<semaphore_mem>>
        tpu.enqueue_indirect_dma source(%dma_start3A_823 : memref<1015808x32xf32, #tpu.memory_space<hbm>>) target(%dma_start3A_817 : memref<128x32xf32, #tpu.memory_space<vmem>>) offsets(%dma_start3A_820 : memref<128xi32, #tpu.memory_space<vmem>>) semaphore(%dma_start3A_825 : memref<!tpu.dma_semaphore, #tpu.memory_space<semaphore_mem>>)
        %dma_start3A_826 = arith.constant 1 : i32
        %dma_start3A_827 = arith.constant 1 : i32
        %dma_start3A_828 = arith.constant 128 : i32
        %dma_start3A_829 = arith.constant 0 : i32
        %dma_start3A_830 = tpu.memref_slice %arg9[%dma_start3A_826, %dma_start3A_828, %dma_start3A_829] : memref<6x200x32xf32, #tpu.memory_space<vmem>> -> memref<1x72x32xf32, #tpu.memory_space<vmem>>
        %dma_start3A_831 = tpu.memref_squeeze %dma_start3A_830 : memref<1x72x32xf32, #tpu.memory_space<vmem>> -> memref<72x32xf32, #tpu.memory_space<vmem>>
        %dma_start3A_832 = arith.constant 0 : i32
        %dma_start3A_833 = tpu.memref_slice %arg8[%sub3A_811, %dma_start3A_832] : memref<128x128xi32, #tpu.memory_space<vmem>> -> memref<1x72xi32, #tpu.memory_space<vmem>>
        %dma_start3A_834 = tpu.memref_squeeze %dma_start3A_833 : memref<1x72xi32, #tpu.memory_space<vmem>> -> memref<72xi32, #tpu.memory_space<vmem>>
        %dma_start3A_835 = arith.constant 0 : i32
        %dma_start3A_836 = arith.constant 0 : i32
        %dma_start3A_837 = tpu.memref_slice %arg2[%dma_start3A_835, %dma_start3A_836] : memref<1015808x32xf32, #tpu.memory_space<hbm>> -> memref<1015808x32xf32, #tpu.memory_space<hbm>>
        %dma_start3A_838 = tpu.memref_slice %arg14[%dma_start3A_827] : memref<6x!tpu.dma_semaphore, #tpu.memory_space<semaphore_mem>> -> memref<1x!tpu.dma_semaphore, #tpu.memory_space<semaphore_mem>>
        %dma_start3A_839 = tpu.memref_squeeze %dma_start3A_838 : memref<1x!tpu.dma_semaphore, #tpu.memory_space<semaphore_mem>> -> memref<!tpu.dma_semaphore, #tpu.memory_space<semaphore_mem>>
        tpu.enqueue_indirect_dma source(%dma_start3A_837 : memref<1015808x32xf32, #tpu.memory_space<hbm>>) target(%dma_start3A_831 : memref<72x32xf32, #tpu.memory_space<vmem>>) offsets(%dma_start3A_834 : memref<72xi32, #tpu.memory_space<vmem>>) semaphore(%dma_start3A_839 : memref<!tpu.dma_semaphore, #tpu.memory_space<semaphore_mem>>)
      } else {
      }
      %swap3A_619 = arith.index_cast %add3A_575 : i32 to index
      %swap3A_620 = arith.constant 0 : index
      %swap3A_621 = tpu.vector_load %arg10[%swap3A_619, %swap3A_620] {strides = array<i32>} : memref<128x64xf32, #tpu.memory_space<vmem>>, vector<16xf32>,
      tpu.vector_store %arg10[%swap3A_619, %swap3A_620], %scan3A_608#0 {strides = array<i32>} : memref<128x64xf32, #tpu.memory_space<vmem>>, vector<16xf32>,
      %swap3A_622 = arith.index_cast %add3A_575 : i32 to index
      %swap3A_623 = arith.constant 16 : index
      %swap3A_624 = tpu.vector_load %arg10[%swap3A_622, %swap3A_623] {strides = array<i32>} : memref<128x64xf32, #tpu.memory_space<vmem>>, vector<16xf32>,
      tpu.vector_store %arg10[%swap3A_622, %swap3A_623], %scan3A_608#1 {strides = array<i32>} : memref<128x64xf32, #tpu.memory_space<vmem>>, vector<16xf32>,
      %swap3A_625 = arith.index_cast %add3A_575 : i32 to index
      %swap3A_626 = arith.constant 32 : index
      %swap3A_627 = tpu.vector_load %arg10[%swap3A_625, %swap3A_626] {strides = array<i32>} : memref<128x64xf32, #tpu.memory_space<vmem>>, vector<16xf32>,
      tpu.vector_store %arg10[%swap3A_625, %swap3A_626], %scan3A_608#2 {strides = array<i32>} : memref<128x64xf32, #tpu.memory_space<vmem>>, vector<16xf32>,
      %swap3A_628 = arith.index_cast %add3A_575 : i32 to index
      %swap3A_629 = arith.constant 48 : index
      %swap3A_630 = tpu.vector_load %arg10[%swap3A_628, %swap3A_629] {strides = array<i32>} : memref<128x64xf32, #tpu.memory_space<vmem>>, vector<16xf32>,
      tpu.vector_store %arg10[%swap3A_628, %swap3A_629], %scan3A_608#3 {strides = array<i32>} : memref<128x64xf32, #tpu.memory_space<vmem>>, vector<16xf32>,
      %mul3A_631 = arith.constant 6 : i32
      %mul3A_632 = arith.muli %scan3A_457, %mul3A_631 : i32
      %add3A_633 = arith.constant 3 : i32
      %add3A_634 = arith.addi %mul3A_632, %add3A_633 : i32
      %dma_wait3A_635 = arith.constant 3 : i32
      %dma_wait3A_636 = arith.constant 3 : i32
      %dma_wait3A_637 = arith.constant 0 : i32
      %dma_wait3A_638 = arith.constant 0 : i32
      %dma_wait3A_639 = tpu.memref_slice %arg9[%dma_wait3A_635, %dma_wait3A_637, %dma_wait3A_638] : memref<6x200x32xf32, #tpu.memory_space<vmem>> -> memref<1x128x32xf32, #tpu.memory_space<vmem>>
      %dma_wait3A_640 = tpu.memref_squeeze %dma_wait3A_639 : memref<1x128x32xf32, #tpu.memory_space<vmem>> -> memref<128x32xf32, #tpu.memory_space<vmem>>
      %dma_wait3A_641 = arith.constant 0 : i32
      %dma_wait3A_642 = tpu.memref_slice %arg7[%add3A_634, %dma_wait3A_641] : memref<128x128xi32, #tpu.memory_space<vmem>> -> memref<1x128xi32, #tpu.memory_space<vmem>>
      %dma_wait3A_643 = tpu.memref_squeeze %dma_wait3A_642 : memref<1x128xi32, #tpu.memory_space<vmem>> -> memref<128xi32, #tpu.memory_space<vmem>>
      %dma_wait3A_644 = arith.constant 0 : i32
      %dma_wait3A_645 = arith.constant 0 : i32
      %dma_wait3A_646 = tpu.memref_slice %arg2[%dma_wait3A_644, %dma_wait3A_645] : memref<1015808x32xf32, #tpu.memory_space<hbm>> -> memref<1015808x32xf32, #tpu.memory_space<hbm>>
      %dma_wait3A_647 = tpu.memref_slice %arg14[%dma_wait3A_636] : memref<6x!tpu.dma_semaphore, #tpu.memory_space<semaphore_mem>> -> memref<1x!tpu.dma_semaphore, #tpu.memory_space<semaphore_mem>>
      %dma_wait3A_648 = tpu.memref_squeeze %dma_wait3A_647 : memref<1x!tpu.dma_semaphore, #tpu.memory_space<semaphore_mem>> -> memref<!tpu.dma_semaphore, #tpu.memory_space<semaphore_mem>>
      tpu.wait_indirect_dma semaphore(%dma_wait3A_648 : memref<!tpu.dma_semaphore, #tpu.memory_space<semaphore_mem>>) src(%dma_wait3A_646 : memref<1015808x32xf32, #tpu.memory_space<hbm>>) dst(%dma_wait3A_640 : memref<128x32xf32, #tpu.memory_space<vmem>>)
      %dma_wait3A_649 = arith.constant 3 : i32
      %dma_wait3A_650 = arith.constant 3 : i32
      %dma_wait3A_651 = arith.constant 128 : i32
      %dma_wait3A_652 = arith.constant 0 : i32
      %dma_wait3A_653 = tpu.memref_slice %arg9[%dma_wait3A_649, %dma_wait3A_651, %dma_wait3A_652] : memref<6x200x32xf32, #tpu.memory_space<vmem>> -> memref<1x72x32xf32, #tpu.memory_space<vmem>>
      %dma_wait3A_654 = tpu.memref_squeeze %dma_wait3A_653 : memref<1x72x32xf32, #tpu.memory_space<vmem>> -> memref<72x32xf32, #tpu.memory_space<vmem>>
      %dma_wait3A_655 = arith.constant 0 : i32
      %dma_wait3A_656 = tpu.memref_slice %arg8[%add3A_634, %dma_wait3A_655] : memref<128x128xi32, #tpu.memory_space<vmem>> -> memref<1x72xi32, #tpu.memory_space<vmem>>
      %dma_wait3A_657 = tpu.memref_squeeze %dma_wait3A_656 : memref<1x72xi32, #tpu.memory_space<vmem>> -> memref<72xi32, #tpu.memory_space<vmem>>
      %dma_wait3A_658 = arith.constant 0 : i32
      %dma_wait3A_659 = arith.constant 0 : i32
      %dma_wait3A_660 = tpu.memref_slice %arg2[%dma_wait3A_658, %dma_wait3A_659] : memref<1015808x32xf32, #tpu.memory_space<hbm>> -> memref<1015808x32xf32, #tpu.memory_space<hbm>>
      %dma_wait3A_661 = tpu.memref_slice %arg14[%dma_wait3A_650] : memref<6x!tpu.dma_semaphore, #tpu.memory_space<semaphore_mem>> -> memref<1x!tpu.dma_semaphore, #tpu.memory_space<semaphore_mem>>
      %dma_wait3A_662 = tpu.memref_squeeze %dma_wait3A_661 : memref<1x!tpu.dma_semaphore, #tpu.memory_space<semaphore_mem>> -> memref<!tpu.dma_semaphore, #tpu.memory_space<semaphore_mem>>
      tpu.wait_indirect_dma semaphore(%dma_wait3A_662 : memref<!tpu.dma_semaphore, #tpu.memory_space<semaphore_mem>>) src(%dma_wait3A_660 : memref<1015808x32xf32, #tpu.memory_space<hbm>>) dst(%dma_wait3A_654 : memref<72x32xf32, #tpu.memory_space<vmem>>)
      %scan3A_663 = arith.constant 0 : i32
      %scan3A_664 = arith.constant 200 : i32
      %scan3A_665 = arith.addi %scan3A_663, %scan3A_664 : i32
      %scan3A_666 = arith.constant 8 : i32
      %scan3A_667:4 = scf.for %scan3A_808 = %scan3A_663 to %scan3A_665 step %scan3A_666 iter_args(%scan3A_809 = %broadcast_in_dim3A_334, %scan3A_810 = %broadcast_in_dim3A_334, %scan3A_811 = %broadcast_in_dim3A_334, %scan3A_812 = %broadcast_in_dim3A_334) -> (vector<16xf32>, vector<16xf32>, vector<16xf32>, vector<16xf32>)  : i32 {
        %get3A_813 = arith.constant 3 : i32
        %get3A_814 = arith.index_cast %get3A_813 : i32 to index
        %get3A_815 = arith.index_cast %scan3A_808 : i32 to index
        %get3A_816 = arith.constant 0 : index
        %get3A_817 = tpu.vector_load %arg9[%get3A_814, %get3A_815, %get3A_816] {strides = array<i32>} : memref<6x200x32xf32, #tpu.memory_space<vmem>>, vector<16xf32>,
        %get3A_818 = arith.constant 3 : i32
        %get3A_819 = arith.index_cast %get3A_818 : i32 to index
        %get3A_820 = arith.index_cast %scan3A_808 : i32 to index
        %get3A_821 = arith.constant 16 : index
        %get3A_822 = tpu.vector_load %arg9[%get3A_819, %get3A_820, %get3A_821] {strides = array<i32>} : memref<6x200x32xf32, #tpu.memory_space<vmem>>, vector<16xf32>,
        %bitcast3A = vector.bitcast %get3A_817 : vector<16xf32> to vector<32xbf16>
        %unpack3A = tpu.unpack_subelements %bitcast3A, 0 {pack_format = #tpu.pack_format<interleaved>} : vector<32xbf16> -> vector<16xf32>
        %unpack3A_823 = tpu.unpack_subelements %bitcast3A, 1 {pack_format = #tpu.pack_format<interleaved>} : vector<32xbf16> -> vector<16xf32>
        %bitcast3A_824 = vector.bitcast %get3A_822 : vector<16xf32> to vector<32xbf16>
        %unpack3A_825 = tpu.unpack_subelements %bitcast3A_824, 0 {pack_format = #tpu.pack_format<interleaved>} : vector<32xbf16> -> vector<16xf32>
        %unpack3A_826 = tpu.unpack_subelements %bitcast3A_824, 1 {pack_format = #tpu.pack_format<interleaved>} : vector<32xbf16> -> vector<16xf32>
        %add3A_827 = arith.addf %scan3A_809, %unpack3A : vector<16xf32>
        %add3A_828 = arith.addf %scan3A_810, %unpack3A_823 : vector<16xf32>
        %add3A_829 = arith.addf %scan3A_811, %unpack3A_825 : vector<16xf32>
        %add3A_830 = arith.addf %scan3A_812, %unpack3A_826 : vector<16xf32>
        %scan3A_831 = arith.constant 1 : i32
        %scan3A_832 = arith.addi %scan3A_808, %scan3A_831 : i32
        %get3A_833 = arith.constant 3 : i32
        %get3A_834 = arith.index_cast %get3A_833 : i32 to index
        %get3A_835 = arith.index_cast %scan3A_832 : i32 to index
        %get3A_836 = arith.constant 0 : index
        %get3A_837 = tpu.vector_load %arg9[%get3A_834, %get3A_835, %get3A_836] {strides = array<i32>} : memref<6x200x32xf32, #tpu.memory_space<vmem>>, vector<16xf32>,
        %get3A_838 = arith.constant 3 : i32
        %get3A_839 = arith.index_cast %get3A_838 : i32 to index
        %get3A_840 = arith.index_cast %scan3A_832 : i32 to index
        %get3A_841 = arith.constant 16 : index
        %get3A_842 = tpu.vector_load %arg9[%get3A_839, %get3A_840, %get3A_841] {strides = array<i32>} : memref<6x200x32xf32, #tpu.memory_space<vmem>>, vector<16xf32>,
        %bitcast3A_843 = vector.bitcast %get3A_837 : vector<16xf32> to vector<32xbf16>
        %unpack3A_844 = tpu.unpack_subelements %bitcast3A_843, 0 {pack_format = #tpu.pack_format<interleaved>} : vector<32xbf16> -> vector<16xf32>
        %unpack3A_845 = tpu.unpack_subelements %bitcast3A_843, 1 {pack_format = #tpu.pack_format<interleaved>} : vector<32xbf16> -> vector<16xf32>
        %bitcast3A_846 = vector.bitcast %get3A_842 : vector<16xf32> to vector<32xbf16>
        %unpack3A_847 = tpu.unpack_subelements %bitcast3A_846, 0 {pack_format = #tpu.pack_format<interleaved>} : vector<32xbf16> -> vector<16xf32>
        %unpack3A_848 = tpu.unpack_subelements %bitcast3A_846, 1 {pack_format = #tpu.pack_format<interleaved>} : vector<32xbf16> -> vector<16xf32>
        %add3A_849 = arith.addf %add3A_827, %unpack3A_844 : vector<16xf32>
        %add3A_850 = arith.addf %add3A_828, %unpack3A_845 : vector<16xf32>
        %add3A_851 = arith.addf %add3A_829, %unpack3A_847 : vector<16xf32>
        %add3A_852 = arith.addf %add3A_830, %unpack3A_848 : vector<16xf32>
        %scan3A_853 = arith.constant 2 : i32
        %scan3A_854 = arith.addi %scan3A_808, %scan3A_853 : i32
        %get3A_855 = arith.constant 3 : i32
        %get3A_856 = arith.index_cast %get3A_855 : i32 to index
        %get3A_857 = arith.index_cast %scan3A_854 : i32 to index
        %get3A_858 = arith.constant 0 : index
        %get3A_859 = tpu.vector_load %arg9[%get3A_856, %get3A_857, %get3A_858] {strides = array<i32>} : memref<6x200x32xf32, #tpu.memory_space<vmem>>, vector<16xf32>,
        %get3A_860 = arith.constant 3 : i32
        %get3A_861 = arith.index_cast %get3A_860 : i32 to index
        %get3A_862 = arith.index_cast %scan3A_854 : i32 to index
        %get3A_863 = arith.constant 16 : index
        %get3A_864 = tpu.vector_load %arg9[%get3A_861, %get3A_862, %get3A_863] {strides = array<i32>} : memref<6x200x32xf32, #tpu.memory_space<vmem>>, vector<16xf32>,
        %bitcast3A_865 = vector.bitcast %get3A_859 : vector<16xf32> to vector<32xbf16>
        %unpack3A_866 = tpu.unpack_subelements %bitcast3A_865, 0 {pack_format = #tpu.pack_format<interleaved>} : vector<32xbf16> -> vector<16xf32>
        %unpack3A_867 = tpu.unpack_subelements %bitcast3A_865, 1 {pack_format = #tpu.pack_format<interleaved>} : vector<32xbf16> -> vector<16xf32>
        %bitcast3A_868 = vector.bitcast %get3A_864 : vector<16xf32> to vector<32xbf16>
        %unpack3A_869 = tpu.unpack_subelements %bitcast3A_868, 0 {pack_format = #tpu.pack_format<interleaved>} : vector<32xbf16> -> vector<16xf32>
        %unpack3A_870 = tpu.unpack_subelements %bitcast3A_868, 1 {pack_format = #tpu.pack_format<interleaved>} : vector<32xbf16> -> vector<16xf32>
        %add3A_871 = arith.addf %add3A_849, %unpack3A_866 : vector<16xf32>
        %add3A_872 = arith.addf %add3A_850, %unpack3A_867 : vector<16xf32>
        %add3A_873 = arith.addf %add3A_851, %unpack3A_869 : vector<16xf32>
        %add3A_874 = arith.addf %add3A_852, %unpack3A_870 : vector<16xf32>
        %scan3A_875 = arith.constant 3 : i32
        %scan3A_876 = arith.addi %scan3A_808, %scan3A_875 : i32
        %get3A_877 = arith.constant 3 : i32
        %get3A_878 = arith.index_cast %get3A_877 : i32 to index
        %get3A_879 = arith.index_cast %scan3A_876 : i32 to index
        %get3A_880 = arith.constant 0 : index
        %get3A_881 = tpu.vector_load %arg9[%get3A_878, %get3A_879, %get3A_880] {strides = array<i32>} : memref<6x200x32xf32, #tpu.memory_space<vmem>>, vector<16xf32>,
        %get3A_882 = arith.constant 3 : i32
        %get3A_883 = arith.index_cast %get3A_882 : i32 to index
        %get3A_884 = arith.index_cast %scan3A_876 : i32 to index
        %get3A_885 = arith.constant 16 : index
        %get3A_886 = tpu.vector_load %arg9[%get3A_883, %get3A_884, %get3A_885] {strides = array<i32>} : memref<6x200x32xf32, #tpu.memory_space<vmem>>, vector<16xf32>,
        %bitcast3A_887 = vector.bitcast %get3A_881 : vector<16xf32> to vector<32xbf16>
        %unpack3A_888 = tpu.unpack_subelements %bitcast3A_887, 0 {pack_format = #tpu.pack_format<interleaved>} : vector<32xbf16> -> vector<16xf32>
        %unpack3A_889 = tpu.unpack_subelements %bitcast3A_887, 1 {pack_format = #tpu.pack_format<interleaved>} : vector<32xbf16> -> vector<16xf32>
        %bitcast3A_890 = vector.bitcast %get3A_886 : vector<16xf32> to vector<32xbf16>
        %unpack3A_891 = tpu.unpack_subelements %bitcast3A_890, 0 {pack_format = #tpu.pack_format<interleaved>} : vector<32xbf16> -> vector<16xf32>
        %unpack3A_892 = tpu.unpack_subelements %bitcast3A_890, 1 {pack_format = #tpu.pack_format<interleaved>} : vector<32xbf16> -> vector<16xf32>
        %add3A_893 = arith.addf %add3A_871, %unpack3A_888 : vector<16xf32>
        %add3A_894 = arith.addf %add3A_872, %unpack3A_889 : vector<16xf32>
        %add3A_895 = arith.addf %add3A_873, %unpack3A_891 : vector<16xf32>
        %add3A_896 = arith.addf %add3A_874, %unpack3A_892 : vector<16xf32>
        %scan3A_897 = arith.constant 4 : i32
        %scan3A_898 = arith.addi %scan3A_808, %scan3A_897 : i32
        %get3A_899 = arith.constant 3 : i32
        %get3A_900 = arith.index_cast %get3A_899 : i32 to index
        %get3A_901 = arith.index_cast %scan3A_898 : i32 to index
        %get3A_902 = arith.constant 0 : index
        %get3A_903 = tpu.vector_load %arg9[%get3A_900, %get3A_901, %get3A_902] {strides = array<i32>} : memref<6x200x32xf32, #tpu.memory_space<vmem>>, vector<16xf32>,
        %get3A_904 = arith.constant 3 : i32
        %get3A_905 = arith.index_cast %get3A_904 : i32 to index
        %get3A_906 = arith.index_cast %scan3A_898 : i32 to index
        %get3A_907 = arith.constant 16 : index
        %get3A_908 = tpu.vector_load %arg9[%get3A_905, %get3A_906, %get3A_907] {strides = array<i32>} : memref<6x200x32xf32, #tpu.memory_space<vmem>>, vector<16xf32>,
        %bitcast3A_909 = vector.bitcast %get3A_903 : vector<16xf32> to vector<32xbf16>
        %unpack3A_910 = tpu.unpack_subelements %bitcast3A_909, 0 {pack_format = #tpu.pack_format<interleaved>} : vector<32xbf16> -> vector<16xf32>
        %unpack3A_911 = tpu.unpack_subelements %bitcast3A_909, 1 {pack_format = #tpu.pack_format<interleaved>} : vector<32xbf16> -> vector<16xf32>
        %bitcast3A_912 = vector.bitcast %get3A_908 : vector<16xf32> to vector<32xbf16>
        %unpack3A_913 = tpu.unpack_subelements %bitcast3A_912, 0 {pack_format = #tpu.pack_format<interleaved>} : vector<32xbf16> -> vector<16xf32>
        %unpack3A_914 = tpu.unpack_subelements %bitcast3A_912, 1 {pack_format = #tpu.pack_format<interleaved>} : vector<32xbf16> -> vector<16xf32>
        %add3A_915 = arith.addf %add3A_893, %unpack3A_910 : vector<16xf32>
        %add3A_916 = arith.addf %add3A_894, %unpack3A_911 : vector<16xf32>
        %add3A_917 = arith.addf %add3A_895, %unpack3A_913 : vector<16xf32>
        %add3A_918 = arith.addf %add3A_896, %unpack3A_914 : vector<16xf32>
        %scan3A_919 = arith.constant 5 : i32
        %scan3A_920 = arith.addi %scan3A_808, %scan3A_919 : i32
        %get3A_921 = arith.constant 3 : i32
        %get3A_922 = arith.index_cast %get3A_921 : i32 to index
        %get3A_923 = arith.index_cast %scan3A_920 : i32 to index
        %get3A_924 = arith.constant 0 : index
        %get3A_925 = tpu.vector_load %arg9[%get3A_922, %get3A_923, %get3A_924] {strides = array<i32>} : memref<6x200x32xf32, #tpu.memory_space<vmem>>, vector<16xf32>,
        %get3A_926 = arith.constant 3 : i32
        %get3A_927 = arith.index_cast %get3A_926 : i32 to index
        %get3A_928 = arith.index_cast %scan3A_920 : i32 to index
        %get3A_929 = arith.constant 16 : index
        %get3A_930 = tpu.vector_load %arg9[%get3A_927, %get3A_928, %get3A_929] {strides = array<i32>} : memref<6x200x32xf32, #tpu.memory_space<vmem>>, vector<16xf32>,
        %bitcast3A_931 = vector.bitcast %get3A_925 : vector<16xf32> to vector<32xbf16>
        %unpack3A_932 = tpu.unpack_subelements %bitcast3A_931, 0 {pack_format = #tpu.pack_format<interleaved>} : vector<32xbf16> -> vector<16xf32>
        %unpack3A_933 = tpu.unpack_subelements %bitcast3A_931, 1 {pack_format = #tpu.pack_format<interleaved>} : vector<32xbf16> -> vector<16xf32>
        %bitcast3A_934 = vector.bitcast %get3A_930 : vector<16xf32> to vector<32xbf16>
        %unpack3A_935 = tpu.unpack_subelements %bitcast3A_934, 0 {pack_format = #tpu.pack_format<interleaved>} : vector<32xbf16> -> vector<16xf32>
        %unpack3A_936 = tpu.unpack_subelements %bitcast3A_934, 1 {pack_format = #tpu.pack_format<interleaved>} : vector<32xbf16> -> vector<16xf32>
        %add3A_937 = arith.addf %add3A_915, %unpack3A_932 : vector<16xf32>
        %add3A_938 = arith.addf %add3A_916, %unpack3A_933 : vector<16xf32>
        %add3A_939 = arith.addf %add3A_917, %unpack3A_935 : vector<16xf32>
        %add3A_940 = arith.addf %add3A_918, %unpack3A_936 : vector<16xf32>
        %scan3A_941 = arith.constant 6 : i32
        %scan3A_942 = arith.addi %scan3A_808, %scan3A_941 : i32
        %get3A_943 = arith.constant 3 : i32
        %get3A_944 = arith.index_cast %get3A_943 : i32 to index
        %get3A_945 = arith.index_cast %scan3A_942 : i32 to index
        %get3A_946 = arith.constant 0 : index
        %get3A_947 = tpu.vector_load %arg9[%get3A_944, %get3A_945, %get3A_946] {strides = array<i32>} : memref<6x200x32xf32, #tpu.memory_space<vmem>>, vector<16xf32>,
        %get3A_948 = arith.constant 3 : i32
        %get3A_949 = arith.index_cast %get3A_948 : i32 to index
        %get3A_950 = arith.index_cast %scan3A_942 : i32 to index
        %get3A_951 = arith.constant 16 : index
        %get3A_952 = tpu.vector_load %arg9[%get3A_949, %get3A_950, %get3A_951] {strides = array<i32>} : memref<6x200x32xf32, #tpu.memory_space<vmem>>, vector<16xf32>,
        %bitcast3A_953 = vector.bitcast %get3A_947 : vector<16xf32> to vector<32xbf16>
        %unpack3A_954 = tpu.unpack_subelements %bitcast3A_953, 0 {pack_format = #tpu.pack_format<interleaved>} : vector<32xbf16> -> vector<16xf32>
        %unpack3A_955 = tpu.unpack_subelements %bitcast3A_953, 1 {pack_format = #tpu.pack_format<interleaved>} : vector<32xbf16> -> vector<16xf32>
        %bitcast3A_956 = vector.bitcast %get3A_952 : vector<16xf32> to vector<32xbf16>
        %unpack3A_957 = tpu.unpack_subelements %bitcast3A_956, 0 {pack_format = #tpu.pack_format<interleaved>} : vector<32xbf16> -> vector<16xf32>
        %unpack3A_958 = tpu.unpack_subelements %bitcast3A_956, 1 {pack_format = #tpu.pack_format<interleaved>} : vector<32xbf16> -> vector<16xf32>
        %add3A_959 = arith.addf %add3A_937, %unpack3A_954 : vector<16xf32>
        %add3A_960 = arith.addf %add3A_938, %unpack3A_955 : vector<16xf32>
        %add3A_961 = arith.addf %add3A_939, %unpack3A_957 : vector<16xf32>
        %add3A_962 = arith.addf %add3A_940, %unpack3A_958 : vector<16xf32>
        %scan3A_963 = arith.constant 7 : i32
        %scan3A_964 = arith.addi %scan3A_808, %scan3A_963 : i32
        %get3A_965 = arith.constant 3 : i32
        %get3A_966 = arith.index_cast %get3A_965 : i32 to index
        %get3A_967 = arith.index_cast %scan3A_964 : i32 to index
        %get3A_968 = arith.constant 0 : index
        %get3A_969 = tpu.vector_load %arg9[%get3A_966, %get3A_967, %get3A_968] {strides = array<i32>} : memref<6x200x32xf32, #tpu.memory_space<vmem>>, vector<16xf32>,
        %get3A_970 = arith.constant 3 : i32
        %get3A_971 = arith.index_cast %get3A_970 : i32 to index
        %get3A_972 = arith.index_cast %scan3A_964 : i32 to index
        %get3A_973 = arith.constant 16 : index
        %get3A_974 = tpu.vector_load %arg9[%get3A_971, %get3A_972, %get3A_973] {strides = array<i32>} : memref<6x200x32xf32, #tpu.memory_space<vmem>>, vector<16xf32>,
        %bitcast3A_975 = vector.bitcast %get3A_969 : vector<16xf32> to vector<32xbf16>
        %unpack3A_976 = tpu.unpack_subelements %bitcast3A_975, 0 {pack_format = #tpu.pack_format<interleaved>} : vector<32xbf16> -> vector<16xf32>
        %unpack3A_977 = tpu.unpack_subelements %bitcast3A_975, 1 {pack_format = #tpu.pack_format<interleaved>} : vector<32xbf16> -> vector<16xf32>
        %bitcast3A_978 = vector.bitcast %get3A_974 : vector<16xf32> to vector<32xbf16>
        %unpack3A_979 = tpu.unpack_subelements %bitcast3A_978, 0 {pack_format = #tpu.pack_format<interleaved>} : vector<32xbf16> -> vector<16xf32>
        %unpack3A_980 = tpu.unpack_subelements %bitcast3A_978, 1 {pack_format = #tpu.pack_format<interleaved>} : vector<32xbf16> -> vector<16xf32>
        %add3A_981 = arith.addf %add3A_959, %unpack3A_976 : vector<16xf32>
        %add3A_982 = arith.addf %add3A_960, %unpack3A_977 : vector<16xf32>
        %add3A_983 = arith.addf %add3A_961, %unpack3A_979 : vector<16xf32>
        %add3A_984 = arith.addf %add3A_962, %unpack3A_980 : vector<16xf32>
        scf.yield %add3A_981, %add3A_982, %add3A_983, %add3A_984 : vector<16xf32>, vector<16xf32>, vector<16xf32>, vector<16xf32>
      }
      %scan3A_668 = arith.constant 200 : i32
      %add3A_669 = arith.constant 6 : i32
      %add3A_670 = arith.addi %add3A_634, %add3A_669 : i32
      %sub3A_671 = arith.constant 1 : i32
      %sub3A_672 = arith.subi %add3A_670, %sub3A_671 : i32
      %lt3A_673 = arith.constant 128 : i32
      %lt3A_674 = arith.cmpi slt, %sub3A_672, %lt3A_673 : i32
      %convert_element_type3A_675 = arith.extui %lt3A_674 : i1 to i32
      %cond3A_676 = arith.constant 0 : i32
      %cond3A_677 = arith.cmpi ne, %convert_element_type3A_675, %cond3A_676 : i32
      scf.if %cond3A_677 {
        %add3A_808 = arith.constant 6 : i32
        %add3A_809 = arith.addi %add3A_634, %add3A_808 : i32
        %sub3A_810 = arith.constant 1 : i32
        %sub3A_811 = arith.subi %add3A_809, %sub3A_810 : i32
        %dma_start3A_812 = arith.constant 2 : i32
        %dma_start3A_813 = arith.constant 2 : i32
        %dma_start3A_814 = arith.constant 0 : i32
        %dma_start3A_815 = arith.constant 0 : i32
        %dma_start3A_816 = tpu.memref_slice %arg9[%dma_start3A_812, %dma_start3A_814, %dma_start3A_815] : memref<6x200x32xf32, #tpu.memory_space<vmem>> -> memref<1x128x32xf32, #tpu.memory_space<vmem>>
        %dma_start3A_817 = tpu.memref_squeeze %dma_start3A_816 : memref<1x128x32xf32, #tpu.memory_space<vmem>> -> memref<128x32xf32, #tpu.memory_space<vmem>>
        %dma_start3A_818 = arith.constant 0 : i32
        %dma_start3A_819 = tpu.memref_slice %arg7[%sub3A_811, %dma_start3A_818] : memref<128x128xi32, #tpu.memory_space<vmem>> -> memref<1x128xi32, #tpu.memory_space<vmem>>
        %dma_start3A_820 = tpu.memref_squeeze %dma_start3A_819 : memref<1x128xi32, #tpu.memory_space<vmem>> -> memref<128xi32, #tpu.memory_space<vmem>>
        %dma_start3A_821 = arith.constant 0 : i32
        %dma_start3A_822 = arith.constant 0 : i32
        %dma_start3A_823 = tpu.memref_slice %arg2[%dma_start3A_821, %dma_start3A_822] : memref<1015808x32xf32, #tpu.memory_space<hbm>> -> memref<1015808x32xf32, #tpu.memory_space<hbm>>
        %dma_start3A_824 = tpu.memref_slice %arg14[%dma_start3A_813] : memref<6x!tpu.dma_semaphore, #tpu.memory_space<semaphore_mem>> -> memref<1x!tpu.dma_semaphore, #tpu.memory_space<semaphore_mem>>
        %dma_start3A_825 = tpu.memref_squeeze %dma_start3A_824 : memref<1x!tpu.dma_semaphore, #tpu.memory_space<semaphore_mem>> -> memref<!tpu.dma_semaphore, #tpu.memory_space<semaphore_mem>>
        tpu.enqueue_indirect_dma source(%dma_start3A_823 : memref<1015808x32xf32, #tpu.memory_space<hbm>>) target(%dma_start3A_817 : memref<128x32xf32, #tpu.memory_space<vmem>>) offsets(%dma_start3A_820 : memref<128xi32, #tpu.memory_space<vmem>>) semaphore(%dma_start3A_825 : memref<!tpu.dma_semaphore, #tpu.memory_space<semaphore_mem>>)
        %dma_start3A_826 = arith.constant 2 : i32
        %dma_start3A_827 = arith.constant 2 : i32
        %dma_start3A_828 = arith.constant 128 : i32
        %dma_start3A_829 = arith.constant 0 : i32
        %dma_start3A_830 = tpu.memref_slice %arg9[%dma_start3A_826, %dma_start3A_828, %dma_start3A_829] : memref<6x200x32xf32, #tpu.memory_space<vmem>> -> memref<1x72x32xf32, #tpu.memory_space<vmem>>
        %dma_start3A_831 = tpu.memref_squeeze %dma_start3A_830 : memref<1x72x32xf32, #tpu.memory_space<vmem>> -> memref<72x32xf32, #tpu.memory_space<vmem>>
        %dma_start3A_832 = arith.constant 0 : i32
        %dma_start3A_833 = tpu.memref_slice %arg8[%sub3A_811, %dma_start3A_832] : memref<128x128xi32, #tpu.memory_space<vmem>> -> memref<1x72xi32, #tpu.memory_space<vmem>>
        %dma_start3A_834 = tpu.memref_squeeze %dma_start3A_833 : memref<1x72xi32, #tpu.memory_space<vmem>> -> memref<72xi32, #tpu.memory_space<vmem>>
        %dma_start3A_835 = arith.constant 0 : i32
        %dma_start3A_836 = arith.constant 0 : i32
        %dma_start3A_837 = tpu.memref_slice %arg2[%dma_start3A_835, %dma_start3A_836] : memref<1015808x32xf32, #tpu.memory_space<hbm>> -> memref<1015808x32xf32, #tpu.memory_space<hbm>>
        %dma_start3A_838 = tpu.memref_slice %arg14[%dma_start3A_827] : memref<6x!tpu.dma_semaphore, #tpu.memory_space<semaphore_mem>> -> memref<1x!tpu.dma_semaphore, #tpu.memory_space<semaphore_mem>>
        %dma_start3A_839 = tpu.memref_squeeze %dma_start3A_838 : memref<1x!tpu.dma_semaphore, #tpu.memory_space<semaphore_mem>> -> memref<!tpu.dma_semaphore, #tpu.memory_space<semaphore_mem>>
        tpu.enqueue_indirect_dma source(%dma_start3A_837 : memref<1015808x32xf32, #tpu.memory_space<hbm>>) target(%dma_start3A_831 : memref<72x32xf32, #tpu.memory_space<vmem>>) offsets(%dma_start3A_834 : memref<72xi32, #tpu.memory_space<vmem>>) semaphore(%dma_start3A_839 : memref<!tpu.dma_semaphore, #tpu.memory_space<semaphore_mem>>)
      } else {
      }
      %swap3A_678 = arith.index_cast %add3A_634 : i32 to index
      %swap3A_679 = arith.constant 0 : index
      %swap3A_680 = tpu.vector_load %arg10[%swap3A_678, %swap3A_679] {strides = array<i32>} : memref<128x64xf32, #tpu.memory_space<vmem>>, vector<16xf32>,
      tpu.vector_store %arg10[%swap3A_678, %swap3A_679], %scan3A_667#0 {strides = array<i32>} : memref<128x64xf32, #tpu.memory_space<vmem>>, vector<16xf32>,
      %swap3A_681 = arith.index_cast %add3A_634 : i32 to index
      %swap3A_682 = arith.constant 16 : index
      %swap3A_683 = tpu.vector_load %arg10[%swap3A_681, %swap3A_682] {strides = array<i32>} : memref<128x64xf32, #tpu.memory_space<vmem>>, vector<16xf32>,
      tpu.vector_store %arg10[%swap3A_681, %swap3A_682], %scan3A_667#1 {strides = array<i32>} : memref<128x64xf32, #tpu.memory_space<vmem>>, vector<16xf32>,
      %swap3A_684 = arith.index_cast %add3A_634 : i32 to index
      %swap3A_685 = arith.constant 32 : index
      %swap3A_686 = tpu.vector_load %arg10[%swap3A_684, %swap3A_685] {strides = array<i32>} : memref<128x64xf32, #tpu.memory_space<vmem>>, vector<16xf32>,
      tpu.vector_store %arg10[%swap3A_684, %swap3A_685], %scan3A_667#2 {strides = array<i32>} : memref<128x64xf32, #tpu.memory_space<vmem>>, vector<16xf32>,
      %swap3A_687 = arith.index_cast %add3A_634 : i32 to index
      %swap3A_688 = arith.constant 48 : index
      %swap3A_689 = tpu.vector_load %arg10[%swap3A_687, %swap3A_688] {strides = array<i32>} : memref<128x64xf32, #tpu.memory_space<vmem>>, vector<16xf32>,
      tpu.vector_store %arg10[%swap3A_687, %swap3A_688], %scan3A_667#3 {strides = array<i32>} : memref<128x64xf32, #tpu.memory_space<vmem>>, vector<16xf32>,
      %mul3A_690 = arith.constant 6 : i32
      %mul3A_691 = arith.muli %scan3A_457, %mul3A_690 : i32
      %add3A_692 = arith.constant 4 : i32
      %add3A_693 = arith.addi %mul3A_691, %add3A_692 : i32
      %dma_wait3A_694 = arith.constant 4 : i32
      %dma_wait3A_695 = arith.constant 4 : i32
      %dma_wait3A_696 = arith.constant 0 : i32
      %dma_wait3A_697 = arith.constant 0 : i32
      %dma_wait3A_698 = tpu.memref_slice %arg9[%dma_wait3A_694, %dma_wait3A_696, %dma_wait3A_697] : memref<6x200x32xf32, #tpu.memory_space<vmem>> -> memref<1x128x32xf32, #tpu.memory_space<vmem>>
      %dma_wait3A_699 = tpu.memref_squeeze %dma_wait3A_698 : memref<1x128x32xf32, #tpu.memory_space<vmem>> -> memref<128x32xf32, #tpu.memory_space<vmem>>
      %dma_wait3A_700 = arith.constant 0 : i32
      %dma_wait3A_701 = tpu.memref_slice %arg7[%add3A_693, %dma_wait3A_700] : memref<128x128xi32, #tpu.memory_space<vmem>> -> memref<1x128xi32, #tpu.memory_space<vmem>>
      %dma_wait3A_702 = tpu.memref_squeeze %dma_wait3A_701 : memref<1x128xi32, #tpu.memory_space<vmem>> -> memref<128xi32, #tpu.memory_space<vmem>>
      %dma_wait3A_703 = arith.constant 0 : i32
      %dma_wait3A_704 = arith.constant 0 : i32
      %dma_wait3A_705 = tpu.memref_slice %arg2[%dma_wait3A_703, %dma_wait3A_704] : memref<1015808x32xf32, #tpu.memory_space<hbm>> -> memref<1015808x32xf32, #tpu.memory_space<hbm>>
      %dma_wait3A_706 = tpu.memref_slice %arg14[%dma_wait3A_695] : memref<6x!tpu.dma_semaphore, #tpu.memory_space<semaphore_mem>> -> memref<1x!tpu.dma_semaphore, #tpu.memory_space<semaphore_mem>>
      %dma_wait3A_707 = tpu.memref_squeeze %dma_wait3A_706 : memref<1x!tpu.dma_semaphore, #tpu.memory_space<semaphore_mem>> -> memref<!tpu.dma_semaphore, #tpu.memory_space<semaphore_mem>>
      tpu.wait_indirect_dma semaphore(%dma_wait3A_707 : memref<!tpu.dma_semaphore, #tpu.memory_space<semaphore_mem>>) src(%dma_wait3A_705 : memref<1015808x32xf32, #tpu.memory_space<hbm>>) dst(%dma_wait3A_699 : memref<128x32xf32, #tpu.memory_space<vmem>>)
      %dma_wait3A_708 = arith.constant 4 : i32
      %dma_wait3A_709 = arith.constant 4 : i32
      %dma_wait3A_710 = arith.constant 128 : i32
      %dma_wait3A_711 = arith.constant 0 : i32
      %dma_wait3A_712 = tpu.memref_slice %arg9[%dma_wait3A_708, %dma_wait3A_710, %dma_wait3A_711] : memref<6x200x32xf32, #tpu.memory_space<vmem>> -> memref<1x72x32xf32, #tpu.memory_space<vmem>>
      %dma_wait3A_713 = tpu.memref_squeeze %dma_wait3A_712 : memref<1x72x32xf32, #tpu.memory_space<vmem>> -> memref<72x32xf32, #tpu.memory_space<vmem>>
      %dma_wait3A_714 = arith.constant 0 : i32
      %dma_wait3A_715 = tpu.memref_slice %arg8[%add3A_693, %dma_wait3A_714] : memref<128x128xi32, #tpu.memory_space<vmem>> -> memref<1x72xi32, #tpu.memory_space<vmem>>
      %dma_wait3A_716 = tpu.memref_squeeze %dma_wait3A_715 : memref<1x72xi32, #tpu.memory_space<vmem>> -> memref<72xi32, #tpu.memory_space<vmem>>
      %dma_wait3A_717 = arith.constant 0 : i32
      %dma_wait3A_718 = arith.constant 0 : i32
      %dma_wait3A_719 = tpu.memref_slice %arg2[%dma_wait3A_717, %dma_wait3A_718] : memref<1015808x32xf32, #tpu.memory_space<hbm>> -> memref<1015808x32xf32, #tpu.memory_space<hbm>>
      %dma_wait3A_720 = tpu.memref_slice %arg14[%dma_wait3A_709] : memref<6x!tpu.dma_semaphore, #tpu.memory_space<semaphore_mem>> -> memref<1x!tpu.dma_semaphore, #tpu.memory_space<semaphore_mem>>
      %dma_wait3A_721 = tpu.memref_squeeze %dma_wait3A_720 : memref<1x!tpu.dma_semaphore, #tpu.memory_space<semaphore_mem>> -> memref<!tpu.dma_semaphore, #tpu.memory_space<semaphore_mem>>
      tpu.wait_indirect_dma semaphore(%dma_wait3A_721 : memref<!tpu.dma_semaphore, #tpu.memory_space<semaphore_mem>>) src(%dma_wait3A_719 : memref<1015808x32xf32, #tpu.memory_space<hbm>>) dst(%dma_wait3A_713 : memref<72x32xf32, #tpu.memory_space<vmem>>)
      %scan3A_722 = arith.constant 0 : i32
      %scan3A_723 = arith.constant 200 : i32
      %scan3A_724 = arith.addi %scan3A_722, %scan3A_723 : i32
      %scan3A_725 = arith.constant 8 : i32
      %scan3A_726:4 = scf.for %scan3A_808 = %scan3A_722 to %scan3A_724 step %scan3A_725 iter_args(%scan3A_809 = %broadcast_in_dim3A_334, %scan3A_810 = %broadcast_in_dim3A_334, %scan3A_811 = %broadcast_in_dim3A_334, %scan3A_812 = %broadcast_in_dim3A_334) -> (vector<16xf32>, vector<16xf32>, vector<16xf32>, vector<16xf32>)  : i32 {
        %get3A_813 = arith.constant 4 : i32
        %get3A_814 = arith.index_cast %get3A_813 : i32 to index
        %get3A_815 = arith.index_cast %scan3A_808 : i32 to index
        %get3A_816 = arith.constant 0 : index
        %get3A_817 = tpu.vector_load %arg9[%get3A_814, %get3A_815, %get3A_816] {strides = array<i32>} : memref<6x200x32xf32, #tpu.memory_space<vmem>>, vector<16xf32>,
        %get3A_818 = arith.constant 4 : i32
        %get3A_819 = arith.index_cast %get3A_818 : i32 to index
        %get3A_820 = arith.index_cast %scan3A_808 : i32 to index
        %get3A_821 = arith.constant 16 : index
        %get3A_822 = tpu.vector_load %arg9[%get3A_819, %get3A_820, %get3A_821] {strides = array<i32>} : memref<6x200x32xf32, #tpu.memory_space<vmem>>, vector<16xf32>,
        %bitcast3A = vector.bitcast %get3A_817 : vector<16xf32> to vector<32xbf16>
        %unpack3A = tpu.unpack_subelements %bitcast3A, 0 {pack_format = #tpu.pack_format<interleaved>} : vector<32xbf16> -> vector<16xf32>
        %unpack3A_823 = tpu.unpack_subelements %bitcast3A, 1 {pack_format = #tpu.pack_format<interleaved>} : vector<32xbf16> -> vector<16xf32>
        %bitcast3A_824 = vector.bitcast %get3A_822 : vector<16xf32> to vector<32xbf16>
        %unpack3A_825 = tpu.unpack_subelements %bitcast3A_824, 0 {pack_format = #tpu.pack_format<interleaved>} : vector<32xbf16> -> vector<16xf32>
        %unpack3A_826 = tpu.unpack_subelements %bitcast3A_824, 1 {pack_format = #tpu.pack_format<interleaved>} : vector<32xbf16> -> vector<16xf32>
        %add3A_827 = arith.addf %scan3A_809, %unpack3A : vector<16xf32>
        %add3A_828 = arith.addf %scan3A_810, %unpack3A_823 : vector<16xf32>
        %add3A_829 = arith.addf %scan3A_811, %unpack3A_825 : vector<16xf32>
        %add3A_830 = arith.addf %scan3A_812, %unpack3A_826 : vector<16xf32>
        %scan3A_831 = arith.constant 1 : i32
        %scan3A_832 = arith.addi %scan3A_808, %scan3A_831 : i32
        %get3A_833 = arith.constant 4 : i32
        %get3A_834 = arith.index_cast %get3A_833 : i32 to index
        %get3A_835 = arith.index_cast %scan3A_832 : i32 to index
        %get3A_836 = arith.constant 0 : index
        %get3A_837 = tpu.vector_load %arg9[%get3A_834, %get3A_835, %get3A_836] {strides = array<i32>} : memref<6x200x32xf32, #tpu.memory_space<vmem>>, vector<16xf32>,
        %get3A_838 = arith.constant 4 : i32
        %get3A_839 = arith.index_cast %get3A_838 : i32 to index
        %get3A_840 = arith.index_cast %scan3A_832 : i32 to index
        %get3A_841 = arith.constant 16 : index
        %get3A_842 = tpu.vector_load %arg9[%get3A_839, %get3A_840, %get3A_841] {strides = array<i32>} : memref<6x200x32xf32, #tpu.memory_space<vmem>>, vector<16xf32>,
        %bitcast3A_843 = vector.bitcast %get3A_837 : vector<16xf32> to vector<32xbf16>
        %unpack3A_844 = tpu.unpack_subelements %bitcast3A_843, 0 {pack_format = #tpu.pack_format<interleaved>} : vector<32xbf16> -> vector<16xf32>
        %unpack3A_845 = tpu.unpack_subelements %bitcast3A_843, 1 {pack_format = #tpu.pack_format<interleaved>} : vector<32xbf16> -> vector<16xf32>
        %bitcast3A_846 = vector.bitcast %get3A_842 : vector<16xf32> to vector<32xbf16>
        %unpack3A_847 = tpu.unpack_subelements %bitcast3A_846, 0 {pack_format = #tpu.pack_format<interleaved>} : vector<32xbf16> -> vector<16xf32>
        %unpack3A_848 = tpu.unpack_subelements %bitcast3A_846, 1 {pack_format = #tpu.pack_format<interleaved>} : vector<32xbf16> -> vector<16xf32>
        %add3A_849 = arith.addf %add3A_827, %unpack3A_844 : vector<16xf32>
        %add3A_850 = arith.addf %add3A_828, %unpack3A_845 : vector<16xf32>
        %add3A_851 = arith.addf %add3A_829, %unpack3A_847 : vector<16xf32>
        %add3A_852 = arith.addf %add3A_830, %unpack3A_848 : vector<16xf32>
        %scan3A_853 = arith.constant 2 : i32
        %scan3A_854 = arith.addi %scan3A_808, %scan3A_853 : i32
        %get3A_855 = arith.constant 4 : i32
        %get3A_856 = arith.index_cast %get3A_855 : i32 to index
        %get3A_857 = arith.index_cast %scan3A_854 : i32 to index
        %get3A_858 = arith.constant 0 : index
        %get3A_859 = tpu.vector_load %arg9[%get3A_856, %get3A_857, %get3A_858] {strides = array<i32>} : memref<6x200x32xf32, #tpu.memory_space<vmem>>, vector<16xf32>,
        %get3A_860 = arith.constant 4 : i32
        %get3A_861 = arith.index_cast %get3A_860 : i32 to index
        %get3A_862 = arith.index_cast %scan3A_854 : i32 to index
        %get3A_863 = arith.constant 16 : index
        %get3A_864 = tpu.vector_load %arg9[%get3A_861, %get3A_862, %get3A_863] {strides = array<i32>} : memref<6x200x32xf32, #tpu.memory_space<vmem>>, vector<16xf32>,
        %bitcast3A_865 = vector.bitcast %get3A_859 : vector<16xf32> to vector<32xbf16>
        %unpack3A_866 = tpu.unpack_subelements %bitcast3A_865, 0 {pack_format = #tpu.pack_format<interleaved>} : vector<32xbf16> -> vector<16xf32>
        %unpack3A_867 = tpu.unpack_subelements %bitcast3A_865, 1 {pack_format = #tpu.pack_format<interleaved>} : vector<32xbf16> -> vector<16xf32>
        %bitcast3A_868 = vector.bitcast %get3A_864 : vector<16xf32> to vector<32xbf16>
        %unpack3A_869 = tpu.unpack_subelements %bitcast3A_868, 0 {pack_format = #tpu.pack_format<interleaved>} : vector<32xbf16> -> vector<16xf32>
        %unpack3A_870 = tpu.unpack_subelements %bitcast3A_868, 1 {pack_format = #tpu.pack_format<interleaved>} : vector<32xbf16> -> vector<16xf32>
        %add3A_871 = arith.addf %add3A_849, %unpack3A_866 : vector<16xf32>
        %add3A_872 = arith.addf %add3A_850, %unpack3A_867 : vector<16xf32>
        %add3A_873 = arith.addf %add3A_851, %unpack3A_869 : vector<16xf32>
        %add3A_874 = arith.addf %add3A_852, %unpack3A_870 : vector<16xf32>
        %scan3A_875 = arith.constant 3 : i32
        %scan3A_876 = arith.addi %scan3A_808, %scan3A_875 : i32
        %get3A_877 = arith.constant 4 : i32
        %get3A_878 = arith.index_cast %get3A_877 : i32 to index
        %get3A_879 = arith.index_cast %scan3A_876 : i32 to index
        %get3A_880 = arith.constant 0 : index
        %get3A_881 = tpu.vector_load %arg9[%get3A_878, %get3A_879, %get3A_880] {strides = array<i32>} : memref<6x200x32xf32, #tpu.memory_space<vmem>>, vector<16xf32>,
        %get3A_882 = arith.constant 4 : i32
        %get3A_883 = arith.index_cast %get3A_882 : i32 to index
        %get3A_884 = arith.index_cast %scan3A_876 : i32 to index
        %get3A_885 = arith.constant 16 : index
        %get3A_886 = tpu.vector_load %arg9[%get3A_883, %get3A_884, %get3A_885] {strides = array<i32>} : memref<6x200x32xf32, #tpu.memory_space<vmem>>, vector<16xf32>,
        %bitcast3A_887 = vector.bitcast %get3A_881 : vector<16xf32> to vector<32xbf16>
        %unpack3A_888 = tpu.unpack_subelements %bitcast3A_887, 0 {pack_format = #tpu.pack_format<interleaved>} : vector<32xbf16> -> vector<16xf32>
        %unpack3A_889 = tpu.unpack_subelements %bitcast3A_887, 1 {pack_format = #tpu.pack_format<interleaved>} : vector<32xbf16> -> vector<16xf32>
        %bitcast3A_890 = vector.bitcast %get3A_886 : vector<16xf32> to vector<32xbf16>
        %unpack3A_891 = tpu.unpack_subelements %bitcast3A_890, 0 {pack_format = #tpu.pack_format<interleaved>} : vector<32xbf16> -> vector<16xf32>
        %unpack3A_892 = tpu.unpack_subelements %bitcast3A_890, 1 {pack_format = #tpu.pack_format<interleaved>} : vector<32xbf16> -> vector<16xf32>
        %add3A_893 = arith.addf %add3A_871, %unpack3A_888 : vector<16xf32>
        %add3A_894 = arith.addf %add3A_872, %unpack3A_889 : vector<16xf32>
        %add3A_895 = arith.addf %add3A_873, %unpack3A_891 : vector<16xf32>
        %add3A_896 = arith.addf %add3A_874, %unpack3A_892 : vector<16xf32>
        %scan3A_897 = arith.constant 4 : i32
        %scan3A_898 = arith.addi %scan3A_808, %scan3A_897 : i32
        %get3A_899 = arith.constant 4 : i32
        %get3A_900 = arith.index_cast %get3A_899 : i32 to index
        %get3A_901 = arith.index_cast %scan3A_898 : i32 to index
        %get3A_902 = arith.constant 0 : index
        %get3A_903 = tpu.vector_load %arg9[%get3A_900, %get3A_901, %get3A_902] {strides = array<i32>} : memref<6x200x32xf32, #tpu.memory_space<vmem>>, vector<16xf32>,
        %get3A_904 = arith.constant 4 : i32
        %get3A_905 = arith.index_cast %get3A_904 : i32 to index
        %get3A_906 = arith.index_cast %scan3A_898 : i32 to index
        %get3A_907 = arith.constant 16 : index
        %get3A_908 = tpu.vector_load %arg9[%get3A_905, %get3A_906, %get3A_907] {strides = array<i32>} : memref<6x200x32xf32, #tpu.memory_space<vmem>>, vector<16xf32>,
        %bitcast3A_909 = vector.bitcast %get3A_903 : vector<16xf32> to vector<32xbf16>
        %unpack3A_910 = tpu.unpack_subelements %bitcast3A_909, 0 {pack_format = #tpu.pack_format<interleaved>} : vector<32xbf16> -> vector<16xf32>
        %unpack3A_911 = tpu.unpack_subelements %bitcast3A_909, 1 {pack_format = #tpu.pack_format<interleaved>} : vector<32xbf16> -> vector<16xf32>
        %bitcast3A_912 = vector.bitcast %get3A_908 : vector<16xf32> to vector<32xbf16>
        %unpack3A_913 = tpu.unpack_subelements %bitcast3A_912, 0 {pack_format = #tpu.pack_format<interleaved>} : vector<32xbf16> -> vector<16xf32>
        %unpack3A_914 = tpu.unpack_subelements %bitcast3A_912, 1 {pack_format = #tpu.pack_format<interleaved>} : vector<32xbf16> -> vector<16xf32>
        %add3A_915 = arith.addf %add3A_893, %unpack3A_910 : vector<16xf32>
        %add3A_916 = arith.addf %add3A_894, %unpack3A_911 : vector<16xf32>
        %add3A_917 = arith.addf %add3A_895, %unpack3A_913 : vector<16xf32>
        %add3A_918 = arith.addf %add3A_896, %unpack3A_914 : vector<16xf32>
        %scan3A_919 = arith.constant 5 : i32
        %scan3A_920 = arith.addi %scan3A_808, %scan3A_919 : i32
        %get3A_921 = arith.constant 4 : i32
        %get3A_922 = arith.index_cast %get3A_921 : i32 to index
        %get3A_923 = arith.index_cast %scan3A_920 : i32 to index
        %get3A_924 = arith.constant 0 : index
        %get3A_925 = tpu.vector_load %arg9[%get3A_922, %get3A_923, %get3A_924] {strides = array<i32>} : memref<6x200x32xf32, #tpu.memory_space<vmem>>, vector<16xf32>,
        %get3A_926 = arith.constant 4 : i32
        %get3A_927 = arith.index_cast %get3A_926 : i32 to index
        %get3A_928 = arith.index_cast %scan3A_920 : i32 to index
        %get3A_929 = arith.constant 16 : index
        %get3A_930 = tpu.vector_load %arg9[%get3A_927, %get3A_928, %get3A_929] {strides = array<i32>} : memref<6x200x32xf32, #tpu.memory_space<vmem>>, vector<16xf32>,
        %bitcast3A_931 = vector.bitcast %get3A_925 : vector<16xf32> to vector<32xbf16>
        %unpack3A_932 = tpu.unpack_subelements %bitcast3A_931, 0 {pack_format = #tpu.pack_format<interleaved>} : vector<32xbf16> -> vector<16xf32>
        %unpack3A_933 = tpu.unpack_subelements %bitcast3A_931, 1 {pack_format = #tpu.pack_format<interleaved>} : vector<32xbf16> -> vector<16xf32>
        %bitcast3A_934 = vector.bitcast %get3A_930 : vector<16xf32> to vector<32xbf16>
        %unpack3A_935 = tpu.unpack_subelements %bitcast3A_934, 0 {pack_format = #tpu.pack_format<interleaved>} : vector<32xbf16> -> vector<16xf32>
        %unpack3A_936 = tpu.unpack_subelements %bitcast3A_934, 1 {pack_format = #tpu.pack_format<interleaved>} : vector<32xbf16> -> vector<16xf32>
        %add3A_937 = arith.addf %add3A_915, %unpack3A_932 : vector<16xf32>
        %add3A_938 = arith.addf %add3A_916, %unpack3A_933 : vector<16xf32>
        %add3A_939 = arith.addf %add3A_917, %unpack3A_935 : vector<16xf32>
        %add3A_940 = arith.addf %add3A_918, %unpack3A_936 : vector<16xf32>
        %scan3A_941 = arith.constant 6 : i32
        %scan3A_942 = arith.addi %scan3A_808, %scan3A_941 : i32
        %get3A_943 = arith.constant 4 : i32
        %get3A_944 = arith.index_cast %get3A_943 : i32 to index
        %get3A_945 = arith.index_cast %scan3A_942 : i32 to index
        %get3A_946 = arith.constant 0 : index
        %get3A_947 = tpu.vector_load %arg9[%get3A_944, %get3A_945, %get3A_946] {strides = array<i32>} : memref<6x200x32xf32, #tpu.memory_space<vmem>>, vector<16xf32>,
        %get3A_948 = arith.constant 4 : i32
        %get3A_949 = arith.index_cast %get3A_948 : i32 to index
        %get3A_950 = arith.index_cast %scan3A_942 : i32 to index
        %get3A_951 = arith.constant 16 : index
        %get3A_952 = tpu.vector_load %arg9[%get3A_949, %get3A_950, %get3A_951] {strides = array<i32>} : memref<6x200x32xf32, #tpu.memory_space<vmem>>, vector<16xf32>,
        %bitcast3A_953 = vector.bitcast %get3A_947 : vector<16xf32> to vector<32xbf16>
        %unpack3A_954 = tpu.unpack_subelements %bitcast3A_953, 0 {pack_format = #tpu.pack_format<interleaved>} : vector<32xbf16> -> vector<16xf32>
        %unpack3A_955 = tpu.unpack_subelements %bitcast3A_953, 1 {pack_format = #tpu.pack_format<interleaved>} : vector<32xbf16> -> vector<16xf32>
        %bitcast3A_956 = vector.bitcast %get3A_952 : vector<16xf32> to vector<32xbf16>
        %unpack3A_957 = tpu.unpack_subelements %bitcast3A_956, 0 {pack_format = #tpu.pack_format<interleaved>} : vector<32xbf16> -> vector<16xf32>
        %unpack3A_958 = tpu.unpack_subelements %bitcast3A_956, 1 {pack_format = #tpu.pack_format<interleaved>} : vector<32xbf16> -> vector<16xf32>
        %add3A_959 = arith.addf %add3A_937, %unpack3A_954 : vector<16xf32>
        %add3A_960 = arith.addf %add3A_938, %unpack3A_955 : vector<16xf32>
        %add3A_961 = arith.addf %add3A_939, %unpack3A_957 : vector<16xf32>
        %add3A_962 = arith.addf %add3A_940, %unpack3A_958 : vector<16xf32>
        %scan3A_963 = arith.constant 7 : i32
        %scan3A_964 = arith.addi %scan3A_808, %scan3A_963 : i32
        %get3A_965 = arith.constant 4 : i32
        %get3A_966 = arith.index_cast %get3A_965 : i32 to index
        %get3A_967 = arith.index_cast %scan3A_964 : i32 to index
        %get3A_968 = arith.constant 0 : index
        %get3A_969 = tpu.vector_load %arg9[%get3A_966, %get3A_967, %get3A_968] {strides = array<i32>} : memref<6x200x32xf32, #tpu.memory_space<vmem>>, vector<16xf32>,
        %get3A_970 = arith.constant 4 : i32
        %get3A_971 = arith.index_cast %get3A_970 : i32 to index
        %get3A_972 = arith.index_cast %scan3A_964 : i32 to index
        %get3A_973 = arith.constant 16 : index
        %get3A_974 = tpu.vector_load %arg9[%get3A_971, %get3A_972, %get3A_973] {strides = array<i32>} : memref<6x200x32xf32, #tpu.memory_space<vmem>>, vector<16xf32>,
        %bitcast3A_975 = vector.bitcast %get3A_969 : vector<16xf32> to vector<32xbf16>
        %unpack3A_976 = tpu.unpack_subelements %bitcast3A_975, 0 {pack_format = #tpu.pack_format<interleaved>} : vector<32xbf16> -> vector<16xf32>
        %unpack3A_977 = tpu.unpack_subelements %bitcast3A_975, 1 {pack_format = #tpu.pack_format<interleaved>} : vector<32xbf16> -> vector<16xf32>
        %bitcast3A_978 = vector.bitcast %get3A_974 : vector<16xf32> to vector<32xbf16>
        %unpack3A_979 = tpu.unpack_subelements %bitcast3A_978, 0 {pack_format = #tpu.pack_format<interleaved>} : vector<32xbf16> -> vector<16xf32>
        %unpack3A_980 = tpu.unpack_subelements %bitcast3A_978, 1 {pack_format = #tpu.pack_format<interleaved>} : vector<32xbf16> -> vector<16xf32>
        %add3A_981 = arith.addf %add3A_959, %unpack3A_976 : vector<16xf32>
        %add3A_982 = arith.addf %add3A_960, %unpack3A_977 : vector<16xf32>
        %add3A_983 = arith.addf %add3A_961, %unpack3A_979 : vector<16xf32>
        %add3A_984 = arith.addf %add3A_962, %unpack3A_980 : vector<16xf32>
        scf.yield %add3A_981, %add3A_982, %add3A_983, %add3A_984 : vector<16xf32>, vector<16xf32>, vector<16xf32>, vector<16xf32>
      }
      %scan3A_727 = arith.constant 200 : i32
      %add3A_728 = arith.constant 6 : i32
      %add3A_729 = arith.addi %add3A_693, %add3A_728 : i32
      %sub3A_730 = arith.constant 1 : i32
      %sub3A_731 = arith.subi %add3A_729, %sub3A_730 : i32
      %lt3A_732 = arith.constant 128 : i32
      %lt3A_733 = arith.cmpi slt, %sub3A_731, %lt3A_732 : i32
      %convert_element_type3A_734 = arith.extui %lt3A_733 : i1 to i32
      %cond3A_735 = arith.constant 0 : i32
      %cond3A_736 = arith.cmpi ne, %convert_element_type3A_734, %cond3A_735 : i32
      scf.if %cond3A_736 {
        %add3A_808 = arith.constant 6 : i32
        %add3A_809 = arith.addi %add3A_693, %add3A_808 : i32
        %sub3A_810 = arith.constant 1 : i32
        %sub3A_811 = arith.subi %add3A_809, %sub3A_810 : i32
        %dma_start3A_812 = arith.constant 3 : i32
        %dma_start3A_813 = arith.constant 3 : i32
        %dma_start3A_814 = arith.constant 0 : i32
        %dma_start3A_815 = arith.constant 0 : i32
        %dma_start3A_816 = tpu.memref_slice %arg9[%dma_start3A_812, %dma_start3A_814, %dma_start3A_815] : memref<6x200x32xf32, #tpu.memory_space<vmem>> -> memref<1x128x32xf32, #tpu.memory_space<vmem>>
        %dma_start3A_817 = tpu.memref_squeeze %dma_start3A_816 : memref<1x128x32xf32, #tpu.memory_space<vmem>> -> memref<128x32xf32, #tpu.memory_space<vmem>>
        %dma_start3A_818 = arith.constant 0 : i32
        %dma_start3A_819 = tpu.memref_slice %arg7[%sub3A_811, %dma_start3A_818] : memref<128x128xi32, #tpu.memory_space<vmem>> -> memref<1x128xi32, #tpu.memory_space<vmem>>
        %dma_start3A_820 = tpu.memref_squeeze %dma_start3A_819 : memref<1x128xi32, #tpu.memory_space<vmem>> -> memref<128xi32, #tpu.memory_space<vmem>>
        %dma_start3A_821 = arith.constant 0 : i32
        %dma_start3A_822 = arith.constant 0 : i32
        %dma_start3A_823 = tpu.memref_slice %arg2[%dma_start3A_821, %dma_start3A_822] : memref<1015808x32xf32, #tpu.memory_space<hbm>> -> memref<1015808x32xf32, #tpu.memory_space<hbm>>
        %dma_start3A_824 = tpu.memref_slice %arg14[%dma_start3A_813] : memref<6x!tpu.dma_semaphore, #tpu.memory_space<semaphore_mem>> -> memref<1x!tpu.dma_semaphore, #tpu.memory_space<semaphore_mem>>
        %dma_start3A_825 = tpu.memref_squeeze %dma_start3A_824 : memref<1x!tpu.dma_semaphore, #tpu.memory_space<semaphore_mem>> -> memref<!tpu.dma_semaphore, #tpu.memory_space<semaphore_mem>>
        tpu.enqueue_indirect_dma source(%dma_start3A_823 : memref<1015808x32xf32, #tpu.memory_space<hbm>>) target(%dma_start3A_817 : memref<128x32xf32, #tpu.memory_space<vmem>>) offsets(%dma_start3A_820 : memref<128xi32, #tpu.memory_space<vmem>>) semaphore(%dma_start3A_825 : memref<!tpu.dma_semaphore, #tpu.memory_space<semaphore_mem>>)
        %dma_start3A_826 = arith.constant 3 : i32
        %dma_start3A_827 = arith.constant 3 : i32
        %dma_start3A_828 = arith.constant 128 : i32
        %dma_start3A_829 = arith.constant 0 : i32
        %dma_start3A_830 = tpu.memref_slice %arg9[%dma_start3A_826, %dma_start3A_828, %dma_start3A_829] : memref<6x200x32xf32, #tpu.memory_space<vmem>> -> memref<1x72x32xf32, #tpu.memory_space<vmem>>
        %dma_start3A_831 = tpu.memref_squeeze %dma_start3A_830 : memref<1x72x32xf32, #tpu.memory_space<vmem>> -> memref<72x32xf32, #tpu.memory_space<vmem>>
        %dma_start3A_832 = arith.constant 0 : i32
        %dma_start3A_833 = tpu.memref_slice %arg8[%sub3A_811, %dma_start3A_832] : memref<128x128xi32, #tpu.memory_space<vmem>> -> memref<1x72xi32, #tpu.memory_space<vmem>>
        %dma_start3A_834 = tpu.memref_squeeze %dma_start3A_833 : memref<1x72xi32, #tpu.memory_space<vmem>> -> memref<72xi32, #tpu.memory_space<vmem>>
        %dma_start3A_835 = arith.constant 0 : i32
        %dma_start3A_836 = arith.constant 0 : i32
        %dma_start3A_837 = tpu.memref_slice %arg2[%dma_start3A_835, %dma_start3A_836] : memref<1015808x32xf32, #tpu.memory_space<hbm>> -> memref<1015808x32xf32, #tpu.memory_space<hbm>>
        %dma_start3A_838 = tpu.memref_slice %arg14[%dma_start3A_827] : memref<6x!tpu.dma_semaphore, #tpu.memory_space<semaphore_mem>> -> memref<1x!tpu.dma_semaphore, #tpu.memory_space<semaphore_mem>>
        %dma_start3A_839 = tpu.memref_squeeze %dma_start3A_838 : memref<1x!tpu.dma_semaphore, #tpu.memory_space<semaphore_mem>> -> memref<!tpu.dma_semaphore, #tpu.memory_space<semaphore_mem>>
        tpu.enqueue_indirect_dma source(%dma_start3A_837 : memref<1015808x32xf32, #tpu.memory_space<hbm>>) target(%dma_start3A_831 : memref<72x32xf32, #tpu.memory_space<vmem>>) offsets(%dma_start3A_834 : memref<72xi32, #tpu.memory_space<vmem>>) semaphore(%dma_start3A_839 : memref<!tpu.dma_semaphore, #tpu.memory_space<semaphore_mem>>)
      } else {
      }
      %swap3A_737 = arith.index_cast %add3A_693 : i32 to index
      %swap3A_738 = arith.constant 0 : index
      %swap3A_739 = tpu.vector_load %arg10[%swap3A_737, %swap3A_738] {strides = array<i32>} : memref<128x64xf32, #tpu.memory_space<vmem>>, vector<16xf32>,
      tpu.vector_store %arg10[%swap3A_737, %swap3A_738], %scan3A_726#0 {strides = array<i32>} : memref<128x64xf32, #tpu.memory_space<vmem>>, vector<16xf32>,
      %swap3A_740 = arith.index_cast %add3A_693 : i32 to index
      %swap3A_741 = arith.constant 16 : index
      %swap3A_742 = tpu.vector_load %arg10[%swap3A_740, %swap3A_741] {strides = array<i32>} : memref<128x64xf32, #tpu.memory_space<vmem>>, vector<16xf32>,
      tpu.vector_store %arg10[%swap3A_740, %swap3A_741], %scan3A_726#1 {strides = array<i32>} : memref<128x64xf32, #tpu.memory_space<vmem>>, vector<16xf32>,
      %swap3A_743 = arith.index_cast %add3A_693 : i32 to index
      %swap3A_744 = arith.constant 32 : index
      %swap3A_745 = tpu.vector_load %arg10[%swap3A_743, %swap3A_744] {strides = array<i32>} : memref<128x64xf32, #tpu.memory_space<vmem>>, vector<16xf32>,
      tpu.vector_store %arg10[%swap3A_743, %swap3A_744], %scan3A_726#2 {strides = array<i32>} : memref<128x64xf32, #tpu.memory_space<vmem>>, vector<16xf32>,
      %swap3A_746 = arith.index_cast %add3A_693 : i32 to index
      %swap3A_747 = arith.constant 48 : index
      %swap3A_748 = tpu.vector_load %arg10[%swap3A_746, %swap3A_747] {strides = array<i32>} : memref<128x64xf32, #tpu.memory_space<vmem>>, vector<16xf32>,
      tpu.vector_store %arg10[%swap3A_746, %swap3A_747], %scan3A_726#3 {strides = array<i32>} : memref<128x64xf32, #tpu.memory_space<vmem>>, vector<16xf32>,
      %mul3A_749 = arith.constant 6 : i32
      %mul3A_750 = arith.muli %scan3A_457, %mul3A_749 : i32
      %add3A_751 = arith.constant 5 : i32
      %add3A_752 = arith.addi %mul3A_750, %add3A_751 : i32
      %dma_wait3A_753 = arith.constant 5 : i32
      %dma_wait3A_754 = arith.constant 5 : i32
      %dma_wait3A_755 = arith.constant 0 : i32
      %dma_wait3A_756 = arith.constant 0 : i32
      %dma_wait3A_757 = tpu.memref_slice %arg9[%dma_wait3A_753, %dma_wait3A_755, %dma_wait3A_756] : memref<6x200x32xf32, #tpu.memory_space<vmem>> -> memref<1x128x32xf32, #tpu.memory_space<vmem>>
      %dma_wait3A_758 = tpu.memref_squeeze %dma_wait3A_757 : memref<1x128x32xf32, #tpu.memory_space<vmem>> -> memref<128x32xf32, #tpu.memory_space<vmem>>
      %dma_wait3A_759 = arith.constant 0 : i32
      %dma_wait3A_760 = tpu.memref_slice %arg7[%add3A_752, %dma_wait3A_759] : memref<128x128xi32, #tpu.memory_space<vmem>> -> memref<1x128xi32, #tpu.memory_space<vmem>>
      %dma_wait3A_761 = tpu.memref_squeeze %dma_wait3A_760 : memref<1x128xi32, #tpu.memory_space<vmem>> -> memref<128xi32, #tpu.memory_space<vmem>>
      %dma_wait3A_762 = arith.constant 0 : i32
      %dma_wait3A_763 = arith.constant 0 : i32
      %dma_wait3A_764 = tpu.memref_slice %arg2[%dma_wait3A_762, %dma_wait3A_763] : memref<1015808x32xf32, #tpu.memory_space<hbm>> -> memref<1015808x32xf32, #tpu.memory_space<hbm>>
      %dma_wait3A_765 = tpu.memref_slice %arg14[%dma_wait3A_754] : memref<6x!tpu.dma_semaphore, #tpu.memory_space<semaphore_mem>> -> memref<1x!tpu.dma_semaphore, #tpu.memory_space<semaphore_mem>>
      %dma_wait3A_766 = tpu.memref_squeeze %dma_wait3A_765 : memref<1x!tpu.dma_semaphore, #tpu.memory_space<semaphore_mem>> -> memref<!tpu.dma_semaphore, #tpu.memory_space<semaphore_mem>>
      tpu.wait_indirect_dma semaphore(%dma_wait3A_766 : memref<!tpu.dma_semaphore, #tpu.memory_space<semaphore_mem>>) src(%dma_wait3A_764 : memref<1015808x32xf32, #tpu.memory_space<hbm>>) dst(%dma_wait3A_758 : memref<128x32xf32, #tpu.memory_space<vmem>>)
      %dma_wait3A_767 = arith.constant 5 : i32
      %dma_wait3A_768 = arith.constant 5 : i32
      %dma_wait3A_769 = arith.constant 128 : i32
      %dma_wait3A_770 = arith.constant 0 : i32
      %dma_wait3A_771 = tpu.memref_slice %arg9[%dma_wait3A_767, %dma_wait3A_769, %dma_wait3A_770] : memref<6x200x32xf32, #tpu.memory_space<vmem>> -> memref<1x72x32xf32, #tpu.memory_space<vmem>>
      %dma_wait3A_772 = tpu.memref_squeeze %dma_wait3A_771 : memref<1x72x32xf32, #tpu.memory_space<vmem>> -> memref<72x32xf32, #tpu.memory_space<vmem>>
      %dma_wait3A_773 = arith.constant 0 : i32
      %dma_wait3A_774 = tpu.memref_slice %arg8[%add3A_752, %dma_wait3A_773] : memref<128x128xi32, #tpu.memory_space<vmem>> -> memref<1x72xi32, #tpu.memory_space<vmem>>
      %dma_wait3A_775 = tpu.memref_squeeze %dma_wait3A_774 : memref<1x72xi32, #tpu.memory_space<vmem>> -> memref<72xi32, #tpu.memory_space<vmem>>
      %dma_wait3A_776 = arith.constant 0 : i32
      %dma_wait3A_777 = arith.constant 0 : i32
      %dma_wait3A_778 = tpu.memref_slice %arg2[%dma_wait3A_776, %dma_wait3A_777] : memref<1015808x32xf32, #tpu.memory_space<hbm>> -> memref<1015808x32xf32, #tpu.memory_space<hbm>>
      %dma_wait3A_779 = tpu.memref_slice %arg14[%dma_wait3A_768] : memref<6x!tpu.dma_semaphore, #tpu.memory_space<semaphore_mem>> -> memref<1x!tpu.dma_semaphore, #tpu.memory_space<semaphore_mem>>
      %dma_wait3A_780 = tpu.memref_squeeze %dma_wait3A_779 : memref<1x!tpu.dma_semaphore, #tpu.memory_space<semaphore_mem>> -> memref<!tpu.dma_semaphore, #tpu.memory_space<semaphore_mem>>
      tpu.wait_indirect_dma semaphore(%dma_wait3A_780 : memref<!tpu.dma_semaphore, #tpu.memory_space<semaphore_mem>>) src(%dma_wait3A_778 : memref<1015808x32xf32, #tpu.memory_space<hbm>>) dst(%dma_wait3A_772 : memref<72x32xf32, #tpu.memory_space<vmem>>)
      %scan3A_781 = arith.constant 0 : i32
      %scan3A_782 = arith.constant 200 : i32
      %scan3A_783 = arith.addi %scan3A_781, %scan3A_782 : i32
      %scan3A_784 = arith.constant 8 : i32
      %scan3A_785:4 = scf.for %scan3A_808 = %scan3A_781 to %scan3A_783 step %scan3A_784 iter_args(%scan3A_809 = %broadcast_in_dim3A_334, %scan3A_810 = %broadcast_in_dim3A_334, %scan3A_811 = %broadcast_in_dim3A_334, %scan3A_812 = %broadcast_in_dim3A_334) -> (vector<16xf32>, vector<16xf32>, vector<16xf32>, vector<16xf32>)  : i32 {
        %get3A_813 = arith.constant 5 : i32
        %get3A_814 = arith.index_cast %get3A_813 : i32 to index
        %get3A_815 = arith.index_cast %scan3A_808 : i32 to index
        %get3A_816 = arith.constant 0 : index
        %get3A_817 = tpu.vector_load %arg9[%get3A_814, %get3A_815, %get3A_816] {strides = array<i32>} : memref<6x200x32xf32, #tpu.memory_space<vmem>>, vector<16xf32>,
        %get3A_818 = arith.constant 5 : i32
        %get3A_819 = arith.index_cast %get3A_818 : i32 to index
        %get3A_820 = arith.index_cast %scan3A_808 : i32 to index
        %get3A_821 = arith.constant 16 : index
        %get3A_822 = tpu.vector_load %arg9[%get3A_819, %get3A_820, %get3A_821] {strides = array<i32>} : memref<6x200x32xf32, #tpu.memory_space<vmem>>, vector<16xf32>,
        %bitcast3A = vector.bitcast %get3A_817 : vector<16xf32> to vector<32xbf16>
        %unpack3A = tpu.unpack_subelements %bitcast3A, 0 {pack_format = #tpu.pack_format<interleaved>} : vector<32xbf16> -> vector<16xf32>
        %unpack3A_823 = tpu.unpack_subelements %bitcast3A, 1 {pack_format = #tpu.pack_format<interleaved>} : vector<32xbf16> -> vector<16xf32>
        %bitcast3A_824 = vector.bitcast %get3A_822 : vector<16xf32> to vector<32xbf16>
        %unpack3A_825 = tpu.unpack_subelements %bitcast3A_824, 0 {pack_format = #tpu.pack_format<interleaved>} : vector<32xbf16> -> vector<16xf32>
        %unpack3A_826 = tpu.unpack_subelements %bitcast3A_824, 1 {pack_format = #tpu.pack_format<interleaved>} : vector<32xbf16> -> vector<16xf32>
        %add3A_827 = arith.addf %scan3A_809, %unpack3A : vector<16xf32>
        %add3A_828 = arith.addf %scan3A_810, %unpack3A_823 : vector<16xf32>
        %add3A_829 = arith.addf %scan3A_811, %unpack3A_825 : vector<16xf32>
        %add3A_830 = arith.addf %scan3A_812, %unpack3A_826 : vector<16xf32>
        %scan3A_831 = arith.constant 1 : i32
        %scan3A_832 = arith.addi %scan3A_808, %scan3A_831 : i32
        %get3A_833 = arith.constant 5 : i32
        %get3A_834 = arith.index_cast %get3A_833 : i32 to index
        %get3A_835 = arith.index_cast %scan3A_832 : i32 to index
        %get3A_836 = arith.constant 0 : index
        %get3A_837 = tpu.vector_load %arg9[%get3A_834, %get3A_835, %get3A_836] {strides = array<i32>} : memref<6x200x32xf32, #tpu.memory_space<vmem>>, vector<16xf32>,
        %get3A_838 = arith.constant 5 : i32
        %get3A_839 = arith.index_cast %get3A_838 : i32 to index
        %get3A_840 = arith.index_cast %scan3A_832 : i32 to index
        %get3A_841 = arith.constant 16 : index
        %get3A_842 = tpu.vector_load %arg9[%get3A_839, %get3A_840, %get3A_841] {strides = array<i32>} : memref<6x200x32xf32, #tpu.memory_space<vmem>>, vector<16xf32>,
        %bitcast3A_843 = vector.bitcast %get3A_837 : vector<16xf32> to vector<32xbf16>
        %unpack3A_844 = tpu.unpack_subelements %bitcast3A_843, 0 {pack_format = #tpu.pack_format<interleaved>} : vector<32xbf16> -> vector<16xf32>
        %unpack3A_845 = tpu.unpack_subelements %bitcast3A_843, 1 {pack_format = #tpu.pack_format<interleaved>} : vector<32xbf16> -> vector<16xf32>
        %bitcast3A_846 = vector.bitcast %get3A_842 : vector<16xf32> to vector<32xbf16>
        %unpack3A_847 = tpu.unpack_subelements %bitcast3A_846, 0 {pack_format = #tpu.pack_format<interleaved>} : vector<32xbf16> -> vector<16xf32>
        %unpack3A_848 = tpu.unpack_subelements %bitcast3A_846, 1 {pack_format = #tpu.pack_format<interleaved>} : vector<32xbf16> -> vector<16xf32>
        %add3A_849 = arith.addf %add3A_827, %unpack3A_844 : vector<16xf32>
        %add3A_850 = arith.addf %add3A_828, %unpack3A_845 : vector<16xf32>
        %add3A_851 = arith.addf %add3A_829, %unpack3A_847 : vector<16xf32>
        %add3A_852 = arith.addf %add3A_830, %unpack3A_848 : vector<16xf32>
        %scan3A_853 = arith.constant 2 : i32
        %scan3A_854 = arith.addi %scan3A_808, %scan3A_853 : i32
        %get3A_855 = arith.constant 5 : i32
        %get3A_856 = arith.index_cast %get3A_855 : i32 to index
        %get3A_857 = arith.index_cast %scan3A_854 : i32 to index
        %get3A_858 = arith.constant 0 : index
        %get3A_859 = tpu.vector_load %arg9[%get3A_856, %get3A_857, %get3A_858] {strides = array<i32>} : memref<6x200x32xf32, #tpu.memory_space<vmem>>, vector<16xf32>,
        %get3A_860 = arith.constant 5 : i32
        %get3A_861 = arith.index_cast %get3A_860 : i32 to index
        %get3A_862 = arith.index_cast %scan3A_854 : i32 to index
        %get3A_863 = arith.constant 16 : index
        %get3A_864 = tpu.vector_load %arg9[%get3A_861, %get3A_862, %get3A_863] {strides = array<i32>} : memref<6x200x32xf32, #tpu.memory_space<vmem>>, vector<16xf32>,
        %bitcast3A_865 = vector.bitcast %get3A_859 : vector<16xf32> to vector<32xbf16>
        %unpack3A_866 = tpu.unpack_subelements %bitcast3A_865, 0 {pack_format = #tpu.pack_format<interleaved>} : vector<32xbf16> -> vector<16xf32>
        %unpack3A_867 = tpu.unpack_subelements %bitcast3A_865, 1 {pack_format = #tpu.pack_format<interleaved>} : vector<32xbf16> -> vector<16xf32>
        %bitcast3A_868 = vector.bitcast %get3A_864 : vector<16xf32> to vector<32xbf16>
        %unpack3A_869 = tpu.unpack_subelements %bitcast3A_868, 0 {pack_format = #tpu.pack_format<interleaved>} : vector<32xbf16> -> vector<16xf32>
        %unpack3A_870 = tpu.unpack_subelements %bitcast3A_868, 1 {pack_format = #tpu.pack_format<interleaved>} : vector<32xbf16> -> vector<16xf32>
        %add3A_871 = arith.addf %add3A_849, %unpack3A_866 : vector<16xf32>
        %add3A_872 = arith.addf %add3A_850, %unpack3A_867 : vector<16xf32>
        %add3A_873 = arith.addf %add3A_851, %unpack3A_869 : vector<16xf32>
        %add3A_874 = arith.addf %add3A_852, %unpack3A_870 : vector<16xf32>
        %scan3A_875 = arith.constant 3 : i32
        %scan3A_876 = arith.addi %scan3A_808, %scan3A_875 : i32
        %get3A_877 = arith.constant 5 : i32
        %get3A_878 = arith.index_cast %get3A_877 : i32 to index
        %get3A_879 = arith.index_cast %scan3A_876 : i32 to index
        %get3A_880 = arith.constant 0 : index
        %get3A_881 = tpu.vector_load %arg9[%get3A_878, %get3A_879, %get3A_880] {strides = array<i32>} : memref<6x200x32xf32, #tpu.memory_space<vmem>>, vector<16xf32>,
        %get3A_882 = arith.constant 5 : i32
        %get3A_883 = arith.index_cast %get3A_882 : i32 to index
        %get3A_884 = arith.index_cast %scan3A_876 : i32 to index
        %get3A_885 = arith.constant 16 : index
        %get3A_886 = tpu.vector_load %arg9[%get3A_883, %get3A_884, %get3A_885] {strides = array<i32>} : memref<6x200x32xf32, #tpu.memory_space<vmem>>, vector<16xf32>,
        %bitcast3A_887 = vector.bitcast %get3A_881 : vector<16xf32> to vector<32xbf16>
        %unpack3A_888 = tpu.unpack_subelements %bitcast3A_887, 0 {pack_format = #tpu.pack_format<interleaved>} : vector<32xbf16> -> vector<16xf32>
        %unpack3A_889 = tpu.unpack_subelements %bitcast3A_887, 1 {pack_format = #tpu.pack_format<interleaved>} : vector<32xbf16> -> vector<16xf32>
        %bitcast3A_890 = vector.bitcast %get3A_886 : vector<16xf32> to vector<32xbf16>
        %unpack3A_891 = tpu.unpack_subelements %bitcast3A_890, 0 {pack_format = #tpu.pack_format<interleaved>} : vector<32xbf16> -> vector<16xf32>
        %unpack3A_892 = tpu.unpack_subelements %bitcast3A_890, 1 {pack_format = #tpu.pack_format<interleaved>} : vector<32xbf16> -> vector<16xf32>
        %add3A_893 = arith.addf %add3A_871, %unpack3A_888 : vector<16xf32>
        %add3A_894 = arith.addf %add3A_872, %unpack3A_889 : vector<16xf32>
        %add3A_895 = arith.addf %add3A_873, %unpack3A_891 : vector<16xf32>
        %add3A_896 = arith.addf %add3A_874, %unpack3A_892 : vector<16xf32>
        %scan3A_897 = arith.constant 4 : i32
        %scan3A_898 = arith.addi %scan3A_808, %scan3A_897 : i32
        %get3A_899 = arith.constant 5 : i32
        %get3A_900 = arith.index_cast %get3A_899 : i32 to index
        %get3A_901 = arith.index_cast %scan3A_898 : i32 to index
        %get3A_902 = arith.constant 0 : index
        %get3A_903 = tpu.vector_load %arg9[%get3A_900, %get3A_901, %get3A_902] {strides = array<i32>} : memref<6x200x32xf32, #tpu.memory_space<vmem>>, vector<16xf32>,
        %get3A_904 = arith.constant 5 : i32
        %get3A_905 = arith.index_cast %get3A_904 : i32 to index
        %get3A_906 = arith.index_cast %scan3A_898 : i32 to index
        %get3A_907 = arith.constant 16 : index
        %get3A_908 = tpu.vector_load %arg9[%get3A_905, %get3A_906, %get3A_907] {strides = array<i32>} : memref<6x200x32xf32, #tpu.memory_space<vmem>>, vector<16xf32>,
        %bitcast3A_909 = vector.bitcast %get3A_903 : vector<16xf32> to vector<32xbf16>
        %unpack3A_910 = tpu.unpack_subelements %bitcast3A_909, 0 {pack_format = #tpu.pack_format<interleaved>} : vector<32xbf16> -> vector<16xf32>
        %unpack3A_911 = tpu.unpack_subelements %bitcast3A_909, 1 {pack_format = #tpu.pack_format<interleaved>} : vector<32xbf16> -> vector<16xf32>
        %bitcast3A_912 = vector.bitcast %get3A_908 : vector<16xf32> to vector<32xbf16>
        %unpack3A_913 = tpu.unpack_subelements %bitcast3A_912, 0 {pack_format = #tpu.pack_format<interleaved>} : vector<32xbf16> -> vector<16xf32>
        %unpack3A_914 = tpu.unpack_subelements %bitcast3A_912, 1 {pack_format = #tpu.pack_format<interleaved>} : vector<32xbf16> -> vector<16xf32>
        %add3A_915 = arith.addf %add3A_893, %unpack3A_910 : vector<16xf32>
        %add3A_916 = arith.addf %add3A_894, %unpack3A_911 : vector<16xf32>
        %add3A_917 = arith.addf %add3A_895, %unpack3A_913 : vector<16xf32>
        %add3A_918 = arith.addf %add3A_896, %unpack3A_914 : vector<16xf32>
        %scan3A_919 = arith.constant 5 : i32
        %scan3A_920 = arith.addi %scan3A_808, %scan3A_919 : i32
        %get3A_921 = arith.constant 5 : i32
        %get3A_922 = arith.index_cast %get3A_921 : i32 to index
        %get3A_923 = arith.index_cast %scan3A_920 : i32 to index
        %get3A_924 = arith.constant 0 : index
        %get3A_925 = tpu.vector_load %arg9[%get3A_922, %get3A_923, %get3A_924] {strides = array<i32>} : memref<6x200x32xf32, #tpu.memory_space<vmem>>, vector<16xf32>,
        %get3A_926 = arith.constant 5 : i32
        %get3A_927 = arith.index_cast %get3A_926 : i32 to index
        %get3A_928 = arith.index_cast %scan3A_920 : i32 to index
        %get3A_929 = arith.constant 16 : index
        %get3A_930 = tpu.vector_load %arg9[%get3A_927, %get3A_928, %get3A_929] {strides = array<i32>} : memref<6x200x32xf32, #tpu.memory_space<vmem>>, vector<16xf32>,
        %bitcast3A_931 = vector.bitcast %get3A_925 : vector<16xf32> to vector<32xbf16>
        %unpack3A_932 = tpu.unpack_subelements %bitcast3A_931, 0 {pack_format = #tpu.pack_format<interleaved>} : vector<32xbf16> -> vector<16xf32>
        %unpack3A_933 = tpu.unpack_subelements %bitcast3A_931, 1 {pack_format = #tpu.pack_format<interleaved>} : vector<32xbf16> -> vector<16xf32>
        %bitcast3A_934 = vector.bitcast %get3A_930 : vector<16xf32> to vector<32xbf16>
        %unpack3A_935 = tpu.unpack_subelements %bitcast3A_934, 0 {pack_format = #tpu.pack_format<interleaved>} : vector<32xbf16> -> vector<16xf32>
        %unpack3A_936 = tpu.unpack_subelements %bitcast3A_934, 1 {pack_format = #tpu.pack_format<interleaved>} : vector<32xbf16> -> vector<16xf32>
        %add3A_937 = arith.addf %add3A_915, %unpack3A_932 : vector<16xf32>
        %add3A_938 = arith.addf %add3A_916, %unpack3A_933 : vector<16xf32>
        %add3A_939 = arith.addf %add3A_917, %unpack3A_935 : vector<16xf32>
        %add3A_940 = arith.addf %add3A_918, %unpack3A_936 : vector<16xf32>
        %scan3A_941 = arith.constant 6 : i32
        %scan3A_942 = arith.addi %scan3A_808, %scan3A_941 : i32
        %get3A_943 = arith.constant 5 : i32
        %get3A_944 = arith.index_cast %get3A_943 : i32 to index
        %get3A_945 = arith.index_cast %scan3A_942 : i32 to index
        %get3A_946 = arith.constant 0 : index
        %get3A_947 = tpu.vector_load %arg9[%get3A_944, %get3A_945, %get3A_946] {strides = array<i32>} : memref<6x200x32xf32, #tpu.memory_space<vmem>>, vector<16xf32>,
        %get3A_948 = arith.constant 5 : i32
        %get3A_949 = arith.index_cast %get3A_948 : i32 to index
        %get3A_950 = arith.index_cast %scan3A_942 : i32 to index
        %get3A_951 = arith.constant 16 : index
        %get3A_952 = tpu.vector_load %arg9[%get3A_949, %get3A_950, %get3A_951] {strides = array<i32>} : memref<6x200x32xf32, #tpu.memory_space<vmem>>, vector<16xf32>,
        %bitcast3A_953 = vector.bitcast %get3A_947 : vector<16xf32> to vector<32xbf16>
        %unpack3A_954 = tpu.unpack_subelements %bitcast3A_953, 0 {pack_format = #tpu.pack_format<interleaved>} : vector<32xbf16> -> vector<16xf32>
        %unpack3A_955 = tpu.unpack_subelements %bitcast3A_953, 1 {pack_format = #tpu.pack_format<interleaved>} : vector<32xbf16> -> vector<16xf32>
        %bitcast3A_956 = vector.bitcast %get3A_952 : vector<16xf32> to vector<32xbf16>
        %unpack3A_957 = tpu.unpack_subelements %bitcast3A_956, 0 {pack_format = #tpu.pack_format<interleaved>} : vector<32xbf16> -> vector<16xf32>
        %unpack3A_958 = tpu.unpack_subelements %bitcast3A_956, 1 {pack_format = #tpu.pack_format<interleaved>} : vector<32xbf16> -> vector<16xf32>
        %add3A_959 = arith.addf %add3A_937, %unpack3A_954 : vector<16xf32>
        %add3A_960 = arith.addf %add3A_938, %unpack3A_955 : vector<16xf32>
        %add3A_961 = arith.addf %add3A_939, %unpack3A_957 : vector<16xf32>
        %add3A_962 = arith.addf %add3A_940, %unpack3A_958 : vector<16xf32>
        %scan3A_963 = arith.constant 7 : i32
        %scan3A_964 = arith.addi %scan3A_808, %scan3A_963 : i32
        %get3A_965 = arith.constant 5 : i32
        %get3A_966 = arith.index_cast %get3A_965 : i32 to index
        %get3A_967 = arith.index_cast %scan3A_964 : i32 to index
        %get3A_968 = arith.constant 0 : index
        %get3A_969 = tpu.vector_load %arg9[%get3A_966, %get3A_967, %get3A_968] {strides = array<i32>} : memref<6x200x32xf32, #tpu.memory_space<vmem>>, vector<16xf32>,
        %get3A_970 = arith.constant 5 : i32
        %get3A_971 = arith.index_cast %get3A_970 : i32 to index
        %get3A_972 = arith.index_cast %scan3A_964 : i32 to index
        %get3A_973 = arith.constant 16 : index
        %get3A_974 = tpu.vector_load %arg9[%get3A_971, %get3A_972, %get3A_973] {strides = array<i32>} : memref<6x200x32xf32, #tpu.memory_space<vmem>>, vector<16xf32>,
        %bitcast3A_975 = vector.bitcast %get3A_969 : vector<16xf32> to vector<32xbf16>
        %unpack3A_976 = tpu.unpack_subelements %bitcast3A_975, 0 {pack_format = #tpu.pack_format<interleaved>} : vector<32xbf16> -> vector<16xf32>
        %unpack3A_977 = tpu.unpack_subelements %bitcast3A_975, 1 {pack_format = #tpu.pack_format<interleaved>} : vector<32xbf16> -> vector<16xf32>
        %bitcast3A_978 = vector.bitcast %get3A_974 : vector<16xf32> to vector<32xbf16>
        %unpack3A_979 = tpu.unpack_subelements %bitcast3A_978, 0 {pack_format = #tpu.pack_format<interleaved>} : vector<32xbf16> -> vector<16xf32>
        %unpack3A_980 = tpu.unpack_subelements %bitcast3A_978, 1 {pack_format = #tpu.pack_format<interleaved>} : vector<32xbf16> -> vector<16xf32>
        %add3A_981 = arith.addf %add3A_959, %unpack3A_976 : vector<16xf32>
        %add3A_982 = arith.addf %add3A_960, %unpack3A_977 : vector<16xf32>
        %add3A_983 = arith.addf %add3A_961, %unpack3A_979 : vector<16xf32>
        %add3A_984 = arith.addf %add3A_962, %unpack3A_980 : vector<16xf32>
        scf.yield %add3A_981, %add3A_982, %add3A_983, %add3A_984 : vector<16xf32>, vector<16xf32>, vector<16xf32>, vector<16xf32>
      }
      %scan3A_786 = arith.constant 200 : i32
      %add3A_787 = arith.constant 6 : i32
      %add3A_788 = arith.addi %add3A_752, %add3A_787 : i32
      %sub3A_789 = arith.constant 1 : i32
      %sub3A_790 = arith.subi %add3A_788, %sub3A_789 : i32
      %lt3A_791 = arith.constant 128 : i32
      %lt3A_792 = arith.cmpi slt, %sub3A_790, %lt3A_791 : i32
      %convert_element_type3A_793 = arith.extui %lt3A_792 : i1 to i32
      %cond3A_794 = arith.constant 0 : i32
      %cond3A_795 = arith.cmpi ne, %convert_element_type3A_793, %cond3A_794 : i32
      scf.if %cond3A_795 {
        %add3A_808 = arith.constant 6 : i32
        %add3A_809 = arith.addi %add3A_752, %add3A_808 : i32
        %sub3A_810 = arith.constant 1 : i32
        %sub3A_811 = arith.subi %add3A_809, %sub3A_810 : i32
        %dma_start3A_812 = arith.constant 4 : i32
        %dma_start3A_813 = arith.constant 4 : i32
        %dma_start3A_814 = arith.constant 0 : i32
        %dma_start3A_815 = arith.constant 0 : i32
        %dma_start3A_816 = tpu.memref_slice %arg9[%dma_start3A_812, %dma_start3A_814, %dma_start3A_815] : memref<6x200x32xf32, #tpu.memory_space<vmem>> -> memref<1x128x32xf32, #tpu.memory_space<vmem>>
        %dma_start3A_817 = tpu.memref_squeeze %dma_start3A_816 : memref<1x128x32xf32, #tpu.memory_space<vmem>> -> memref<128x32xf32, #tpu.memory_space<vmem>>
        %dma_start3A_818 = arith.constant 0 : i32
        %dma_start3A_819 = tpu.memref_slice %arg7[%sub3A_811, %dma_start3A_818] : memref<128x128xi32, #tpu.memory_space<vmem>> -> memref<1x128xi32, #tpu.memory_space<vmem>>
        %dma_start3A_820 = tpu.memref_squeeze %dma_start3A_819 : memref<1x128xi32, #tpu.memory_space<vmem>> -> memref<128xi32, #tpu.memory_space<vmem>>
        %dma_start3A_821 = arith.constant 0 : i32
        %dma_start3A_822 = arith.constant 0 : i32
        %dma_start3A_823 = tpu.memref_slice %arg2[%dma_start3A_821, %dma_start3A_822] : memref<1015808x32xf32, #tpu.memory_space<hbm>> -> memref<1015808x32xf32, #tpu.memory_space<hbm>>
        %dma_start3A_824 = tpu.memref_slice %arg14[%dma_start3A_813] : memref<6x!tpu.dma_semaphore, #tpu.memory_space<semaphore_mem>> -> memref<1x!tpu.dma_semaphore, #tpu.memory_space<semaphore_mem>>
        %dma_start3A_825 = tpu.memref_squeeze %dma_start3A_824 : memref<1x!tpu.dma_semaphore, #tpu.memory_space<semaphore_mem>> -> memref<!tpu.dma_semaphore, #tpu.memory_space<semaphore_mem>>
        tpu.enqueue_indirect_dma source(%dma_start3A_823 : memref<1015808x32xf32, #tpu.memory_space<hbm>>) target(%dma_start3A_817 : memref<128x32xf32, #tpu.memory_space<vmem>>) offsets(%dma_start3A_820 : memref<128xi32, #tpu.memory_space<vmem>>) semaphore(%dma_start3A_825 : memref<!tpu.dma_semaphore, #tpu.memory_space<semaphore_mem>>)
        %dma_start3A_826 = arith.constant 4 : i32
        %dma_start3A_827 = arith.constant 4 : i32
        %dma_start3A_828 = arith.constant 128 : i32
        %dma_start3A_829 = arith.constant 0 : i32
        %dma_start3A_830 = tpu.memref_slice %arg9[%dma_start3A_826, %dma_start3A_828, %dma_start3A_829] : memref<6x200x32xf32, #tpu.memory_space<vmem>> -> memref<1x72x32xf32, #tpu.memory_space<vmem>>
        %dma_start3A_831 = tpu.memref_squeeze %dma_start3A_830 : memref<1x72x32xf32, #tpu.memory_space<vmem>> -> memref<72x32xf32, #tpu.memory_space<vmem>>
        %dma_start3A_832 = arith.constant 0 : i32
        %dma_start3A_833 = tpu.memref_slice %arg8[%sub3A_811, %dma_start3A_832] : memref<128x128xi32, #tpu.memory_space<vmem>> -> memref<1x72xi32, #tpu.memory_space<vmem>>
        %dma_start3A_834 = tpu.memref_squeeze %dma_start3A_833 : memref<1x72xi32, #tpu.memory_space<vmem>> -> memref<72xi32, #tpu.memory_space<vmem>>
        %dma_start3A_835 = arith.constant 0 : i32
        %dma_start3A_836 = arith.constant 0 : i32
        %dma_start3A_837 = tpu.memref_slice %arg2[%dma_start3A_835, %dma_start3A_836] : memref<1015808x32xf32, #tpu.memory_space<hbm>> -> memref<1015808x32xf32, #tpu.memory_space<hbm>>
        %dma_start3A_838 = tpu.memref_slice %arg14[%dma_start3A_827] : memref<6x!tpu.dma_semaphore, #tpu.memory_space<semaphore_mem>> -> memref<1x!tpu.dma_semaphore, #tpu.memory_space<semaphore_mem>>
        %dma_start3A_839 = tpu.memref_squeeze %dma_start3A_838 : memref<1x!tpu.dma_semaphore, #tpu.memory_space<semaphore_mem>> -> memref<!tpu.dma_semaphore, #tpu.memory_space<semaphore_mem>>
        tpu.enqueue_indirect_dma source(%dma_start3A_837 : memref<1015808x32xf32, #tpu.memory_space<hbm>>) target(%dma_start3A_831 : memref<72x32xf32, #tpu.memory_space<vmem>>) offsets(%dma_start3A_834 : memref<72xi32, #tpu.memory_space<vmem>>) semaphore(%dma_start3A_839 : memref<!tpu.dma_semaphore, #tpu.memory_space<semaphore_mem>>)
      } else {
      }
      %swap3A_796 = arith.index_cast %add3A_752 : i32 to index
      %swap3A_797 = arith.constant 0 : index
      %swap3A_798 = tpu.vector_load %arg10[%swap3A_796, %swap3A_797] {strides = array<i32>} : memref<128x64xf32, #tpu.memory_space<vmem>>, vector<16xf32>,
      tpu.vector_store %arg10[%swap3A_796, %swap3A_797], %scan3A_785#0 {strides = array<i32>} : memref<128x64xf32, #tpu.memory_space<vmem>>, vector<16xf32>,
      %swap3A_799 = arith.index_cast %add3A_752 : i32 to index
      %swap3A_800 = arith.constant 16 : index
      %swap3A_801 = tpu.vector_load %arg10[%swap3A_799, %swap3A_800] {strides = array<i32>} : memref<128x64xf32, #tpu.memory_space<vmem>>, vector<16xf32>,
      tpu.vector_store %arg10[%swap3A_799, %swap3A_800], %scan3A_785#1 {strides = array<i32>} : memref<128x64xf32, #tpu.memory_space<vmem>>, vector<16xf32>,
      %swap3A_802 = arith.index_cast %add3A_752 : i32 to index
      %swap3A_803 = arith.constant 32 : index
      %swap3A_804 = tpu.vector_load %arg10[%swap3A_802, %swap3A_803] {strides = array<i32>} : memref<128x64xf32, #tpu.memory_space<vmem>>, vector<16xf32>,
      tpu.vector_store %arg10[%swap3A_802, %swap3A_803], %scan3A_785#2 {strides = array<i32>} : memref<128x64xf32, #tpu.memory_space<vmem>>, vector<16xf32>,
      %swap3A_805 = arith.index_cast %add3A_752 : i32 to index
      %swap3A_806 = arith.constant 48 : index
      %swap3A_807 = tpu.vector_load %arg10[%swap3A_805, %swap3A_806] {strides = array<i32>} : memref<128x64xf32, #tpu.memory_space<vmem>>, vector<16xf32>,
      tpu.vector_store %arg10[%swap3A_805, %swap3A_806], %scan3A_785#3 {strides = array<i32>} : memref<128x64xf32, #tpu.memory_space<vmem>>, vector<16xf32>,
    }
    %scan3A_340 = arith.constant 21 : i32
    %dma_wait3A = arith.constant 126 : i32
    %dma_wait3A_341 = arith.constant 0 : i32
    %dma_wait3A_342 = arith.constant 0 : i32
    %dma_wait3A_343 = arith.constant 0 : i32
    %dma_wait3A_344 = arith.constant 0 : i32
    %dma_wait3A_345 = tpu.memref_slice %arg9[%dma_wait3A_341, %dma_wait3A_343, %dma_wait3A_344] : memref<6x200x32xf32, #tpu.memory_space<vmem>> -> memref<1x128x32xf32, #tpu.memory_space<vmem>>
    %dma_wait3A_346 = tpu.memref_squeeze %dma_wait3A_345 : memref<1x128x32xf32, #tpu.memory_space<vmem>> -> memref<128x32xf32, #tpu.memory_space<vmem>>
    %dma_wait3A_347 = arith.constant 0 : i32
    %dma_wait3A_348 = tpu.memref_slice %arg7[%dma_wait3A, %dma_wait3A_347] : memref<128x128xi32, #tpu.memory_space<vmem>> -> memref<1x128xi32, #tpu.memory_space<vmem>>
    %dma_wait3A_349 = tpu.memref_squeeze %dma_wait3A_348 : memref<1x128xi32, #tpu.memory_space<vmem>> -> memref<128xi32, #tpu.memory_space<vmem>>
    %dma_wait3A_350 = arith.constant 0 : i32
    %dma_wait3A_351 = arith.constant 0 : i32
    %dma_wait3A_352 = tpu.memref_slice %arg2[%dma_wait3A_350, %dma_wait3A_351] : memref<1015808x32xf32, #tpu.memory_space<hbm>> -> memref<1015808x32xf32, #tpu.memory_space<hbm>>
    %dma_wait3A_353 = tpu.memref_slice %arg14[%dma_wait3A_342] : memref<6x!tpu.dma_semaphore, #tpu.memory_space<semaphore_mem>> -> memref<1x!tpu.dma_semaphore, #tpu.memory_space<semaphore_mem>>
    %dma_wait3A_354 = tpu.memref_squeeze %dma_wait3A_353 : memref<1x!tpu.dma_semaphore, #tpu.memory_space<semaphore_mem>> -> memref<!tpu.dma_semaphore, #tpu.memory_space<semaphore_mem>>
    tpu.wait_indirect_dma semaphore(%dma_wait3A_354 : memref<!tpu.dma_semaphore, #tpu.memory_space<semaphore_mem>>) src(%dma_wait3A_352 : memref<1015808x32xf32, #tpu.memory_space<hbm>>) dst(%dma_wait3A_346 : memref<128x32xf32, #tpu.memory_space<vmem>>)
    %dma_wait3A_355 = arith.constant 126 : i32
    %dma_wait3A_356 = arith.constant 0 : i32
    %dma_wait3A_357 = arith.constant 0 : i32
    %dma_wait3A_358 = arith.constant 128 : i32
    %dma_wait3A_359 = arith.constant 0 : i32
    %dma_wait3A_360 = tpu.memref_slice %arg9[%dma_wait3A_356, %dma_wait3A_358, %dma_wait3A_359] : memref<6x200x32xf32, #tpu.memory_space<vmem>> -> memref<1x72x32xf32, #tpu.memory_space<vmem>>
    %dma_wait3A_361 = tpu.memref_squeeze %dma_wait3A_360 : memref<1x72x32xf32, #tpu.memory_space<vmem>> -> memref<72x32xf32, #tpu.memory_space<vmem>>
    %dma_wait3A_362 = arith.constant 0 : i32
    %dma_wait3A_363 = tpu.memref_slice %arg8[%dma_wait3A_355, %dma_wait3A_362] : memref<128x128xi32, #tpu.memory_space<vmem>> -> memref<1x72xi32, #tpu.memory_space<vmem>>
    %dma_wait3A_364 = tpu.memref_squeeze %dma_wait3A_363 : memref<1x72xi32, #tpu.memory_space<vmem>> -> memref<72xi32, #tpu.memory_space<vmem>>
    %dma_wait3A_365 = arith.constant 0 : i32
    %dma_wait3A_366 = arith.constant 0 : i32
    %dma_wait3A_367 = tpu.memref_slice %arg2[%dma_wait3A_365, %dma_wait3A_366] : memref<1015808x32xf32, #tpu.memory_space<hbm>> -> memref<1015808x32xf32, #tpu.memory_space<hbm>>
    %dma_wait3A_368 = tpu.memref_slice %arg14[%dma_wait3A_357] : memref<6x!tpu.dma_semaphore, #tpu.memory_space<semaphore_mem>> -> memref<1x!tpu.dma_semaphore, #tpu.memory_space<semaphore_mem>>
    %dma_wait3A_369 = tpu.memref_squeeze %dma_wait3A_368 : memref<1x!tpu.dma_semaphore, #tpu.memory_space<semaphore_mem>> -> memref<!tpu.dma_semaphore, #tpu.memory_space<semaphore_mem>>
    tpu.wait_indirect_dma semaphore(%dma_wait3A_369 : memref<!tpu.dma_semaphore, #tpu.memory_space<semaphore_mem>>) src(%dma_wait3A_367 : memref<1015808x32xf32, #tpu.memory_space<hbm>>) dst(%dma_wait3A_361 : memref<72x32xf32, #tpu.memory_space<vmem>>)
    %scan3A_370 = arith.constant 0 : i32
    %scan3A_371 = arith.constant 200 : i32
    %scan3A_372 = arith.addi %scan3A_370, %scan3A_371 : i32
    %scan3A_373 = arith.constant 8 : i32
    %scan3A_374:4 = scf.for %scan3A_457 = %scan3A_370 to %scan3A_372 step %scan3A_373 iter_args(%scan3A_458 = %broadcast_in_dim3A_334, %scan3A_459 = %broadcast_in_dim3A_334, %scan3A_460 = %broadcast_in_dim3A_334, %scan3A_461 = %broadcast_in_dim3A_334) -> (vector<16xf32>, vector<16xf32>, vector<16xf32>, vector<16xf32>)  : i32 {
      %get3A_462 = arith.constant 0 : i32
      %get3A_463 = arith.index_cast %get3A_462 : i32 to index
      %get3A_464 = arith.index_cast %scan3A_457 : i32 to index
      %get3A_465 = arith.constant 0 : index
      %get3A_466 = tpu.vector_load %arg9[%get3A_463, %get3A_464, %get3A_465] {strides = array<i32>} : memref<6x200x32xf32, #tpu.memory_space<vmem>>, vector<16xf32>,
      %get3A_467 = arith.constant 0 : i32
      %get3A_468 = arith.index_cast %get3A_467 : i32 to index
      %get3A_469 = arith.index_cast %scan3A_457 : i32 to index
      %get3A_470 = arith.constant 16 : index
      %get3A_471 = tpu.vector_load %arg9[%get3A_468, %get3A_469, %get3A_470] {strides = array<i32>} : memref<6x200x32xf32, #tpu.memory_space<vmem>>, vector<16xf32>,
      %bitcast3A = vector.bitcast %get3A_466 : vector<16xf32> to vector<32xbf16>
      %unpack3A = tpu.unpack_subelements %bitcast3A, 0 {pack_format = #tpu.pack_format<interleaved>} : vector<32xbf16> -> vector<16xf32>
      %unpack3A_472 = tpu.unpack_subelements %bitcast3A, 1 {pack_format = #tpu.pack_format<interleaved>} : vector<32xbf16> -> vector<16xf32>
      %bitcast3A_473 = vector.bitcast %get3A_471 : vector<16xf32> to vector<32xbf16>
      %unpack3A_474 = tpu.unpack_subelements %bitcast3A_473, 0 {pack_format = #tpu.pack_format<interleaved>} : vector<32xbf16> -> vector<16xf32>
      %unpack3A_475 = tpu.unpack_subelements %bitcast3A_473, 1 {pack_format = #tpu.pack_format<interleaved>} : vector<32xbf16> -> vector<16xf32>
      %add3A_476 = arith.addf %scan3A_458, %unpack3A : vector<16xf32>
      %add3A_477 = arith.addf %scan3A_459, %unpack3A_472 : vector<16xf32>
      %add3A_478 = arith.addf %scan3A_460, %unpack3A_474 : vector<16xf32>
      %add3A_479 = arith.addf %scan3A_461, %unpack3A_475 : vector<16xf32>
      %scan3A_480 = arith.constant 1 : i32
      %scan3A_481 = arith.addi %scan3A_457, %scan3A_480 : i32
      %get3A_482 = arith.constant 0 : i32
      %get3A_483 = arith.index_cast %get3A_482 : i32 to index
      %get3A_484 = arith.index_cast %scan3A_481 : i32 to index
      %get3A_485 = arith.constant 0 : index
      %get3A_486 = tpu.vector_load %arg9[%get3A_483, %get3A_484, %get3A_485] {strides = array<i32>} : memref<6x200x32xf32, #tpu.memory_space<vmem>>, vector<16xf32>,
      %get3A_487 = arith.constant 0 : i32
      %get3A_488 = arith.index_cast %get3A_487 : i32 to index
      %get3A_489 = arith.index_cast %scan3A_481 : i32 to index
      %get3A_490 = arith.constant 16 : index
      %get3A_491 = tpu.vector_load %arg9[%get3A_488, %get3A_489, %get3A_490] {strides = array<i32>} : memref<6x200x32xf32, #tpu.memory_space<vmem>>, vector<16xf32>,
      %bitcast3A_492 = vector.bitcast %get3A_486 : vector<16xf32> to vector<32xbf16>
      %unpack3A_493 = tpu.unpack_subelements %bitcast3A_492, 0 {pack_format = #tpu.pack_format<interleaved>} : vector<32xbf16> -> vector<16xf32>
      %unpack3A_494 = tpu.unpack_subelements %bitcast3A_492, 1 {pack_format = #tpu.pack_format<interleaved>} : vector<32xbf16> -> vector<16xf32>
      %bitcast3A_495 = vector.bitcast %get3A_491 : vector<16xf32> to vector<32xbf16>
      %unpack3A_496 = tpu.unpack_subelements %bitcast3A_495, 0 {pack_format = #tpu.pack_format<interleaved>} : vector<32xbf16> -> vector<16xf32>
      %unpack3A_497 = tpu.unpack_subelements %bitcast3A_495, 1 {pack_format = #tpu.pack_format<interleaved>} : vector<32xbf16> -> vector<16xf32>
      %add3A_498 = arith.addf %add3A_476, %unpack3A_493 : vector<16xf32>
      %add3A_499 = arith.addf %add3A_477, %unpack3A_494 : vector<16xf32>
      %add3A_500 = arith.addf %add3A_478, %unpack3A_496 : vector<16xf32>
      %add3A_501 = arith.addf %add3A_479, %unpack3A_497 : vector<16xf32>
      %scan3A_502 = arith.constant 2 : i32
      %scan3A_503 = arith.addi %scan3A_457, %scan3A_502 : i32
      %get3A_504 = arith.constant 0 : i32
      %get3A_505 = arith.index_cast %get3A_504 : i32 to index
      %get3A_506 = arith.index_cast %scan3A_503 : i32 to index
      %get3A_507 = arith.constant 0 : index
      %get3A_508 = tpu.vector_load %arg9[%get3A_505, %get3A_506, %get3A_507] {strides = array<i32>} : memref<6x200x32xf32, #tpu.memory_space<vmem>>, vector<16xf32>,
      %get3A_509 = arith.constant 0 : i32
      %get3A_510 = arith.index_cast %get3A_509 : i32 to index
      %get3A_511 = arith.index_cast %scan3A_503 : i32 to index
      %get3A_512 = arith.constant 16 : index
      %get3A_513 = tpu.vector_load %arg9[%get3A_510, %get3A_511, %get3A_512] {strides = array<i32>} : memref<6x200x32xf32, #tpu.memory_space<vmem>>, vector<16xf32>,
      %bitcast3A_514 = vector.bitcast %get3A_508 : vector<16xf32> to vector<32xbf16>
      %unpack3A_515 = tpu.unpack_subelements %bitcast3A_514, 0 {pack_format = #tpu.pack_format<interleaved>} : vector<32xbf16> -> vector<16xf32>
      %unpack3A_516 = tpu.unpack_subelements %bitcast3A_514, 1 {pack_format = #tpu.pack_format<interleaved>} : vector<32xbf16> -> vector<16xf32>
      %bitcast3A_517 = vector.bitcast %get3A_513 : vector<16xf32> to vector<32xbf16>
      %unpack3A_518 = tpu.unpack_subelements %bitcast3A_517, 0 {pack_format = #tpu.pack_format<interleaved>} : vector<32xbf16> -> vector<16xf32>
      %unpack3A_519 = tpu.unpack_subelements %bitcast3A_517, 1 {pack_format = #tpu.pack_format<interleaved>} : vector<32xbf16> -> vector<16xf32>
      %add3A_520 = arith.addf %add3A_498, %unpack3A_515 : vector<16xf32>
      %add3A_521 = arith.addf %add3A_499, %unpack3A_516 : vector<16xf32>
      %add3A_522 = arith.addf %add3A_500, %unpack3A_518 : vector<16xf32>
      %add3A_523 = arith.addf %add3A_501, %unpack3A_519 : vector<16xf32>
      %scan3A_524 = arith.constant 3 : i32
      %scan3A_525 = arith.addi %scan3A_457, %scan3A_524 : i32
      %get3A_526 = arith.constant 0 : i32
      %get3A_527 = arith.index_cast %get3A_526 : i32 to index
      %get3A_528 = arith.index_cast %scan3A_525 : i32 to index
      %get3A_529 = arith.constant 0 : index
      %get3A_530 = tpu.vector_load %arg9[%get3A_527, %get3A_528, %get3A_529] {strides = array<i32>} : memref<6x200x32xf32, #tpu.memory_space<vmem>>, vector<16xf32>,
      %get3A_531 = arith.constant 0 : i32
      %get3A_532 = arith.index_cast %get3A_531 : i32 to index
      %get3A_533 = arith.index_cast %scan3A_525 : i32 to index
      %get3A_534 = arith.constant 16 : index
      %get3A_535 = tpu.vector_load %arg9[%get3A_532, %get3A_533, %get3A_534] {strides = array<i32>} : memref<6x200x32xf32, #tpu.memory_space<vmem>>, vector<16xf32>,
      %bitcast3A_536 = vector.bitcast %get3A_530 : vector<16xf32> to vector<32xbf16>
      %unpack3A_537 = tpu.unpack_subelements %bitcast3A_536, 0 {pack_format = #tpu.pack_format<interleaved>} : vector<32xbf16> -> vector<16xf32>
      %unpack3A_538 = tpu.unpack_subelements %bitcast3A_536, 1 {pack_format = #tpu.pack_format<interleaved>} : vector<32xbf16> -> vector<16xf32>
      %bitcast3A_539 = vector.bitcast %get3A_535 : vector<16xf32> to vector<32xbf16>
      %unpack3A_540 = tpu.unpack_subelements %bitcast3A_539, 0 {pack_format = #tpu.pack_format<interleaved>} : vector<32xbf16> -> vector<16xf32>
      %unpack3A_541 = tpu.unpack_subelements %bitcast3A_539, 1 {pack_format = #tpu.pack_format<interleaved>} : vector<32xbf16> -> vector<16xf32>
      %add3A_542 = arith.addf %add3A_520, %unpack3A_537 : vector<16xf32>
      %add3A_543 = arith.addf %add3A_521, %unpack3A_538 : vector<16xf32>
      %add3A_544 = arith.addf %add3A_522, %unpack3A_540 : vector<16xf32>
      %add3A_545 = arith.addf %add3A_523, %unpack3A_541 : vector<16xf32>
      %scan3A_546 = arith.constant 4 : i32
      %scan3A_547 = arith.addi %scan3A_457, %scan3A_546 : i32
      %get3A_548 = arith.constant 0 : i32
      %get3A_549 = arith.index_cast %get3A_548 : i32 to index
      %get3A_550 = arith.index_cast %scan3A_547 : i32 to index
      %get3A_551 = arith.constant 0 : index
      %get3A_552 = tpu.vector_load %arg9[%get3A_549, %get3A_550, %get3A_551] {strides = array<i32>} : memref<6x200x32xf32, #tpu.memory_space<vmem>>, vector<16xf32>,
      %get3A_553 = arith.constant 0 : i32
      %get3A_554 = arith.index_cast %get3A_553 : i32 to index
      %get3A_555 = arith.index_cast %scan3A_547 : i32 to index
      %get3A_556 = arith.constant 16 : index
      %get3A_557 = tpu.vector_load %arg9[%get3A_554, %get3A_555, %get3A_556] {strides = array<i32>} : memref<6x200x32xf32, #tpu.memory_space<vmem>>, vector<16xf32>,
      %bitcast3A_558 = vector.bitcast %get3A_552 : vector<16xf32> to vector<32xbf16>
      %unpack3A_559 = tpu.unpack_subelements %bitcast3A_558, 0 {pack_format = #tpu.pack_format<interleaved>} : vector<32xbf16> -> vector<16xf32>
      %unpack3A_560 = tpu.unpack_subelements %bitcast3A_558, 1 {pack_format = #tpu.pack_format<interleaved>} : vector<32xbf16> -> vector<16xf32>
      %bitcast3A_561 = vector.bitcast %get3A_557 : vector<16xf32> to vector<32xbf16>
      %unpack3A_562 = tpu.unpack_subelements %bitcast3A_561, 0 {pack_format = #tpu.pack_format<interleaved>} : vector<32xbf16> -> vector<16xf32>
      %unpack3A_563 = tpu.unpack_subelements %bitcast3A_561, 1 {pack_format = #tpu.pack_format<interleaved>} : vector<32xbf16> -> vector<16xf32>
      %add3A_564 = arith.addf %add3A_542, %unpack3A_559 : vector<16xf32>
      %add3A_565 = arith.addf %add3A_543, %unpack3A_560 : vector<16xf32>
      %add3A_566 = arith.addf %add3A_544, %unpack3A_562 : vector<16xf32>
      %add3A_567 = arith.addf %add3A_545, %unpack3A_563 : vector<16xf32>
      %scan3A_568 = arith.constant 5 : i32
      %scan3A_569 = arith.addi %scan3A_457, %scan3A_568 : i32
      %get3A_570 = arith.constant 0 : i32
      %get3A_571 = arith.index_cast %get3A_570 : i32 to index
      %get3A_572 = arith.index_cast %scan3A_569 : i32 to index
      %get3A_573 = arith.constant 0 : index
      %get3A_574 = tpu.vector_load %arg9[%get3A_571, %get3A_572, %get3A_573] {strides = array<i32>} : memref<6x200x32xf32, #tpu.memory_space<vmem>>, vector<16xf32>,
      %get3A_575 = arith.constant 0 : i32
      %get3A_576 = arith.index_cast %get3A_575 : i32 to index
      %get3A_577 = arith.index_cast %scan3A_569 : i32 to index
      %get3A_578 = arith.constant 16 : index
      %get3A_579 = tpu.vector_load %arg9[%get3A_576, %get3A_577, %get3A_578] {strides = array<i32>} : memref<6x200x32xf32, #tpu.memory_space<vmem>>, vector<16xf32>,
      %bitcast3A_580 = vector.bitcast %get3A_574 : vector<16xf32> to vector<32xbf16>
      %unpack3A_581 = tpu.unpack_subelements %bitcast3A_580, 0 {pack_format = #tpu.pack_format<interleaved>} : vector<32xbf16> -> vector<16xf32>
      %unpack3A_582 = tpu.unpack_subelements %bitcast3A_580, 1 {pack_format = #tpu.pack_format<interleaved>} : vector<32xbf16> -> vector<16xf32>
      %bitcast3A_583 = vector.bitcast %get3A_579 : vector<16xf32> to vector<32xbf16>
      %unpack3A_584 = tpu.unpack_subelements %bitcast3A_583, 0 {pack_format = #tpu.pack_format<interleaved>} : vector<32xbf16> -> vector<16xf32>
      %unpack3A_585 = tpu.unpack_subelements %bitcast3A_583, 1 {pack_format = #tpu.pack_format<interleaved>} : vector<32xbf16> -> vector<16xf32>
      %add3A_586 = arith.addf %add3A_564, %unpack3A_581 : vector<16xf32>
      %add3A_587 = arith.addf %add3A_565, %unpack3A_582 : vector<16xf32>
      %add3A_588 = arith.addf %add3A_566, %unpack3A_584 : vector<16xf32>
      %add3A_589 = arith.addf %add3A_567, %unpack3A_585 : vector<16xf32>
      %scan3A_590 = arith.constant 6 : i32
      %scan3A_591 = arith.addi %scan3A_457, %scan3A_590 : i32
      %get3A_592 = arith.constant 0 : i32
      %get3A_593 = arith.index_cast %get3A_592 : i32 to index
      %get3A_594 = arith.index_cast %scan3A_591 : i32 to index
      %get3A_595 = arith.constant 0 : index
      %get3A_596 = tpu.vector_load %arg9[%get3A_593, %get3A_594, %get3A_595] {strides = array<i32>} : memref<6x200x32xf32, #tpu.memory_space<vmem>>, vector<16xf32>,
      %get3A_597 = arith.constant 0 : i32
      %get3A_598 = arith.index_cast %get3A_597 : i32 to index
      %get3A_599 = arith.index_cast %scan3A_591 : i32 to index
      %get3A_600 = arith.constant 16 : index
      %get3A_601 = tpu.vector_load %arg9[%get3A_598, %get3A_599, %get3A_600] {strides = array<i32>} : memref<6x200x32xf32, #tpu.memory_space<vmem>>, vector<16xf32>,
      %bitcast3A_602 = vector.bitcast %get3A_596 : vector<16xf32> to vector<32xbf16>
      %unpack3A_603 = tpu.unpack_subelements %bitcast3A_602, 0 {pack_format = #tpu.pack_format<interleaved>} : vector<32xbf16> -> vector<16xf32>
      %unpack3A_604 = tpu.unpack_subelements %bitcast3A_602, 1 {pack_format = #tpu.pack_format<interleaved>} : vector<32xbf16> -> vector<16xf32>
      %bitcast3A_605 = vector.bitcast %get3A_601 : vector<16xf32> to vector<32xbf16>
      %unpack3A_606 = tpu.unpack_subelements %bitcast3A_605, 0 {pack_format = #tpu.pack_format<interleaved>} : vector<32xbf16> -> vector<16xf32>
      %unpack3A_607 = tpu.unpack_subelements %bitcast3A_605, 1 {pack_format = #tpu.pack_format<interleaved>} : vector<32xbf16> -> vector<16xf32>
      %add3A_608 = arith.addf %add3A_586, %unpack3A_603 : vector<16xf32>
      %add3A_609 = arith.addf %add3A_587, %unpack3A_604 : vector<16xf32>
      %add3A_610 = arith.addf %add3A_588, %unpack3A_606 : vector<16xf32>
      %add3A_611 = arith.addf %add3A_589, %unpack3A_607 : vector<16xf32>
      %scan3A_612 = arith.constant 7 : i32
      %scan3A_613 = arith.addi %scan3A_457, %scan3A_612 : i32
      %get3A_614 = arith.constant 0 : i32
      %get3A_615 = arith.index_cast %get3A_614 : i32 to index
      %get3A_616 = arith.index_cast %scan3A_613 : i32 to index
      %get3A_617 = arith.constant 0 : index
      %get3A_618 = tpu.vector_load %arg9[%get3A_615, %get3A_616, %get3A_617] {strides = array<i32>} : memref<6x200x32xf32, #tpu.memory_space<vmem>>, vector<16xf32>,
      %get3A_619 = arith.constant 0 : i32
      %get3A_620 = arith.index_cast %get3A_619 : i32 to index
      %get3A_621 = arith.index_cast %scan3A_613 : i32 to index
      %get3A_622 = arith.constant 16 : index
      %get3A_623 = tpu.vector_load %arg9[%get3A_620, %get3A_621, %get3A_622] {strides = array<i32>} : memref<6x200x32xf32, #tpu.memory_space<vmem>>, vector<16xf32>,
      %bitcast3A_624 = vector.bitcast %get3A_618 : vector<16xf32> to vector<32xbf16>
      %unpack3A_625 = tpu.unpack_subelements %bitcast3A_624, 0 {pack_format = #tpu.pack_format<interleaved>} : vector<32xbf16> -> vector<16xf32>
      %unpack3A_626 = tpu.unpack_subelements %bitcast3A_624, 1 {pack_format = #tpu.pack_format<interleaved>} : vector<32xbf16> -> vector<16xf32>
      %bitcast3A_627 = vector.bitcast %get3A_623 : vector<16xf32> to vector<32xbf16>
      %unpack3A_628 = tpu.unpack_subelements %bitcast3A_627, 0 {pack_format = #tpu.pack_format<interleaved>} : vector<32xbf16> -> vector<16xf32>
      %unpack3A_629 = tpu.unpack_subelements %bitcast3A_627, 1 {pack_format = #tpu.pack_format<interleaved>} : vector<32xbf16> -> vector<16xf32>
      %add3A_630 = arith.addf %add3A_608, %unpack3A_625 : vector<16xf32>
      %add3A_631 = arith.addf %add3A_609, %unpack3A_626 : vector<16xf32>
      %add3A_632 = arith.addf %add3A_610, %unpack3A_628 : vector<16xf32>
      %add3A_633 = arith.addf %add3A_611, %unpack3A_629 : vector<16xf32>
      scf.yield %add3A_630, %add3A_631, %add3A_632, %add3A_633 : vector<16xf32>, vector<16xf32>, vector<16xf32>, vector<16xf32>
    }
    %scan3A_375 = arith.constant 200 : i32
    %swap3A_376 = arith.constant 126 : i32
    %swap3A_377 = arith.index_cast %swap3A_376 : i32 to index
    %swap3A_378 = arith.constant 0 : index
    %swap3A_379 = tpu.vector_load %arg10[%swap3A_377, %swap3A_378] {strides = array<i32>} : memref<128x64xf32, #tpu.memory_space<vmem>>, vector<16xf32>,
    tpu.vector_store %arg10[%swap3A_377, %swap3A_378], %scan3A_374#0 {strides = array<i32>} : memref<128x64xf32, #tpu.memory_space<vmem>>, vector<16xf32>,
    %swap3A_380 = arith.constant 126 : i32
    %swap3A_381 = arith.index_cast %swap3A_380 : i32 to index
    %swap3A_382 = arith.constant 16 : index
    %swap3A_383 = tpu.vector_load %arg10[%swap3A_381, %swap3A_382] {strides = array<i32>} : memref<128x64xf32, #tpu.memory_space<vmem>>, vector<16xf32>,
    tpu.vector_store %arg10[%swap3A_381, %swap3A_382], %scan3A_374#1 {strides = array<i32>} : memref<128x64xf32, #tpu.memory_space<vmem>>, vector<16xf32>,
    %swap3A_384 = arith.constant 126 : i32
    %swap3A_385 = arith.index_cast %swap3A_384 : i32 to index
    %swap3A_386 = arith.constant 32 : index
    %swap3A_387 = tpu.vector_load %arg10[%swap3A_385, %swap3A_386] {strides = array<i32>} : memref<128x64xf32, #tpu.memory_space<vmem>>, vector<16xf32>,
    tpu.vector_store %arg10[%swap3A_385, %swap3A_386], %scan3A_374#2 {strides = array<i32>} : memref<128x64xf32, #tpu.memory_space<vmem>>, vector<16xf32>,
    %swap3A_388 = arith.constant 126 : i32
    %swap3A_389 = arith.index_cast %swap3A_388 : i32 to index
    %swap3A_390 = arith.constant 48 : index
    %swap3A_391 = tpu.vector_load %arg10[%swap3A_389, %swap3A_390] {strides = array<i32>} : memref<128x64xf32, #tpu.memory_space<vmem>>, vector<16xf32>,
    tpu.vector_store %arg10[%swap3A_389, %swap3A_390], %scan3A_374#3 {strides = array<i32>} : memref<128x64xf32, #tpu.memory_space<vmem>>, vector<16xf32>,
    %dma_wait3A_392 = arith.constant 127 : i32
    %dma_wait3A_393 = arith.constant 1 : i32
    %dma_wait3A_394 = arith.constant 1 : i32
    %dma_wait3A_395 = arith.constant 0 : i32
    %dma_wait3A_396 = arith.constant 0 : i32
    %dma_wait3A_397 = tpu.memref_slice %arg9[%dma_wait3A_393, %dma_wait3A_395, %dma_wait3A_396] : memref<6x200x32xf32, #tpu.memory_space<vmem>> -> memref<1x128x32xf32, #tpu.memory_space<vmem>>
    %dma_wait3A_398 = tpu.memref_squeeze %dma_wait3A_397 : memref<1x128x32xf32, #tpu.memory_space<vmem>> -> memref<128x32xf32, #tpu.memory_space<vmem>>
    %dma_wait3A_399 = arith.constant 0 : i32
    %dma_wait3A_400 = tpu.memref_slice %arg7[%dma_wait3A_392, %dma_wait3A_399] : memref<128x128xi32, #tpu.memory_space<vmem>> -> memref<1x128xi32, #tpu.memory_space<vmem>>
    %dma_wait3A_401 = tpu.memref_squeeze %dma_wait3A_400 : memref<1x128xi32, #tpu.memory_space<vmem>> -> memref<128xi32, #tpu.memory_space<vmem>>
    %dma_wait3A_402 = arith.constant 0 : i32
    %dma_wait3A_403 = arith.constant 0 : i32
    %dma_wait3A_404 = tpu.memref_slice %arg2[%dma_wait3A_402, %dma_wait3A_403] : memref<1015808x32xf32, #tpu.memory_space<hbm>> -> memref<1015808x32xf32, #tpu.memory_space<hbm>>
    %dma_wait3A_405 = tpu.memref_slice %arg14[%dma_wait3A_394] : memref<6x!tpu.dma_semaphore, #tpu.memory_space<semaphore_mem>> -> memref<1x!tpu.dma_semaphore, #tpu.memory_space<semaphore_mem>>
    %dma_wait3A_406 = tpu.memref_squeeze %dma_wait3A_405 : memref<1x!tpu.dma_semaphore, #tpu.memory_space<semaphore_mem>> -> memref<!tpu.dma_semaphore, #tpu.memory_space<semaphore_mem>>
    tpu.wait_indirect_dma semaphore(%dma_wait3A_406 : memref<!tpu.dma_semaphore, #tpu.memory_space<semaphore_mem>>) src(%dma_wait3A_404 : memref<1015808x32xf32, #tpu.memory_space<hbm>>) dst(%dma_wait3A_398 : memref<128x32xf32, #tpu.memory_space<vmem>>)
    %dma_wait3A_407 = arith.constant 127 : i32
    %dma_wait3A_408 = arith.constant 1 : i32
    %dma_wait3A_409 = arith.constant 1 : i32
    %dma_wait3A_410 = arith.constant 128 : i32
    %dma_wait3A_411 = arith.constant 0 : i32
    %dma_wait3A_412 = tpu.memref_slice %arg9[%dma_wait3A_408, %dma_wait3A_410, %dma_wait3A_411] : memref<6x200x32xf32, #tpu.memory_space<vmem>> -> memref<1x72x32xf32, #tpu.memory_space<vmem>>
    %dma_wait3A_413 = tpu.memref_squeeze %dma_wait3A_412 : memref<1x72x32xf32, #tpu.memory_space<vmem>> -> memref<72x32xf32, #tpu.memory_space<vmem>>
    %dma_wait3A_414 = arith.constant 0 : i32
    %dma_wait3A_415 = tpu.memref_slice %arg8[%dma_wait3A_407, %dma_wait3A_414] : memref<128x128xi32, #tpu.memory_space<vmem>> -> memref<1x72xi32, #tpu.memory_space<vmem>>
    %dma_wait3A_416 = tpu.memref_squeeze %dma_wait3A_415 : memref<1x72xi32, #tpu.memory_space<vmem>> -> memref<72xi32, #tpu.memory_space<vmem>>
    %dma_wait3A_417 = arith.constant 0 : i32
    %dma_wait3A_418 = arith.constant 0 : i32
    %dma_wait3A_419 = tpu.memref_slice %arg2[%dma_wait3A_417, %dma_wait3A_418] : memref<1015808x32xf32, #tpu.memory_space<hbm>> -> memref<1015808x32xf32, #tpu.memory_space<hbm>>
    %dma_wait3A_420 = tpu.memref_slice %arg14[%dma_wait3A_409] : memref<6x!tpu.dma_semaphore, #tpu.memory_space<semaphore_mem>> -> memref<1x!tpu.dma_semaphore, #tpu.memory_space<semaphore_mem>>
    %dma_wait3A_421 = tpu.memref_squeeze %dma_wait3A_420 : memref<1x!tpu.dma_semaphore, #tpu.memory_space<semaphore_mem>> -> memref<!tpu.dma_semaphore, #tpu.memory_space<semaphore_mem>>
    tpu.wait_indirect_dma semaphore(%dma_wait3A_421 : memref<!tpu.dma_semaphore, #tpu.memory_space<semaphore_mem>>) src(%dma_wait3A_419 : memref<1015808x32xf32, #tpu.memory_space<hbm>>) dst(%dma_wait3A_413 : memref<72x32xf32, #tpu.memory_space<vmem>>)
    %scan3A_422 = arith.constant 0 : i32
    %scan3A_423 = arith.constant 200 : i32
    %scan3A_424 = arith.addi %scan3A_422, %scan3A_423 : i32
    %scan3A_425 = arith.constant 8 : i32
    %scan3A_426:4 = scf.for %scan3A_457 = %scan3A_422 to %scan3A_424 step %scan3A_425 iter_args(%scan3A_458 = %broadcast_in_dim3A_334, %scan3A_459 = %broadcast_in_dim3A_334, %scan3A_460 = %broadcast_in_dim3A_334, %scan3A_461 = %broadcast_in_dim3A_334) -> (vector<16xf32>, vector<16xf32>, vector<16xf32>, vector<16xf32>)  : i32 {
      %get3A_462 = arith.constant 1 : i32
      %get3A_463 = arith.index_cast %get3A_462 : i32 to index
      %get3A_464 = arith.index_cast %scan3A_457 : i32 to index
      %get3A_465 = arith.constant 0 : index
      %get3A_466 = tpu.vector_load %arg9[%get3A_463, %get3A_464, %get3A_465] {strides = array<i32>} : memref<6x200x32xf32, #tpu.memory_space<vmem>>, vector<16xf32>,
      %get3A_467 = arith.constant 1 : i32
      %get3A_468 = arith.index_cast %get3A_467 : i32 to index
      %get3A_469 = arith.index_cast %scan3A_457 : i32 to index
      %get3A_470 = arith.constant 16 : index
      %get3A_471 = tpu.vector_load %arg9[%get3A_468, %get3A_469, %get3A_470] {strides = array<i32>} : memref<6x200x32xf32, #tpu.memory_space<vmem>>, vector<16xf32>,
      %bitcast3A = vector.bitcast %get3A_466 : vector<16xf32> to vector<32xbf16>
      %unpack3A = tpu.unpack_subelements %bitcast3A, 0 {pack_format = #tpu.pack_format<interleaved>} : vector<32xbf16> -> vector<16xf32>
      %unpack3A_472 = tpu.unpack_subelements %bitcast3A, 1 {pack_format = #tpu.pack_format<interleaved>} : vector<32xbf16> -> vector<16xf32>
      %bitcast3A_473 = vector.bitcast %get3A_471 : vector<16xf32> to vector<32xbf16>
      %unpack3A_474 = tpu.unpack_subelements %bitcast3A_473, 0 {pack_format = #tpu.pack_format<interleaved>} : vector<32xbf16> -> vector<16xf32>
      %unpack3A_475 = tpu.unpack_subelements %bitcast3A_473, 1 {pack_format = #tpu.pack_format<interleaved>} : vector<32xbf16> -> vector<16xf32>
      %add3A_476 = arith.addf %scan3A_458, %unpack3A : vector<16xf32>
      %add3A_477 = arith.addf %scan3A_459, %unpack3A_472 : vector<16xf32>
      %add3A_478 = arith.addf %scan3A_460, %unpack3A_474 : vector<16xf32>
      %add3A_479 = arith.addf %scan3A_461, %unpack3A_475 : vector<16xf32>
      %scan3A_480 = arith.constant 1 : i32
      %scan3A_481 = arith.addi %scan3A_457, %scan3A_480 : i32
      %get3A_482 = arith.constant 1 : i32
      %get3A_483 = arith.index_cast %get3A_482 : i32 to index
      %get3A_484 = arith.index_cast %scan3A_481 : i32 to index
      %get3A_485 = arith.constant 0 : index
      %get3A_486 = tpu.vector_load %arg9[%get3A_483, %get3A_484, %get3A_485] {strides = array<i32>} : memref<6x200x32xf32, #tpu.memory_space<vmem>>, vector<16xf32>,
      %get3A_487 = arith.constant 1 : i32
      %get3A_488 = arith.index_cast %get3A_487 : i32 to index
      %get3A_489 = arith.index_cast %scan3A_481 : i32 to index
      %get3A_490 = arith.constant 16 : index
      %get3A_491 = tpu.vector_load %arg9[%get3A_488, %get3A_489, %get3A_490] {strides = array<i32>} : memref<6x200x32xf32, #tpu.memory_space<vmem>>, vector<16xf32>,
      %bitcast3A_492 = vector.bitcast %get3A_486 : vector<16xf32> to vector<32xbf16>
      %unpack3A_493 = tpu.unpack_subelements %bitcast3A_492, 0 {pack_format = #tpu.pack_format<interleaved>} : vector<32xbf16> -> vector<16xf32>
      %unpack3A_494 = tpu.unpack_subelements %bitcast3A_492, 1 {pack_format = #tpu.pack_format<interleaved>} : vector<32xbf16> -> vector<16xf32>
      %bitcast3A_495 = vector.bitcast %get3A_491 : vector<16xf32> to vector<32xbf16>
      %unpack3A_496 = tpu.unpack_subelements %bitcast3A_495, 0 {pack_format = #tpu.pack_format<interleaved>} : vector<32xbf16> -> vector<16xf32>
      %unpack3A_497 = tpu.unpack_subelements %bitcast3A_495, 1 {pack_format = #tpu.pack_format<interleaved>} : vector<32xbf16> -> vector<16xf32>
      %add3A_498 = arith.addf %add3A_476, %unpack3A_493 : vector<16xf32>
      %add3A_499 = arith.addf %add3A_477, %unpack3A_494 : vector<16xf32>
      %add3A_500 = arith.addf %add3A_478, %unpack3A_496 : vector<16xf32>
      %add3A_501 = arith.addf %add3A_479, %unpack3A_497 : vector<16xf32>
      %scan3A_502 = arith.constant 2 : i32
      %scan3A_503 = arith.addi %scan3A_457, %scan3A_502 : i32
      %get3A_504 = arith.constant 1 : i32
      %get3A_505 = arith.index_cast %get3A_504 : i32 to index
      %get3A_506 = arith.index_cast %scan3A_503 : i32 to index
      %get3A_507 = arith.constant 0 : index
      %get3A_508 = tpu.vector_load %arg9[%get3A_505, %get3A_506, %get3A_507] {strides = array<i32>} : memref<6x200x32xf32, #tpu.memory_space<vmem>>, vector<16xf32>,
      %get3A_509 = arith.constant 1 : i32
      %get3A_510 = arith.index_cast %get3A_509 : i32 to index
      %get3A_511 = arith.index_cast %scan3A_503 : i32 to index
      %get3A_512 = arith.constant 16 : index
      %get3A_513 = tpu.vector_load %arg9[%get3A_510, %get3A_511, %get3A_512] {strides = array<i32>} : memref<6x200x32xf32, #tpu.memory_space<vmem>>, vector<16xf32>,
      %bitcast3A_514 = vector.bitcast %get3A_508 : vector<16xf32> to vector<32xbf16>
      %unpack3A_515 = tpu.unpack_subelements %bitcast3A_514, 0 {pack_format = #tpu.pack_format<interleaved>} : vector<32xbf16> -> vector<16xf32>
      %unpack3A_516 = tpu.unpack_subelements %bitcast3A_514, 1 {pack_format = #tpu.pack_format<interleaved>} : vector<32xbf16> -> vector<16xf32>
      %bitcast3A_517 = vector.bitcast %get3A_513 : vector<16xf32> to vector<32xbf16>
      %unpack3A_518 = tpu.unpack_subelements %bitcast3A_517, 0 {pack_format = #tpu.pack_format<interleaved>} : vector<32xbf16> -> vector<16xf32>
      %unpack3A_519 = tpu.unpack_subelements %bitcast3A_517, 1 {pack_format = #tpu.pack_format<interleaved>} : vector<32xbf16> -> vector<16xf32>
      %add3A_520 = arith.addf %add3A_498, %unpack3A_515 : vector<16xf32>
      %add3A_521 = arith.addf %add3A_499, %unpack3A_516 : vector<16xf32>
      %add3A_522 = arith.addf %add3A_500, %unpack3A_518 : vector<16xf32>
      %add3A_523 = arith.addf %add3A_501, %unpack3A_519 : vector<16xf32>
      %scan3A_524 = arith.constant 3 : i32
      %scan3A_525 = arith.addi %scan3A_457, %scan3A_524 : i32
      %get3A_526 = arith.constant 1 : i32
      %get3A_527 = arith.index_cast %get3A_526 : i32 to index
      %get3A_528 = arith.index_cast %scan3A_525 : i32 to index
      %get3A_529 = arith.constant 0 : index
      %get3A_530 = tpu.vector_load %arg9[%get3A_527, %get3A_528, %get3A_529] {strides = array<i32>} : memref<6x200x32xf32, #tpu.memory_space<vmem>>, vector<16xf32>,
      %get3A_531 = arith.constant 1 : i32
      %get3A_532 = arith.index_cast %get3A_531 : i32 to index
      %get3A_533 = arith.index_cast %scan3A_525 : i32 to index
      %get3A_534 = arith.constant 16 : index
      %get3A_535 = tpu.vector_load %arg9[%get3A_532, %get3A_533, %get3A_534] {strides = array<i32>} : memref<6x200x32xf32, #tpu.memory_space<vmem>>, vector<16xf32>,
      %bitcast3A_536 = vector.bitcast %get3A_530 : vector<16xf32> to vector<32xbf16>
      %unpack3A_537 = tpu.unpack_subelements %bitcast3A_536, 0 {pack_format = #tpu.pack_format<interleaved>} : vector<32xbf16> -> vector<16xf32>
      %unpack3A_538 = tpu.unpack_subelements %bitcast3A_536, 1 {pack_format = #tpu.pack_format<interleaved>} : vector<32xbf16> -> vector<16xf32>
      %bitcast3A_539 = vector.bitcast %get3A_535 : vector<16xf32> to vector<32xbf16>
      %unpack3A_540 = tpu.unpack_subelements %bitcast3A_539, 0 {pack_format = #tpu.pack_format<interleaved>} : vector<32xbf16> -> vector<16xf32>
      %unpack3A_541 = tpu.unpack_subelements %bitcast3A_539, 1 {pack_format = #tpu.pack_format<interleaved>} : vector<32xbf16> -> vector<16xf32>
      %add3A_542 = arith.addf %add3A_520, %unpack3A_537 : vector<16xf32>
      %add3A_543 = arith.addf %add3A_521, %unpack3A_538 : vector<16xf32>
      %add3A_544 = arith.addf %add3A_522, %unpack3A_540 : vector<16xf32>
      %add3A_545 = arith.addf %add3A_523, %unpack3A_541 : vector<16xf32>
      %scan3A_546 = arith.constant 4 : i32
      %scan3A_547 = arith.addi %scan3A_457, %scan3A_546 : i32
      %get3A_548 = arith.constant 1 : i32
      %get3A_549 = arith.index_cast %get3A_548 : i32 to index
      %get3A_550 = arith.index_cast %scan3A_547 : i32 to index
      %get3A_551 = arith.constant 0 : index
      %get3A_552 = tpu.vector_load %arg9[%get3A_549, %get3A_550, %get3A_551] {strides = array<i32>} : memref<6x200x32xf32, #tpu.memory_space<vmem>>, vector<16xf32>,
      %get3A_553 = arith.constant 1 : i32
      %get3A_554 = arith.index_cast %get3A_553 : i32 to index
      %get3A_555 = arith.index_cast %scan3A_547 : i32 to index
      %get3A_556 = arith.constant 16 : index
      %get3A_557 = tpu.vector_load %arg9[%get3A_554, %get3A_555, %get3A_556] {strides = array<i32>} : memref<6x200x32xf32, #tpu.memory_space<vmem>>, vector<16xf32>,
      %bitcast3A_558 = vector.bitcast %get3A_552 : vector<16xf32> to vector<32xbf16>
      %unpack3A_559 = tpu.unpack_subelements %bitcast3A_558, 0 {pack_format = #tpu.pack_format<interleaved>} : vector<32xbf16> -> vector<16xf32>
      %unpack3A_560 = tpu.unpack_subelements %bitcast3A_558, 1 {pack_format = #tpu.pack_format<interleaved>} : vector<32xbf16> -> vector<16xf32>
      %bitcast3A_561 = vector.bitcast %get3A_557 : vector<16xf32> to vector<32xbf16>
      %unpack3A_562 = tpu.unpack_subelements %bitcast3A_561, 0 {pack_format = #tpu.pack_format<interleaved>} : vector<32xbf16> -> vector<16xf32>
      %unpack3A_563 = tpu.unpack_subelements %bitcast3A_561, 1 {pack_format = #tpu.pack_format<interleaved>} : vector<32xbf16> -> vector<16xf32>
      %add3A_564 = arith.addf %add3A_542, %unpack3A_559 : vector<16xf32>
      %add3A_565 = arith.addf %add3A_543, %unpack3A_560 : vector<16xf32>
      %add3A_566 = arith.addf %add3A_544, %unpack3A_562 : vector<16xf32>
      %add3A_567 = arith.addf %add3A_545, %unpack3A_563 : vector<16xf32>
      %scan3A_568 = arith.constant 5 : i32
      %scan3A_569 = arith.addi %scan3A_457, %scan3A_568 : i32
      %get3A_570 = arith.constant 1 : i32
      %get3A_571 = arith.index_cast %get3A_570 : i32 to index
      %get3A_572 = arith.index_cast %scan3A_569 : i32 to index
      %get3A_573 = arith.constant 0 : index
      %get3A_574 = tpu.vector_load %arg9[%get3A_571, %get3A_572, %get3A_573] {strides = array<i32>} : memref<6x200x32xf32, #tpu.memory_space<vmem>>, vector<16xf32>,
      %get3A_575 = arith.constant 1 : i32
      %get3A_576 = arith.index_cast %get3A_575 : i32 to index
      %get3A_577 = arith.index_cast %scan3A_569 : i32 to index
      %get3A_578 = arith.constant 16 : index
      %get3A_579 = tpu.vector_load %arg9[%get3A_576, %get3A_577, %get3A_578] {strides = array<i32>} : memref<6x200x32xf32, #tpu.memory_space<vmem>>, vector<16xf32>,
      %bitcast3A_580 = vector.bitcast %get3A_574 : vector<16xf32> to vector<32xbf16>
      %unpack3A_581 = tpu.unpack_subelements %bitcast3A_580, 0 {pack_format = #tpu.pack_format<interleaved>} : vector<32xbf16> -> vector<16xf32>
      %unpack3A_582 = tpu.unpack_subelements %bitcast3A_580, 1 {pack_format = #tpu.pack_format<interleaved>} : vector<32xbf16> -> vector<16xf32>
      %bitcast3A_583 = vector.bitcast %get3A_579 : vector<16xf32> to vector<32xbf16>
      %unpack3A_584 = tpu.unpack_subelements %bitcast3A_583, 0 {pack_format = #tpu.pack_format<interleaved>} : vector<32xbf16> -> vector<16xf32>
      %unpack3A_585 = tpu.unpack_subelements %bitcast3A_583, 1 {pack_format = #tpu.pack_format<interleaved>} : vector<32xbf16> -> vector<16xf32>
      %add3A_586 = arith.addf %add3A_564, %unpack3A_581 : vector<16xf32>
      %add3A_587 = arith.addf %add3A_565, %unpack3A_582 : vector<16xf32>
      %add3A_588 = arith.addf %add3A_566, %unpack3A_584 : vector<16xf32>
      %add3A_589 = arith.addf %add3A_567, %unpack3A_585 : vector<16xf32>
      %scan3A_590 = arith.constant 6 : i32
      %scan3A_591 = arith.addi %scan3A_457, %scan3A_590 : i32
      %get3A_592 = arith.constant 1 : i32
      %get3A_593 = arith.index_cast %get3A_592 : i32 to index
      %get3A_594 = arith.index_cast %scan3A_591 : i32 to index
      %get3A_595 = arith.constant 0 : index
      %get3A_596 = tpu.vector_load %arg9[%get3A_593, %get3A_594, %get3A_595] {strides = array<i32>} : memref<6x200x32xf32, #tpu.memory_space<vmem>>, vector<16xf32>,
      %get3A_597 = arith.constant 1 : i32
      %get3A_598 = arith.index_cast %get3A_597 : i32 to index
      %get3A_599 = arith.index_cast %scan3A_591 : i32 to index
      %get3A_600 = arith.constant 16 : index
      %get3A_601 = tpu.vector_load %arg9[%get3A_598, %get3A_599, %get3A_600] {strides = array<i32>} : memref<6x200x32xf32, #tpu.memory_space<vmem>>, vector<16xf32>,
      %bitcast3A_602 = vector.bitcast %get3A_596 : vector<16xf32> to vector<32xbf16>
      %unpack3A_603 = tpu.unpack_subelements %bitcast3A_602, 0 {pack_format = #tpu.pack_format<interleaved>} : vector<32xbf16> -> vector<16xf32>
      %unpack3A_604 = tpu.unpack_subelements %bitcast3A_602, 1 {pack_format = #tpu.pack_format<interleaved>} : vector<32xbf16> -> vector<16xf32>
      %bitcast3A_605 = vector.bitcast %get3A_601 : vector<16xf32> to vector<32xbf16>
      %unpack3A_606 = tpu.unpack_subelements %bitcast3A_605, 0 {pack_format = #tpu.pack_format<interleaved>} : vector<32xbf16> -> vector<16xf32>
      %unpack3A_607 = tpu.unpack_subelements %bitcast3A_605, 1 {pack_format = #tpu.pack_format<interleaved>} : vector<32xbf16> -> vector<16xf32>
      %add3A_608 = arith.addf %add3A_586, %unpack3A_603 : vector<16xf32>
      %add3A_609 = arith.addf %add3A_587, %unpack3A_604 : vector<16xf32>
      %add3A_610 = arith.addf %add3A_588, %unpack3A_606 : vector<16xf32>
      %add3A_611 = arith.addf %add3A_589, %unpack3A_607 : vector<16xf32>
      %scan3A_612 = arith.constant 7 : i32
      %scan3A_613 = arith.addi %scan3A_457, %scan3A_612 : i32
      %get3A_614 = arith.constant 1 : i32
      %get3A_615 = arith.index_cast %get3A_614 : i32 to index
      %get3A_616 = arith.index_cast %scan3A_613 : i32 to index
      %get3A_617 = arith.constant 0 : index
      %get3A_618 = tpu.vector_load %arg9[%get3A_615, %get3A_616, %get3A_617] {strides = array<i32>} : memref<6x200x32xf32, #tpu.memory_space<vmem>>, vector<16xf32>,
      %get3A_619 = arith.constant 1 : i32
      %get3A_620 = arith.index_cast %get3A_619 : i32 to index
      %get3A_621 = arith.index_cast %scan3A_613 : i32 to index
      %get3A_622 = arith.constant 16 : index
      %get3A_623 = tpu.vector_load %arg9[%get3A_620, %get3A_621, %get3A_622] {strides = array<i32>} : memref<6x200x32xf32, #tpu.memory_space<vmem>>, vector<16xf32>,
      %bitcast3A_624 = vector.bitcast %get3A_618 : vector<16xf32> to vector<32xbf16>
      %unpack3A_625 = tpu.unpack_subelements %bitcast3A_624, 0 {pack_format = #tpu.pack_format<interleaved>} : vector<32xbf16> -> vector<16xf32>
      %unpack3A_626 = tpu.unpack_subelements %bitcast3A_624, 1 {pack_format = #tpu.pack_format<interleaved>} : vector<32xbf16> -> vector<16xf32>
      %bitcast3A_627 = vector.bitcast %get3A_623 : vector<16xf32> to vector<32xbf16>
      %unpack3A_628 = tpu.unpack_subelements %bitcast3A_627, 0 {pack_format = #tpu.pack_format<interleaved>} : vector<32xbf16> -> vector<16xf32>
      %unpack3A_629 = tpu.unpack_subelements %bitcast3A_627, 1 {pack_format = #tpu.pack_format<interleaved>} : vector<32xbf16> -> vector<16xf32>
      %add3A_630 = arith.addf %add3A_608, %unpack3A_625 : vector<16xf32>
      %add3A_631 = arith.addf %add3A_609, %unpack3A_626 : vector<16xf32>
      %add3A_632 = arith.addf %add3A_610, %unpack3A_628 : vector<16xf32>
      %add3A_633 = arith.addf %add3A_611, %unpack3A_629 : vector<16xf32>
      scf.yield %add3A_630, %add3A_631, %add3A_632, %add3A_633 : vector<16xf32>, vector<16xf32>, vector<16xf32>, vector<16xf32>
    }
    %scan3A_427 = arith.constant 200 : i32
    %swap3A_428 = arith.constant 127 : i32
    %swap3A_429 = arith.index_cast %swap3A_428 : i32 to index
    %swap3A_430 = arith.constant 0 : index
    %swap3A_431 = tpu.vector_load %arg10[%swap3A_429, %swap3A_430] {strides = array<i32>} : memref<128x64xf32, #tpu.memory_space<vmem>>, vector<16xf32>,
    tpu.vector_store %arg10[%swap3A_429, %swap3A_430], %scan3A_426#0 {strides = array<i32>} : memref<128x64xf32, #tpu.memory_space<vmem>>, vector<16xf32>,
    %swap3A_432 = arith.constant 127 : i32
    %swap3A_433 = arith.index_cast %swap3A_432 : i32 to index
    %swap3A_434 = arith.constant 16 : index
    %swap3A_435 = tpu.vector_load %arg10[%swap3A_433, %swap3A_434] {strides = array<i32>} : memref<128x64xf32, #tpu.memory_space<vmem>>, vector<16xf32>,
    tpu.vector_store %arg10[%swap3A_433, %swap3A_434], %scan3A_426#1 {strides = array<i32>} : memref<128x64xf32, #tpu.memory_space<vmem>>, vector<16xf32>,
    %swap3A_436 = arith.constant 127 : i32
    %swap3A_437 = arith.index_cast %swap3A_436 : i32 to index
    %swap3A_438 = arith.constant 32 : index
    %swap3A_439 = tpu.vector_load %arg10[%swap3A_437, %swap3A_438] {strides = array<i32>} : memref<128x64xf32, #tpu.memory_space<vmem>>, vector<16xf32>,
    tpu.vector_store %arg10[%swap3A_437, %swap3A_438], %scan3A_426#2 {strides = array<i32>} : memref<128x64xf32, #tpu.memory_space<vmem>>, vector<16xf32>,
    %swap3A_440 = arith.constant 127 : i32
    %swap3A_441 = arith.index_cast %swap3A_440 : i32 to index
    %swap3A_442 = arith.constant 48 : index
    %swap3A_443 = tpu.vector_load %arg10[%swap3A_441, %swap3A_442] {strides = array<i32>} : memref<128x64xf32, #tpu.memory_space<vmem>>, vector<16xf32>,
    tpu.vector_store %arg10[%swap3A_441, %swap3A_442], %scan3A_426#3 {strides = array<i32>} : memref<128x64xf32, #tpu.memory_space<vmem>>, vector<16xf32>,
    %mul3A_444 = arith.constant 128 : i32
    %mul3A_445 = arith.muli %add3A, %mul3A_444 : i32
    "tpu.region"() ({
      %run_scoped3A = tpu.sem_alloc : memref<!tpu.dma_semaphore, #tpu.memory_space<semaphore_mem>>
      %dma_start3A_457 = arith.constant 0 : i32
      %dma_start3A_458 = tpu.memref_slice %arg5[%mul3A_445, %dma_start3A_457] : memref<4096x64xf32, #tpu.memory_space<hbm>> -> memref<128x64xf32, #tpu.memory_space<hbm>>
      %dma_start3A_459 = arith.constant 0 : i32
      %dma_start3A_460 = tpu.memref_slice %arg5[%mul3A_445, %dma_start3A_459] : memref<4096x64xf32, #tpu.memory_space<hbm>> -> memref<128x64xf32, #tpu.memory_space<hbm>>
      tpu.enqueue_dma source(%arg10 : memref<128x64xf32, #tpu.memory_space<vmem>>) target(%dma_start3A_460 : memref<128x64xf32, #tpu.memory_space<hbm>>) target_semaphore(%run_scoped3A : memref<!tpu.dma_semaphore, #tpu.memory_space<semaphore_mem>>)
      %dma_wait3A_461 = arith.constant 0 : i32
      %dma_wait3A_462 = tpu.memref_slice %arg5[%mul3A_445, %dma_wait3A_461] : memref<4096x64xf32, #tpu.memory_space<hbm>> -> memref<128x64xf32, #tpu.memory_space<hbm>>
      %dma_wait3A_463 = arith.constant 0 : i32
      %dma_wait3A_464 = tpu.memref_slice %arg5[%mul3A_445, %dma_wait3A_463] : memref<4096x64xf32, #tpu.memory_space<hbm>> -> memref<128x64xf32, #tpu.memory_space<hbm>>
      tpu.wait_dma2 semaphore(%run_scoped3A : memref<!tpu.dma_semaphore, #tpu.memory_space<semaphore_mem>>) src(%arg10 : memref<128x64xf32, #tpu.memory_space<vmem>>) dst(%dma_wait3A_464 : memref<128x64xf32, #tpu.memory_space<hbm>>)
      tpu.yield
    }) : () -> ()
    %dma_wait3A_446 = arith.constant 0 : i32
    %dma_wait3A_447 = arith.constant 0 : i32
    %dma_wait3A_448 = tpu.memref_slice %arg2[%dma_wait3A_446, %dma_wait3A_447] : memref<1015808x32xf32, #tpu.memory_space<hbm>> -> memref<1015808x32xf32, #tpu.memory_space<hbm>>
    tpu.wait_indirect_dma semaphore(%arg15 : memref<!tpu.dma_semaphore, #tpu.memory_space<semaphore_mem>>) src(%dma_wait3A_448 : memref<1015808x32xf32, #tpu.memory_space<hbm>>) dst(%arg12 : memref<128x32xf32, #tpu.memory_space<vmem>>)
    %scan3A_449 = arith.constant 0 : i32
    %scan3A_450 = arith.constant 0 : i32
    %scan3A_451 = arith.constant 128 : i32
    %scan3A_452 = arith.addi %scan3A_450, %scan3A_451 : i32
    %scan3A_453 = arith.constant 4 : i32
    scf.for %scan3A_457 = %scan3A_450 to %scan3A_452 step %scan3A_453  : i32 {
      %get3A_458 = arith.index_cast %scan3A_457 : i32 to index
      %get3A_459 = arith.constant 0 : index
      %get3A_460 = tpu.vector_load %arg12[%get3A_458, %get3A_459] {strides = array<i32>} : memref<128x32xf32, #tpu.memory_space<vmem>>, vector<16xf32>,
      %get3A_461 = arith.index_cast %scan3A_457 : i32 to index
      %get3A_462 = arith.constant 16 : index
      %get3A_463 = tpu.vector_load %arg12[%get3A_461, %get3A_462] {strides = array<i32>} : memref<128x32xf32, #tpu.memory_space<vmem>>, vector<16xf32>,
      %bitcast3A = vector.bitcast %get3A_460 : vector<16xf32> to vector<32xbf16>
      %unpack3A = tpu.unpack_subelements %bitcast3A, 0 {pack_format = #tpu.pack_format<interleaved>} : vector<32xbf16> -> vector<16xf32>
      %unpack3A_464 = tpu.unpack_subelements %bitcast3A, 1 {pack_format = #tpu.pack_format<interleaved>} : vector<32xbf16> -> vector<16xf32>
      %bitcast3A_465 = vector.bitcast %get3A_463 : vector<16xf32> to vector<32xbf16>
      %unpack3A_466 = tpu.unpack_subelements %bitcast3A_465, 0 {pack_format = #tpu.pack_format<interleaved>} : vector<32xbf16> -> vector<16xf32>
      %unpack3A_467 = tpu.unpack_subelements %bitcast3A_465, 1 {pack_format = #tpu.pack_format<interleaved>} : vector<32xbf16> -> vector<16xf32>
      %swap3A_468 = arith.index_cast %scan3A_457 : i32 to index
      %swap3A_469 = arith.constant 0 : index
      %swap3A_470 = tpu.vector_load %arg13[%swap3A_468, %swap3A_469] {strides = array<i32>} : memref<128x64xf32, #tpu.memory_space<vmem>>, vector<16xf32>,
      tpu.vector_store %arg13[%swap3A_468, %swap3A_469], %unpack3A {strides = array<i32>} : memref<128x64xf32, #tpu.memory_space<vmem>>, vector<16xf32>,
      %swap3A_471 = arith.index_cast %scan3A_457 : i32 to index
      %swap3A_472 = arith.constant 16 : index
      %swap3A_473 = tpu.vector_load %arg13[%swap3A_471, %swap3A_472] {strides = array<i32>} : memref<128x64xf32, #tpu.memory_space<vmem>>, vector<16xf32>,
      tpu.vector_store %arg13[%swap3A_471, %swap3A_472], %unpack3A_464 {strides = array<i32>} : memref<128x64xf32, #tpu.memory_space<vmem>>, vector<16xf32>,
      %swap3A_474 = arith.index_cast %scan3A_457 : i32 to index
      %swap3A_475 = arith.constant 32 : index
      %swap3A_476 = tpu.vector_load %arg13[%swap3A_474, %swap3A_475] {strides = array<i32>} : memref<128x64xf32, #tpu.memory_space<vmem>>, vector<16xf32>,
      tpu.vector_store %arg13[%swap3A_474, %swap3A_475], %unpack3A_466 {strides = array<i32>} : memref<128x64xf32, #tpu.memory_space<vmem>>, vector<16xf32>,
      %swap3A_477 = arith.index_cast %scan3A_457 : i32 to index
      %swap3A_478 = arith.constant 48 : index
      %swap3A_479 = tpu.vector_load %arg13[%swap3A_477, %swap3A_478] {strides = array<i32>} : memref<128x64xf32, #tpu.memory_space<vmem>>, vector<16xf32>,
      tpu.vector_store %arg13[%swap3A_477, %swap3A_478], %unpack3A_467 {strides = array<i32>} : memref<128x64xf32, #tpu.memory_space<vmem>>, vector<16xf32>,
      %scan3A_480 = arith.constant 1 : i32
      %scan3A_481 = arith.addi %scan3A_457, %scan3A_480 : i32
      %get3A_482 = arith.index_cast %scan3A_481 : i32 to index
      %get3A_483 = arith.constant 0 : index
      %get3A_484 = tpu.vector_load %arg12[%get3A_482, %get3A_483] {strides = array<i32>} : memref<128x32xf32, #tpu.memory_space<vmem>>, vector<16xf32>,
      %get3A_485 = arith.index_cast %scan3A_481 : i32 to index
      %get3A_486 = arith.constant 16 : index
      %get3A_487 = tpu.vector_load %arg12[%get3A_485, %get3A_486] {strides = array<i32>} : memref<128x32xf32, #tpu.memory_space<vmem>>, vector<16xf32>,
      %bitcast3A_488 = vector.bitcast %get3A_484 : vector<16xf32> to vector<32xbf16>
      %unpack3A_489 = tpu.unpack_subelements %bitcast3A_488, 0 {pack_format = #tpu.pack_format<interleaved>} : vector<32xbf16> -> vector<16xf32>
      %unpack3A_490 = tpu.unpack_subelements %bitcast3A_488, 1 {pack_format = #tpu.pack_format<interleaved>} : vector<32xbf16> -> vector<16xf32>
      %bitcast3A_491 = vector.bitcast %get3A_487 : vector<16xf32> to vector<32xbf16>
      %unpack3A_492 = tpu.unpack_subelements %bitcast3A_491, 0 {pack_format = #tpu.pack_format<interleaved>} : vector<32xbf16> -> vector<16xf32>
      %unpack3A_493 = tpu.unpack_subelements %bitcast3A_491, 1 {pack_format = #tpu.pack_format<interleaved>} : vector<32xbf16> -> vector<16xf32>
      %swap3A_494 = arith.index_cast %scan3A_481 : i32 to index
      %swap3A_495 = arith.constant 0 : index
      %swap3A_496 = tpu.vector_load %arg13[%swap3A_494, %swap3A_495] {strides = array<i32>} : memref<128x64xf32, #tpu.memory_space<vmem>>, vector<16xf32>,
      tpu.vector_store %arg13[%swap3A_494, %swap3A_495], %unpack3A_489 {strides = array<i32>} : memref<128x64xf32, #tpu.memory_space<vmem>>, vector<16xf32>,
      %swap3A_497 = arith.index_cast %scan3A_481 : i32 to index
      %swap3A_498 = arith.constant 16 : index
      %swap3A_499 = tpu.vector_load %arg13[%swap3A_497, %swap3A_498] {strides = array<i32>} : memref<128x64xf32, #tpu.memory_space<vmem>>, vector<16xf32>,
      tpu.vector_store %arg13[%swap3A_497, %swap3A_498], %unpack3A_490 {strides = array<i32>} : memref<128x64xf32, #tpu.memory_space<vmem>>, vector<16xf32>,
      %swap3A_500 = arith.index_cast %scan3A_481 : i32 to index
      %swap3A_501 = arith.constant 32 : index
      %swap3A_502 = tpu.vector_load %arg13[%swap3A_500, %swap3A_501] {strides = array<i32>} : memref<128x64xf32, #tpu.memory_space<vmem>>, vector<16xf32>,
      tpu.vector_store %arg13[%swap3A_500, %swap3A_501], %unpack3A_492 {strides = array<i32>} : memref<128x64xf32, #tpu.memory_space<vmem>>, vector<16xf32>,
      %swap3A_503 = arith.index_cast %scan3A_481 : i32 to index
      %swap3A_504 = arith.constant 48 : index
      %swap3A_505 = tpu.vector_load %arg13[%swap3A_503, %swap3A_504] {strides = array<i32>} : memref<128x64xf32, #tpu.memory_space<vmem>>, vector<16xf32>,
      tpu.vector_store %arg13[%swap3A_503, %swap3A_504], %unpack3A_493 {strides = array<i32>} : memref<128x64xf32, #tpu.memory_space<vmem>>, vector<16xf32>,
      %scan3A_506 = arith.constant 2 : i32
      %scan3A_507 = arith.addi %scan3A_457, %scan3A_506 : i32
      %get3A_508 = arith.index_cast %scan3A_507 : i32 to index
      %get3A_509 = arith.constant 0 : index
      %get3A_510 = tpu.vector_load %arg12[%get3A_508, %get3A_509] {strides = array<i32>} : memref<128x32xf32, #tpu.memory_space<vmem>>, vector<16xf32>,
      %get3A_511 = arith.index_cast %scan3A_507 : i32 to index
      %get3A_512 = arith.constant 16 : index
      %get3A_513 = tpu.vector_load %arg12[%get3A_511, %get3A_512] {strides = array<i32>} : memref<128x32xf32, #tpu.memory_space<vmem>>, vector<16xf32>,
      %bitcast3A_514 = vector.bitcast %get3A_510 : vector<16xf32> to vector<32xbf16>
      %unpack3A_515 = tpu.unpack_subelements %bitcast3A_514, 0 {pack_format = #tpu.pack_format<interleaved>} : vector<32xbf16> -> vector<16xf32>
      %unpack3A_516 = tpu.unpack_subelements %bitcast3A_514, 1 {pack_format = #tpu.pack_format<interleaved>} : vector<32xbf16> -> vector<16xf32>
      %bitcast3A_517 = vector.bitcast %get3A_513 : vector<16xf32> to vector<32xbf16>
      %unpack3A_518 = tpu.unpack_subelements %bitcast3A_517, 0 {pack_format = #tpu.pack_format<interleaved>} : vector<32xbf16> -> vector<16xf32>
      %unpack3A_519 = tpu.unpack_subelements %bitcast3A_517, 1 {pack_format = #tpu.pack_format<interleaved>} : vector<32xbf16> -> vector<16xf32>
      %swap3A_520 = arith.index_cast %scan3A_507 : i32 to index
      %swap3A_521 = arith.constant 0 : index
      %swap3A_522 = tpu.vector_load %arg13[%swap3A_520, %swap3A_521] {strides = array<i32>} : memref<128x64xf32, #tpu.memory_space<vmem>>, vector<16xf32>,
      tpu.vector_store %arg13[%swap3A_520, %swap3A_521], %unpack3A_515 {strides = array<i32>} : memref<128x64xf32, #tpu.memory_space<vmem>>, vector<16xf32>,
      %swap3A_523 = arith.index_cast %scan3A_507 : i32 to index
      %swap3A_524 = arith.constant 16 : index
      %swap3A_525 = tpu.vector_load %arg13[%swap3A_523, %swap3A_524] {strides = array<i32>} : memref<128x64xf32, #tpu.memory_space<vmem>>, vector<16xf32>,
      tpu.vector_store %arg13[%swap3A_523, %swap3A_524], %unpack3A_516 {strides = array<i32>} : memref<128x64xf32, #tpu.memory_space<vmem>>, vector<16xf32>,
      %swap3A_526 = arith.index_cast %scan3A_507 : i32 to index
      %swap3A_527 = arith.constant 32 : index
      %swap3A_528 = tpu.vector_load %arg13[%swap3A_526, %swap3A_527] {strides = array<i32>} : memref<128x64xf32, #tpu.memory_space<vmem>>, vector<16xf32>,
      tpu.vector_store %arg13[%swap3A_526, %swap3A_527], %unpack3A_518 {strides = array<i32>} : memref<128x64xf32, #tpu.memory_space<vmem>>, vector<16xf32>,
      %swap3A_529 = arith.index_cast %scan3A_507 : i32 to index
      %swap3A_530 = arith.constant 48 : index
      %swap3A_531 = tpu.vector_load %arg13[%swap3A_529, %swap3A_530] {strides = array<i32>} : memref<128x64xf32, #tpu.memory_space<vmem>>, vector<16xf32>,
      tpu.vector_store %arg13[%swap3A_529, %swap3A_530], %unpack3A_519 {strides = array<i32>} : memref<128x64xf32, #tpu.memory_space<vmem>>, vector<16xf32>,
      %scan3A_532 = arith.constant 3 : i32
      %scan3A_533 = arith.addi %scan3A_457, %scan3A_532 : i32
      %get3A_534 = arith.index_cast %scan3A_533 : i32 to index
      %get3A_535 = arith.constant 0 : index
      %get3A_536 = tpu.vector_load %arg12[%get3A_534, %get3A_535] {strides = array<i32>} : memref<128x32xf32, #tpu.memory_space<vmem>>, vector<16xf32>,
      %get3A_537 = arith.index_cast %scan3A_533 : i32 to index
      %get3A_538 = arith.constant 16 : index
      %get3A_539 = tpu.vector_load %arg12[%get3A_537, %get3A_538] {strides = array<i32>} : memref<128x32xf32, #tpu.memory_space<vmem>>, vector<16xf32>,
      %bitcast3A_540 = vector.bitcast %get3A_536 : vector<16xf32> to vector<32xbf16>
      %unpack3A_541 = tpu.unpack_subelements %bitcast3A_540, 0 {pack_format = #tpu.pack_format<interleaved>} : vector<32xbf16> -> vector<16xf32>
      %unpack3A_542 = tpu.unpack_subelements %bitcast3A_540, 1 {pack_format = #tpu.pack_format<interleaved>} : vector<32xbf16> -> vector<16xf32>
      %bitcast3A_543 = vector.bitcast %get3A_539 : vector<16xf32> to vector<32xbf16>
      %unpack3A_544 = tpu.unpack_subelements %bitcast3A_543, 0 {pack_format = #tpu.pack_format<interleaved>} : vector<32xbf16> -> vector<16xf32>
      %unpack3A_545 = tpu.unpack_subelements %bitcast3A_543, 1 {pack_format = #tpu.pack_format<interleaved>} : vector<32xbf16> -> vector<16xf32>
      %swap3A_546 = arith.index_cast %scan3A_533 : i32 to index
      %swap3A_547 = arith.constant 0 : index
      %swap3A_548 = tpu.vector_load %arg13[%swap3A_546, %swap3A_547] {strides = array<i32>} : memref<128x64xf32, #tpu.memory_space<vmem>>, vector<16xf32>,
      tpu.vector_store %arg13[%swap3A_546, %swap3A_547], %unpack3A_541 {strides = array<i32>} : memref<128x64xf32, #tpu.memory_space<vmem>>, vector<16xf32>,
      %swap3A_549 = arith.index_cast %scan3A_533 : i32 to index
      %swap3A_550 = arith.constant 16 : index
      %swap3A_551 = tpu.vector_load %arg13[%swap3A_549, %swap3A_550] {strides = array<i32>} : memref<128x64xf32, #tpu.memory_space<vmem>>, vector<16xf32>,
      tpu.vector_store %arg13[%swap3A_549, %swap3A_550], %unpack3A_542 {strides = array<i32>} : memref<128x64xf32, #tpu.memory_space<vmem>>, vector<16xf32>,
      %swap3A_552 = arith.index_cast %scan3A_533 : i32 to index
      %swap3A_553 = arith.constant 32 : index
      %swap3A_554 = tpu.vector_load %arg13[%swap3A_552, %swap3A_553] {strides = array<i32>} : memref<128x64xf32, #tpu.memory_space<vmem>>, vector<16xf32>,
      tpu.vector_store %arg13[%swap3A_552, %swap3A_553], %unpack3A_544 {strides = array<i32>} : memref<128x64xf32, #tpu.memory_space<vmem>>, vector<16xf32>,
      %swap3A_555 = arith.index_cast %scan3A_533 : i32 to index
      %swap3A_556 = arith.constant 48 : index
      %swap3A_557 = tpu.vector_load %arg13[%swap3A_555, %swap3A_556] {strides = array<i32>} : memref<128x64xf32, #tpu.memory_space<vmem>>, vector<16xf32>,
      tpu.vector_store %arg13[%swap3A_555, %swap3A_556], %unpack3A_545 {strides = array<i32>} : memref<128x64xf32, #tpu.memory_space<vmem>>, vector<16xf32>,
    }
    %scan3A_454 = arith.constant 128 : i32
    %mul3A_455 = arith.constant 128 : i32
    %mul3A_456 = arith.muli %add3A, %mul3A_455 : i32
    "tpu.region"() ({
      %run_scoped3A = tpu.sem_alloc : memref<!tpu.dma_semaphore, #tpu.memory_space<semaphore_mem>>
      %dma_start3A_457 = arith.constant 0 : i32
      %dma_start3A_458 = tpu.memref_slice %arg6[%mul3A_456, %dma_start3A_457] : memref<4096x64xf32, #tpu.memory_space<hbm>> -> memref<128x64xf32, #tpu.memory_space<hbm>>
      %dma_start3A_459 = arith.constant 0 : i32
      %dma_start3A_460 = tpu.memref_slice %arg6[%mul3A_456, %dma_start3A_459] : memref<4096x64xf32, #tpu.memory_space<hbm>> -> memref<128x64xf32, #tpu.memory_space<hbm>>
      tpu.enqueue_dma source(%arg13 : memref<128x64xf32, #tpu.memory_space<vmem>>) target(%dma_start3A_460 : memref<128x64xf32, #tpu.memory_space<hbm>>) target_semaphore(%run_scoped3A : memref<!tpu.dma_semaphore, #tpu.memory_space<semaphore_mem>>)
      %dma_wait3A_461 = arith.constant 0 : i32
      %dma_wait3A_462 = tpu.memref_slice %arg6[%mul3A_456, %dma_wait3A_461] : memref<4096x64xf32, #tpu.memory_space<hbm>> -> memref<128x64xf32, #tpu.memory_space<hbm>>
      %dma_wait3A_463 = arith.constant 0 : i32
      %dma_wait3A_464 = tpu.memref_slice %arg6[%mul3A_456, %dma_wait3A_463] : memref<4096x64xf32, #tpu.memory_space<hbm>> -> memref<128x64xf32, #tpu.memory_space<hbm>>
      tpu.wait_dma2 semaphore(%run_scoped3A : memref<!tpu.dma_semaphore, #tpu.memory_space<semaphore_mem>>) src(%arg13 : memref<128x64xf32, #tpu.memory_space<vmem>>) dst(%dma_wait3A_464 : memref<128x64xf32, #tpu.memory_space<hbm>>)
      tpu.yield
    }) : () -> ()
    return
  }
}

module attributes {stable_mosaic.version = 14 : i64} {
  func.func @table_relayout_bf16(%arg0: i32, %arg1: memref<64x32768xf32, #tpu.memory_space<vmem>>, %arg2: memref<200x4096xi32, #tpu.memory_space<vmem>>, %arg3: memref<8192x128xf32, #tpu.memory_space<vmem>>, %arg4: memref<8192x128xi32, #tpu.memory_space<vmem>>) attributes {dimension_semantics = [#tpu.dimension_semantics<arbitrary>], iteration_bounds = array<i64: 31>, scalar_prefetch = 0 : i64, scratch_operands = 0 : i64, tpu.core_type = #tpu.core_type<tc>, window_params = [{transform_indices = @transform_0, window_bounds = array<i64: 64, 32768>}, {pipeline_mode = #tpu.pipeline_mode<synchronous>, transform_indices = @transform_1, window_bounds = array<i64: 200, 4096>}, {transform_indices = @transform_2, window_bounds = array<i64: 8192, 128>}, {pipeline_mode = #tpu.pipeline_mode<synchronous>, transform_indices = @transform_3, window_bounds = array<i64: 8192, 128>}]} {
    %eq3A = arith.constant 0 : i32
    %eq3A_0 = arith.cmpi eq, %arg0, %eq3A : i32
    %convert_element_type3A = arith.extui %eq3A_0 : i1 to i32
    %cond3A = arith.constant 0 : i32
    %cond3A_1 = arith.cmpi ne, %convert_element_type3A, %cond3A : i32
    scf.if %cond3A_1 {
      %get3A_10 = arith.constant 0 : index
      %get3A_11 = arith.constant 0 : index
      %get3A_12 = vector.load %arg2[%get3A_10, %get3A_11] : memref<200x4096xi32, #tpu.memory_space<vmem>>, vector<200x4096xi32>
      %slice3A_13 = vector.extract_strided_slice %get3A_12 {offsets = [0, 0], sizes = [128, 4096], strides = [1, 1]} : vector<200x4096xi32> to vector<128x4096xi32>
      %transpose3A_14 = tpu.transpose %slice3A_13, [1, 0] : vector<128x4096xi32> -> vector<4096x128xi32>
      %swap3A_15 = arith.constant 0 : index
      %swap3A_16 = arith.constant 0 : index
      %swap3A_17 = vector.load %arg4[%swap3A_15, %swap3A_16] : memref<8192x128xi32, #tpu.memory_space<vmem>>, vector<4096x128xi32>
      tpu.vector_store %arg4[%swap3A_15, %swap3A_16], %transpose3A_14 {strides = array<i32>} : memref<8192x128xi32, #tpu.memory_space<vmem>>, vector<4096x128xi32>,
      %slice3A_18 = vector.extract_strided_slice %get3A_12 {offsets = [128, 0], sizes = [72, 4096], strides = [1, 1]} : vector<200x4096xi32> to vector<72x4096xi32>
      %transpose3A_19 = tpu.transpose %slice3A_18, [1, 0] : vector<72x4096xi32> -> vector<4096x72xi32>
      %swap3A_20 = arith.constant 4096 : index
      %swap3A_21 = arith.constant 0 : index
      %swap3A_22 = vector.load %arg4[%swap3A_20, %swap3A_21] : memref<8192x128xi32, #tpu.memory_space<vmem>>, vector<4096x72xi32>
      tpu.vector_store %arg4[%swap3A_20, %swap3A_21], %transpose3A_19 {strides = array<i32>} : memref<8192x128xi32, #tpu.memory_space<vmem>>, vector<4096x72xi32>,
    } else {
    }
    %get3A = arith.constant 0 : index
    %get3A_2 = arith.constant 0 : index
    %get3A_3 = vector.load %arg1[%get3A, %get3A_2] : memref<64x32768xf32, #tpu.memory_space<vmem>>, vector<64x32768xf32>
    %convert_element_type3A_4 = arith.truncf %get3A_3 : vector<64x32768xf32> to vector<64x32768xbf16>
    %bitcast3A = tpu.bitcast %convert_element_type3A_4 : vector<64x32768xbf16> -> vector<32x32768xf32>
    %slice3A = vector.extract_strided_slice %bitcast3A {offsets = [0, 0], sizes = [32, 8192], strides = [1, 1]} : vector<32x32768xf32> to vector<32x8192xf32>
    %slice3A_5 = vector.extract_strided_slice %bitcast3A {offsets = [0, 8192], sizes = [32, 8192], strides = [1, 1]} : vector<32x32768xf32> to vector<32x8192xf32>
    %slice3A_6 = vector.extract_strided_slice %bitcast3A {offsets = [0, 16384], sizes = [32, 8192], strides = [1, 1]} : vector<32x32768xf32> to vector<32x8192xf32>
    %slice3A_7 = vector.extract_strided_slice %bitcast3A {offsets = [0, 24576], sizes = [32, 8192], strides = [1, 1]} : vector<32x32768xf32> to vector<32x8192xf32>
    %concatenate3A = tpu.concatenate %slice3A, %slice3A_5, %slice3A_6, %slice3A_7 in 0 : vector<32x8192xf32>, vector<32x8192xf32>, vector<32x8192xf32>, vector<32x8192xf32> -> vector<128x8192xf32>
    %transpose3A = tpu.transpose %concatenate3A, [1, 0] : vector<128x8192xf32> -> vector<8192x128xf32>
    %swap3A = arith.constant 0 : index
    %swap3A_8 = arith.constant 0 : index
    %swap3A_9 = vector.load %arg3[%swap3A, %swap3A_8] : memref<8192x128xf32, #tpu.memory_space<vmem>>, vector<8192x128xf32>
    tpu.vector_store %arg3[%swap3A, %swap3A_8], %transpose3A {strides = array<i32>} : memref<8192x128xf32, #tpu.memory_space<vmem>>, vector<8192x128xf32>,
    return
  }
  func.func @transform_0(%arg0: i32) -> (i32, i32) {
    %c0_i32 = arith.constant 0 : i32
    %c0_i32_0 = arith.constant 0 : i32
    return %c0_i32, %arg0 : i32, i32
  }
  func.func @transform_1(%arg0: i32) -> (i32, i32) {
    %c0_i32 = arith.constant 0 : i32
    %c0_i32_0 = arith.constant 0 : i32
    %c0_i32_1 = arith.constant 0 : i32
    return %c0_i32, %c0_i32_0 : i32, i32
  }
  func.func @transform_2(%arg0: i32) -> (i32, i32) {
    %c0_i32 = arith.constant 0 : i32
    %c0_i32_0 = arith.constant 0 : i32
    return %arg0, %c0_i32 : i32, i32
  }
  func.func @transform_3(%arg0: i32) -> (i32, i32) {
    %c0_i32 = arith.constant 0 : i32
    %c0_i32_0 = arith.constant 0 : i32
    %c0_i32_1 = arith.constant 0 : i32
    return %c0_i32, %c0_i32_0 : i32, i32
  }
}

module attributes {stable_mosaic.version = 14 : i64} {
  func.func @mean_dense(%arg0: memref<4096x64xf32, #tpu.memory_space<vmem>>, %arg1: memref<64x64xf32, #tpu.memory_space<vmem>>, %arg2: memref<1x64xf32, #tpu.memory_space<vmem>>, %arg3: memref<4096x64xf32, #tpu.memory_space<vmem>>, %arg4: memref<64x64xf32, #tpu.memory_space<vmem>>, %arg5: memref<4096x64xf32, #tpu.memory_space<vmem>>, %arg6: memref<4096x64xf32, #tpu.memory_space<vmem>>) attributes {dimension_semantics = [], scalar_prefetch = 0 : i64, scratch_operands = 0 : i64, tpu.core_type = #tpu.core_type<tc>} {
    %get3A = arith.constant 0 : index
    %get3A_0 = arith.constant 0 : index
    %get3A_1 = vector.load %arg0[%get3A, %get3A_0] : memref<4096x64xf32, #tpu.memory_space<vmem>>, vector<4096x64xf32>
    %div3A = arith.constant 2.000000e+02 : f32
    %div3A_2 = vector.broadcast %div3A : f32 to vector<4096x64xf32>
    %div3A_3 = arith.divf %get3A_1, %div3A_2 : vector<4096x64xf32>
    %get3A_4 = arith.constant 0 : index
    %get3A_5 = arith.constant 0 : index
    %get3A_6 = vector.load %arg1[%get3A_4, %get3A_5] : memref<64x64xf32, #tpu.memory_space<vmem>>, vector<64x64xf32>
    %dot_general3A = arith.constant dense<0.000000e+00> : vector<4096x64xf32>
    %dot_general3A_7 = tpu.matmul %div3A_3, %get3A_6, %dot_general3A {dimension_numbers = #tpu.dot_dimension_numbers<[1], [0], [0], [1], [0, 0, 1, 1], [], []>, transpose_lhs_hint = false} : vector<4096x64xf32>, vector<64x64xf32>, vector<4096x64xf32> -> vector<4096x64xf32>
    %get3A_8 = arith.constant 0 : index
    %get3A_9 = arith.constant 0 : index
    %get3A_10 = vector.load %arg2[%get3A_8, %get3A_9] : memref<1x64xf32, #tpu.memory_space<vmem>>, vector<1x64xf32>
    %add3A = vector.broadcast %get3A_10 : vector<1x64xf32> to vector<4096x64xf32>
    %add3A_11 = arith.addf %dot_general3A_7, %add3A : vector<4096x64xf32>
    %swap3A = arith.constant 0 : index
    %swap3A_12 = arith.constant 0 : index
    %swap3A_13 = vector.load %arg5[%swap3A, %swap3A_12] : memref<4096x64xf32, #tpu.memory_space<vmem>>, vector<4096x64xf32>
    tpu.vector_store %arg5[%swap3A, %swap3A_12], %add3A_11 {strides = array<i32>} : memref<4096x64xf32, #tpu.memory_space<vmem>>, vector<4096x64xf32>,
    %get3A_14 = arith.constant 0 : index
    %get3A_15 = arith.constant 0 : index
    %get3A_16 = vector.load %arg3[%get3A_14, %get3A_15] : memref<4096x64xf32, #tpu.memory_space<vmem>>, vector<4096x64xf32>
    %get3A_17 = arith.constant 0 : index
    %get3A_18 = arith.constant 0 : index
    %get3A_19 = vector.load %arg4[%get3A_17, %get3A_18] : memref<64x64xf32, #tpu.memory_space<vmem>>, vector<64x64xf32>
    %dot_general3A_20 = arith.constant dense<0.000000e+00> : vector<4096x64xf32>
    %dot_general3A_21 = tpu.matmul %get3A_16, %get3A_19, %dot_general3A_20 {dimension_numbers = #tpu.dot_dimension_numbers<[1], [0], [0], [1], [0, 0, 1, 1], [], []>, transpose_lhs_hint = false} : vector<4096x64xf32>, vector<64x64xf32>, vector<4096x64xf32> -> vector<4096x64xf32>
    %swap3A_22 = arith.constant 0 : index
    %swap3A_23 = arith.constant 0 : index
    %swap3A_24 = vector.load %arg6[%swap3A_22, %swap3A_23] : memref<4096x64xf32, #tpu.memory_space<vmem>>, vector<4096x64xf32>
    tpu.vector_store %arg6[%swap3A_22, %swap3A_23], %dot_general3A_21 {strides = array<i32>} : memref<4096x64xf32, #tpu.memory_space<vmem>>, vector<4096x64xf32>,
    return
  }
}

</mosaic_0001>

<sc_bundles>
// kernel: sc_embedding_bag.3.cloned.1.call-start
scs
__scs_entry_jumppad:
0x0: {  	(pc) =	sbr.rel $0x88, $3  }
0x1: {  	(tag) =	ssettag $0x0;
	lr =	simm.s32 $0x1  }
0x2: {  	[smem:$0x3F9C] =	sst lr;
	_ =	strace $0xD0000000  }
0x3: {  	_ = 	snop  }
0x4: {  	_ = 	snop  }
0x5: {  	_ = 	snop  }
0x6: {  	_ = 	snop  }
0x7: {  	_ = 	snop  }
__scs_overlays_trampoline_lowered:
0x8: {  	[smem:$0x3FAB] =	sst s0  }
0x9: {  	[smem:$0x3FAC] =	sst s1  }
0xa: {  	[smem:$0x3FAD] =	sst s2  }
0xb: {  	[smem:$0x3FAE] =	sst s3  }
0xc: {  	[smem:$0x3FAF] =	sst s4  }
0xd: {  	[smem:$0x3FB0] =	sst s5  }
0xe: {  	[smem:$0x3FB1] =	sst s6  }
0xf: {  	[smem:$0x3FB2] =	sst s7  }
0x10: {  	[smem:$0x3FB3] =	sst s8  }
0x11: {  	[smem:$0x3FB4] =	sst s9;
	s0 =	simm.s32 @!p0 $0x0  }
0x12: {  	s1 =	sld [smem:$0x3F9A];
	s0 =	simm.s32 @p0 $0x1  }
0x13: {  	[smem:$0x3FB5] =	sst s0;
	s0 =	simm.s32 @!p1 $0x0  }
0x14: {  	s2 =	sld [smem:$0x3F99];
	s0 =	simm.s32 @p1 $0x1  }
0x15: {  	[smem:$0x3FB6] =	sst s0;
	s0 =	simm.s32 @!p2 $0x0  }
0x16: {  	s3 =	sld [smem:$0x3FDB];
	s0 =	simm.s32 @p2 $0x1  }
0x17: {  	s4 =	simm.s32 $0x1BF5;
	[smem:$0x3FB8] =	sst s0  }
0x18: {  	s0 =	sld [smem:$0x3F9B];
	_ =	swait.ge [sflag:s4], $0x0  }
0x19: {  	s7 =	sld [smem:$0x3F9C]  }
0x1a: {  	s8 =	sadd.s32 $0xFFFFE003, lr  }
0x1b: {  	s9 =	sadd.s32 $0xFFFFFEF7, lr;
	s5 =	simm.s32 $0xFFFFFFFF;
	p2 =	slt.u32 s8, $0xFFFFF086  }
0x1c: {  	p1 =	slt.u32 s9, $0xF7A;
	s5 =	simm.s32 @!p2 $0x0  }
0x1d: {  	s5 =	simm.s32 @p1 $0x1;
	p0 =	seq.s32 s7, s2  }
0x1e: {  	s7 =	smul.u32 @!p0 $0xF7A, s2;
	p2 =	seq.s32 @!p0 s5, $0x0  }
0x1f: {  	s9 =	smul.u32 $0xF7A, s1;
	s8 =	simm.s32 @!p0 $0x1BF5;
	p2 =	por !p2, p0  }
0x20: {  	[sflag:s8] =	ssyncset.s32 @!p0 $0xFFFFF086;
	s6 =	sadd.s32 @!p0 s3, s7;
	s7 =	simm.s32 @!p0 $0x108  }
0x21: {  	s3 =	sadd.s32 s3, s9;
	s6 =	sadd.s32 @!p0 $0x88, s6;
	s7 =	simm.s32 @p2 $0x1082  }
0x22: {  	[simem:s7], [sflag:s8] =	dma.local @!p0 [hbm:s6], $0xF7A  }
0x23: {  	s9 =	sor.u32 $0xD0000000, s2;
	s6 =	simm.s32 $0x108;
	_ =	swait.ge @!p0 [sflag:s8], $0x0  }
0x24: {  	s3 =	sadd.s32 $0x88, s3;
	s6 =	simm.s32 @!p1 $0x1082;
	[sflag:s4] =	ssyncset.s32 $0xFFFFF086  }
0x25: {  	[simem:s6], [sflag:s4] =	dma.local [hbm:s3], $0xF7A  }
0x26: {  	[smem:$0x3F9C] =	sst s1;
	(tag) =	ssettag s2;
	_ =	strace s9  }
0x27: {  	s1 =	sld [smem:$0x3FAC]  }
0x28: {  	s2 =	sld [smem:$0x3FAD]  }
0x29: {  	s4 =	sld [smem:$0x3FAF]  }
0x2a: {  	p0 =	seq.s32 s5, $0x0;
	s5 =	sld [smem:$0x3FB0]  }
0x2b: {  	s6 =	sld [smem:$0x3FB1]  }
0x2c: {  	s7 =	sld [smem:$0x3FB2]  }
0x2d: {  	s3 =	simm.s32 $0x108;
	s8 =	sld [smem:$0x3FB3]  }
0x2e: {  	s3 =	simm.s32 @!p0 $0x1082;
	s9 =	sld [smem:$0x3FB4]  }
0x2f: {  	lr =	sadd.s32 s0, s3;
	s0 =	sld [smem:$0x3FAB]  }
0x30: {  	s3 =	sld [smem:$0x3FAE]  }
0x31: {  	[smem:$0x3FB7] =	sst s10  }
0x32: {  	s10 =	sld [smem:$0x3FB5];
	_ =	sdelay $0x3  }
0x33: {  	p0 =	seq.s32 s10, $0x1;
	s10 =	sld [smem:$0x3FB7];
	_ =	sdelay $0x3  }
0x34: {  	[smem:$0x3FB7] =	sst s10  }
0x35: {  	s10 =	sld [smem:$0x3FB6];
	_ =	sdelay $0x3  }
0x36: {  	p1 =	seq.s32 s10, $0x1;
	s10 =	sld [smem:$0x3FB7];
	_ =	sdelay $0x3  }
0x37: {  	[smem:$0x3FB7] =	sst s10  }
0x38: {  	s10 =	sld [smem:$0x3FB8]  }
0x39: {  	_ = 	snop;
	(pc) =	sbr.ind lr, $3  }
0x3a: {  	_ = 	snop  }
0x3b: {  	_ = 	snop  }
0x3c: {  	p2 =	seq.s32 s10, $0x1;
	s10 =	sld [smem:$0x3FB7]  }
0x3d: {  	_ =	shalt  }
0x3e: {  	_ =	shalt  }
0x3f: {  	_ =	shalt  }
0x40: {  	_ =	shalt  }
0x41: {  	_ =	shalt  }
0x42: {  	_ =	shalt  }
0x43: {  	_ =	shalt  }
0x44: {  	_ =	shalt  }
0x45: {  	_ =	shalt  }
0x46: {  	_ =	shalt  }
0x47: {  	_ =	shalt  }
0x48: {  	_ =	shalt  }
0x49: {  	_ =	shalt  }
0x4a: {  	_ =	shalt  }
0x4b: {  	_ =	shalt  }
0x4c: {  	_ =	shalt  }
0x4d: {  	_ =	shalt  }
0x4e: {  	_ =	shalt  }
0x4f: {  	_ =	shalt  }
0x50: {  	_ =	shalt  }
0x51: {  	_ =	shalt  }
0x52: {  	_ =	shalt  }
0x53: {  	_ =	shalt  }
0x54: {  	_ =	shalt  }
0x55: {  	_ =	shalt  }
0x56: {  	_ =	shalt  }
0x57: {  	_ =	shalt  }
0x58: {  	_ =	shalt  }
0x59: {  	_ =	shalt  }
0x5a: {  	_ =	shalt  }
0x5b: {  	_ =	shalt  }
0x5c: {  	_ =	shalt  }
0x5d: {  	_ =	shalt  }
0x5e: {  	_ =	shalt  }
0x5f: {  	_ =	shalt  }
0x60: {  	_ =	shalt  }
0x61: {  	_ =	shalt  }
0x62: {  	_ =	shalt  }
0x63: {  	_ =	shalt  }
0x64: {  	_ =	shalt  }
0x65: {  	_ =	shalt  }
0x66: {  	_ =	shalt  }
0x67: {  	_ =	shalt  }
0x68: {  	_ =	shalt  }
0x69: {  	_ =	shalt  }
0x6a: {  	_ =	shalt  }
0x6b: {  	_ =	shalt  }
0x6c: {  	_ =	shalt  }
0x6d: {  	_ =	shalt  }
0x6e: {  	_ =	shalt  }
0x6f: {  	_ =	shalt  }
0x70: {  	_ =	shalt  }
0x71: {  	_ =	shalt  }
0x72: {  	_ =	shalt  }
0x73: {  	_ =	shalt  }
0x74: {  	_ =	shalt  }
0x75: {  	_ =	shalt  }
0x76: {  	_ =	shalt  }
0x77: {  	_ =	shalt  }
0x78: {  	_ =	shalt  }
0x79: {  	_ =	shalt  }
0x7a: {  	_ =	shalt  }
0x7b: {  	_ =	shalt  }
0x7c: {  	_ =	shalt  }
0x7d: {  	_ =	shalt  }
0x7e: {  	_ =	shalt  }
0x7f: {  	_ =	shalt  }
0x80: {  	_ =	shalt  }
0x81: {  	_ =	shalt  }
0x82: {  	_ =	shalt  }
0x83: {  	_ =	shalt  }
0x84: {  	_ =	shalt  }
0x85: {  	_ =	shalt  }
0x86: {  	_ =	shalt  }
0x87: {  	_ =	shalt  }
.Lfunc_end0:
.L_simem_size_0:
called_computation_lowered:
.L_overlay_start_0:
0x88: {  	s2 =	sld [smem:$0x3FD9]  }
0x89: {  	s3 =	sld [smem:$0x3FFE];
	_ =	sdelay $0x1  }
0x8a: {  	s1 =	srdreg.scid  }
0x8b: {  	s0 =	sand.u32 $0x1, s1  }
0x8c: {  	s14 =	sshll.u32 s0, $0xA;
	s2 =	sadd.s32 s3, s2  }
0x8d: {  	s2 =	sadd.s32 s2, s14  }
0x8e: {  	[smem:$0x3FC3] =	sst s2  }
0x8f: {  	_ = 	snop  }
0x90: {  	s2 =	sld [smem:$0x3FD0];
	_ =	sdelay $0x2  }
0x91: {  	s4 =	simm.s32 $0xA;
	s5 =	simm.s32 $0x10;
	s15 =	sld [smem:$0x3FC9]  }
0x92: {  	[smem:s5], [sflag:s4] =	dma.local [hbm:s2], $0x1  }
0x93: {  	_ =	swait.eq [sflag:s4], $0x1  }
0x94: {  	[sflag:s4] =	ssyncset.done $0x0  }
0x95: {  	s16 =	sld [smem:$0x10];
	[sflag:s4] =	ssyncadd.s32 $0xFFFFFFFF  }
0x96: {  	s17 =	sld [smem:$0x11];
	(tm) =	ssettm $0x1  }
0x97: {  	s18 =	sld [smem:$0x3FFB];
	_ =	sdelay $0x3  }
0x98: {  	_ =	strace s18  }
0x99: {  	s5 =	sld [smem:$0x3FFC];
	_ =	sdelay $0x3  }
0x9a: {  	_ =	strace s5  }
0x9b: {  	s5 =	sld [smem:$0x3FFD];
	_ =	sdelay $0x3  }
0x9c: {  	_ =	strace s5  }
0x9d: {  	_ =	strace $0x8FFFFFFF  }
0x9e: {  	s19 =	sld [smem:$0x3FDB];
	_ =	sdelay $0x1  }
0x9f: {  	s6 =	simm.s32 $_scs_section_size  }
0xa0: {  	s7 =	simm.s32 $_size__tile_overlayer_lowered;
	s8 =	simm.s32 $_tile_overlayer_lowered  }
0xa1: {  	s22 =	simm.s32 $0x1BFF;
	s21 =	sshll.u32 s8, $0x1;
	s5 =	sadd.s32 s6, s19  }
0xa2: {  	s9 =	simm.s32 $0x0;
	s20 =	sshll.u32 s7, $0x1;
	s7 =	sadd.s32 s21, s5  }
0xa3: {  	[timem:s9], [sflag:s22] =	dma.local [hbm:s7], s20  }
0xa4: {  	_ =	swait.ge [sflag:s22], s20  }
0xa5: {  	s6 =	ssub.s32 $0x0, s20;
	[sflag:s22] =	ssyncset.done $0x0  }
0xa6: {  	[sflag:s22] =	ssyncadd.s32 s6;
	_ =	sdelay $0x1  }
0xa7: {  	s23 =	simm.s32 $0x1B8B  }
0xa8: {  	_ =	swait.ge [sflag:s23], $0x1  }
0xa9: {  	[sflag:s23] =	ssyncset.done $0x0  }
0xaa: {  	s25 =	simm.s32 $0x1B8E;
	s24 =	sld [smem:$0x3FFE];
	[sflag:s23] =	ssyncadd.s32 $0xFFFFFFFF  }
0xab: {  	s26 =	simm.s32 $execute0_lowered;
	[smem:$0x3FD2] =	sst s25  }
0xac: {  	s7 =	sshll.u32 s26, $0x1;
	_ =	strace $0x80000046;
	[dreg:$0x1] =	wrdreg $0xFFFFFFFF  }
0xad: {  	s28 =	simm.s32 $_size_execute0_lowered;
	s5 =	sadd.s32 s5, s7;
	[dreg:$0x0] =	wrdreg $0x0  }
0xae: {  	s7 =	sshll.u32 s28, $0x1;
	[dreg:$0x2] =	wrdreg s5  }
0xaf: {  	[dreg:$0x3] =	wrdreg s7  }
0xb0: {  	[dreg:$0x4] =	wrdreg $0xC0  }
0xb1: {  	_ =	task [dreg:s9], $0x5FFFF  }
0xb2: {  	[dreg:$0x1] =	wrdreg $0xFFFFFFFF  }
0xb3: {  	[dreg:$0x0] =	wrdreg $0x60  }
0xb4: {  	[dreg:$0x2] =	wrdreg s24  }
0xb5: {  	[dreg:$0x3] =	wrdreg s15  }
0xb6: {  	[dreg:$0x4] =	wrdreg s17  }
0xb7: {  	[dreg:$0x5] =	wrdreg s16  }
0xb8: {  	[dreg:$0x6] =	wrdreg $0x9  }
0xb9: {  	_ =	task.clear_ibuf [dreg:s9], $0x7FFFF;
	_ =	strace $0x90000046  }
0xba: {  	s29 =	simm.s32 $0x9;
	_ =	strace $0x80000048  }
0xbb: {  	_ =	swait.ge [sflag:s29], $0x1  }
0xbc: {  	[sflag:s29] =	ssyncadd.s32 $0xFFFFFFFF  }
0xbd: {  	_ =	strace $0x90000048  }
0xbe: {  	_ =	sfence  }
0xbf: {  	s30 =	sld [smem:$0x0];
	_ =	sdelay $0x2  }
0xc0: {  	s31 =	sshll.u32 s1, $0xD;
	s1 =	sshrl.u32 s1, $0x2  }
0xc1: {  	s3 =	sand.u32 $0x4000, s31;
	s1 =	sadd.s32 s1, s30  }
0xc2: {  	s0 =	sor.u32 s3, s0;
	s1 =	sshll.u32 s1, $0x11  }
0xc3: {  	s0 =	sor.u32 s1, s0  }
0xc4: {  	s0 =	sadd.s32 $0x8F2B, s0  }
0xc5: {  	[sflag:s0] =	ssyncadd.remote.s32 $0x1  }
0xc6: {  	_ =	sfence.sel $0xFFFF  }
0xc7: {  	[dreg:$0x0] =	wrdreg $0xFFFFFFFF;
	(pc) =	sbr.abs _section_cstart, $3  }
0xc8: {  	[dreg:$0x1] =	wrdreg $0xFFFFFFFF  }
0xc9: {  	_ =	task.clear_ibuf [dreg:s9], $0x2FFFF;
	_ =	strace $0x9FFFFFFF  }
0xca: {  	(tm) =	ssettm $0x7FFFFFFF  }
0xcb: {  	_ =	shalt  }
tec
execute0_lowered:
.L_overlay_start_1:
0x0: {  	(tag) =	ssettag $0x1  }
0x1: {  	s0 =	rddreg [dreg:$0x0]  }
0x2: {  	s1 =	rddreg [dreg:$0x1]  }
0x3: {  	s2 =	srdreg.scid;
	s4 =	rddreg [dreg:$0x2]  }
0x4: {  	s6 =	stileid.u32;
	s5 =	rddreg [dreg:$0x3];
	s10 =	simm.s32 $0x8  }
0x5: {  	s13 =	simm.s32 $0x80;
	s15 =	simm.s32 $0x8000;
	s16 =	simm.s32 $0x48  }
0x6: {  	s17 =	simm.s32 $0x9000;
	s18 =	simm.s32 $0x9900;
	s20 =	simm.s32 $0xA900  }
0x7: {  	s21 =	simm.s32 $0x100;
	s14 =	simm.s32 $0x1;
	s19 =	simm.s32 $0xFD00  }
0x8: {  	s22 =	simm.s32 $0x10D00;
	s23 =	simm.s32 $0x2;
	s24 =	simm.s32 $0x3  }
0x9: {  	s28 =	simm.s32 $0x6;
	s30 =	simm.s32 $0x7;
	s3 =	sand.u32 $0x1, s2  }
0xa: {  	s6 =	sshll.u32 s6, $0x8;
	s2 =	simm.s32 $0x0;
	s7 =	sshll.u32 s3, $0x7  }
0xb: {  	[smem:$0x7FF] =	sst s2;
	s8 =	ssub.s32 $0x2, s3;
	s3 =	sadd.s32 $0x1600, s0  }
0xc: {  	s6 =	sor.u32 s7, s6;
	_ =	strace $0x80000047;
	s9 =	sshrl.u32 s8, $0x1  }
0xd: {  	s7 =	sshll.u32 s6, $0x4;
	s25 =	ssub.s32 s8, s9;
	s29 =	sshrl.u32 s6, $0x3  }
0xe: {  	s31 =	sshll.u32 s6, $0x3;
	s7 =	sadd.s32 s7, s0;
	s6 =	sadd.s32 s1, s29  }
0xf: {  	s8 =	sadd.s32 s5, s31;
	s9 =	smax.u32 s25, $0x1;
	s26 =	sadd.s32 $0x3E1600, s7  }
0x10: {  	s5 =	simm.s32 $0x13600;
	s7 =	sadd.s32 $0x3F1600, s7;
	[dreg:$0x5] =	wrdreg s26  }
0x11: {  	s25 =	simm.s32 $0x4;
	s1 =	simm.s32 $0x0;
	[dreg:$0x6] =	wrdreg s7  }
0x12: {  	s7 =	sadd.s32 s4, s31;
	s4 =	simm.s32 $0x4000;
	s26 =	simm.s32 $0x5  }
.LBB2_1:
0x13: {  	s0 =	rddreg [dreg:$0x5]  }
0x14: {  	[tilespmem:s2], [sflag:$0x8] =	stream.linear.gather [hbm4b:s0+s2], $0x4000, $0x38;
	[tilespmem:$0x16680] =	vst v63  }
0x15: {  	_ =	swait.ge [sflag:s10], $0x4000  }
0x16: {  	[sflag:s10] =	ssyncset.done $0x0  }
0x17: {  	s12 =	rddreg [dreg:$0x6];
	[sflag:s10] =	ssyncadd.s32 $0xFFFFC000  }
0x18: {  	[tilespmem:s4], [sflag:$0x8] =	stream.linear.gather [hbm4b:s12+s2], $0x4000, $0x38;
	[tilespmem:$0x16680] =	vst v63  }
0x19: {  	_ =	swait.ge [sflag:s10], $0x4000  }
0x1a: {  	[sflag:s10] =	ssyncset.done $0x0  }
0x1b: {  	[sflag:s10] =	ssyncadd.s32 $0xFFFFC000  }
0x1c: {  	[tilespmem:s5], [sflag:$0x8] =	stream.linear.gather [hbm4b:s6+s2], $0x80, $0x38;
	[tilespmem:$0x16680] =	vst v63  }
0x1d: {  	_ =	swait.ge [sflag:s10], $0x80  }
0x1e: {  	[sflag:s10] =	ssyncset.done $0x0  }
0x1f: {  	[sflag:s10] =	ssyncadd.s32 $0xFFFFFF80  }
0x20: {  	v0 =	vld [tilespmem:s21+$0xFFFFFF00]  }
0x21: {  	v1 =	vld [tilespmem:s21+$0xFFFFFF10]  }
0x22: {  	v3 =	vld [tilespmem:s21+$0xFFFFFF20]  }
0x23: {  	v31 =	vld [tilespmem:s21+$0x40]  }
0x24: {  	v28 =	vld [tilespmem:s21+$0x70]  }
0x25: {  	v38 =	vld [tilespmem:s21+$0x90]  }
0x26: {  	v48 =	vld [tilespmem:s21+$0xC0];
	v4 =	vshll.u32 v0, $0x2;
	v5 =	vand.u32 $0xFFFF8000, v0  }
0x27: {  	v51 =	vld [tilespmem:s21+$0xE0];
	v0 =	vshrl.u32 v0, $0xD;
	v6 =	vshll.u32 v1, $0x2;
	v8 =	vand.u32 $0xFFFF8000, v1  }
0x28: {  	v1 =	vshrl.u32 v1, $0xD;
	v9 =	vshll.u32 v3, $0x2;
	v11 =	vand.u32 $0xFFFF8000, v3  }
0x29: {  	v3 =	vshrl.u32 v3, $0xD;
	v22 =	vand.u32 $0xFFFF8000, v31;
	v37 =	vshll.u32 v28, $0x2  }
0x2a: {  	v2 =	vld [tilespmem:s21+$0xFFFFFFF0];
	v39 =	vand.u32 $0xFFFF8000, v28;
	v28 =	vshrl.u32 v28, $0xD;
	v44 =	vshll.u32 v38, $0x2  }
0x2b: {  	v10 =	vld [tilespmem:s21+$0xFFFFFF40];
	v45 =	vand.u32 $0xFFFF8000, v38;
	v52 =	vshll.u32 v48, $0x2;
	v53 =	vand.u32 $0xFFFF8000, v48  }
0x2c: {  	v7 =	vld [tilespmem:s21+$0xFFFFFF30];
	v61 =	vshll.u32 v51, $0x2;
	v62 =	vand.u32 $0xFFFF8000, v51;
	v4 =	vand.u32 $0x7FFC, v4  }
0x2d: {  	v6 =	vand.u32 $0x7FFC, v6;
	v1 =	vand.u32 $0x3, v1;
	v9 =	vand.u32 $0x7FFC, v9  }
0x2e: {  	v3 =	vand.u32 $0x3, v3;
	v4 =	vor.u32 v5, v4;
	v5 =	vand.u32 $0x3, v0  }
0x2f: {  	v0 =	vshll.u32 v2, $0x2;
	v6 =	vor.u32 v8, v6;
	v8 =	vor.u32 v11, v9  }
0x30: {  	v9 =	vshrl.u32 v10, $0xD;
	v21 =	vor.u32 v5, v4;
	v18 =	vor.u32 v1, v6  }
0x31: {  	v4 =	vld [tilespmem:s21+$0xFFFFFF50];
	v13 =	vor.u32 v3, v8;
	v1 =	vshll.u32 v7, $0x2;
	v3 =	vand.u32 $0xFFFF8000, v7  }
0x32: {  	v5 =	vshrl.u32 v7, $0xD;
	v6 =	vshll.u32 v10, $0x2;
	v7 =	vld [tilespmem:s21+$0xFFFFFF60];
	v8 =	vand.u32 $0xFFFF8000, v10  }
0x33: {  	v1 =	vand.u32 $0x7FFC, v1;
	v5 =	vand.u32 $0x3, v5;
	v6 =	vand.u32 $0x7FFC, v6  }
0x34: {  	v1 =	vor.u32 v3, v1;
	v3 =	vor.u32 v8, v6;
	v6 =	vand.u32 $0x3, v9;
	v9 =	vld [tilespmem:s21+$0xFFFFFF70]  }
0x35: {  	v28 =	vand.u32 $0x3, v28;
	v0 =	vand.u32 $0x7FFC, v0;
	v27 =	vor.u32 v5, v1  }
0x36: {  	v17 =	vor.u32 v6, v3;
	v8 =	vshll.u32 v4, $0x2;
	v1 =	vand.u32 $0xFFFF8000, v4  }
0x37: {  	v3 =	vshrl.u32 v4, $0xD;
	v4 =	vld [tilespmem:s21+$0xFFFFFF80];
	v6 =	vand.u32 $0xFFFF8000, v7;
	v5 =	vand.u32 $0x7FFC, v8  }
0x38: {  	v3 =	vand.u32 $0x3, v3;
	v1 =	vor.u32 v1, v5;
	v5 =	vshll.u32 v7, $0x2  }
0x39: {  	v7 =	vshrl.u32 v7, $0xD;
	v8 =	vshrl.u32 v9, $0xD;
	v5 =	vand.u32 $0x7FFC, v5  }
0x3a: {  	v10 =	vld [tilespmem:s21+$0xFFFFFFA0];
	v23 =	vor.u32 v3, v1;
	v3 =	vand.u32 $0x3, v7;
	v7 =	vand.u32 $0xFFFF8000, v9  }
0x3b: {  	v8 =	vand.u32 $0x3, v8;
	v1 =	vor.u32 v6, v5;
	v5 =	vshll.u32 v9, $0x2;
	v6 =	vld [tilespmem:s21+$0xFFFFFF90]  }
0x3c: {  	v5 =	vand.u32 $0x7FFC, v5;
	v9 =	vshll.u32 v4, $0x2;
	v11 =	vand.u32 $0xFFFF8000, v4  }
0x3d: {  	v4 =	vshrl.u32 v4, $0xD;
	v26 =	vor.u32 v3, v1;
	v9 =	vand.u32 $0x7FFC, v9  }
0x3e: {  	v1 =	vld [tilespmem:s21+$0xFFFFFFB0];
	v5 =	vor.u32 v7, v5;
	v4 =	vand.u32 $0x3, v4;
	v7 =	vor.u32 v11, v9  }
0x3f: {  	v24 =	vor.u32 v8, v5;
	v9 =	vand.u32 $0xFFFF8000, v10;
	v8 =	vor.u32 v4, v7  }
0x40: {  	v3 =	vshll.u32 v6, $0x2;
	v4 =	vand.u32 $0xFFFF8000, v6;
	v5 =	vshrl.u32 v6, $0xD  }
0x41: {  	v7 =	vld [tilespmem:s21+$0xFFFFFFC0];
	v6 =	vshll.u32 v10, $0x2;
	v10 =	vshrl.u32 v10, $0xD;
	v3 =	vand.u32 $0x7FFC, v3  }
0x42: {  	v5 =	vand.u32 $0x3, v5;
	v6 =	vand.u32 $0x7FFC, v6;
	v3 =	vor.u32 v4, v3  }
0x43: {  	v4 =	vor.u32 v9, v6;
	v6 =	vand.u32 $0x3, v10;
	v9 =	vshll.u32 v1, $0x2;
	v10 =	vld [tilespmem:s21+$0xFFFFFFD0]  }
0x44: {  	v20 =	vor.u32 v5, v3;
	v3 =	vand.u32 $0xFFFF8000, v1;
	v5 =	vand.u32 $0x7FFC, v9  }
0x45: {  	v9 =	vor.u32 v6, v4;
	v1 =	vshrl.u32 v1, $0xD;
	v4 =	vld [tilespmem:s21+$0xFFFFFFE0];
	v3 =	vor.u32 v3, v5  }
0x46: {  	v1 =	vand.u32 $0x3, v1;
	v5 =	vshll.u32 v7, $0x2;
	v6 =	vand.u32 $0xFFFF8000, v7  }
0x47: {  	v7 =	vshrl.u32 v7, $0xD;
	v5 =	vand.u32 $0x7FFC, v5;
	v15 =	vor.u32 v1, v3  }
0x48: {  	v12 =	vld [tilespmem:s21+$0x10];
	v3 =	vand.u32 $0x3, v7;
	v1 =	vor.u32 v6, v5;
	v5 =	vshll.u32 v10, $0x2  }
0x49: {  	v6 =	vld [tilespmem:s21+$0x0];
	v7 =	vand.u32 $0xFFFF8000, v10;
	v10 =	vshrl.u32 v10, $0xD;
	v19 =	vor.u32 v3, v1  }
0x4a: {  	v5 =	vand.u32 $0x7FFC, v5;
	v10 =	vand.u32 $0x3, v10;
	v11 =	vshll.u32 v4, $0x2  }
0x4b: {  	v14 =	vand.u32 $0xFFFF8000, v4;
	v4 =	vshrl.u32 v4, $0xD;
	v11 =	vand.u32 $0x7FFC, v11  }
0x4c: {  	v1 =	vld [tilespmem:s21+$0x20];
	v5 =	vor.u32 v7, v5;
	v4 =	vand.u32 $0x3, v4;
	v7 =	vor.u32 v14, v11  }
0x4d: {  	v16 =	vor.u32 v10, v5;
	v11 =	vand.u32 $0xFFFF8000, v12;
	v14 =	vshrl.u32 v31, $0xD  }
0x4e: {  	v4 =	vor.u32 v4, v7;
	v3 =	vshll.u32 v6, $0x2;
	v5 =	vand.u32 $0xFFFF8000, v6  }
0x4f: {  	v33 =	vld [tilespmem:s21+$0x60];
	v6 =	vshrl.u32 v6, $0xD;
	v7 =	vshll.u32 v12, $0x2;
	v12 =	vshrl.u32 v12, $0xD  }
0x50: {  	v10 =	vld [tilespmem:s21+$0x30];
	v25 =	vand.u32 $0x3, v14;
	v3 =	vand.u32 $0x7FFC, v3;
	v6 =	vand.u32 $0x3, v6  }
0x51: {  	v7 =	vand.u32 $0x7FFC, v7;
	v30 =	vshll.u32 v1, $0x2;
	v3 =	vor.u32 v5, v3  }
0x52: {  	v5 =	vor.u32 v11, v7;
	v11 =	vand.u32 $0x3, v12;
	v7 =	vor.u32 v6, v3  }
0x53: {  	v3 =	vand.u32 $0xFFFF8000, v1;
	v6 =	vand.u32 $0x7FFC, v30;
	v5 =	vor.u32 v11, v5;
	v11 =	vld [tilespmem:s21+$0x50]  }
0x54: {  	v12 =	vshrl.u32 v33, $0xD;
	v1 =	vshrl.u32 v1, $0xD;
	v3 =	vor.u32 v3, v6  }
0x55: {  	v30 =	vld [tilespmem:s21+$0x80];
	v1 =	vand.u32 $0x3, v1;
	v6 =	vshll.u32 v10, $0x2;
	v32 =	vand.u32 $0xFFFF8000, v10  }
0x56: {  	v56 =	vld [tilespmem:s21+$0xF0];
	[tilespmem:s21+$0xFFFFFF00] =	vst v21;
	v10 =	vshrl.u32 v10, $0xD;
	v6 =	vand.u32 $0x7FFC, v6;
	v3 =	vor.u32 v1, v3  }
0x57: {  	[tilespmem:s21+$0xFFFFFF10] =	vst v18;
	v1 =	vor.u32 v32, v6;
	v6 =	vand.u32 $0x3, v10;
	v10 =	vshll.u32 v31, $0x2  }
0x58: {  	[tilespmem:s21+$0xFFFFFF20] =	vst v13;
	v12 =	vand.u32 $0x3, v12;
	v10 =	vand.u32 $0x7FFC, v10;
	v34 =	vshll.u32 v11, $0x2  }
0x59: {  	s11 =	simm.s32 $0x300;
	[tilespmem:s21+$0xFFFFFF30] =	vst v27;
	v29 =	vand.u32 $0xFFFF8000, v11;
	v11 =	vshrl.u32 v11, $0xD;
	v10 =	vor.u32 v22, v10  }
0x5a: {  	v63 =	vld [tilespmem:s11+$0xFFFFFF00];
	v22 =	vand.u32 $0x7FFC, v37;
	v40 =	vshll.u32 v30, $0x2;
	v41 =	vand.u32 $0xFFFF8000, v30  }
0x5b: {  	v42 =	vshrl.u32 v30, $0xD;
	v30 =	vshrl.u32 v48, $0xD;
	v37 =	vshll.u32 v56, $0x2  }
0x5c: {  	v43 =	vld [tilespmem:s21+$0xB0];
	v14 =	vand.u32 $0x7FFC, v34;
	v36 =	vand.u32 $0x3, v11;
	v11 =	vor.u32 v25, v10  }
0x5d: {  	v31 =	vld [tilespmem:s21+$0xA0];
	v10 =	vand.u32 $0xFFFF8000, v33;
	v22 =	vor.u32 v39, v22;
	v25 =	vshrl.u32 v38, $0xD  }
0x5e: {  	v54 =	vand.u32 $0x3, v30;
	v38 =	vand.u32 $0xFFFF8000, v56;
	v39 =	vand.u32 $0x7FFC, v37  }
0x5f: {  	v30 =	vshrl.u32 v63, $0xD;
	v35 =	vor.u32 v29, v14;
	v14 =	vor.u32 v6, v1  }
0x60: {  	v6 =	vshll.u32 v33, $0x2;
	v29 =	vand.u32 $0x7FFC, v40;
	v25 =	vand.u32 $0x3, v25  }
0x61: {  	v33 =	vshll.u32 v43, $0x2;
	v40 =	vshrl.u32 v56, $0xD;
	v48 =	vand.u32 $0x3, v30  }
0x62: {  	v1 =	vor.u32 v36, v35;
	v6 =	vand.u32 $0x7FFC, v6;
	v47 =	vshll.u32 v31, $0x2  }
0x63: {  	v32 =	vand.u32 $0xFFFF8000, v31;
	v31 =	vshrl.u32 v31, $0xD;
	v35 =	vand.u32 $0xFFFF8000, v43  }
0x64: {  	v33 =	vand.u32 $0x7FFC, v33;
	v6 =	vor.u32 v10, v6;
	v31 =	vand.u32 $0x3, v31  }
0x65: {  	v34 =	vld [tilespmem:s21+$0xD0];
	v49 =	vor.u32 v35, v33;
	v35 =	vshrl.u32 v51, $0xD;
	v10 =	vor.u32 v12, v6  }
0x66: {  	v6 =	vor.u32 v28, v22;
	v12 =	vor.u32 v41, v29;
	v22 =	vand.u32 $0x3, v42  }
0x67: {  	[tilespmem:s21+$0xFFFFFF40] =	vst v17;
	v29 =	vand.u32 $0x7FFC, v44;
	v28 =	vshrl.u32 v43, $0xD;
	v36 =	vand.u32 $0x3, v35  }
0x68: {  	[tilespmem:s21+$0xFFFFFF50] =	vst v23;
	v42 =	vor.u32 v38, v39;
	v43 =	vand.u32 $0x3, v40;
	v44 =	vand.u32 $0xFFFF8000, v2  }
0x69: {  	[tilespmem:s21+$0xFFFFFF60] =	vst v26;
	v2 =	vshrl.u32 v2, $0xD;
	v12 =	vor.u32 v22, v12;
	v46 =	vor.u32 v45, v29  }
0x6a: {  	[tilespmem:s21+$0xFFFFFF70] =	vst v24;
	v29 =	vand.u32 $0x7FFC, v47;
	v50 =	vand.u32 $0x3, v28;
	v55 =	vshll.u32 v34, $0x2  }
0x6b: {  	[tilespmem:s21+$0xFFFFFF80] =	vst v8;
	v57 =	vand.u32 $0xFFFF8000, v34;
	v59 =	vshrl.u32 v34, $0xD;
	v47 =	vand.u32 $0xFFFF8000, v63  }
0x6c: {  	[tilespmem:s21+$0xFFFFFF90] =	vst v20;
	v41 =	vld [tilespmem:s11+$0xFFFFFF10];
	v0 =	vor.u32 v44, v0;
	v29 =	vor.u32 v32, v29;
	v28 =	vor.u32 v25, v46  }
0x6d: {  	[tilespmem:s21+$0xFFFFFFA0] =	vst v9;
	v22 =	vor.u32 v50, v49;
	v58 =	vand.u32 $0x7FFC, v55;
	v60 =	vand.u32 $0x3, v59  }
0x6e: {  	v39 =	vld [tilespmem:s11+$0xFFFFFF70];
	v46 =	vshll.u32 v63, $0x2;
	v25 =	vor.u32 v31, v29;
	v29 =	vand.u32 $0x7FFC, v52  }
0x6f: {  	v13 =	vor.u32 v57, v58;
	v23 =	vand.u32 $0x7FFC, v46;
	v21 =	vor.u32 v53, v29  }
0x70: {  	v45 =	vld [tilespmem:s11+$0xFFFFFF20];
	v29 =	vand.u32 $0x7FFC, v61;
	v13 =	vor.u32 v60, v13;
	v23 =	vor.u32 v47, v23  }
0x71: {  	v18 =	vor.u32 v54, v21;
	v21 =	vor.u32 v62, v29;
	v49 =	vand.u32 $0xFFFF8000, v41  }
0x72: {  	v52 =	vld [tilespmem:s11+$0xFFFFFF30];
	v50 =	vshll.u32 v41, $0x2;
	v51 =	vshrl.u32 v41, $0xD;
	v24 =	vor.u32 v48, v23  }
0x73: {  	v57 =	vld [tilespmem:s11+$0xFFFFFF50];
	v46 =	vand.u32 $0xFFFF8000, v39;
	v47 =	vshll.u32 v39, $0x2;
	v17 =	vor.u32 v36, v21  }
0x74: {  	v21 =	vor.u32 v43, v42;
	v27 =	vand.u32 $0x7FFC, v50;
	v30 =	vand.u32 $0x3, v51  }
0x75: {  	v53 =	vshll.u32 v45, $0x2;
	v55 =	vand.u32 $0xFFFF8000, v45;
	v29 =	vshrl.u32 v45, $0xD  }
0x76: {  	[tilespmem:s21+$0xFFFFFFB0] =	vst v15;
	v54 =	vld [tilespmem:s11+$0xFFFFFF40];
	v32 =	vand.u32 $0x7FFC, v53;
	v8 =	vor.u32 v49, v27;
	v29 =	vand.u32 $0x3, v29  }
0x77: {  	[tilespmem:s21+$0xFFFFFFC0] =	vst v19;
	v56 =	vor.u32 v55, v32;
	v23 =	vor.u32 v30, v8;
	v58 =	vand.u32 $0xFFFF8000, v52  }
0x78: {  	[tilespmem:s21+$0xFFFFFFD0] =	vst v16;
	v62 =	vld [tilespmem:s11+$0xFFFFFF60];
	v59 =	vshll.u32 v52, $0x2;
	v60 =	vshrl.u32 v52, $0xD;
	v38 =	vshll.u32 v57, $0x2  }
0x79: {  	[tilespmem:s21+$0x0] =	vst v7;
	v41 =	vld [tilespmem:s11+$0xFFFFFF80];
	v40 =	vand.u32 $0xFFFF8000, v57;
	v26 =	vshrl.u32 v57, $0xD;
	v8 =	vor.u32 v29, v56  }
0x7a: {  	[tilespmem:s21+$0x10] =	vst v5;
	v48 =	vld [tilespmem:s11+$0xFFFFFF90];
	v27 =	vand.u32 $0x7FFC, v59;
	v29 =	vand.u32 $0x3, v60;
	v20 =	vand.u32 $0x7FFC, v38  }
0x7b: {  	[tilespmem:s21+$0x20] =	vst v3;
	v26 =	vand.u32 $0x3, v26;
	v61 =	vshll.u32 v54, $0x2;
	v63 =	vand.u32 $0xFFFF8000, v54  }
0x7c: {  	[tilespmem:s21+$0x40] =	vst v11;
	v33 =	vshrl.u32 v54, $0xD;
	v9 =	vor.u32 v58, v27;
	v20 =	vor.u32 v40, v20  }
0x7d: {  	[tilespmem:s21+$0x30] =	vst v14;
	v42 =	vshll.u32 v62, $0x2;
	v43 =	vand.u32 $0xFFFF8000, v62;
	v31 =	vshrl.u32 v62, $0xD  }
0x7e: {  	[tilespmem:s21+$0x50] =	vst v1;
	v50 =	vld [tilespmem:s11+$0xFFFFFFA0];
	v27 =	vshrl.u32 v39, $0xD;
	v49 =	vshll.u32 v41, $0x2;
	v51 =	vand.u32 $0xFFFF8000, v41  }
0x7f: {  	[tilespmem:s21+$0x70] =	vst v6;
	v6 =	vld [tilespmem:s11+$0x20];
	v54 =	vand.u32 $0xFFFF8000, v48;
	v55 =	vshll.u32 v48, $0x2;
	v56 =	vshrl.u32 v48, $0xD  }
0x80: {  	v30 =	vand.u32 $0x7FFC, v61;
	v37 =	vand.u32 $0x3, v33;
	v15 =	vor.u32 v29, v9  }
0x81: {  	[tilespmem:s21+$0xFFFFFFE0] =	vst v4;
	v29 =	vand.u32 $0x7FFC, v42;
	v19 =	vor.u32 v26, v20;
	v45 =	vand.u32 $0x3, v31  }
0x82: {  	v53 =	vld [tilespmem:s11+$0xFFFFFFB0];
	v27 =	vand.u32 $0x3, v27;
	v32 =	vand.u32 $0x7FFC, v49;
	v7 =	vand.u32 $0x7FFC, v55  }
0x83: {  	v57 =	vand.u32 $0x3, v56;
	v58 =	vshll.u32 v50, $0x2;
	v5 =	vand.u32 $0xFFFF8000, v50  }
0x84: {  	v60 =	vshrl.u32 v50, $0xD;
	v56 =	vand.u32 $0xFFFF8000, v6;
	v36 =	vor.u32 v63, v30  }
0x85: {  	v44 =	vor.u32 v43, v29;
	v29 =	vand.u32 $0x7FFC, v47;
	v30 =	vshrl.u32 v41, $0xD  }
0x86: {  	[tilespmem:s21+$0x60] =	vst v10;
	v52 =	vor.u32 v51, v32;
	v7 =	vor.u32 v54, v7;
	v62 =	vand.u32 $0x3, v60  }
0x87: {  	[tilespmem:s21+$0x80] =	vst v12;
	v59 =	vld [tilespmem:s11+$0xFFFFFFC0];
	v35 =	vshll.u32 v53, $0x2;
	v26 =	vshrl.u32 v53, $0xD;
	v54 =	vshll.u32 v6, $0x2  }
0x88: {  	[tilespmem:s21+$0x90] =	vst v28;
	v6 =	vshrl.u32 v6, $0xD;
	v9 =	vor.u32 v37, v36;
	v4 =	vor.u32 v46, v29  }
0x89: {  	[tilespmem:s21+$0xB0] =	vst v22;
	v30 =	vand.u32 $0x3, v30;
	v20 =	vor.u32 v45, v44;
	v7 =	vor.u32 v57, v7  }
0x8a: {  	[tilespmem:s21+$0xA0] =	vst v25;
	v39 =	vld [tilespmem:s11+$0x0];
	v36 =	vand.u32 $0xFFFF8000, v53;
	v26 =	vand.u32 $0x3, v26;
	v22 =	vand.u32 $0x7FFC, v54  }
0x8b: {  	v34 =	vld [tilespmem:s11+$0x70];
	v6 =	vand.u32 $0x3, v6;
	v16 =	vor.u32 v27, v4;
	v4 =	vor.u32 v30, v52  }
0x8c: {  	v61 =	vld [tilespmem:s11+$0xFFFFFFD0];
	v30 =	vand.u32 $0x7FFC, v58;
	v27 =	vand.u32 $0x7FFC, v35;
	v37 =	vshll.u32 v59, $0x2  }
0x8d: {  	[tilespmem:s21+$0xD0] =	vst v13;
	v38 =	vand.u32 $0xFFFF8000, v59;
	v43 =	vshrl.u32 v59, $0xD;
	v13 =	vor.u32 v56, v22  }
0x8e: {  	v49 =	vld [tilespmem:s11+$0x30];
	v5 =	vor.u32 v5, v30;
	v3 =	vor.u32 v36, v27;
	v27 =	vand.u32 $0x7FFC, v37  }
0x8f: {  	v55 =	vld [tilespmem:s11+$0x40];
	v45 =	vshll.u32 v39, $0x2;
	v50 =	vshrl.u32 v39, $0xD;
	v6 =	vor.u32 v6, v13  }
0x90: {  	v63 =	vld [tilespmem:s11+$0xFFFFFFE0];
	[tilespmem:s11+$0xFFFFFF80] =	vst v4;
	v4 =	vand.u32 $0xFFFF8000, v34;
	v5 =	vor.u32 v62, v5;
	v26 =	vor.u32 v26, v3  }
0x91: {  	v3 =	vand.u32 $0xFFFF8000, v61;
	v11 =	vshll.u32 v61, $0x2;
	v14 =	vor.u32 v38, v27  }
0x92: {  	v41 =	vld [tilespmem:s11+$0x10];
	v44 =	vshrl.u32 v61, $0xD;
	v27 =	vand.u32 $0x3, v43;
	v47 =	vand.u32 $0x7FFC, v45  }
0x93: {  	v52 =	vand.u32 $0x3, v50;
	v58 =	vshll.u32 v49, $0x2;
	v59 =	vand.u32 $0xFFFF8000, v49  }
0x94: {  	v60 =	vshrl.u32 v49, $0xD;
	v29 =	vshll.u32 v55, $0x2;
	v43 =	vshll.u32 v34, $0x2  }
0x95: {  	[tilespmem:s21+$0xC0] =	vst v18;
	v45 =	vshrl.u32 v34, $0xD;
	v40 =	vshll.u32 v63, $0x2;
	v11 =	vand.u32 $0x7FFC, v11  }
0x96: {  	[tilespmem:s21+$0xE0] =	vst v17;
	v57 =	vld [tilespmem:s11+$0x50];
	v42 =	vand.u32 $0xFFFF8000, v63;
	v30 =	vshrl.u32 v63, $0xD;
	v31 =	vand.u32 $0x3, v44  }
0x97: {  	[tilespmem:s21+$0xF0] =	vst v21;
	v10 =	vor.u32 v27, v14;
	v46 =	vshll.u32 v41, $0x2;
	v48 =	vand.u32 $0xFFFF8000, v41  }
0x98: {  	[tilespmem:s11+$0xFFFFFF20] =	vst v8;
	v51 =	vshrl.u32 v41, $0xD;
	v17 =	vand.u32 $0x7FFC, v58;
	v62 =	vand.u32 $0x3, v60  }
0x99: {  	[tilespmem:s11+$0xFFFFFF60] =	vst v20;
	v56 =	vld [tilespmem:s11+$0xC0];
	v63 =	vand.u32 $0xFFFF8000, v55;
	v8 =	vand.u32 $0x7FFC, v29;
	v20 =	vand.u32 $0x7FFC, v43  }
0x9a: {  	v32 =	vand.u32 $0x7FFC, v40;
	v3 =	vor.u32 v3, v11;
	v30 =	vand.u32 $0x3, v30  }
0x9b: {  	v37 =	vld [tilespmem:s11+$0x80];
	v53 =	vand.u32 $0x3, v51;
	v61 =	vor.u32 v59, v17;
	v33 =	vshll.u32 v57, $0x2  }
0x9c: {  	v35 =	vand.u32 $0xFFFF8000, v57;
	v8 =	vor.u32 v63, v8;
	v4 =	vor.u32 v4, v20  }
0x9d: {  	v49 =	vld [tilespmem:s11+$0xB0];
	v11 =	vor.u32 v42, v32;
	v14 =	vor.u32 v31, v3;
	v3 =	vand.u32 $0xFFFF8000, v39  }
0x9e: {  	[tilespmem:s11+$0xFFFFFF10] =	vst v23;
	v23 =	vand.u32 $0x7FFC, v33;
	v13 =	vor.u32 v62, v61;
	v61 =	vshrl.u32 v56, $0xD  }
0x9f: {  	[tilespmem:s11+$0xFFFFFF30] =	vst v15;
	v44 =	vld [tilespmem:s11+$0x90];
	v11 =	vor.u32 v30, v11;
	v30 =	vand.u32 $0x7FFC, v46;
	v12 =	vor.u32 v3, v47  }
0xa0: {  	[tilespmem:s11+$0xFFFFFF40] =	vst v9;
	v9 =	vor.u32 v35, v23;
	v46 =	vand.u32 $0x3, v45;
	v15 =	vshrl.u32 v37, $0xD  }
0xa1: {  	[tilespmem:s11+$0x20] =	vst v6;
	v58 =	vld [tilespmem:s11+$0xD0];
	v27 =	vor.u32 v48, v30;
	v12 =	vor.u32 v52, v12;
	v30 =	vshrl.u32 v55, $0xD  }
0xa2: {  	[tilespmem:s11+$0xFFFFFFC0] =	vst v10;
	v48 =	vand.u32 $0xFFFF8000, v37;
	v10 =	vand.u32 $0x3, v15;
	v6 =	vand.u32 $0xFFFF8000, v49  }
0xa3: {  	[tilespmem:s11+$0xFFFFFF50] =	vst v19;
	v31 =	vld [tilespmem:s11+$0x60];
	v19 =	vshrl.u32 v49, $0xD;
	v18 =	vor.u32 v53, v27;
	v32 =	vand.u32 $0x3, v30  }
0xa4: {  	v27 =	vshrl.u32 v57, $0xD;
	v50 =	vshll.u32 v44, $0x2;
	v51 =	vand.u32 $0xFFFF8000, v44  }
0xa5: {  	[tilespmem:s11+$0xFFFFFF00] =	vst v24;
	v52 =	vshrl.u32 v44, $0xD;
	v57 =	vshll.u32 v49, $0x2;
	v59 =	vand.u32 $0x3, v19  }
0xa6: {  	[tilespmem:s11+$0xFFFFFF90] =	vst v7;
	v62 =	vshll.u32 v58, $0x2;
	v36 =	vand.u32 $0x3, v27;
	v8 =	vor.u32 v32, v8  }
0xa7: {  	v47 =	vld [tilespmem:s11+$0xA0];
	[tilespmem:s11+$0xFFFFFFE0] =	vst v11;
	v15 =	vand.u32 $0x7FFC, v50;
	v11 =	vand.u32 $0x3, v52;
	v17 =	vand.u32 $0x7FFC, v57  }
0xa8: {  	[tilespmem:s11+$0x30] =	vst v13;
	v13 =	vand.u32 $0x7FFC, v62;
	v9 =	vor.u32 v36, v9;
	v39 =	vshll.u32 v31, $0x2  }
0xa9: {  	[tilespmem:s11+$0xFFFFFF70] =	vst v16;
	v38 =	vand.u32 $0xFFFF8000, v31;
	v40 =	vshrl.u32 v31, $0xD;
	v41 =	vand.u32 $0x7FFC, v39  }
0xaa: {  	[tilespmem:s11+$0xFFFFFFA0] =	vst v5;
	v6 =	vor.u32 v6, v17;
	v42 =	vand.u32 $0x3, v40;
	v7 =	vor.u32 v38, v41  }
0xab: {  	[tilespmem:s11+$0xFFFFFFB0] =	vst v26;
	v5 =	vor.u32 v42, v7;
	v7 =	vor.u32 v46, v4;
	v4 =	vshll.u32 v37, $0x2  }
0xac: {  	[tilespmem:s11+$0xFFFFFFD0] =	vst v14;
	v53 =	vand.u32 $0xFFFF8000, v47;
	v54 =	vshll.u32 v47, $0x2;
	v4 =	vand.u32 $0x7FFC, v4  }
0xad: {  	v55 =	vshrl.u32 v47, $0xD;
	[tilespmem:s11+$0x50] =	vst v9;
	v9 =	vshll.u32 v56, $0x2;
	v4 =	vor.u32 v48, v4  }
0xae: {  	v1 =	vld [tilespmem:s11+$0xFFFFFFF0];
	[tilespmem:s11+$0x60] =	vst v5;
	v5 =	vand.u32 $0x7FFC, v9;
	v10 =	vor.u32 v10, v4;
	v4 =	vor.u32 v51, v15  }
0xaf: {  	v60 =	vld [tilespmem:s11+$0xE0];
	[tilespmem:s11+$0x40] =	vst v8;
	v8 =	vor.u32 v11, v4;
	v4 =	vor.u32 v59, v6;
	v6 =	vand.u32 $0xFFFF8000, v56  }
0xb0: {  	v9 =	vand.u32 $0x3, v61;
	[tilespmem:s11+$0x70] =	vst v7;
	v7 =	vand.u32 $0xFFFF8000, v58;
	v5 =	vor.u32 v6, v5  }
0xb1: {  	[tilespmem:s11+$0x0] =	vst v12;
	v14 =	vand.u32 $0x7FFC, v54;
	v6 =	vor.u32 v7, v13;
	v7 =	vor.u32 v9, v5;
	v5 =	vld [tilespmem:s11+$0xF0]  }
0xb2: {  	v2 =	vand.u32 $0x3, v2;
	[tilespmem:s11+$0x10] =	vst v18;
	v12 =	vor.u32 v53, v14;
	v15 =	vand.u32 $0x3, v55  }
0xb3: {  	v3 =	vshll.u32 v1, $0x2;
	v63 =	vshrl.u32 v58, $0xD;
	v11 =	vor.u32 v15, v12;
	[tilespmem:s11+$0x80] =	vst v10  }
0xb4: {  	s31 =	simm.s32 $0x4;
	v10 =	vand.u32 $0x3, v63;
	[tilespmem:s11+$0x90] =	vst v8;
	v8 =	vand.u32 $0xFFFF8000, v60;
	v9 =	vshll.u32 v60, $0x2  }
0xb5: {  	s29 =	simm.s32 $0x100;
	s0 =	simm.s32 $0x0;
	s12 =	simm.s32 $0x500;
	[tilespmem:s11+$0xA0] =	vst v11;
	v6 =	vor.u32 v10, v6;
	v10 =	vand.u32 $0x7FFC, v9;
	v9 =	vshrl.u32 v60, $0xD  }
.LBB2_2:
0xb6: {  	v11 =	vld [tilespmem:s12+$0xFFFFFF00];
	[tilespmem:s11+$0xB0] =	vst v4;
	v4 =	vor.u32 v8, v10;
	v8 =	vand.u32 $0x3, v9;
	v9 =	vshll.u32 v5, $0x2  }
0xb7: {  	v10 =	vld [tilespmem:s12+$0xFFFFFFF0];
	[tilespmem:s11+$0xC0] =	vst v7;
	v7 =	vand.u32 $0xFFFF8000, v5;
	v9 =	vand.u32 $0x7FFC, v9;
	v5 =	vshrl.u32 v5, $0xD  }
0xb8: {  	v4 =	vor.u32 v8, v4;
	[tilespmem:s11+$0xD0] =	vst v6;
	v6 =	vor.u32 v7, v9;
	v5 =	vand.u32 $0x3, v5  }
0xb9: {  	v3 =	vand.u32 $0x7FFC, v3;
	v8 =	vand.u32 $0xFFFF8000, v1;
	v7 =	vld [tilespmem:s12+$0xFFFFFF10];
	[tilespmem:s11+$0xE0] =	vst v4;
	v4 =	vor.u32 v5, v6  }
0xba: {  	v9 =	vshrl.u32 v1, $0xD;
	v5 =	vld [tilespmem:s12+$0xFFFFFF20];
	[tilespmem:s11+$0xF0] =	vst v4;
	v4 =	vor.u32 v2, v0;
	v0 =	vor.u32 v8, v3  }
0xbb: {  	v2 =	vand.u32 $0x3, v9;
	v3 =	vshll.u32 v11, $0x2;
	[tilespmem:s29+$0xFFFFFFF0] =	vst v4;
	s29 =	smov.u32 s11;
	s11 =	smov.u32 s12  }
0xbc: {  	v4 =	vand.u32 $0xFFFF8000, v11;
	v6 =	vshrl.u32 v11, $0xD;
	v3 =	vand.u32 $0x7FFC, v3;
	v1 =	vmovc v10  }
0xbd: {  	v6 =	vand.u32 $0x3, v6;
	v4 =	vor.u32 v4, v3;
	v3 =	vshll.u32 v1, $0x2  }
0xbe: {  	v8 =	vand.u32 $0xFFFF8000, v7;
	v9 =	vshll.u32 v7, $0x2;
	v7 =	vshrl.u32 v7, $0xD;
	v10 =	vld [tilespmem:s12+$0xFFFFFF30]  }
0xbf: {  	v9 =	vand.u32 $0x7FFC, v9;
	v7 =	vand.u32 $0x3, v7;
	v11 =	vshll.u32 v5, $0x2;
	v12 =	vld [tilespmem:s12+$0xFFFFFF40]  }
0xc0: {  	v13 =	vand.u32 $0xFFFF8000, v5;
	v5 =	vshrl.u32 v5, $0xD;
	v11 =	vand.u32 $0x7FFC, v11  }
0xc1: {  	v8 =	vor.u32 v8, v9;
	v9 =	vor.u32 v13, v11;
	v11 =	vand.u32 $0x3, v5  }
0xc2: {  	v6 =	vor.u32 v6, v4;
	v5 =	vor.u32 v7, v8;
	v4 =	vor.u32 v11, v9;
	v9 =	vld [tilespmem:s12+$0xFFFFFF50]  }
0xc3: {  	v7 =	vand.u32 $0xFFFF8000, v10;
	v8 =	vshll.u32 v10, $0x2;
	v10 =	vshrl.u32 v10, $0xD  }
0xc4: {  	v8 =	vand.u32 $0x7FFC, v8;
	v10 =	vand.u32 $0x3, v10;
	v11 =	vshll.u32 v12, $0x2;
	v13 =	vld [tilespmem:s12+$0xFFFFFF60]  }
0xc5: {  	v14 =	vand.u32 $0xFFFF8000, v12;
	v12 =	vshrl.u32 v12, $0xD;
	v11 =	vand.u32 $0x7FFC, v11  }
0xc6: {  	v7 =	vor.u32 v7, v8;
	v12 =	vand.u32 $0x3, v12;
	v11 =	vor.u32 v14, v11  }
0xc7: {  	v8 =	vor.u32 v10, v7;
	v7 =	vor.u32 v12, v11;
	v10 =	vshll.u32 v9, $0x2;
	v11 =	vld [tilespmem:s12+$0xFFFFFF70]  }
0xc8: {  	v12 =	vand.u32 $0xFFFF8000, v9;
	v9 =	vshrl.u32 v9, $0xD;
	v10 =	vand.u32 $0x7FFC, v10;
	v14 =	vld [tilespmem:s12+$0xFFFFFF80]  }
0xc9: {  	v9 =	vand.u32 $0x3, v9;
	v10 =	vor.u32 v12, v10;
	v12 =	vshll.u32 v13, $0x2  }
0xca: {  	v15 =	vand.u32 $0xFFFF8000, v13;
	v13 =	vshrl.u32 v13, $0xD;
	v12 =	vand.u32 $0x7FFC, v12  }
0xcb: {  	v9 =	vor.u32 v9, v10;
	v10 =	vor.u32 v15, v12;
	v12 =	vand.u32 $0x3, v13  }
0xcc: {  	v13 =	vand.u32 $0xFFFF8000, v11;
	v15 =	vshll.u32 v11, $0x2;
	v11 =	vshrl.u32 v11, $0xD;
	v16 =	vld [tilespmem:s12+$0xFFFFFF90]  }
0xcd: {  	v15 =	vand.u32 $0x7FFC, v15;
	v11 =	vand.u32 $0x3, v11;
	v17 =	vshll.u32 v14, $0x2;
	v18 =	vld [tilespmem:s12+$0xFFFFFFA0]  }
0xce: {  	v19 =	vand.u32 $0xFFFF8000, v14;
	v14 =	vshrl.u32 v14, $0xD;
	v17 =	vand.u32 $0x7FFC, v17  }
0xcf: {  	v13 =	vor.u32 v13, v15;
	v14 =	vand.u32 $0x3, v14;
	v15 =	vor.u32 v19, v17  }
0xd0: {  	v12 =	vor.u32 v12, v10;
	v11 =	vor.u32 v11, v13;
	v10 =	vor.u32 v14, v15;
	v15 =	vld [tilespmem:s12+$0xFFFFFFB0]  }
0xd1: {  	v13 =	vand.u32 $0xFFFF8000, v16;
	v14 =	vshll.u32 v16, $0x2;
	v16 =	vshrl.u32 v16, $0xD  }
0xd2: {  	v14 =	vand.u32 $0x7FFC, v14;
	v16 =	vand.u32 $0x3, v16;
	v17 =	vshll.u32 v18, $0x2;
	v19 =	vld [tilespmem:s12+$0xFFFFFFC0]  }
0xd3: {  	v20 =	vand.u32 $0xFFFF8000, v18;
	v18 =	vshrl.u32 v18, $0xD;
	v17 =	vand.u32 $0x7FFC, v17  }
0xd4: {  	v13 =	vor.u32 v13, v14;
	v18 =	vand.u32 $0x3, v18;
	v17 =	vor.u32 v20, v17  }
0xd5: {  	v14 =	vor.u32 v16, v13;
	v13 =	vor.u32 v18, v17;
	v16 =	vshll.u32 v15, $0x2;
	v17 =	vld [tilespmem:s12+$0xFFFFFFD0]  }
0xd6: {  	v18 =	vand.u32 $0xFFFF8000, v15;
	v15 =	vshrl.u32 v15, $0xD;
	v16 =	vand.u32 $0x7FFC, v16;
	v20 =	vld [tilespmem:s12+$0xFFFFFFE0]  }
0xd7: {  	v15 =	vand.u32 $0x3, v15;
	v16 =	vor.u32 v18, v16;
	v18 =	vshll.u32 v19, $0x2  }
0xd8: {  	v21 =	vand.u32 $0xFFFF8000, v19;
	v19 =	vshrl.u32 v19, $0xD;
	v18 =	vand.u32 $0x7FFC, v18  }
0xd9: {  	v15 =	vor.u32 v15, v16;
	v16 =	vor.u32 v21, v18;
	v18 =	vand.u32 $0x3, v19  }
0xda: {  	v19 =	vand.u32 $0xFFFF8000, v17;
	v21 =	vshll.u32 v17, $0x2;
	v17 =	vshrl.u32 v17, $0xD;
	v22 =	vld [tilespmem:s12+$0x0]  }
0xdb: {  	v21 =	vand.u32 $0x7FFC, v21;
	v17 =	vand.u32 $0x3, v17;
	v23 =	vshll.u32 v20, $0x2;
	v24 =	vld [tilespmem:s12+$0x10]  }
0xdc: {  	v25 =	vand.u32 $0xFFFF8000, v20;
	v20 =	vshrl.u32 v20, $0xD;
	v23 =	vand.u32 $0x7FFC, v23  }
0xdd: {  	v19 =	vor.u32 v19, v21;
	v20 =	vand.u32 $0x3, v20;
	v21 =	vor.u32 v25, v23  }
0xde: {  	v16 =	vor.u32 v18, v16;
	v17 =	vor.u32 v17, v19;
	v18 =	vor.u32 v20, v21;
	v19 =	vld [tilespmem:s12+$0x20]  }
0xdf: {  	v20 =	vand.u32 $0xFFFF8000, v22;
	v21 =	vshll.u32 v22, $0x2;
	v22 =	vshrl.u32 v22, $0xD  }
0xe0: {  	v21 =	vand.u32 $0x7FFC, v21;
	v22 =	vand.u32 $0x3, v22;
	v23 =	vshll.u32 v24, $0x2;
	v25 =	vld [tilespmem:s12+$0x30]  }
0xe1: {  	v26 =	vand.u32 $0xFFFF8000, v24;
	v24 =	vshrl.u32 v24, $0xD;
	v23 =	vand.u32 $0x7FFC, v23  }
0xe2: {  	v20 =	vor.u32 v20, v21;
	v21 =	vor.u32 v26, v23;
	v23 =	vand.u32 $0x3, v24  }
0xe3: {  	v20 =	vor.u32 v22, v20;
	v21 =	vor.u32 v23, v21;
	v22 =	vshll.u32 v19, $0x2;
	v23 =	vld [tilespmem:s12+$0x40]  }
0xe4: {  	v24 =	vand.u32 $0xFFFF8000, v19;
	v19 =	vshrl.u32 v19, $0xD;
	v22 =	vand.u32 $0x7FFC, v22;
	v26 =	vld [tilespmem:s12+$0x50]  }
0xe5: {  	v19 =	vand.u32 $0x3, v19;
	v22 =	vor.u32 v24, v22;
	v24 =	vshll.u32 v25, $0x2  }
0xe6: {  	v27 =	vand.u32 $0xFFFF8000, v25;
	v25 =	vshrl.u32 v25, $0xD;
	v24 =	vand.u32 $0x7FFC, v24  }
0xe7: {  	[tilespmem:s12+$0xFFFFFF00] =	vst v6;
	v6 =	vor.u32 v19, v22;
	v19 =	vor.u32 v27, v24;
	v22 =	vand.u32 $0x3, v25  }
0xe8: {  	[tilespmem:s12+$0xFFFFFF10] =	vst v5;
	v5 =	vand.u32 $0xFFFF8000, v23;
	v24 =	vshll.u32 v23, $0x2;
	v23 =	vshrl.u32 v23, $0xD;
	v25 =	vld [tilespmem:s12+$0x60]  }
0xe9: {  	[tilespmem:s12+$0xFFFFFF20] =	vst v4;
	v4 =	vand.u32 $0x7FFC, v24;
	v23 =	vand.u32 $0x3, v23;
	v24 =	vshll.u32 v26, $0x2;
	v27 =	vld [tilespmem:s12+$0x70]  }
0xea: {  	[tilespmem:s12+$0xFFFFFF30] =	vst v8;
	v8 =	vand.u32 $0xFFFF8000, v26;
	v24 =	vand.u32 $0x7FFC, v24;
	v26 =	vshrl.u32 v26, $0xD  }
0xeb: {  	v4 =	vor.u32 v5, v4;
	[tilespmem:s12+$0xFFFFFF40] =	vst v7;
	v5 =	vor.u32 v8, v24;
	v7 =	vand.u32 $0x3, v26  }
0xec: {  	v8 =	vor.u32 v22, v19;
	v4 =	vor.u32 v23, v4;
	[tilespmem:s12+$0xFFFFFF50] =	vst v9;
	v5 =	vor.u32 v7, v5;
	v7 =	vld [tilespmem:s12+$0x80]  }
0xed: {  	[tilespmem:s12+$0xFFFFFF60] =	vst v12;
	v9 =	vand.u32 $0xFFFF8000, v25;
	v12 =	vshll.u32 v25, $0x2;
	v19 =	vshrl.u32 v25, $0xD  }
0xee: {  	[tilespmem:s12+$0xFFFFFF70] =	vst v11;
	v11 =	vand.u32 $0x7FFC, v12;
	v12 =	vand.u32 $0x3, v19;
	v19 =	vshll.u32 v27, $0x2;
	v22 =	vld [tilespmem:s12+$0x90]  }
0xef: {  	v23 =	vshrl.u32 v27, $0xD;
	[tilespmem:s12+$0xFFFFFF80] =	vst v10;
	v10 =	vand.u32 $0xFFFF8000, v27;
	v19 =	vand.u32 $0x7FFC, v19  }
0xf0: {  	v9 =	vor.u32 v9, v11;
	v11 =	vand.u32 $0x3, v23;
	[tilespmem:s12+$0xFFFFFF90] =	vst v14;
	v10 =	vor.u32 v10, v19  }
0xf1: {  	v9 =	vor.u32 v12, v9;
	[tilespmem:s12+$0xFFFFFFA0] =	vst v13;
	v10 =	vor.u32 v11, v10;
	v11 =	vshll.u32 v7, $0x2;
	v12 =	vld [tilespmem:s12+$0xA0]  }
0xf2: {  	v13 =	vand.u32 $0xFFFF8000, v7;
	v7 =	vshrl.u32 v7, $0xD;
	[tilespmem:s12+$0xFFFFFFB0] =	vst v15;
	v11 =	vand.u32 $0x7FFC, v11;
	v14 =	vld [tilespmem:s12+$0xB0]  }
0xf3: {  	v7 =	vand.u32 $0x3, v7;
	[tilespmem:s12+$0xFFFFFFC0] =	vst v16;
	v11 =	vor.u32 v13, v11;
	v13 =	vshll.u32 v22, $0x2  }
0xf4: {  	v15 =	vand.u32 $0xFFFF8000, v22;
	v16 =	vshrl.u32 v22, $0xD;
	[tilespmem:s12+$0xFFFFFFD0] =	vst v17;
	v13 =	vand.u32 $0x7FFC, v13  }
0xf5: {  	v7 =	vor.u32 v7, v11;
	[tilespmem:s12+$0xFFFFFFE0] =	vst v18;
	v11 =	vor.u32 v15, v13;
	v13 =	vand.u32 $0x3, v16  }
0xf6: {  	[tilespmem:s12+$0x0] =	vst v20;
	v15 =	vand.u32 $0xFFFF8000, v12;
	v16 =	vshll.u32 v12, $0x2;
	v12 =	vshrl.u32 v12, $0xD;
	v17 =	vld [tilespmem:s12+$0xC0]  }
0xf7: {  	[tilespmem:s12+$0x10] =	vst v21;
	v16 =	vand.u32 $0x7FFC, v16;
	v12 =	vand.u32 $0x3, v12;
	v18 =	vshll.u32 v14, $0x2;
	v19 =	vld [tilespmem:s12+$0xD0]  }
0xf8: {  	[tilespmem:s12+$0x20] =	vst v6;
	v6 =	vand.u32 $0xFFFF8000, v14;
	v18 =	vand.u32 $0x7FFC, v18;
	v14 =	vshrl.u32 v14, $0xD  }
0xf9: {  	[tilespmem:s12+$0x30] =	vst v8;
	v8 =	vor.u32 v15, v16;
	v6 =	vor.u32 v6, v18;
	v14 =	vand.u32 $0x3, v14  }
0xfa: {  	s31 =	sadd.s32 $0x4, s31;
	v11 =	vor.u32 v13, v11;
	[tilespmem:s12+$0x40] =	vst v4;
	v8 =	vor.u32 v12, v8;
	v4 =	vor.u32 v14, v6;
	v12 =	vld [tilespmem:s12+$0xE0]  }
0xfb: {  	p0 =	slt.u32 s31, $0x7C;
	[tilespmem:s12+$0x50] =	vst v5;
	v6 =	vand.u32 $0xFFFF8000, v17;
	v5 =	vshll.u32 v17, $0x2;
	v13 =	vshrl.u32 v17, $0xD  }
.Ltmp0:
0xfc: {  	[tilespmem:s12+$0x60] =	vst v9;
	v9 =	vand.u32 $0x7FFC, v5;
	v13 =	vand.u32 $0x3, v13;
	v14 =	vshll.u32 v19, $0x2;
	v5 =	vld [tilespmem:s12+$0xF0];
	(pc) =	sbr.rel @p0 .LBB2_2-.Ltmp0, $4  }
0xfd: {  	v15 =	vshrl.u32 v19, $0xD;
	[tilespmem:s12+$0x70] =	vst v10;
	v10 =	vand.u32 $0xFFFF8000, v19;
	v14 =	vand.u32 $0x7FFC, v14  }
0xfe: {  	v6 =	vor.u32 v6, v9;
	[tilespmem:s12+$0x80] =	vst v7;
	v9 =	vor.u32 v10, v14;
	v10 =	vand.u32 $0x3, v15  }
0xff: {  	v7 =	vor.u32 v13, v6;
	[tilespmem:s12+$0x90] =	vst v11;
	v6 =	vor.u32 v10, v9;
	v9 =	vshll.u32 v12, $0x2  }
0x100: {  	s12 =	sadd.s32 $0x200, s12;
	[tilespmem:s11+$0xA0] =	vst v8;
	v8 =	vand.u32 $0xFFFF8000, v12;
	v10 =	vand.u32 $0x7FFC, v9;
	v9 =	vshrl.u32 v12, $0xD  }
0x101: {  	v8 =	vor.u32 v8, v10  }
0x102: {  	[tilespmem:s11+$0xB0] =	vst v4;
	v4 =	vand.u32 $0x3, v9;
	v9 =	vshll.u32 v5, $0x2;
	v10 =	vand.u32 $0xFFFF8000, v5  }
0x103: {  	[tilespmem:s11+$0xC0] =	vst v7;
	v5 =	vshrl.u32 v5, $0xD;
	v3 =	vand.u32 $0x7FFC, v3;
	v0 =	vor.u32 v2, v0  }
0x104: {  	[tilespmem:s11+$0xD0] =	vst v6;
	v7 =	vand.u32 $0x7FFC, v9;
	v4 =	vor.u32 v4, v8;
	v5 =	vand.u32 $0x3, v5  }
0x105: {  	[tilespmem:s29+$0xFFFFFFF0] =	vst v0;
	v6 =	vor.u32 v10, v7;
	v7 =	vand.u32 $0xFFFF8000, v1;
	v1 =	vshrl.u32 v1, $0xD  }
0x106: {  	[tilespmem:s11+$0xE0] =	vst v4;
	v4 =	vor.u32 v5, v6;
	v3 =	vor.u32 v7, v3;
	v1 =	vand.u32 $0x3, v1  }
0x107: {  	[tilespmem:s11+$0xF0] =	vst v4;
	v0 =	vor.u32 v1, v3  }
0x108: {  	s29 =	simm.s32 $0x4100;
	[tilespmem:s11+$0xFFFFFFF0] =	vst v0  }
0x109: {  	v0 =	vld [tilespmem:s29+$0xFFFFFF00]  }
0x10a: {  	v1 =	vld [tilespmem:s29+$0xFFFFFF10]  }
0x10b: {  	v5 =	vld [tilespmem:s29+$0xFFFFFF30]  }
0x10c: {  	v9 =	vld [tilespmem:s29+$0xFFFFFF80]  }
0x10d: {  	v13 =	vld [tilespmem:s29+$0x0]  }
0x10e: {  	v15 =	vld [tilespmem:s29+$0x10];
	_ =	sdelay $0x1  }
0x10f: {  	v2 =	vshll.u32 v0, $0x2;
	v4 =	vand.u32 $0xFFFF8000, v0;
	v0 =	vshrl.u32 v0, $0xD  }
0x110: {  	v6 =	vand.u32 $0xFFFF8000, v1;
	v8 =	vshll.u32 v5, $0x2;
	v10 =	vand.u32 $0xFFFF8000, v5  }
0x111: {  	v3 =	vld [tilespmem:s29+$0xFFFFFF20];
	v5 =	vshrl.u32 v5, $0xD;
	v11 =	vand.u32 $0xFFFF8000, v9;
	v52 =	vshll.u32 v13, $0x2  }
0x112: {  	v53 =	vshll.u32 v15, $0x2;
	v17 =	vand.u32 $0xFFFF8000, v15;
	v2 =	vand.u32 $0x7FFC, v2  }
0x113: {  	v0 =	vand.u32 $0x3, v0;
	v2 =	vor.u32 v4, v2;
	v4 =	vshll.u32 v1, $0x2  }
0x114: {  	v8 =	vand.u32 $0x7FFC, v8;
	v5 =	vand.u32 $0x3, v5;
	v4 =	vand.u32 $0x7FFC, v4  }
0x115: {  	v7 =	vld [tilespmem:s29+$0xFFFFFF40];
	v1 =	vshrl.u32 v1, $0xD;
	v0 =	vor.u32 v0, v2;
	v2 =	vor.u32 v6, v4  }
0x116: {  	v4 =	vand.u32 $0xFFFF8000, v3;
	v6 =	vshll.u32 v3, $0x2;
	v3 =	vshrl.u32 v3, $0xD  }
0x117: {  	v1 =	vand.u32 $0x3, v1;
	v6 =	vand.u32 $0x7FFC, v6;
	v3 =	vand.u32 $0x3, v3  }
0x118: {  	v1 =	vor.u32 v1, v2;
	v4 =	vor.u32 v4, v6;
	v6 =	vor.u32 v10, v8;
	v10 =	vld [tilespmem:s29+$0xFFFFFFA0]  }
0x119: {  	v8 =	vshll.u32 v9, $0x2;
	v9 =	vshrl.u32 v9, $0xD;
	v2 =	vor.u32 v3, v4;
	v4 =	vld [tilespmem:s29+$0xFFFFFF90]  }
0x11a: {  	v3 =	vor.u32 v5, v6;
	v5 =	vand.u32 $0xFFFF8000, v7;
	v6 =	vshll.u32 v7, $0x2  }
0x11b: {  	v7 =	vshrl.u32 v7, $0xD;
	v8 =	vand.u32 $0x7FFC, v8;
	v6 =	vand.u32 $0x7FFC, v6  }
0x11c: {  	v7 =	vand.u32 $0x3, v7;
	v5 =	vor.u32 v5, v6;
	v6 =	vor.u32 v11, v8;
	v11 =	vld [tilespmem:s29+$0xFFFFFFC0]  }
0x11d: {  	v15 =	vshrl.u32 v15, $0xD;
	v8 =	vand.u32 $0x3, v9;
	v5 =	vor.u32 v7, v5  }
0x11e: {  	v6 =	vor.u32 v8, v6;
	v8 =	vld [tilespmem:s29+$0xFFFFFFB0];
	v12 =	vand.u32 $0xFFFF8000, v10;
	v7 =	vshll.u32 v4, $0x2  }
0x11f: {  	v9 =	vand.u32 $0xFFFF8000, v4;
	v4 =	vshrl.u32 v4, $0xD;
	v7 =	vand.u32 $0x7FFC, v7  }
0x120: {  	v4 =	vand.u32 $0x3, v4;
	v7 =	vor.u32 v9, v7;
	v9 =	vshll.u32 v10, $0x2  }
0x121: {  	v10 =	vshrl.u32 v10, $0xD;
	v14 =	vshll.u32 v11, $0x2;
	v16 =	vand.u32 $0xFFFF8000, v11  }
0x122: {  	v54 =	vld [tilespmem:s29+$0x30];
	v11 =	vshrl.u32 v11, $0xD;
	v9 =	vand.u32 $0x7FFC, v9;
	v4 =	vor.u32 v4, v7  }
0x123: {  	v50 =	vshll.u32 v8, $0x2;
	v7 =	vor.u32 v12, v9;
	v9 =	vand.u32 $0x3, v10  }
0x124: {  	v59 =	vld [tilespmem:s29+$0x80];
	v10 =	vand.u32 $0xFFFF8000, v8;
	v8 =	vshrl.u32 v8, $0xD;
	v12 =	vand.u32 $0x7FFC, v50  }
0x125: {  	v14 =	vand.u32 $0x7FFC, v14;
	v8 =	vand.u32 $0x3, v8;
	v10 =	vor.u32 v10, v12  }
0x126: {  	v11 =	vand.u32 $0x3, v11;
	v51 =	vor.u32 v16, v14;
	v8 =	vor.u32 v8, v10;
	v10 =	vld [tilespmem:s29+$0x20]  }
0x127: {  	v60 =	vshrl.u32 v54, $0xD;
	v7 =	vor.u32 v9, v7;
	v9 =	vor.u32 v11, v51  }
0x128: {  	v58 =	vld [tilespmem:s29+$0x40];
	v11 =	vand.u32 $0xFFFF8000, v13;
	v13 =	vshrl.u32 v13, $0xD;
	v12 =	vand.u32 $0x7FFC, v52  }
0x129: {  	v63 =	vshrl.u32 v59, $0xD;
	v13 =	vand.u32 $0x3, v13;
	v11 =	vor.u32 v11, v12  }
0x12a: {  	v56 =	vand.u32 $0x3, v15;
	[tilespmem:s29+$0xFFFFFF20] =	vst v2;
	v2 =	vand.u32 $0xFFFF8000, v54;
	v11 =	vor.u32 v13, v11  }
0x12b: {  	[tilespmem:s29+$0xFFFFFF00] =	vst v0;
	v57 =	vshll.u32 v10, $0x2;
	v0 =	vand.u32 $0xFFFF8000, v10;
	v10 =	vshrl.u32 v10, $0xD  }
0x12c: {  	[tilespmem:s29+$0xFFFFFF10] =	vst v1;
	v13 =	vand.u32 $0x7FFC, v57;
	v1 =	vand.u32 $0x3, v10;
	v10 =	vshll.u32 v54, $0x2  }
0x12d: {  	[tilespmem:s29+$0xFFFFFF30] =	vst v3;
	v3 =	vshll.u32 v58, $0x2;
	v0 =	vor.u32 v0, v13;
	v10 =	vand.u32 $0x7FFC, v10  }
0x12e: {  	[tilespmem:s29+$0xFFFFFF40] =	vst v5;
	v5 =	vshrl.u32 v58, $0xD;
	v61 =	vor.u32 v1, v0;
	v0 =	vor.u32 v2, v10;
	v10 =	vld [tilespmem:s29+$0x90]  }
0x12f: {  	v3 =	vand.u32 $0x7FFC, v3;
	[tilespmem:s29+$0xFFFFFF80] =	vst v6;
	v6 =	vshll.u32 v59, $0x2;
	v5 =	vand.u32 $0x3, v5  }
0x130: {  	v62 =	vld [tilespmem:s29+$0xA0];
	v6 =	vand.u32 $0x7FFC, v6;
	v14 =	vand.u32 $0x7FFC, v53;
	[tilespmem:s29+$0xFFFFFF90] =	vst v4;
	v4 =	vand.u32 $0xFFFF8000, v59  }
0x131: {  	v55 =	vor.u32 v17, v14;
	v1 =	vand.u32 $0x3, v60;
	v2 =	vand.u32 $0xFFFF8000, v58  }
0x132: {  	v2 =	vor.u32 v2, v3;
	v3 =	vor.u32 v4, v6;
	v6 =	vand.u32 $0x3, v63  }
0x133: {  	[tilespmem:s29+$0xFFFFFFA0] =	vst v7;
	v4 =	vor.u32 v1, v0;
	v0 =	vor.u32 v6, v3;
	v3 =	vshrl.u32 v10, $0xD  }
0x134: {  	[tilespmem:s29+$0xFFFFFFC0] =	vst v9;
	v1 =	vor.u32 v5, v2;
	v2 =	vshll.u32 v10, $0x2;
	v5 =	vand.u32 $0x3, v3;
	v3 =	vld [tilespmem:s29+$0xB0]  }
0x135: {  	v12 =	vor.u32 v56, v55;
	[tilespmem:s29+$0xFFFFFFB0] =	vst v8;
	v7 =	vand.u32 $0x7FFC, v2;
	v2 =	vshll.u32 v62, $0x2  }
0x136: {  	[tilespmem:s29+$0x10] =	vst v12;
	v9 =	vand.u32 $0x7FFC, v2;
	v2 =	vld [tilespmem:s29+$0xC0]  }
0x137: {  	v8 =	vand.u32 $0xFFFF8000, v62;
	[tilespmem:s29+$0x0] =	vst v11;
	v6 =	vand.u32 $0xFFFF8000, v10;
	v10 =	vshrl.u32 v62, $0xD  }
0x138: {  	s11 =	simm.s32 $0x4300;
	[tilespmem:s29+$0x20] =	vst v61;
	v6 =	vor.u32 v6, v7;
	v7 =	vor.u32 v8, v9;
	v8 =	vand.u32 $0x3, v10  }
.LBB2_4:
0x139: {  	v9 =	vld [tilespmem:s11+$0xFFFFFF00];
	[tilespmem:s29+$0x30] =	vst v4;
	v4 =	vor.u32 v5, v6;
	v5 =	vor.u32 v8, v7;
	v6 =	vshll.u32 v3, $0x2  }
0x13a: {  	[tilespmem:s29+$0x40] =	vst v1;
	v1 =	vand.u32 $0xFFFF8000, v3;
	v6 =	vand.u32 $0x7FFC, v6;
	v3 =	vshrl.u32 v3, $0xD  }
0x13b: {  	v7 =	vld [tilespmem:s11+$0xFFFFFF10];
	[tilespmem:s29+$0x80] =	vst v0;
	v0 =	vor.u32 v1, v6;
	v1 =	vand.u32 $0x3, v3;
	v3 =	vshll.u32 v2, $0x2  }
0x13c: {  	[tilespmem:s29+$0x90] =	vst v4;
	v4 =	vand.u32 $0xFFFF8000, v2;
	v3 =	vand.u32 $0x7FFC, v3;
	v2 =	vshrl.u32 v2, $0xD  }
0x13d: {  	v0 =	vor.u32 v1, v0;
	[tilespmem:s29+$0xA0] =	vst v5;
	v1 =	vor.u32 v4, v3;
	v2 =	vand.u32 $0x3, v2  }
0x13e: {  	v3 =	vshll.u32 v9, $0x2;
	v4 =	vld [tilespmem:s11+$0xFFFFFF20];
	[tilespmem:s29+$0xB0] =	vst v0;
	v0 =	vor.u32 v2, v1  }
0x13f: {  	v1 =	vand.u32 $0xFFFF8000, v9;
	v2 =	vand.u32 $0x7FFC, v3;
	v3 =	vshrl.u32 v9, $0xD;
	v5 =	vld [tilespmem:s11+$0xFFFFFF30];
	[tilespmem:s29+$0xC0] =	vst v0;
	s29 =	smov.u32 s11  }
0x140: {  	v0 =	vor.u32 v1, v2;
	v1 =	vand.u32 $0x3, v3;
	v2 =	vshll.u32 v7, $0x2  }
0x141: {  	v3 =	vand.u32 $0xFFFF8000, v7;
	v6 =	vshrl.u32 v7, $0xD;
	v2 =	vand.u32 $0x7FFC, v2  }
0x142: {  	v0 =	vor.u32 v1, v0;
	v1 =	vor.u32 v3, v2;
	v2 =	vand.u32 $0x3, v6  }
0x143: {  	v3 =	vand.u32 $0xFFFF8000, v4;
	v6 =	vshll.u32 v4, $0x2;
	v4 =	vshrl.u32 v4, $0xD;
	v7 =	vld [tilespmem:s11+$0xFFFFFF40]  }
0x144: {  	v6 =	vand.u32 $0x7FFC, v6;
	v4 =	vand.u32 $0x3, v4;
	v8 =	vshll.u32 v5, $0x2;
	v9 =	vld [tilespmem:s11+$0xFFFFFF80]  }
0x145: {  	v10 =	vand.u32 $0xFFFF8000, v5;
	v5 =	vshrl.u32 v5, $0xD;
	v8 =	vand.u32 $0x7FFC, v8  }
0x146: {  	v3 =	vor.u32 v3, v6;
	v5 =	vand.u32 $0x3, v5;
	v6 =	vor.u32 v10, v8  }
0x147: {  	v1 =	vor.u32 v2, v1;
	v2 =	vor.u32 v4, v3;
	v3 =	vor.u32 v5, v6;
	v4 =	vld [tilespmem:s11+$0xFFFFFF90]  }
0x148: {  	v5 =	vand.u32 $0xFFFF8000, v7;
	v6 =	vshll.u32 v7, $0x2;
	v7 =	vshrl.u32 v7, $0xD  }
0x149: {  	v6 =	vand.u32 $0x7FFC, v6;
	v7 =	vand.u32 $0x3, v7;
	v8 =	vshll.u32 v9, $0x2;
	v10 =	vld [tilespmem:s11+$0xFFFFFFA0]  }
0x14a: {  	v11 =	vand.u32 $0xFFFF8000, v9;
	v9 =	vshrl.u32 v9, $0xD;
	v8 =	vand.u32 $0x7FFC, v8  }
0x14b: {  	v5 =	vor.u32 v5, v6;
	v6 =	vor.u32 v11, v8;
	v8 =	vand.u32 $0x3, v9  }
0x14c: {  	v5 =	vor.u32 v7, v5;
	v6 =	vor.u32 v8, v6;
	v7 =	vshll.u32 v4, $0x2;
	v8 =	vld [tilespmem:s11+$0xFFFFFFB0]  }
0x14d: {  	v9 =	vand.u32 $0xFFFF8000, v4;
	v4 =	vshrl.u32 v4, $0xD;
	v7 =	vand.u32 $0x7FFC, v7;
	v11 =	vld [tilespmem:s11+$0xFFFFFFC0]  }
0x14e: {  	v4 =	vand.u32 $0x3, v4;
	v7 =	vor.u32 v9, v7;
	v9 =	vshll.u32 v10, $0x2  }
0x14f: {  	v12 =	vand.u32 $0xFFFF8000, v10;
	v10 =	vshrl.u32 v10, $0xD;
	v9 =	vand.u32 $0x7FFC, v9  }
0x150: {  	v4 =	vor.u32 v4, v7;
	v7 =	vor.u32 v12, v9;
	v9 =	vand.u32 $0x3, v10  }
0x151: {  	v10 =	vand.u32 $0xFFFF8000, v8;
	v12 =	vshll.u32 v8, $0x2;
	v8 =	vshrl.u32 v8, $0xD;
	v13 =	vld [tilespmem:s11+$0x0]  }
0x152: {  	v12 =	vand.u32 $0x7FFC, v12;
	v8 =	vand.u32 $0x3, v8;
	v14 =	vshll.u32 v11, $0x2;
	v15 =	vld [tilespmem:s11+$0x10]  }
0x153: {  	v16 =	vand.u32 $0xFFFF8000, v11;
	v11 =	vshrl.u32 v11, $0xD;
	v14 =	vand.u32 $0x7FFC, v14  }
0x154: {  	v10 =	vor.u32 v10, v12;
	v11 =	vand.u32 $0x3, v11;
	v12 =	vor.u32 v16, v14  }
0x155: {  	v7 =	vor.u32 v9, v7;
	v8 =	vor.u32 v8, v10;
	v9 =	vor.u32 v11, v12;
	v10 =	vld [tilespmem:s11+$0x20]  }
0x156: {  	v11 =	vand.u32 $0xFFFF8000, v13;
	v12 =	vshll.u32 v13, $0x2;
	v13 =	vshrl.u32 v13, $0xD  }
0x157: {  	v12 =	vand.u32 $0x7FFC, v12;
	v13 =	vand.u32 $0x3, v13;
	v14 =	vshll.u32 v15, $0x2;
	v16 =	vld [tilespmem:s11+$0x30]  }
0x158: {  	v17 =	vand.u32 $0xFFFF8000, v15;
	v15 =	vshrl.u32 v15, $0xD;
	v14 =	vand.u32 $0x7FFC, v14  }
0x159: {  	v11 =	vor.u32 v11, v12;
	v12 =	vor.u32 v17, v14;
	v14 =	vand.u32 $0x3, v15  }
0x15a: {  	v11 =	vor.u32 v13, v11;
	v12 =	vor.u32 v14, v12;
	v13 =	vshll.u32 v10, $0x2;
	v14 =	vld [tilespmem:s11+$0x40]  }
0x15b: {  	[tilespmem:s11+$0xFFFFFF00] =	vst v0;
	v0 =	vand.u32 $0xFFFF8000, v10;
	v13 =	vand.u32 $0x7FFC, v13;
	v10 =	vshrl.u32 v10, $0xD;
	v15 =	vld [tilespmem:s11+$0x80]  }
0x15c: {  	[tilespmem:s11+$0xFFFFFF10] =	vst v1;
	v0 =	vor.u32 v0, v13;
	v1 =	vand.u32 $0x3, v10;
	v10 =	vshll.u32 v16, $0x2  }
0x15d: {  	v13 =	vshrl.u32 v16, $0xD;
	[tilespmem:s11+$0xFFFFFF20] =	vst v2;
	v2 =	vand.u32 $0xFFFF8000, v16;
	v10 =	vand.u32 $0x7FFC, v10  }
0x15e: {  	v16 =	vor.u32 v1, v0;
	v1 =	vand.u32 $0x3, v13;
	[tilespmem:s11+$0xFFFFFF30] =	vst v3;
	v0 =	vor.u32 v2, v10  }
0x15f: {  	[tilespmem:s11+$0xFFFFFF40] =	vst v5;
	v2 =	vand.u32 $0xFFFF8000, v14;
	v3 =	vshll.u32 v14, $0x2;
	v5 =	vshrl.u32 v14, $0xD;
	v10 =	vld [tilespmem:s11+$0x90]  }
0x160: {  	[tilespmem:s11+$0xFFFFFF80] =	vst v6;
	v3 =	vand.u32 $0x7FFC, v3;
	v5 =	vand.u32 $0x3, v5;
	v6 =	vshll.u32 v15, $0x2;
	v13 =	vld [tilespmem:s11+$0xA0]  }
0x161: {  	s0 =	sadd.s32 $0x4, s0;
	v14 =	vshrl.u32 v15, $0xD;
	[tilespmem:s11+$0xFFFFFF90] =	vst v4;
	v4 =	vand.u32 $0xFFFF8000, v15;
	v6 =	vand.u32 $0x7FFC, v6  }
0x162: {  	p0 =	slt.u32 s0, $0x7C;
	v2 =	vor.u32 v2, v3;
	[tilespmem:s11+$0xFFFFFFA0] =	vst v7;
	v3 =	vor.u32 v4, v6;
	v6 =	vand.u32 $0x3, v14  }
.Ltmp1:
0x163: {  	v4 =	vor.u32 v1, v0;
	v1 =	vor.u32 v5, v2;
	[tilespmem:s11+$0xFFFFFFB0] =	vst v8;
	v0 =	vor.u32 v6, v3;
	v3 =	vld [tilespmem:s11+$0xB0];
	(pc) =	sbr.rel @p0 .LBB2_4-.Ltmp1, $4  }
0x164: {  	[tilespmem:s11+$0xFFFFFFC0] =	vst v9;
	v6 =	vand.u32 $0xFFFF8000, v10;
	v2 =	vshll.u32 v10, $0x2;
	v5 =	vshrl.u32 v10, $0xD  }
0x165: {  	[tilespmem:s11+$0x0] =	vst v11;
	v7 =	vand.u32 $0x7FFC, v2;
	v5 =	vand.u32 $0x3, v5;
	v8 =	vshll.u32 v13, $0x2;
	v2 =	vld [tilespmem:s11+$0xC0]  }
0x166: {  	v9 =	vand.u32 $0xFFFF8000, v13;
	v10 =	vshrl.u32 v13, $0xD;
	[tilespmem:s11+$0x10] =	vst v12;
	v8 =	vand.u32 $0x7FFC, v8  }
0x167: {  	v6 =	vor.u32 v6, v7;
	s11 =	sadd.s32 $0x200, s11;
	[tilespmem:s29+$0x20] =	vst v16;
	v7 =	vor.u32 v9, v8;
	v8 =	vand.u32 $0x3, v10  }
0x168: {  	[tilespmem:s29+$0x30] =	vst v4;
	v21 =	vor.u32 v5, v6;
	v22 =	vor.u32 v8, v7;
	v23 =	vshll.u32 v3, $0x2  }
0x169: {  	[tilespmem:s29+$0x40] =	vst v1;
	v24 =	vand.u32 $0xFFFF8000, v3;
	v25 =	vshrl.u32 v3, $0xD;
	v6 =	vand.u32 $0x7FFC, v23  }
0x16a: {  	[tilespmem:s29+$0x80] =	vst v0;
	v27 =	vand.u32 $0x3, v25;
	v26 =	vor.u32 v24, v6;
	v28 =	vshll.u32 v2, $0x2  }
0x16b: {  	[tilespmem:s29+$0x90] =	vst v21;
	v29 =	vand.u32 $0xFFFF8000, v2;
	v30 =	vshrl.u32 v2, $0xD;
	v3 =	vand.u32 $0x7FFC, v28  }
0x16c: {  	[tilespmem:s29+$0xA0] =	vst v22;
	v0 =	vor.u32 v27, v26;
	v2 =	vand.u32 $0x3, v30;
	v31 =	vor.u32 v29, v3  }
0x16d: {  	[tilespmem:s29+$0xB0] =	vst v0;
	v32 =	vor.u32 v2, v31  }
0x16e: {  	[tilespmem:s29+$0xC0] =	vst v32  }
0x16f: {  	v0 =	vld [tilespmem:$0x13600]  }
0x170: {  	v33 =	vld [tilespmem:$0x13610]  }
0x171: {  	v34 =	vld [tilespmem:$0x13620]  }
0x172: {  	v5 =	vld [tilespmem:$0x13630]  }
0x173: {  	v40 =	vld [tilespmem:$0x13640]  }
0x174: {  	v42 =	vld [tilespmem:$0x13650];
	v35 =	vshll.u32 v0, $0x2  }
0x175: {  	v47 =	vld [tilespmem:$0x13660];
	v36 =	vand.u32 $0xFFFF8000, v0;
	v0 =	vshrl.u32 v0, $0xD;
	v37 =	vshll.u32 v33, $0x2  }
0x176: {  	v9 =	vld [tilespmem:$0x13670];
	v38 =	vand.u32 $0xFFFF8000, v33;
	v1 =	vshrl.u32 v33, $0xD;
	v39 =	vshll.u32 v34, $0x2  }
0x177: {  	v41 =	vand.u32 $0xFFFF8000, v34;
	v2 =	vshrl.u32 v34, $0xD;
	v43 =	vshll.u32 v5, $0x2  }
0x178: {  	v44 =	vand.u32 $0xFFFF8000, v5;
	v5 =	vshrl.u32 v5, $0xD;
	v46 =	vshll.u32 v40, $0x2  }
0x179: {  	v48 =	vand.u32 $0xFFFF8000, v40;
	v49 =	vshrl.u32 v40, $0xD;
	v50 =	vshll.u32 v42, $0x2  }
0x17a: {  	v10 =	vand.u32 $0xFFFF8000, v42;
	v7 =	vshrl.u32 v42, $0xD;
	v54 =	vshll.u32 v47, $0x2  }
0x17b: {  	v55 =	vand.u32 $0xFFFF8000, v47;
	v56 =	vshrl.u32 v47, $0xD;
	v58 =	vshll.u32 v9, $0x2  }
0x17c: {  	v59 =	vand.u32 $0xFFFF8000, v9;
	v60 =	vshrl.u32 v9, $0xD;
	v3 =	vand.u32 $0x7FFC, v35  }
0x17d: {  	v0 =	vand.u32 $0x3, v0;
	v4 =	vand.u32 $0x7FFC, v37;
	v1 =	vand.u32 $0x3, v1  }
0x17e: {  	v2 =	vand.u32 $0x3, v2;
	v45 =	vand.u32 $0x3, v5;
	v5 =	vand.u32 $0x7FFC, v46  }
0x17f: {  	v6 =	vand.u32 $0x7FFC, v50;
	v52 =	vand.u32 $0x3, v7;
	v3 =	vor.u32 v36, v3  }
0x180: {  	v0 =	vor.u32 v0, v3;
	v3 =	vor.u32 v38, v4;
	v4 =	vand.u32 $0x7FFC, v39  }
0x181: {  	v51 =	vor.u32 v10, v6;
	v4 =	vor.u32 v41, v4;
	v1 =	vor.u32 v1, v3;
	[tilespmem:$0x13600] =	vst v0  }
0x182: {  	v3 =	vand.u32 $0x7FFC, v43;
	v0 =	vor.u32 v52, v51;
	v2 =	vor.u32 v2, v4;
	[tilespmem:$0x13610] =	vst v1  }
0x183: {  	v3 =	vor.u32 v44, v3;
	v4 =	vor.u32 v48, v5;
	v5 =	vand.u32 $0x3, v49;
	[tilespmem:$0x13650] =	vst v0  }
0x184: {  	v3 =	vor.u32 v45, v3;
	v53 =	vor.u32 v5, v4;
	[tilespmem:$0x13620] =	vst v2;
	v4 =	vand.u32 $0x7FFC, v54  }
0x185: {  	v57 =	vand.u32 $0x3, v56;
	[tilespmem:$0x13630] =	vst v3;
	v2 =	vor.u32 v55, v4;
	v4 =	vand.u32 $0x7FFC, v58  }
0x186: {  	v62 =	vand.u32 $0x3, v60;
	[tilespmem:$0x13640] =	vst v53;
	v61 =	vor.u32 v57, v2;
	v1 =	vor.u32 v59, v4  }
0x187: {  	[tilespmem:$0x13660] =	vst v61;
	v63 =	vor.u32 v62, v1  }
0x188: {  	s0 =	simm.s32 $0x13680;
	[tilespmem:$0x13670] =	vst v63  }
0x189: {  	[tilespmem:s0], [sflag:$0x7] =	stream.indirect.gather [hbm4b:s3+s13], $0x20, s5, s13, $0xb8;
	[tilespmem:$0x16680] =	vst v63  }
0x18a: {  	s0 =	simm.s32 $0x0  }
0x18b: {  	[tilespmem:s15], [sflag:$0x1] =	stream.indirect.gather [hbm4b:s3+s13], $0x20, s0, s13, $0xb8;
	[tilespmem:$0x16680] =	vst v63  }
0x18c: {  	_ = 	snop  }
0x18d: {  	[tilespmem:s17], [sflag:$0x1] =	stream.indirect.gather [hbm4b:s3+s16], $0x20, s4, s16, $0xb8;
	[tilespmem:$0x16680] =	vst v63  }
0x18e: {  	_ = 	snop  }
0x18f: {  	[tilespmem:s18], [sflag:$0x2] =	stream.indirect.gather [hbm4b:s3+s13], $0x20, s13, s13, $0xb8;
	[tilespmem:$0x16680] =	vst v63  }
0x190: {  	s11 =	simm.s32 $0x4080  }
0x191: {  	[tilespmem:s20], [sflag:$0x2] =	stream.indirect.gather [hbm4b:s3+s16], $0x20, s11, s16, $0xb8;
	[tilespmem:$0x16680] =	vst v63  }
0x192: {  	s12 =	simm.s32 $0xB200  }
0x193: {  	[tilespmem:s12], [sflag:$0x3] =	stream.indirect.gather [hbm4b:s3+s13], $0x20, s21, s13, $0xb8;
	[tilespmem:$0x16680] =	vst v63  }
0x194: {  	s31 =	simm.s32 $0xC200;
	s29 =	simm.s32 $0x4100  }
0x195: {  	[tilespmem:s31], [sflag:$0x3] =	stream.indirect.gather [hbm4b:s3+s16], $0x20, s29, s16, $0xb8;
	[tilespmem:$0x16680] =	vst v63  }
0x196: {  	s11 =	simm.s32 $0x180;
	s12 =	simm.s32 $0xCB00  }
0x197: {  	[tilespmem:s12], [sflag:$0x4] =	stream.indirect.gather [hbm4b:s3+s13], $0x20, s11, s13, $0xb8;
	[tilespmem:$0x16680] =	vst v63  }
0x198: {  	s29 =	simm.s32 $0x4180;
	s31 =	simm.s32 $0xDB00  }
0x199: {  	[tilespmem:s31], [sflag:$0x4] =	stream.indirect.gather [hbm4b:s3+s16], $0x20, s29, s16, $0xb8;
	[tilespmem:$0x16680] =	vst v63  }
0x19a: {  	s11 =	simm.s32 $0x200;
	s12 =	simm.s32 $0xE400  }
0x19b: {  	[tilespmem:s12], [sflag:$0x5] =	stream.indirect.gather [hbm4b:s3+s13], $0x20, s11, s13, $0xb8;
	[tilespmem:$0x16680] =	vst v63  }
0x19c: {  	s29 =	simm.s32 $0x4200;
	s31 =	simm.s32 $0xF400  }
0x19d: {  	[tilespmem:s31], [sflag:$0x5] =	stream.indirect.gather [hbm4b:s3+s16], $0x20, s29, s16, $0xb8;
	[tilespmem:$0x16680] =	vst v63  }
.LBB2_6:
0x19e: {  	_ =	swait.ge [sflag:s14], $0x1000  }
0x19f: {  	[sflag:s14] =	ssyncset.done $0x0  }
0x1a0: {  	[sflag:s14] =	ssyncadd.s32 $0xFFFFF000  }
0x1a1: {  	_ =	swait.ge [sflag:s14], $0x900  }
0x1a2: {  	[sflag:s14] =	ssyncset.done $0x0  }
0x1a3: {  	s11 =	simm.s32 $0x8080;
	[sflag:s14] =	ssyncadd.s32 $0xFFFFF700  }
0x1a4: {  	v1 =	vld [tilespmem:s11+$0x60]  }
0x1a5: {  	v3 =	vld [tilespmem:s11+$0x40]  }
0x1a6: {  	v5 =	vld [tilespmem:s11+$0x20]  }
0x1a7: {  	v7 =	vld [tilespmem:s11+$0x0]  }
0x1a8: {  	v8 =	vld [tilespmem:s11+$0xFFFFFFE0]  }
0x1a9: {  	v9 =	vld [tilespmem:s11+$0xFFFFFFC0]  }
0x1aa: {  	v10 =	vld [tilespmem:s11+$0xFFFFFFA0]  }
0x1ab: {  	v11 =	vld [tilespmem:s11+$0xFFFFFF80]  }
0x1ac: {  	v12 =	vimm.f32 $0.0e+00;
	v13 =	vld [tilespmem:s11+$0xFFFFFF90];
	v0 =	vunpack.i.u.bf16.f32 v1;
	v1 =	vunpack.i.l.bf16.f32 v1  }
0x1ad: {  	v4 =	vunpack.i.u.bf16.f32 v5;
	v2 =	vunpack.i.u.bf16.f32 v3;
	v3 =	vunpack.i.l.bf16.f32 v3  }
0x1ae: {  	v14 =	vld [tilespmem:s11+$0xFFFFFFB0];
	v6 =	vunpack.i.u.bf16.f32 v7;
	v7 =	vunpack.i.l.bf16.f32 v7;
	v5 =	vunpack.i.l.bf16.f32 v5  }
0x1af: {  	v15 =	vunpack.i.u.bf16.f32 v9;
	v17 =	vunpack.i.u.bf16.f32 v8;
	v8 =	vunpack.i.l.bf16.f32 v8  }
0x1b0: {  	v18 =	vld [tilespmem:s11+$0xFFFFFFD0];
	v16 =	vunpack.i.u.bf16.f32 v10;
	v10 =	vunpack.i.l.bf16.f32 v10;
	v9 =	vunpack.i.l.bf16.f32 v9  }
0x1b1: {  	v19 =	vunpack.i.u.bf16.f32 v11;
	v11 =	vunpack.i.l.bf16.f32 v11;
	v20 =	vunpack.i.u.bf16.f32 v13  }
0x1b2: {  	v21 =	vld [tilespmem:s11+$0xFFFFFFF0];
	v13 =	vunpack.i.l.bf16.f32 v13;
	v11 =	vadd.f32 v11, v12;
	v19 =	vadd.f32 v19, v12  }
0x1b3: {  	v62 =	vunpack.i.u.bf16.f32 v14;
	v13 =	vadd.f32 v13, v12;
	v12 =	vadd.f32 v20, v12  }
0x1b4: {  	v14 =	vunpack.i.l.bf16.f32 v14;
	v11 =	vadd.f32 v10, v11;
	v16 =	vadd.f32 v16, v19;
	v10 =	vld [tilespmem:s11+$0x10]  }
0x1b5: {  	v13 =	vadd.f32 v14, v13;
	v14 =	vadd.f32 v62, v12;
	v19 =	vunpack.i.u.bf16.f32 v18  }
0x1b6: {  	v12 =	vunpack.i.l.bf16.f32 v18;
	v18 =	vadd.f32 v9, v11;
	v63 =	vadd.f32 v15, v16;
	v9 =	vld [tilespmem:s11+$0x30]  }
0x1b7: {  	v12 =	vadd.f32 v12, v13;
	v11 =	vadd.f32 v19, v14;
	v13 =	vunpack.i.u.bf16.f32 v21  }
0x1b8: {  	s12 =	simm.s32 $0x0;
	s4 =	simm.s32 $0x8180;
	v16 =	vunpack.i.l.bf16.f32 v21;
	v15 =	vadd.f32 v8, v18;
	v14 =	vadd.f32 v17, v63;
	v8 =	vld [tilespmem:s11+$0x50]  }
.LBB2_7:
0x1b9: {  	v17 =	vld [tilespmem:s4+$0x60];
	v12 =	vadd.f32 v16, v12;
	v11 =	vadd.f32 v13, v11;
	v13 =	vunpack.i.u.bf16.f32 v10  }
0x1ba: {  	v10 =	vunpack.i.l.bf16.f32 v10;
	v7 =	vadd.f32 v7, v15;
	v6 =	vadd.f32 v6, v14;
	v14 =	vld [tilespmem:s11+$0x70];
	s11 =	smov.u32 s4  }
0x1bb: {  	v15 =	vld [tilespmem:s4+$0x40];
	v10 =	vadd.f32 v10, v12;
	v11 =	vadd.f32 v13, v11;
	v12 =	vunpack.i.u.bf16.f32 v9  }
0x1bc: {  	v9 =	vunpack.i.l.bf16.f32 v9;
	v13 =	vld [tilespmem:s4+$0x20];
	v5 =	vadd.f32 v5, v7;
	v4 =	vadd.f32 v4, v6  }
0x1bd: {  	v7 =	vld [tilespmem:s4+$0x0];
	v6 =	vadd.f32 v9, v10;
	v9 =	vadd.f32 v12, v11;
	v10 =	vunpack.i.u.bf16.f32 v8  }
0x1be: {  	v8 =	vunpack.i.l.bf16.f32 v8;
	v11 =	vld [tilespmem:s4+$0xFFFFFFE0];
	v3 =	vadd.f32 v3, v5;
	v2 =	vadd.f32 v2, v4  }
0x1bf: {  	v12 =	vld [tilespmem:s4+$0xFFFFFFC0];
	v4 =	vadd.f32 v8, v6;
	v5 =	vadd.f32 v10, v9;
	v6 =	vunpack.i.u.bf16.f32 v14  }
0x1c0: {  	v9 =	vunpack.i.l.bf16.f32 v14;
	v8 =	vld [tilespmem:s4+$0xFFFFFFA0];
	v10 =	vadd.f32 v1, v3;
	v14 =	vadd.f32 v0, v2  }
0x1c1: {  	v16 =	vld [tilespmem:s4+$0xFFFFFF80];
	v9 =	vadd.f32 v9, v4;
	v18 =	vadd.f32 v6, v5  }
0x1c2: {  	v0 =	vunpack.i.u.bf16.f32 v17;
	v1 =	vunpack.i.l.bf16.f32 v17;
	v19 =	vld [tilespmem:s4+$0xFFFFFF90]  }
0x1c3: {  	s12 =	sadd.s32 $0x8, s12;
	v2 =	vunpack.i.u.bf16.f32 v15;
	v3 =	vunpack.i.l.bf16.f32 v15;
	v4 =	vunpack.i.u.bf16.f32 v13  }
0x1c4: {  	p0 =	slt.u32 s12, $0xC0;
	v5 =	vunpack.i.l.bf16.f32 v13;
	v6 =	vunpack.i.u.bf16.f32 v7;
	v7 =	vunpack.i.l.bf16.f32 v7;
	v15 =	vld [tilespmem:s4+$0xFFFFFFB0]  }
0x1c5: {  	v17 =	vunpack.i.u.bf16.f32 v11;
	v20 =	vunpack.i.l.bf16.f32 v11;
	v13 =	vunpack.i.u.bf16.f32 v12  }
0x1c6: {  	v12 =	vunpack.i.l.bf16.f32 v12;
	v11 =	vunpack.i.u.bf16.f32 v8;
	v8 =	vunpack.i.l.bf16.f32 v8;
	v21 =	vld [tilespmem:s4+$0xFFFFFFD0]  }
0x1c7: {  	v22 =	vunpack.i.u.bf16.f32 v16;
	v16 =	vunpack.i.l.bf16.f32 v16;
	v23 =	vunpack.i.u.bf16.f32 v19  }
0x1c8: {  	v19 =	vunpack.i.l.bf16.f32 v19;
	v10 =	vadd.f32 v16, v10;
	v14 =	vadd.f32 v22, v14;
	v16 =	vld [tilespmem:s4+$0xFFFFFFF0]  }
0x1c9: {  	v9 =	vadd.f32 v19, v9;
	v18 =	vadd.f32 v23, v18;
	v19 =	vunpack.i.u.bf16.f32 v15  }
.Ltmp2:
0x1ca: {  	v15 =	vunpack.i.l.bf16.f32 v15;
	v8 =	vadd.f32 v8, v10;
	v11 =	vadd.f32 v11, v14;
	v10 =	vld [tilespmem:s4+$0x10];
	(pc) =	sbr.rel @p0 .LBB2_7-.Ltmp2, $4  }
0x1cb: {  	v14 =	vadd.f32 v15, v9;
	v15 =	vadd.f32 v19, v18;
	v18 =	vunpack.i.u.bf16.f32 v21  }
0x1cc: {  	v19 =	vunpack.i.l.bf16.f32 v21;
	v8 =	vadd.f32 v12, v8;
	v21 =	vadd.f32 v13, v11;
	v9 =	vld [tilespmem:s4+$0x30]  }
0x1cd: {  	v12 =	vadd.f32 v19, v14;
	v11 =	vadd.f32 v18, v15;
	v13 =	vunpack.i.u.bf16.f32 v16  }
0x1ce: {  	s4 =	sadd.s32 $0x100, s4;
	v16 =	vunpack.i.l.bf16.f32 v16;
	v15 =	vadd.f32 v20, v8;
	v14 =	vadd.f32 v17, v21;
	v8 =	vld [tilespmem:s11+$0x50]  }
0x1cf: {  	_ = 	snop  }
0x1d0: {  	v12 =	vadd.f32 v16, v12;
	v7 =	vadd.f32 v7, v15  }
0x1d1: {  	s4 =	smul.u32 $0x6, s0;
	v11 =	vadd.f32 v13, v11;
	v13 =	vunpack.i.l.bf16.f32 v10;
	v6 =	vadd.f32 v6, v14  }
0x1d2: {  	v10 =	vunpack.i.u.bf16.f32 v10;
	v14 =	vld [tilespmem:s11+$0x70];
	v12 =	vadd.f32 v13, v12;
	v5 =	vadd.f32 v5, v7  }
0x1d3: {  	s29 =	sadd.s32 $0x5, s4;
	v7 =	vadd.f32 v10, v11;
	v10 =	vunpack.i.l.bf16.f32 v9;
	v4 =	vadd.f32 v4, v6  }
0x1d4: {  	s5 =	smul.u32 $0x600, s0;
	s4 =	sshll.u32 s29, $0x7;
	v6 =	vunpack.i.u.bf16.f32 v9;
	v9 =	vadd.f32 v10, v12;
	v3 =	vadd.f32 v3, v5  }
0x1d5: {  	[tilespmem:s19], [sflag:$0x6] =	stream.indirect.gather [hbm4b:s3+s13], $0x20, s4, s13, $0xb8;
	v5 =	vadd.f32 v6, v7;
	v6 =	vunpack.i.l.bf16.f32 v8;
	v2 =	vadd.f32 v2, v4;
	[tilespmem:$0x16680] =	vst v63  }
0x1d6: {  	s11 =	sshra.s32 s5, $0x2;
	s4 =	sadd.s32 $0x4000, s4;
	v4 =	vunpack.i.u.bf16.f32 v8;
	v6 =	vadd.f32 v6, v9;
	v1 =	vadd.f32 v1, v3  }
0x1d7: {  	[tilespmem:s22], [sflag:$0x6] =	stream.indirect.gather [hbm4b:s3+s16], $0x20, s4, s16, $0xb8;
	v3 =	vadd.f32 v4, v5;
	v4 =	vunpack.i.l.bf16.f32 v14;
	v0 =	vadd.f32 v0, v2;
	[tilespmem:$0x16680] =	vst v63  }
0x1d8: {  	v2 =	vunpack.i.u.bf16.f32 v14;
	v4 =	vadd.f32 v4, v6;
	[tilespmem:s11+$0x11600] =	vst v1  }
0x1d9: {  	v1 =	vadd.f32 v2, v3;
	[tilespmem:s11+$0x11610] =	vst v0  }
0x1da: {  	[tilespmem:s11+$0x11620] =	vst v4  }
0x1db: {  	[tilespmem:s11+$0x11630] =	vst v1  }
0x1dc: {  	_ =	swait.ge [sflag:s23], $0x1000  }
0x1dd: {  	[sflag:s23] =	ssyncset.done $0x0  }
0x1de: {  	[sflag:s23] =	ssyncadd.s32 $0xFFFFF000  }
0x1df: {  	_ =	swait.ge [sflag:s23], $0x900  }
0x1e0: {  	[sflag:s23] =	ssyncset.done $0x0  }
0x1e1: {  	s12 =	simm.s32 $0x99F0;
	[sflag:s23] =	ssyncadd.s32 $0xFFFFF700  }
0x1e2: {  	v1 =	vld [tilespmem:s12+$0xFFFFFFF0]  }
0x1e3: {  	v3 =	vld [tilespmem:s12+$0xFFFFFFD0]  }
0x1e4: {  	v5 =	vld [tilespmem:s12+$0xFFFFFFB0]  }
0x1e5: {  	v7 =	vld [tilespmem:s12+$0xFFFFFF90]  }
0x1e6: {  	v8 =	vld [tilespmem:s12+$0xFFFFFF70]  }
0x1e7: {  	v9 =	vld [tilespmem:s12+$0xFFFFFF50]  }
0x1e8: {  	v10 =	vld [tilespmem:s12+$0xFFFFFF30]  }
0x1e9: {  	v11 =	vld [tilespmem:s12+$0xFFFFFF10]  }
0x1ea: {  	v12 =	vimm.f32 $0.0e+00;
	v13 =	vld [tilespmem:s12+$0xFFFFFF20];
	v0 =	vunpack.i.u.bf16.f32 v1;
	v1 =	vunpack.i.l.bf16.f32 v1  }
0x1eb: {  	v4 =	vunpack.i.u.bf16.f32 v5;
	v2 =	vunpack.i.u.bf16.f32 v3;
	v3 =	vunpack.i.l.bf16.f32 v3  }
0x1ec: {  	v14 =	vld [tilespmem:s12+$0xFFFFFF40];
	v6 =	vunpack.i.u.bf16.f32 v7;
	v7 =	vunpack.i.l.bf16.f32 v7;
	v5 =	vunpack.i.l.bf16.f32 v5  }
0x1ed: {  	v15 =	vunpack.i.u.bf16.f32 v9;
	v17 =	vunpack.i.u.bf16.f32 v8;
	v8 =	vunpack.i.l.bf16.f32 v8  }
0x1ee: {  	v18 =	vld [tilespmem:s12+$0xFFFFFF60];
	v16 =	vunpack.i.u.bf16.f32 v10;
	v10 =	vunpack.i.l.bf16.f32 v10;
	v9 =	vunpack.i.l.bf16.f32 v9  }
0x1ef: {  	v19 =	vunpack.i.u.bf16.f32 v11;
	v11 =	vunpack.i.l.bf16.f32 v11;
	v20 =	vunpack.i.u.bf16.f32 v13  }
0x1f0: {  	v21 =	vld [tilespmem:s12+$0xFFFFFF80];
	v13 =	vunpack.i.l.bf16.f32 v13;
	v11 =	vadd.f32 v11, v12;
	v19 =	vadd.f32 v19, v12  }
0x1f1: {  	v62 =	vunpack.i.u.bf16.f32 v14;
	v13 =	vadd.f32 v13, v12;
	v12 =	vadd.f32 v20, v12  }
0x1f2: {  	v14 =	vunpack.i.l.bf16.f32 v14;
	v11 =	vadd.f32 v10, v11;
	v16 =	vadd.f32 v16, v19;
	v10 =	vld [tilespmem:s12+$0xFFFFFFA0]  }
0x1f3: {  	v13 =	vadd.f32 v14, v13;
	v14 =	vadd.f32 v62, v12;
	v19 =	vunpack.i.u.bf16.f32 v18  }
0x1f4: {  	v12 =	vunpack.i.l.bf16.f32 v18;
	v18 =	vadd.f32 v9, v11;
	v63 =	vadd.f32 v15, v16;
	v9 =	vld [tilespmem:s12+$0xFFFFFFC0]  }
0x1f5: {  	v12 =	vadd.f32 v12, v13;
	v11 =	vadd.f32 v19, v14;
	v13 =	vunpack.i.u.bf16.f32 v21  }
0x1f6: {  	s31 =	simm.s32 $0x0;
	s4 =	simm.s32 $0x9AF0;
	v16 =	vunpack.i.l.bf16.f32 v21;
	v15 =	vadd.f32 v8, v18;
	v14 =	vadd.f32 v17, v63;
	v8 =	vld [tilespmem:s12+$0xFFFFFFE0]  }
.LBB2_9:
0x1f7: {  	v17 =	vld [tilespmem:s4+$0xFFFFFFF0];
	v12 =	vadd.f32 v16, v12;
	v11 =	vadd.f32 v13, v11;
	v13 =	vunpack.i.u.bf16.f32 v10  }
0x1f8: {  	v10 =	vunpack.i.l.bf16.f32 v10;
	v7 =	vadd.f32 v7, v15;
	v6 =	vadd.f32 v6, v14;
	v14 =	vld [tilespmem:s12+$0x0];
	s12 =	smov.u32 s4  }
0x1f9: {  	v15 =	vld [tilespmem:s4+$0xFFFFFFD0];
	v10 =	vadd.f32 v10, v12;
	v11 =	vadd.f32 v13, v11;
	v12 =	vunpack.i.u.bf16.f32 v9  }
0x1fa: {  	v9 =	vunpack.i.l.bf16.f32 v9;
	v13 =	vld [tilespmem:s4+$0xFFFFFFB0];
	v5 =	vadd.f32 v5, v7;
	v4 =	vadd.f32 v4, v6  }
0x1fb: {  	v7 =	vld [tilespmem:s4+$0xFFFFFF90];
	v6 =	vadd.f32 v9, v10;
	v9 =	vadd.f32 v12, v11;
	v10 =	vunpack.i.u.bf16.f32 v8  }
0x1fc: {  	v8 =	vunpack.i.l.bf16.f32 v8;
	v11 =	vld [tilespmem:s4+$0xFFFFFF70];
	v3 =	vadd.f32 v3, v5;
	v2 =	vadd.f32 v2, v4  }
0x1fd: {  	v12 =	vld [tilespmem:s4+$0xFFFFFF50];
	v4 =	vadd.f32 v8, v6;
	v5 =	vadd.f32 v10, v9;
	v6 =	vunpack.i.u.bf16.f32 v14  }
0x1fe: {  	v9 =	vunpack.i.l.bf16.f32 v14;
	v8 =	vld [tilespmem:s4+$0xFFFFFF30];
	v10 =	vadd.f32 v1, v3;
	v14 =	vadd.f32 v0, v2  }
0x1ff: {  	v16 =	vld [tilespmem:s4+$0xFFFFFF10];
	v9 =	vadd.f32 v9, v4;
	v18 =	vadd.f32 v6, v5  }
0x200: {  	v0 =	vunpack.i.u.bf16.f32 v17;
	v1 =	vunpack.i.l.bf16.f32 v17;
	v19 =	vld [tilespmem:s4+$0xFFFFFF20]  }
0x201: {  	s31 =	sadd.s32 $0x8, s31;
	v2 =	vunpack.i.u.bf16.f32 v15;
	v3 =	vunpack.i.l.bf16.f32 v15;
	v4 =	vunpack.i.u.bf16.f32 v13  }
0x202: {  	p0 =	slt.u32 s31, $0xC0;
	v5 =	vunpack.i.l.bf16.f32 v13;
	v6 =	vunpack.i.u.bf16.f32 v7;
	v7 =	vunpack.i.l.bf16.f32 v7;
	v15 =	vld [tilespmem:s4+$0xFFFFFF40]  }
0x203: {  	v17 =	vunpack.i.u.bf16.f32 v11;
	v20 =	vunpack.i.l.bf16.f32 v11;
	v13 =	vunpack.i.u.bf16.f32 v12  }
0x204: {  	v12 =	vunpack.i.l.bf16.f32 v12;
	v11 =	vunpack.i.u.bf16.f32 v8;
	v8 =	vunpack.i.l.bf16.f32 v8;
	v21 =	vld [tilespmem:s4+$0xFFFFFF60]  }
0x205: {  	v22 =	vunpack.i.u.bf16.f32 v16;
	v16 =	vunpack.i.l.bf16.f32 v16;
	v23 =	vunpack.i.u.bf16.f32 v19  }
0x206: {  	v19 =	vunpack.i.l.bf16.f32 v19;
	v10 =	vadd.f32 v16, v10;
	v14 =	vadd.f32 v22, v14;
	v16 =	vld [tilespmem:s4+$0xFFFFFF80]  }
0x207: {  	v9 =	vadd.f32 v19, v9;
	v18 =	vadd.f32 v23, v18;
	v19 =	vunpack.i.u.bf16.f32 v15  }
.Ltmp3:
0x208: {  	v15 =	vunpack.i.l.bf16.f32 v15;
	v8 =	vadd.f32 v8, v10;
	v11 =	vadd.f32 v11, v14;
	v10 =	vld [tilespmem:s4+$0xFFFFFFA0];
	(pc) =	sbr.rel @p0 .LBB2_9-.Ltmp3, $4  }
0x209: {  	v14 =	vadd.f32 v15, v9;
	v15 =	vadd.f32 v19, v18;
	v18 =	vunpack.i.u.bf16.f32 v21  }
0x20a: {  	v19 =	vunpack.i.l.bf16.f32 v21;
	v8 =	vadd.f32 v12, v8;
	v21 =	vadd.f32 v13, v11;
	v9 =	vld [tilespmem:s4+$0xFFFFFFC0]  }
0x20b: {  	v12 =	vadd.f32 v19, v14;
	v11 =	vadd.f32 v18, v15;
	v13 =	vunpack.i.u.bf16.f32 v16  }
0x20c: {  	s4 =	sadd.s32 $0x100, s4;
	v16 =	vunpack.i.l.bf16.f32 v16;
	v15 =	vadd.f32 v20, v8;
	v14 =	vadd.f32 v17, v21;
	v8 =	vld [tilespmem:s12+$0xFFFFFFE0]  }
0x20d: {  	_ = 	snop  }
0x20e: {  	v12 =	vadd.f32 v16, v12;
	v7 =	vadd.f32 v7, v15  }
0x20f: {  	v11 =	vadd.f32 v13, v11;
	v13 =	vunpack.i.l.bf16.f32 v10;
	v6 =	vadd.f32 v6, v14  }
0x210: {  	v10 =	vunpack.i.u.bf16.f32 v10;
	s31 =	smul.u32 $0x300, s0;
	v14 =	vld [tilespmem:s12+$0x0];
	v12 =	vadd.f32 v13, v12;
	v5 =	vadd.f32 v5, v7  }
0x211: {  	v7 =	vadd.f32 v10, v11;
	v10 =	vunpack.i.l.bf16.f32 v9;
	v4 =	vadd.f32 v4, v6  }
0x212: {  	s4 =	sadd.s32 $0x300, s31;
	v6 =	vunpack.i.u.bf16.f32 v9;
	v9 =	vadd.f32 v10, v12;
	v3 =	vadd.f32 v3, v5  }
0x213: {  	[tilespmem:s15], [sflag:$0x1] =	stream.indirect.gather [hbm4b:s3+s13], $0x20, s4, s13, $0xb8;
	v5 =	vadd.f32 v6, v7;
	v6 =	vunpack.i.l.bf16.f32 v8;
	v2 =	vadd.f32 v2, v4;
	[tilespmem:$0x16680] =	vst v63  }
0x214: {  	s12 =	sadd.s32 $0x4300, s31;
	v4 =	vunpack.i.u.bf16.f32 v8;
	v6 =	vadd.f32 v6, v9;
	v1 =	vadd.f32 v1, v3  }
0x215: {  	[tilespmem:s17], [sflag:$0x1] =	stream.indirect.gather [hbm4b:s3+s16], $0x20, s12, s16, $0xb8;
	v3 =	vadd.f32 v4, v5;
	v4 =	vunpack.i.l.bf16.f32 v14;
	v0 =	vadd.f32 v0, v2;
	[tilespmem:$0x16680] =	vst v63  }
0x216: {  	v2 =	vunpack.i.u.bf16.f32 v14;
	v4 =	vadd.f32 v4, v6;
	[tilespmem:s11+$0x11640] =	vst v1  }
0x217: {  	v1 =	vadd.f32 v2, v3;
	[tilespmem:s11+$0x11650] =	vst v0  }
0x218: {  	[tilespmem:s11+$0x11660] =	vst v4  }
0x219: {  	[tilespmem:s11+$0x11670] =	vst v1  }
0x21a: {  	_ =	swait.ge [sflag:s24], $0x1000  }
0x21b: {  	[sflag:s24] =	ssyncset.done $0x0  }
0x21c: {  	[sflag:s24] =	ssyncadd.s32 $0xFFFFF000  }
0x21d: {  	_ =	swait.ge [sflag:s24], $0x900  }
0x21e: {  	[sflag:s24] =	ssyncset.done $0x0  }
0x21f: {  	s12 =	simm.s32 $0xB2F0;
	[sflag:s24] =	ssyncadd.s32 $0xFFFFF700  }
0x220: {  	v1 =	vld [tilespmem:s12+$0xFFFFFFF0]  }
0x221: {  	v3 =	vld [tilespmem:s12+$0xFFFFFFD0]  }
0x222: {  	v5 =	vld [tilespmem:s12+$0xFFFFFFB0]  }
0x223: {  	v7 =	vld [tilespmem:s12+$0xFFFFFF90]  }
0x224: {  	v8 =	vld [tilespmem:s12+$0xFFFFFF70]  }
0x225: {  	v9 =	vld [tilespmem:s12+$0xFFFFFF50]  }
0x226: {  	v10 =	vld [tilespmem:s12+$0xFFFFFF30]  }
0x227: {  	v11 =	vld [tilespmem:s12+$0xFFFFFF10]  }
0x228: {  	v12 =	vimm.f32 $0.0e+00;
	v13 =	vld [tilespmem:s12+$0xFFFFFF20];
	v0 =	vunpack.i.u.bf16.f32 v1;
	v1 =	vunpack.i.l.bf16.f32 v1  }
0x229: {  	v4 =	vunpack.i.u.bf16.f32 v5;
	v2 =	vunpack.i.u.bf16.f32 v3;
	v3 =	vunpack.i.l.bf16.f32 v3  }
0x22a: {  	v14 =	vld [tilespmem:s12+$0xFFFFFF40];
	v6 =	vunpack.i.u.bf16.f32 v7;
	v7 =	vunpack.i.l.bf16.f32 v7;
	v5 =	vunpack.i.l.bf16.f32 v5  }
0x22b: {  	v15 =	vunpack.i.u.bf16.f32 v9;
	v17 =	vunpack.i.u.bf16.f32 v8;
	v8 =	vunpack.i.l.bf16.f32 v8  }
0x22c: {  	v18 =	vld [tilespmem:s12+$0xFFFFFF60];
	v16 =	vunpack.i.u.bf16.f32 v10;
	v10 =	vunpack.i.l.bf16.f32 v10;
	v9 =	vunpack.i.l.bf16.f32 v9  }
0x22d: {  	v19 =	vunpack.i.u.bf16.f32 v11;
	v11 =	vunpack.i.l.bf16.f32 v11;
	v20 =	vunpack.i.u.bf16.f32 v13  }
0x22e: {  	v21 =	vld [tilespmem:s12+$0xFFFFFF80];
	v13 =	vunpack.i.l.bf16.f32 v13;
	v11 =	vadd.f32 v11, v12;
	v19 =	vadd.f32 v19, v12  }
0x22f: {  	v62 =	vunpack.i.u.bf16.f32 v14;
	v13 =	vadd.f32 v13, v12;
	v12 =	vadd.f32 v20, v12  }
0x230: {  	v14 =	vunpack.i.l.bf16.f32 v14;
	v11 =	vadd.f32 v10, v11;
	v16 =	vadd.f32 v16, v19;
	v10 =	vld [tilespmem:s12+$0xFFFFFFA0]  }
0x231: {  	v13 =	vadd.f32 v14, v13;
	v14 =	vadd.f32 v62, v12;
	v19 =	vunpack.i.u.bf16.f32 v18  }
0x232: {  	v12 =	vunpack.i.l.bf16.f32 v18;
	v18 =	vadd.f32 v9, v11;
	v63 =	vadd.f32 v15, v16;
	v9 =	vld [tilespmem:s12+$0xFFFFFFC0]  }
0x233: {  	v12 =	vadd.f32 v12, v13;
	v11 =	vadd.f32 v19, v14;
	v13 =	vunpack.i.u.bf16.f32 v21  }
0x234: {  	s5 =	simm.s32 $0xB3F0;
	s4 =	simm.s32 $0x0;
	v16 =	vunpack.i.l.bf16.f32 v21;
	v15 =	vadd.f32 v8, v18;
	v14 =	vadd.f32 v17, v63;
	v8 =	vld [tilespmem:s12+$0xFFFFFFE0]  }
.LBB2_11:
0x235: {  	v17 =	vld [tilespmem:s5+$0xFFFFFFF0];
	v12 =	vadd.f32 v16, v12;
	v11 =	vadd.f32 v13, v11;
	v13 =	vunpack.i.u.bf16.f32 v10  }
0x236: {  	v10 =	vunpack.i.l.bf16.f32 v10;
	v7 =	vadd.f32 v7, v15;
	v6 =	vadd.f32 v6, v14;
	v14 =	vld [tilespmem:s12+$0x0];
	s12 =	smov.u32 s5  }
0x237: {  	v15 =	vld [tilespmem:s5+$0xFFFFFFD0];
	v10 =	vadd.f32 v10, v12;
	v11 =	vadd.f32 v13, v11;
	v12 =	vunpack.i.u.bf16.f32 v9  }
0x238: {  	v9 =	vunpack.i.l.bf16.f32 v9;
	v13 =	vld [tilespmem:s5+$0xFFFFFFB0];
	v5 =	vadd.f32 v5, v7;
	v4 =	vadd.f32 v4, v6  }
0x239: {  	v7 =	vld [tilespmem:s5+$0xFFFFFF90];
	v6 =	vadd.f32 v9, v10;
	v9 =	vadd.f32 v12, v11;
	v10 =	vunpack.i.u.bf16.f32 v8  }
0x23a: {  	v8 =	vunpack.i.l.bf16.f32 v8;
	v11 =	vld [tilespmem:s5+$0xFFFFFF70];
	v3 =	vadd.f32 v3, v5;
	v2 =	vadd.f32 v2, v4  }
0x23b: {  	v12 =	vld [tilespmem:s5+$0xFFFFFF50];
	v4 =	vadd.f32 v8, v6;
	v5 =	vadd.f32 v10, v9;
	v6 =	vunpack.i.u.bf16.f32 v14  }
0x23c: {  	v9 =	vunpack.i.l.bf16.f32 v14;
	v8 =	vld [tilespmem:s5+$0xFFFFFF30];
	v10 =	vadd.f32 v1, v3;
	v14 =	vadd.f32 v0, v2  }
0x23d: {  	v16 =	vld [tilespmem:s5+$0xFFFFFF10];
	v9 =	vadd.f32 v9, v4;
	v18 =	vadd.f32 v6, v5  }
0x23e: {  	v0 =	vunpack.i.u.bf16.f32 v17;
	v1 =	vunpack.i.l.bf16.f32 v17;
	v19 =	vld [tilespmem:s5+$0xFFFFFF20]  }
0x23f: {  	s4 =	sadd.s32 $0x8, s4;
	v2 =	vunpack.i.u.bf16.f32 v15;
	v3 =	vunpack.i.l.bf16.f32 v15;
	v4 =	vunpack.i.u.bf16.f32 v13  }
0x240: {  	p0 =	slt.u32 s4, $0xC0;
	v5 =	vunpack.i.l.bf16.f32 v13;
	v6 =	vunpack.i.u.bf16.f32 v7;
	v7 =	vunpack.i.l.bf16.f32 v7;
	v15 =	vld [tilespmem:s5+$0xFFFFFF40]  }
0x241: {  	v17 =	vunpack.i.u.bf16.f32 v11;
	v20 =	vunpack.i.l.bf16.f32 v11;
	v13 =	vunpack.i.u.bf16.f32 v12  }
0x242: {  	v12 =	vunpack.i.l.bf16.f32 v12;
	v11 =	vunpack.i.u.bf16.f32 v8;
	v8 =	vunpack.i.l.bf16.f32 v8;
	v21 =	vld [tilespmem:s5+$0xFFFFFF60]  }
0x243: {  	v22 =	vunpack.i.u.bf16.f32 v16;
	v16 =	vunpack.i.l.bf16.f32 v16;
	v23 =	vunpack.i.u.bf16.f32 v19  }
0x244: {  	v19 =	vunpack.i.l.bf16.f32 v19;
	v10 =	vadd.f32 v16, v10;
	v14 =	vadd.f32 v22, v14;
	v16 =	vld [tilespmem:s5+$0xFFFFFF80]  }
0x245: {  	v9 =	vadd.f32 v19, v9;
	v18 =	vadd.f32 v23, v18;
	v19 =	vunpack.i.u.bf16.f32 v15  }
.Ltmp4:
0x246: {  	v15 =	vunpack.i.l.bf16.f32 v15;
	v8 =	vadd.f32 v8, v10;
	v11 =	vadd.f32 v11, v14;
	v10 =	vld [tilespmem:s5+$0xFFFFFFA0];
	(pc) =	sbr.rel @p0 .LBB2_11-.Ltmp4, $4  }
0x247: {  	v14 =	vadd.f32 v15, v9;
	v15 =	vadd.f32 v19, v18;
	v18 =	vunpack.i.u.bf16.f32 v21  }
0x248: {  	v19 =	vunpack.i.l.bf16.f32 v21;
	v8 =	vadd.f32 v12, v8;
	v21 =	vadd.f32 v13, v11;
	v9 =	vld [tilespmem:s5+$0xFFFFFFC0]  }
0x249: {  	v12 =	vadd.f32 v19, v14;
	v11 =	vadd.f32 v18, v15;
	v13 =	vunpack.i.u.bf16.f32 v16  }
0x24a: {  	s5 =	sadd.s32 $0x100, s5;
	v16 =	vunpack.i.l.bf16.f32 v16;
	v15 =	vadd.f32 v20, v8;
	v14 =	vadd.f32 v17, v21;
	v8 =	vld [tilespmem:s12+$0xFFFFFFE0]  }
0x24b: {  	_ = 	snop  }
0x24c: {  	v12 =	vadd.f32 v16, v12;
	v7 =	vadd.f32 v7, v15  }
0x24d: {  	v11 =	vadd.f32 v13, v11;
	v13 =	vunpack.i.l.bf16.f32 v10;
	v6 =	vadd.f32 v6, v14  }
0x24e: {  	v10 =	vunpack.i.u.bf16.f32 v10;
	v14 =	vld [tilespmem:s12+$0x0];
	v12 =	vadd.f32 v13, v12;
	v5 =	vadd.f32 v5, v7  }
0x24f: {  	v7 =	vadd.f32 v10, v11;
	v10 =	vunpack.i.l.bf16.f32 v9;
	v4 =	vadd.f32 v4, v6  }
0x250: {  	s4 =	sadd.s32 $0x380, s31;
	v6 =	vunpack.i.u.bf16.f32 v9;
	v9 =	vadd.f32 v10, v12;
	v3 =	vadd.f32 v3, v5  }
0x251: {  	[tilespmem:s18], [sflag:$0x2] =	stream.indirect.gather [hbm4b:s3+s13], $0x20, s4, s13, $0xb8;
	v5 =	vadd.f32 v6, v7;
	v6 =	vunpack.i.l.bf16.f32 v8;
	v2 =	vadd.f32 v2, v4;
	[tilespmem:$0x16680] =	vst v63  }
0x252: {  	s12 =	sadd.s32 $0x4380, s31;
	v4 =	vunpack.i.u.bf16.f32 v8;
	v6 =	vadd.f32 v6, v9;
	v1 =	vadd.f32 v1, v3  }
0x253: {  	[tilespmem:s20], [sflag:$0x2] =	stream.indirect.gather [hbm4b:s3+s16], $0x20, s12, s16, $0xb8;
	v3 =	vadd.f32 v4, v5;
	v4 =	vunpack.i.l.bf16.f32 v14;
	v0 =	vadd.f32 v0, v2;
	[tilespmem:$0x16680] =	vst v63  }
0x254: {  	v2 =	vunpack.i.u.bf16.f32 v14;
	v4 =	vadd.f32 v4, v6;
	[tilespmem:s11+$0x11680] =	vst v1  }
0x255: {  	v1 =	vadd.f32 v2, v3;
	[tilespmem:s11+$0x11690] =	vst v0  }
0x256: {  	[tilespmem:s11+$0x116A0] =	vst v4  }
0x257: {  	[tilespmem:s11+$0x116B0] =	vst v1  }
0x258: {  	_ =	swait.ge [sflag:s25], $0x1000  }
0x259: {  	[sflag:s25] =	ssyncset.done $0x0  }
0x25a: {  	[sflag:s25] =	ssyncadd.s32 $0xFFFFF000  }
0x25b: {  	_ =	swait.ge [sflag:s25], $0x900  }
0x25c: {  	[sflag:s25] =	ssyncset.done $0x0  }
0x25d: {  	s12 =	simm.s32 $0xCB00;
	[sflag:s25] =	ssyncadd.s32 $0xFFFFF700  }
0x25e: {  	v1 =	vld [tilespmem:s12+$0xE0]  }
0x25f: {  	v3 =	vld [tilespmem:s12+$0xC0]  }
0x260: {  	v5 =	vld [tilespmem:s12+$0xA0]  }
0x261: {  	v7 =	vld [tilespmem:s12+$0x80]  }
0x262: {  	v8 =	vld [tilespmem:s12+$0x60]  }
0x263: {  	v9 =	vld [tilespmem:s12+$0x40]  }
0x264: {  	v10 =	vld [tilespmem:s12+$0x20]  }
0x265: {  	v11 =	vld [tilespmem:s12+$0x0]  }
0x266: {  	v12 =	vimm.f32 $0.0e+00;
	v13 =	vld [tilespmem:s12+$0x10];
	v0 =	vunpack.i.u.bf16.f32 v1;
	v1 =	vunpack.i.l.bf16.f32 v1  }
0x267: {  	v4 =	vunpack.i.u.bf16.f32 v5;
	v2 =	vunpack.i.u.bf16.f32 v3;
	v3 =	vunpack.i.l.bf16.f32 v3  }
0x268: {  	v14 =	vld [tilespmem:s12+$0x30];
	v6 =	vunpack.i.u.bf16.f32 v7;
	v7 =	vunpack.i.l.bf16.f32 v7;
	v5 =	vunpack.i.l.bf16.f32 v5  }
0x269: {  	v15 =	vunpack.i.u.bf16.f32 v9;
	v17 =	vunpack.i.u.bf16.f32 v8;
	v8 =	vunpack.i.l.bf16.f32 v8  }
0x26a: {  	v18 =	vld [tilespmem:s12+$0x50];
	v16 =	vunpack.i.u.bf16.f32 v10;
	v10 =	vunpack.i.l.bf16.f32 v10;
	v9 =	vunpack.i.l.bf16.f32 v9  }
0x26b: {  	v19 =	vunpack.i.u.bf16.f32 v11;
	v11 =	vunpack.i.l.bf16.f32 v11;
	v20 =	vunpack.i.u.bf16.f32 v13  }
0x26c: {  	v21 =	vld [tilespmem:s12+$0x70];
	v13 =	vunpack.i.l.bf16.f32 v13;
	v11 =	vadd.f32 v11, v12;
	v19 =	vadd.f32 v19, v12  }
0x26d: {  	v62 =	vunpack.i.u.bf16.f32 v14;
	v13 =	vadd.f32 v13, v12;
	v12 =	vadd.f32 v20, v12  }
0x26e: {  	v14 =	vunpack.i.l.bf16.f32 v14;
	v11 =	vadd.f32 v10, v11;
	v16 =	vadd.f32 v16, v19;
	v10 =	vld [tilespmem:s12+$0x90]  }
0x26f: {  	v13 =	vadd.f32 v14, v13;
	v14 =	vadd.f32 v62, v12;
	v19 =	vunpack.i.u.bf16.f32 v18  }
0x270: {  	v12 =	vunpack.i.l.bf16.f32 v18;
	v18 =	vadd.f32 v9, v11;
	v63 =	vadd.f32 v15, v16;
	v9 =	vld [tilespmem:s12+$0xB0]  }
0x271: {  	v12 =	vadd.f32 v12, v13;
	v11 =	vadd.f32 v19, v14;
	v13 =	vunpack.i.u.bf16.f32 v21  }
0x272: {  	s5 =	simm.s32 $0xCC00;
	s4 =	simm.s32 $0x0;
	v16 =	vunpack.i.l.bf16.f32 v21;
	v15 =	vadd.f32 v8, v18;
	v14 =	vadd.f32 v17, v63;
	v8 =	vld [tilespmem:s12+$0xD0]  }
.LBB2_13:
0x273: {  	v17 =	vld [tilespmem:s5+$0xE0];
	v12 =	vadd.f32 v16, v12;
	v11 =	vadd.f32 v13, v11;
	v13 =	vunpack.i.u.bf16.f32 v10  }
0x274: {  	v10 =	vunpack.i.l.bf16.f32 v10;
	v7 =	vadd.f32 v7, v15;
	v6 =	vadd.f32 v6, v14;
	v14 =	vld [tilespmem:s12+$0xF0];
	s12 =	smov.u32 s5  }
0x275: {  	v15 =	vld [tilespmem:s5+$0xC0];
	v10 =	vadd.f32 v10, v12;
	v11 =	vadd.f32 v13, v11;
	v12 =	vunpack.i.u.bf16.f32 v9  }
0x276: {  	v9 =	vunpack.i.l.bf16.f32 v9;
	v13 =	vld [tilespmem:s5+$0xA0];
	v5 =	vadd.f32 v5, v7;
	v4 =	vadd.f32 v4, v6  }
0x277: {  	v7 =	vld [tilespmem:s5+$0x80];
	v6 =	vadd.f32 v9, v10;
	v9 =	vadd.f32 v12, v11;
	v10 =	vunpack.i.u.bf16.f32 v8  }
0x278: {  	v8 =	vunpack.i.l.bf16.f32 v8;
	v11 =	vld [tilespmem:s5+$0x60];
	v3 =	vadd.f32 v3, v5;
	v2 =	vadd.f32 v2, v4  }
0x279: {  	v12 =	vld [tilespmem:s5+$0x40];
	v4 =	vadd.f32 v8, v6;
	v5 =	vadd.f32 v10, v9;
	v6 =	vunpack.i.u.bf16.f32 v14  }
0x27a: {  	v9 =	vunpack.i.l.bf16.f32 v14;
	v8 =	vld [tilespmem:s5+$0x20];
	v10 =	vadd.f32 v1, v3;
	v14 =	vadd.f32 v0, v2  }
0x27b: {  	v16 =	vld [tilespmem:s5+$0x0];
	v9 =	vadd.f32 v9, v4;
	v18 =	vadd.f32 v6, v5  }
0x27c: {  	v0 =	vunpack.i.u.bf16.f32 v17;
	v1 =	vunpack.i.l.bf16.f32 v17;
	v19 =	vld [tilespmem:s5+$0x10]  }
0x27d: {  	s4 =	sadd.s32 $0x8, s4;
	v2 =	vunpack.i.u.bf16.f32 v15;
	v3 =	vunpack.i.l.bf16.f32 v15;
	v4 =	vunpack.i.u.bf16.f32 v13  }
0x27e: {  	p0 =	slt.u32 s4, $0xC0;
	v5 =	vunpack.i.l.bf16.f32 v13;
	v6 =	vunpack.i.u.bf16.f32 v7;
	v7 =	vunpack.i.l.bf16.f32 v7;
	v15 =	vld [tilespmem:s5+$0x30]  }
0x27f: {  	v17 =	vunpack.i.u.bf16.f32 v11;
	v20 =	vunpack.i.l.bf16.f32 v11;
	v13 =	vunpack.i.u.bf16.f32 v12  }
0x280: {  	v12 =	vunpack.i.l.bf16.f32 v12;
	v11 =	vunpack.i.u.bf16.f32 v8;
	v8 =	vunpack.i.l.bf16.f32 v8;
	v21 =	vld [tilespmem:s5+$0x50]  }
0x281: {  	v22 =	vunpack.i.u.bf16.f32 v16;
	v16 =	vunpack.i.l.bf16.f32 v16;
	v23 =	vunpack.i.u.bf16.f32 v19  }
0x282: {  	v19 =	vunpack.i.l.bf16.f32 v19;
	v10 =	vadd.f32 v16, v10;
	v14 =	vadd.f32 v22, v14;
	v16 =	vld [tilespmem:s5+$0x70]  }
0x283: {  	v9 =	vadd.f32 v19, v9;
	v18 =	vadd.f32 v23, v18;
	v19 =	vunpack.i.u.bf16.f32 v15  }
.Ltmp5:
0x284: {  	v15 =	vunpack.i.l.bf16.f32 v15;
	v8 =	vadd.f32 v8, v10;
	v11 =	vadd.f32 v11, v14;
	v10 =	vld [tilespmem:s5+$0x90];
	(pc) =	sbr.rel @p0 .LBB2_13-.Ltmp5, $4  }
0x285: {  	v14 =	vadd.f32 v15, v9;
	v15 =	vadd.f32 v19, v18;
	v18 =	vunpack.i.u.bf16.f32 v21  }
0x286: {  	v19 =	vunpack.i.l.bf16.f32 v21;
	v8 =	vadd.f32 v12, v8;
	v21 =	vadd.f32 v13, v11;
	v9 =	vld [tilespmem:s5+$0xB0]  }
0x287: {  	v12 =	vadd.f32 v19, v14;
	v11 =	vadd.f32 v18, v15;
	v13 =	vunpack.i.u.bf16.f32 v16  }
0x288: {  	s5 =	sadd.s32 $0x100, s5;
	v16 =	vunpack.i.l.bf16.f32 v16;
	v15 =	vadd.f32 v20, v8;
	v14 =	vadd.f32 v17, v21;
	v8 =	vld [tilespmem:s12+$0xD0]  }
0x289: {  	_ = 	snop  }
0x28a: {  	v12 =	vadd.f32 v16, v12;
	v7 =	vadd.f32 v7, v15  }
0x28b: {  	v11 =	vadd.f32 v13, v11;
	v13 =	vunpack.i.l.bf16.f32 v10;
	v6 =	vadd.f32 v6, v14  }
0x28c: {  	v10 =	vunpack.i.u.bf16.f32 v10;
	v14 =	vld [tilespmem:s12+$0xF0];
	v12 =	vadd.f32 v13, v12;
	v5 =	vadd.f32 v5, v7  }
0x28d: {  	p0 =	seq.s32 s0, $0x14;
	v7 =	vadd.f32 v10, v11;
	v10 =	vunpack.i.l.bf16.f32 v9;
	v4 =	vadd.f32 v4, v6  }
0x28e: {  	s4 =	sadd.s32 @!p0 $0x400, s31;
	s5 =	simm.s32 @!p0 $0x80;
	s12 =	simm.s32 @!p0 $0xB200;
	v6 =	vunpack.i.u.bf16.f32 v9;
	v9 =	vadd.f32 v10, v12;
	v3 =	vadd.f32 v3, v5  }
0x28f: {  	[tilespmem:s12], [sflag:$0x3] =	stream.indirect.gather @!p0 [hbm4b:s3+s5], $0x20, s4, s5, $0xb8;
	v5 =	vadd.f32 v6, v7;
	v6 =	vunpack.i.l.bf16.f32 v8;
	v2 =	vadd.f32 v2, v4;
	[tilespmem:$0x16680] =	vst v63  }
0x290: {  	s4 =	sadd.s32 @!p0 $0x4400, s31;
	s5 =	simm.s32 @!p0 $0x48;
	s12 =	simm.s32 @!p0 $0xC200;
	v4 =	vunpack.i.u.bf16.f32 v8;
	v6 =	vadd.f32 v6, v9;
	v1 =	vadd.f32 v1, v3  }
0x291: {  	[tilespmem:s12], [sflag:$0x3] =	stream.indirect.gather @!p0 [hbm4b:s3+s5], $0x20, s4, s5, $0xb8;
	v3 =	vadd.f32 v4, v5;
	v4 =	vunpack.i.l.bf16.f32 v14;
	v0 =	vadd.f32 v0, v2;
	[tilespmem:$0x16680] =	vst v63  }
0x292: {  	v2 =	vunpack.i.u.bf16.f32 v14;
	v4 =	vadd.f32 v4, v6;
	[tilespmem:s11+$0x116C0] =	vst v1  }
0x293: {  	v1 =	vadd.f32 v2, v3;
	[tilespmem:s11+$0x116D0] =	vst v0  }
0x294: {  	[tilespmem:s11+$0x116E0] =	vst v4  }
0x295: {  	[tilespmem:s11+$0x116F0] =	vst v1  }
0x296: {  	_ =	swait.ge [sflag:s26], $0x1000  }
0x297: {  	[sflag:s26] =	ssyncset.done $0x0  }
0x298: {  	[sflag:s26] =	ssyncadd.s32 $0xFFFFF000  }
0x299: {  	_ =	swait.ge [sflag:s26], $0x900  }
0x29a: {  	[sflag:s26] =	ssyncset.done $0x0  }
0x29b: {  	s12 =	simm.s32 $0xE400;
	[sflag:s26] =	ssyncadd.s32 $0xFFFFF700  }
0x29c: {  	v1 =	vld [tilespmem:s12+$0xE0]  }
0x29d: {  	v3 =	vld [tilespmem:s12+$0xC0]  }
0x29e: {  	v5 =	vld [tilespmem:s12+$0xA0]  }
0x29f: {  	v7 =	vld [tilespmem:s12+$0x80]  }
0x2a0: {  	v8 =	vld [tilespmem:s12+$0x60]  }
0x2a1: {  	v9 =	vld [tilespmem:s12+$0x40]  }
0x2a2: {  	v10 =	vld [tilespmem:s12+$0x20]  }
0x2a3: {  	v11 =	vld [tilespmem:s12+$0x0]  }
0x2a4: {  	v12 =	vimm.f32 $0.0e+00;
	v13 =	vld [tilespmem:s12+$0x10];
	v0 =	vunpack.i.u.bf16.f32 v1;
	v1 =	vunpack.i.l.bf16.f32 v1  }
0x2a5: {  	v4 =	vunpack.i.u.bf16.f32 v5;
	v2 =	vunpack.i.u.bf16.f32 v3;
	v3 =	vunpack.i.l.bf16.f32 v3  }
0x2a6: {  	v14 =	vld [tilespmem:s12+$0x30];
	v6 =	vunpack.i.u.bf16.f32 v7;
	v7 =	vunpack.i.l.bf16.f32 v7;
	v5 =	vunpack.i.l.bf16.f32 v5  }
0x2a7: {  	v15 =	vunpack.i.u.bf16.f32 v9;
	v17 =	vunpack.i.u.bf16.f32 v8;
	v8 =	vunpack.i.l.bf16.f32 v8  }
0x2a8: {  	v18 =	vld [tilespmem:s12+$0x50];
	v16 =	vunpack.i.u.bf16.f32 v10;
	v10 =	vunpack.i.l.bf16.f32 v10;
	v9 =	vunpack.i.l.bf16.f32 v9  }
0x2a9: {  	v19 =	vunpack.i.u.bf16.f32 v11;
	v11 =	vunpack.i.l.bf16.f32 v11;
	v20 =	vunpack.i.u.bf16.f32 v13  }
0x2aa: {  	v21 =	vld [tilespmem:s12+$0x70];
	v13 =	vunpack.i.l.bf16.f32 v13;
	v11 =	vadd.f32 v11, v12;
	v19 =	vadd.f32 v19, v12  }
0x2ab: {  	v62 =	vunpack.i.u.bf16.f32 v14;
	v13 =	vadd.f32 v13, v12;
	v12 =	vadd.f32 v20, v12  }
0x2ac: {  	v14 =	vunpack.i.l.bf16.f32 v14;
	v11 =	vadd.f32 v10, v11;
	v16 =	vadd.f32 v16, v19;
	v10 =	vld [tilespmem:s12+$0x90]  }
0x2ad: {  	v13 =	vadd.f32 v14, v13;
	v14 =	vadd.f32 v62, v12;
	v19 =	vunpack.i.u.bf16.f32 v18  }
0x2ae: {  	v12 =	vunpack.i.l.bf16.f32 v18;
	v18 =	vadd.f32 v9, v11;
	v63 =	vadd.f32 v15, v16;
	v9 =	vld [tilespmem:s12+$0xB0]  }
0x2af: {  	v12 =	vadd.f32 v12, v13;
	v11 =	vadd.f32 v19, v14;
	v13 =	vunpack.i.u.bf16.f32 v21  }
0x2b0: {  	s4 =	simm.s32 $0x0;
	s5 =	simm.s32 $0xE500;
	v16 =	vunpack.i.l.bf16.f32 v21;
	v15 =	vadd.f32 v8, v18;
	v14 =	vadd.f32 v17, v63;
	v8 =	vld [tilespmem:s12+$0xD0]  }
.LBB2_15:
0x2b1: {  	v17 =	vld [tilespmem:s5+$0xE0];
	v12 =	vadd.f32 v16, v12;
	v11 =	vadd.f32 v13, v11;
	v13 =	vunpack.i.u.bf16.f32 v10  }
0x2b2: {  	v10 =	vunpack.i.l.bf16.f32 v10;
	v7 =	vadd.f32 v7, v15;
	v6 =	vadd.f32 v6, v14;
	v14 =	vld [tilespmem:s12+$0xF0];
	s12 =	smov.u32 s5  }
0x2b3: {  	v15 =	vld [tilespmem:s5+$0xC0];
	v10 =	vadd.f32 v10, v12;
	v11 =	vadd.f32 v13, v11;
	v12 =	vunpack.i.u.bf16.f32 v9  }
0x2b4: {  	v9 =	vunpack.i.l.bf16.f32 v9;
	v13 =	vld [tilespmem:s5+$0xA0];
	v5 =	vadd.f32 v5, v7;
	v4 =	vadd.f32 v4, v6  }
0x2b5: {  	v7 =	vld [tilespmem:s5+$0x80];
	v6 =	vadd.f32 v9, v10;
	v9 =	vadd.f32 v12, v11;
	v10 =	vunpack.i.u.bf16.f32 v8  }
0x2b6: {  	v8 =	vunpack.i.l.bf16.f32 v8;
	v11 =	vld [tilespmem:s5+$0x60];
	v3 =	vadd.f32 v3, v5;
	v2 =	vadd.f32 v2, v4  }
0x2b7: {  	v12 =	vld [tilespmem:s5+$0x40];
	v4 =	vadd.f32 v8, v6;
	v5 =	vadd.f32 v10, v9;
	v6 =	vunpack.i.u.bf16.f32 v14  }
0x2b8: {  	v9 =	vunpack.i.l.bf16.f32 v14;
	v8 =	vld [tilespmem:s5+$0x20];
	v10 =	vadd.f32 v1, v3;
	v14 =	vadd.f32 v0, v2  }
0x2b9: {  	v16 =	vld [tilespmem:s5+$0x0];
	v9 =	vadd.f32 v9, v4;
	v18 =	vadd.f32 v6, v5  }
0x2ba: {  	v0 =	vunpack.i.u.bf16.f32 v17;
	v1 =	vunpack.i.l.bf16.f32 v17;
	v19 =	vld [tilespmem:s5+$0x10]  }
0x2bb: {  	s4 =	sadd.s32 $0x8, s4;
	v2 =	vunpack.i.u.bf16.f32 v15;
	v3 =	vunpack.i.l.bf16.f32 v15;
	v4 =	vunpack.i.u.bf16.f32 v13  }
0x2bc: {  	p1 =	slt.u32 s4, $0xC0;
	v5 =	vunpack.i.l.bf16.f32 v13;
	v6 =	vunpack.i.u.bf16.f32 v7;
	v7 =	vunpack.i.l.bf16.f32 v7;
	v15 =	vld [tilespmem:s5+$0x30]  }
0x2bd: {  	v17 =	vunpack.i.u.bf16.f32 v11;
	v20 =	vunpack.i.l.bf16.f32 v11;
	v13 =	vunpack.i.u.bf16.f32 v12  }
0x2be: {  	v12 =	vunpack.i.l.bf16.f32 v12;
	v11 =	vunpack.i.u.bf16.f32 v8;
	v8 =	vunpack.i.l.bf16.f32 v8;
	v21 =	vld [tilespmem:s5+$0x50]  }
0x2bf: {  	v22 =	vunpack.i.u.bf16.f32 v16;
	v16 =	vunpack.i.l.bf16.f32 v16;
	v23 =	vunpack.i.u.bf16.f32 v19  }
0x2c0: {  	v19 =	vunpack.i.l.bf16.f32 v19;
	v10 =	vadd.f32 v16, v10;
	v14 =	vadd.f32 v22, v14;
	v16 =	vld [tilespmem:s5+$0x70]  }
0x2c1: {  	v9 =	vadd.f32 v19, v9;
	v18 =	vadd.f32 v23, v18;
	v19 =	vunpack.i.u.bf16.f32 v15  }
.Ltmp6:
0x2c2: {  	v15 =	vunpack.i.l.bf16.f32 v15;
	v8 =	vadd.f32 v8, v10;
	v11 =	vadd.f32 v11, v14;
	v10 =	vld [tilespmem:s5+$0x90];
	(pc) =	sbr.rel @p1 .LBB2_15-.Ltmp6, $4  }
0x2c3: {  	v14 =	vadd.f32 v15, v9;
	v15 =	vadd.f32 v19, v18;
	v18 =	vunpack.i.u.bf16.f32 v21  }
0x2c4: {  	v19 =	vunpack.i.l.bf16.f32 v21;
	v8 =	vadd.f32 v12, v8;
	v21 =	vadd.f32 v13, v11;
	v9 =	vld [tilespmem:s5+$0xB0]  }
0x2c5: {  	v12 =	vadd.f32 v19, v14;
	v11 =	vadd.f32 v18, v15;
	v13 =	vunpack.i.u.bf16.f32 v16  }
0x2c6: {  	s5 =	sadd.s32 $0x100, s5;
	v16 =	vunpack.i.l.bf16.f32 v16;
	v15 =	vadd.f32 v20, v8;
	v14 =	vadd.f32 v17, v21;
	v8 =	vld [tilespmem:s12+$0xD0]  }
0x2c7: {  	_ = 	snop  }
0x2c8: {  	v12 =	vadd.f32 v16, v12;
	v7 =	vadd.f32 v7, v15  }
0x2c9: {  	v11 =	vadd.f32 v13, v11;
	v13 =	vunpack.i.l.bf16.f32 v10;
	v6 =	vadd.f32 v6, v14  }
0x2ca: {  	v10 =	vunpack.i.u.bf16.f32 v10;
	v14 =	vld [tilespmem:s12+$0xF0];
	v12 =	vadd.f32 v13, v12;
	v5 =	vadd.f32 v5, v7  }
0x2cb: {  	v7 =	vadd.f32 v10, v11;
	v10 =	vunpack.i.l.bf16.f32 v9;
	v4 =	vadd.f32 v4, v6  }
0x2cc: {  	s4 =	sadd.s32 @!p0 $0x480, s31;
	s5 =	simm.s32 @!p0 $0x80;
	s12 =	simm.s32 @!p0 $0xCB00;
	v6 =	vunpack.i.u.bf16.f32 v9;
	v9 =	vadd.f32 v10, v12;
	v3 =	vadd.f32 v3, v5  }
0x2cd: {  	[tilespmem:s12], [sflag:$0x4] =	stream.indirect.gather @!p0 [hbm4b:s3+s5], $0x20, s4, s5, $0xb8;
	v5 =	vadd.f32 v6, v7;
	v6 =	vunpack.i.l.bf16.f32 v8;
	v2 =	vadd.f32 v2, v4;
	[tilespmem:$0x16680] =	vst v63  }
0x2ce: {  	s4 =	sadd.s32 @!p0 $0x4480, s31;
	s5 =	simm.s32 @!p0 $0x48;
	s12 =	simm.s32 @!p0 $0xDB00;
	v4 =	vunpack.i.u.bf16.f32 v8;
	v6 =	vadd.f32 v6, v9;
	v1 =	vadd.f32 v1, v3  }
0x2cf: {  	[tilespmem:s12], [sflag:$0x4] =	stream.indirect.gather @!p0 [hbm4b:s3+s5], $0x20, s4, s5, $0xb8;
	v3 =	vadd.f32 v4, v5;
	v4 =	vunpack.i.l.bf16.f32 v14;
	v0 =	vadd.f32 v0, v2;
	[tilespmem:$0x16680] =	vst v63  }
0x2d0: {  	v2 =	vunpack.i.u.bf16.f32 v14;
	v4 =	vadd.f32 v4, v6;
	[tilespmem:s11+$0x11700] =	vst v1  }
0x2d1: {  	v1 =	vadd.f32 v2, v3;
	[tilespmem:s11+$0x11710] =	vst v0  }
0x2d2: {  	[tilespmem:s11+$0x11720] =	vst v4  }
0x2d3: {  	[tilespmem:s11+$0x11730] =	vst v1  }
0x2d4: {  	_ =	swait.ge [sflag:s28], $0x1000  }
0x2d5: {  	[sflag:s28] =	ssyncset.done $0x0  }
0x2d6: {  	[sflag:s28] =	ssyncadd.s32 $0xFFFFF000  }
0x2d7: {  	_ =	swait.ge [sflag:s28], $0x900  }
0x2d8: {  	[sflag:s28] =	ssyncset.done $0x0  }
0x2d9: {  	s11 =	simm.s32 $0xFD00;
	[sflag:s28] =	ssyncadd.s32 $0xFFFFF700  }
0x2da: {  	v1 =	vld [tilespmem:s11+$0xE0]  }
0x2db: {  	v3 =	vld [tilespmem:s11+$0xC0]  }
0x2dc: {  	v5 =	vld [tilespmem:s11+$0xA0]  }
0x2dd: {  	v7 =	vld [tilespmem:s11+$0x80]  }
0x2de: {  	v8 =	vld [tilespmem:s11+$0x60]  }
0x2df: {  	v9 =	vld [tilespmem:s11+$0x40]  }
0x2e0: {  	v10 =	vld [tilespmem:s11+$0x20]  }
0x2e1: {  	v11 =	vld [tilespmem:s11+$0x0]  }
0x2e2: {  	v12 =	vimm.f32 $0.0e+00;
	v13 =	vld [tilespmem:s11+$0x10];
	v0 =	vunpack.i.u.bf16.f32 v1;
	v1 =	vunpack.i.l.bf16.f32 v1  }
0x2e3: {  	v4 =	vunpack.i.u.bf16.f32 v5;
	v2 =	vunpack.i.u.bf16.f32 v3;
	v3 =	vunpack.i.l.bf16.f32 v3  }
0x2e4: {  	v14 =	vld [tilespmem:s11+$0x30];
	v6 =	vunpack.i.u.bf16.f32 v7;
	v7 =	vunpack.i.l.bf16.f32 v7;
	v5 =	vunpack.i.l.bf16.f32 v5  }
0x2e5: {  	v15 =	vunpack.i.u.bf16.f32 v9;
	v17 =	vunpack.i.u.bf16.f32 v8;
	v8 =	vunpack.i.l.bf16.f32 v8  }
0x2e6: {  	v18 =	vld [tilespmem:s11+$0x50];
	v16 =	vunpack.i.u.bf16.f32 v10;
	v10 =	vunpack.i.l.bf16.f32 v10;
	v9 =	vunpack.i.l.bf16.f32 v9  }
0x2e7: {  	v19 =	vunpack.i.u.bf16.f32 v11;
	v11 =	vunpack.i.l.bf16.f32 v11;
	v20 =	vunpack.i.u.bf16.f32 v13  }
0x2e8: {  	v21 =	vld [tilespmem:s11+$0x70];
	v13 =	vunpack.i.l.bf16.f32 v13;
	v11 =	vadd.f32 v11, v12;
	v19 =	vadd.f32 v19, v12  }
0x2e9: {  	v62 =	vunpack.i.u.bf16.f32 v14;
	v13 =	vadd.f32 v13, v12;
	v12 =	vadd.f32 v20, v12  }
0x2ea: {  	v14 =	vunpack.i.l.bf16.f32 v14;
	v11 =	vadd.f32 v10, v11;
	v16 =	vadd.f32 v16, v19;
	v10 =	vld [tilespmem:s11+$0x90]  }
0x2eb: {  	v13 =	vadd.f32 v14, v13;
	v14 =	vadd.f32 v62, v12;
	v19 =	vunpack.i.u.bf16.f32 v18  }
0x2ec: {  	v12 =	vunpack.i.l.bf16.f32 v18;
	v18 =	vadd.f32 v9, v11;
	v63 =	vadd.f32 v15, v16;
	v9 =	vld [tilespmem:s11+$0xB0]  }
0x2ed: {  	v12 =	vadd.f32 v12, v13;
	v11 =	vadd.f32 v19, v14;
	v13 =	vunpack.i.u.bf16.f32 v21  }
0x2ee: {  	s4 =	simm.s32 $0x0;
	s5 =	simm.s32 $0xFE00;
	v16 =	vunpack.i.l.bf16.f32 v21;
	v15 =	vadd.f32 v8, v18;
	v14 =	vadd.f32 v17, v63;
	v8 =	vld [tilespmem:s11+$0xD0]  }
.LBB2_17:
0x2ef: {  	v17 =	vld [tilespmem:s5+$0xE0];
	v12 =	vadd.f32 v16, v12;
	v11 =	vadd.f32 v13, v11;
	v13 =	vunpack.i.u.bf16.f32 v10  }
0x2f0: {  	v10 =	vunpack.i.l.bf16.f32 v10;
	v7 =	vadd.f32 v7, v15;
	v6 =	vadd.f32 v6, v14;
	v14 =	vld [tilespmem:s11+$0xF0];
	s11 =	smov.u32 s5  }
0x2f1: {  	v15 =	vld [tilespmem:s5+$0xC0];
	v10 =	vadd.f32 v10, v12;
	v11 =	vadd.f32 v13, v11;
	v12 =	vunpack.i.u.bf16.f32 v9  }
0x2f2: {  	v9 =	vunpack.i.l.bf16.f32 v9;
	v13 =	vld [tilespmem:s5+$0xA0];
	v5 =	vadd.f32 v5, v7;
	v4 =	vadd.f32 v4, v6  }
0x2f3: {  	v7 =	vld [tilespmem:s5+$0x80];
	v6 =	vadd.f32 v9, v10;
	v9 =	vadd.f32 v12, v11;
	v10 =	vunpack.i.u.bf16.f32 v8  }
0x2f4: {  	v8 =	vunpack.i.l.bf16.f32 v8;
	v11 =	vld [tilespmem:s5+$0x60];
	v3 =	vadd.f32 v3, v5;
	v2 =	vadd.f32 v2, v4  }
0x2f5: {  	v12 =	vld [tilespmem:s5+$0x40];
	v4 =	vadd.f32 v8, v6;
	v5 =	vadd.f32 v10, v9;
	v6 =	vunpack.i.u.bf16.f32 v14  }
0x2f6: {  	v9 =	vunpack.i.l.bf16.f32 v14;
	v8 =	vld [tilespmem:s5+$0x20];
	v10 =	vadd.f32 v1, v3;
	v14 =	vadd.f32 v0, v2  }
0x2f7: {  	v16 =	vld [tilespmem:s5+$0x0];
	v9 =	vadd.f32 v9, v4;
	v18 =	vadd.f32 v6, v5  }
0x2f8: {  	v0 =	vunpack.i.u.bf16.f32 v17;
	v1 =	vunpack.i.l.bf16.f32 v17;
	v19 =	vld [tilespmem:s5+$0x10]  }
0x2f9: {  	s4 =	sadd.s32 $0x8, s4;
	v2 =	vunpack.i.u.bf16.f32 v15;
	v3 =	vunpack.i.l.bf16.f32 v15;
	v4 =	vunpack.i.u.bf16.f32 v13  }
0x2fa: {  	p1 =	slt.u32 s4, $0xC0;
	v5 =	vunpack.i.l.bf16.f32 v13;
	v6 =	vunpack.i.u.bf16.f32 v7;
	v7 =	vunpack.i.l.bf16.f32 v7;
	v15 =	vld [tilespmem:s5+$0x30]  }
0x2fb: {  	v17 =	vunpack.i.u.bf16.f32 v11;
	v20 =	vunpack.i.l.bf16.f32 v11;
	v13 =	vunpack.i.u.bf16.f32 v12  }
0x2fc: {  	v12 =	vunpack.i.l.bf16.f32 v12;
	v11 =	vunpack.i.u.bf16.f32 v8;
	v8 =	vunpack.i.l.bf16.f32 v8;
	v21 =	vld [tilespmem:s5+$0x50]  }
0x2fd: {  	v22 =	vunpack.i.u.bf16.f32 v16;
	v16 =	vunpack.i.l.bf16.f32 v16;
	v23 =	vunpack.i.u.bf16.f32 v19  }
0x2fe: {  	v19 =	vunpack.i.l.bf16.f32 v19;
	v10 =	vadd.f32 v16, v10;
	v14 =	vadd.f32 v22, v14;
	v16 =	vld [tilespmem:s5+$0x70]  }
0x2ff: {  	v9 =	vadd.f32 v19, v9;
	v18 =	vadd.f32 v23, v18;
	v19 =	vunpack.i.u.bf16.f32 v15  }
.Ltmp7:
0x300: {  	v15 =	vunpack.i.l.bf16.f32 v15;
	v8 =	vadd.f32 v8, v10;
	v11 =	vadd.f32 v11, v14;
	v10 =	vld [tilespmem:s5+$0x90];
	(pc) =	sbr.rel @p1 .LBB2_17-.Ltmp7, $4  }
0x301: {  	v14 =	vadd.f32 v15, v9;
	v15 =	vadd.f32 v19, v18;
	v18 =	vunpack.i.u.bf16.f32 v21  }
0x302: {  	v19 =	vunpack.i.l.bf16.f32 v21;
	v8 =	vadd.f32 v12, v8;
	v21 =	vadd.f32 v13, v11;
	v9 =	vld [tilespmem:s5+$0xB0]  }
0x303: {  	v12 =	vadd.f32 v19, v14;
	v11 =	vadd.f32 v18, v15;
	v13 =	vunpack.i.u.bf16.f32 v16  }
0x304: {  	s5 =	sadd.s32 $0x100, s5;
	v16 =	vunpack.i.l.bf16.f32 v16;
	v15 =	vadd.f32 v20, v8;
	v14 =	vadd.f32 v17, v21;
	v8 =	vld [tilespmem:s11+$0xD0]  }
0x305: {  	_ = 	snop  }
0x306: {  	v12 =	vadd.f32 v16, v12;
	v7 =	vadd.f32 v7, v15  }
0x307: {  	v11 =	vadd.f32 v13, v11;
	v50 =	vunpack.i.l.bf16.f32 v10;
	s4 =	sadd.s32 @!p0 $0x500, s31;
	v6 =	vadd.f32 v6, v14  }
0x308: {  	v51 =	vunpack.i.u.bf16.f32 v10;
	v52 =	vld [tilespmem:s11+$0xF0];
	s5 =	simm.s32 @!p0 $0x80;
	s11 =	simm.s32 @!p0 $0xE400;
	s0 =	sadd.s32 $0x1, s0;
	v12 =	vadd.f32 v50, v12;
	v5 =	vadd.f32 v5, v7  }
0x309: {  	[tilespmem:s11], [sflag:$0x5] =	stream.indirect.gather @!p0 [hbm4b:s3+s5], $0x20, s4, s5, $0xb8;
	v53 =	vadd.f32 v51, v11;
	v54 =	vunpack.i.l.bf16.f32 v9;
	v4 =	vadd.f32 v4, v6;
	[tilespmem:$0x16680] =	vst v63  }
0x30a: {  	s4 =	sadd.s32 @!p0 $0x4500, s31;
	s5 =	simm.s32 @!p0 $0x48;
	s11 =	simm.s32 @!p0 $0xF400;
	v55 =	vunpack.i.u.bf16.f32 v9;
	v56 =	vadd.f32 v54, v12;
	v3 =	vadd.f32 v3, v5  }
0x30b: {  	[tilespmem:s11], [sflag:$0x5] =	stream.indirect.gather @!p0 [hbm4b:s3+s5], $0x20, s4, s5, $0xb8;
	v57 =	vadd.f32 v55, v53;
	v58 =	vunpack.i.l.bf16.f32 v8;
	v2 =	vadd.f32 v2, v4;
	[tilespmem:$0x16680] =	vst v63  }
0x30c: {  	s31 =	sshll.u32 s29, $0x6;
	p0 =	sne.s32 s0, $0x15;
	v59 =	vunpack.i.u.bf16.f32 v8;
	v6 =	vadd.f32 v58, v56;
	v1 =	vadd.f32 v1, v3  }
.Ltmp8:
0x30d: {  	s4 =	sand.u32 $0x3FFFFFC0, s31;
	v61 =	vunpack.i.l.bf16.f32 v52;
	v60 =	vadd.f32 v59, v57;
	v0 =	vadd.f32 v0, v2;
	(pc) =	sbr.rel @p0 .LBB2_6-.Ltmp8, $4  }
0x30e: {  	v62 =	vunpack.i.u.bf16.f32 v52;
	v4 =	vadd.f32 v61, v6;
	[tilespmem:s4+$0x11600] =	vst v1  }
0x30f: {  	v63 =	vadd.f32 v62, v60;
	[tilespmem:s4+$0x11610] =	vst v0  }
0x310: {  	[tilespmem:s4+$0x11620] =	vst v4  }
0x311: {  	[tilespmem:s4+$0x11630] =	vst v63  }
0x312: {  	_ =	swait.ge [sflag:s14], $0x1000  }
0x313: {  	[sflag:s14] =	ssyncset.done $0x0  }
0x314: {  	[sflag:s14] =	ssyncadd.s32 $0xFFFFF000  }
0x315: {  	_ =	swait.ge [sflag:s14], $0x900  }
0x316: {  	[sflag:s14] =	ssyncset.done $0x0  }
0x317: {  	s0 =	simm.s32 $0x8080;
	[sflag:s14] =	ssyncadd.s32 $0xFFFFF700  }
0x318: {  	v1 =	vld [tilespmem:s0+$0x60]  }
0x319: {  	v3 =	vld [tilespmem:s0+$0x40]  }
0x31a: {  	v5 =	vld [tilespmem:s0+$0x20]  }
0x31b: {  	v7 =	vld [tilespmem:s0+$0x0]  }
0x31c: {  	v8 =	vld [tilespmem:s0+$0xFFFFFFE0]  }
0x31d: {  	v9 =	vld [tilespmem:s0+$0xFFFFFFC0]  }
0x31e: {  	v10 =	vld [tilespmem:s0+$0xFFFFFFA0]  }
0x31f: {  	v11 =	vld [tilespmem:s0+$0xFFFFFF80]  }
0x320: {  	v12 =	vimm.f32 $0.0e+00;
	v13 =	vld [tilespmem:s0+$0xFFFFFF90];
	v0 =	vunpack.i.u.bf16.f32 v1;
	v1 =	vunpack.i.l.bf16.f32 v1  }
0x321: {  	v4 =	vunpack.i.u.bf16.f32 v5;
	v2 =	vunpack.i.u.bf16.f32 v3;
	v3 =	vunpack.i.l.bf16.f32 v3  }
0x322: {  	v14 =	vld [tilespmem:s0+$0xFFFFFFB0];
	v6 =	vunpack.i.u.bf16.f32 v7;
	v7 =	vunpack.i.l.bf16.f32 v7;
	v5 =	vunpack.i.l.bf16.f32 v5  }
0x323: {  	v15 =	vunpack.i.u.bf16.f32 v9;
	v17 =	vunpack.i.u.bf16.f32 v8;
	v18 =	vunpack.i.l.bf16.f32 v8  }
0x324: {  	v16 =	vld [tilespmem:s0+$0xFFFFFFD0];
	v8 =	vunpack.i.u.bf16.f32 v10;
	v10 =	vunpack.i.l.bf16.f32 v10;
	v9 =	vunpack.i.l.bf16.f32 v9  }
0x325: {  	v19 =	vunpack.i.u.bf16.f32 v11;
	v11 =	vunpack.i.l.bf16.f32 v11;
	v20 =	vunpack.i.u.bf16.f32 v13  }
0x326: {  	v21 =	vld [tilespmem:s0+$0xFFFFFFF0];
	v13 =	vunpack.i.l.bf16.f32 v13;
	v11 =	vadd.f32 v11, v12;
	v19 =	vadd.f32 v19, v12  }
0x327: {  	v62 =	vunpack.i.u.bf16.f32 v14;
	v13 =	vadd.f32 v13, v12;
	v12 =	vadd.f32 v20, v12  }
0x328: {  	v14 =	vunpack.i.l.bf16.f32 v14;
	v11 =	vadd.f32 v10, v11;
	v8 =	vadd.f32 v8, v19;
	v10 =	vld [tilespmem:s0+$0x10]  }
0x329: {  	v13 =	vadd.f32 v14, v13;
	v14 =	vadd.f32 v62, v12;
	v19 =	vunpack.i.u.bf16.f32 v16  }
0x32a: {  	v12 =	vunpack.i.l.bf16.f32 v16;
	v9 =	vadd.f32 v9, v11;
	v63 =	vadd.f32 v15, v8;
	v8 =	vld [tilespmem:s0+$0x30]  }
0x32b: {  	v16 =	vunpack.i.l.bf16.f32 v21;
	v12 =	vadd.f32 v12, v13;
	v11 =	vadd.f32 v19, v14  }
0x32c: {  	s4 =	simm.s32 $0x0;
	s5 =	simm.s32 $0x8180;
	v13 =	vunpack.i.u.bf16.f32 v21;
	v15 =	vadd.f32 v18, v9;
	v14 =	vadd.f32 v17, v63;
	v9 =	vld [tilespmem:s0+$0x50]  }
.LBB2_20:
0x32d: {  	v17 =	vld [tilespmem:s5+$0x60];
	v12 =	vadd.f32 v16, v12;
	v11 =	vadd.f32 v13, v11;
	v13 =	vunpack.i.u.bf16.f32 v10  }
0x32e: {  	v10 =	vunpack.i.l.bf16.f32 v10;
	v7 =	vadd.f32 v7, v15;
	v6 =	vadd.f32 v6, v14;
	v14 =	vld [tilespmem:s0+$0x70];
	s0 =	smov.u32 s5  }
0x32f: {  	v15 =	vld [tilespmem:s5+$0x40];
	v10 =	vadd.f32 v10, v12;
	v11 =	vadd.f32 v13, v11;
	v12 =	vunpack.i.u.bf16.f32 v8  }
0x330: {  	v8 =	vunpack.i.l.bf16.f32 v8;
	v13 =	vld [tilespmem:s5+$0x20];
	v5 =	vadd.f32 v5, v7;
	v4 =	vadd.f32 v4, v6  }
0x331: {  	v7 =	vld [tilespmem:s5+$0x0];
	v6 =	vadd.f32 v8, v10;
	v8 =	vadd.f32 v12, v11;
	v10 =	vunpack.i.u.bf16.f32 v9  }
0x332: {  	v9 =	vunpack.i.l.bf16.f32 v9;
	v11 =	vld [tilespmem:s5+$0xFFFFFFE0];
	v3 =	vadd.f32 v3, v5;
	v2 =	vadd.f32 v2, v4  }
0x333: {  	v12 =	vld [tilespmem:s5+$0xFFFFFFC0];
	v4 =	vadd.f32 v9, v6;
	v5 =	vadd.f32 v10, v8;
	v6 =	vunpack.i.u.bf16.f32 v14  }
0x334: {  	v9 =	vunpack.i.l.bf16.f32 v14;
	v8 =	vld [tilespmem:s5+$0xFFFFFFA0];
	v10 =	vadd.f32 v1, v3;
	v14 =	vadd.f32 v0, v2  }
0x335: {  	v16 =	vld [tilespmem:s5+$0xFFFFFF80];
	v9 =	vadd.f32 v9, v4;
	v18 =	vadd.f32 v6, v5  }
0x336: {  	v0 =	vunpack.i.u.bf16.f32 v17;
	v1 =	vunpack.i.l.bf16.f32 v17;
	v19 =	vld [tilespmem:s5+$0xFFFFFF90]  }
0x337: {  	s4 =	sadd.s32 $0x8, s4;
	v2 =	vunpack.i.u.bf16.f32 v15;
	v3 =	vunpack.i.l.bf16.f32 v15;
	v4 =	vunpack.i.u.bf16.f32 v13  }
0x338: {  	p0 =	slt.u32 s4, $0xC0;
	v5 =	vunpack.i.l.bf16.f32 v13;
	v6 =	vunpack.i.u.bf16.f32 v7;
	v7 =	vunpack.i.l.bf16.f32 v7;
	v15 =	vld [tilespmem:s5+$0xFFFFFFB0]  }
0x339: {  	v17 =	vunpack.i.u.bf16.f32 v11;
	v20 =	vunpack.i.l.bf16.f32 v11;
	v13 =	vunpack.i.u.bf16.f32 v12  }
0x33a: {  	v12 =	vunpack.i.l.bf16.f32 v12;
	v11 =	vunpack.i.u.bf16.f32 v8;
	v8 =	vunpack.i.l.bf16.f32 v8;
	v21 =	vld [tilespmem:s5+$0xFFFFFFD0]  }
0x33b: {  	v22 =	vunpack.i.u.bf16.f32 v16;
	v16 =	vunpack.i.l.bf16.f32 v16;
	v23 =	vunpack.i.u.bf16.f32 v19  }
0x33c: {  	v19 =	vunpack.i.l.bf16.f32 v19;
	v10 =	vadd.f32 v16, v10;
	v14 =	vadd.f32 v22, v14;
	v16 =	vld [tilespmem:s5+$0xFFFFFFF0]  }
0x33d: {  	v9 =	vadd.f32 v19, v9;
	v18 =	vadd.f32 v23, v18;
	v19 =	vunpack.i.u.bf16.f32 v15  }
.Ltmp9:
0x33e: {  	v15 =	vunpack.i.l.bf16.f32 v15;
	v8 =	vadd.f32 v8, v10;
	v11 =	vadd.f32 v11, v14;
	v10 =	vld [tilespmem:s5+$0x10];
	(pc) =	sbr.rel @p0 .LBB2_20-.Ltmp9, $4  }
0x33f: {  	v9 =	vadd.f32 v15, v9;
	v14 =	vadd.f32 v19, v18;
	v15 =	vunpack.i.u.bf16.f32 v21  }
0x340: {  	v18 =	vunpack.i.l.bf16.f32 v21;
	v19 =	vadd.f32 v12, v8;
	v21 =	vadd.f32 v13, v11;
	v8 =	vld [tilespmem:s5+$0x30]  }
0x341: {  	v12 =	vadd.f32 v18, v9;
	v11 =	vadd.f32 v15, v14;
	v13 =	vunpack.i.u.bf16.f32 v16  }
0x342: {  	s5 =	sadd.s32 $0x100, s5;
	v16 =	vunpack.i.l.bf16.f32 v16;
	v15 =	vadd.f32 v20, v19;
	v14 =	vadd.f32 v17, v21;
	v9 =	vld [tilespmem:s0+$0x50]  }
0x343: {  	_ = 	snop  }
0x344: {  	v12 =	vadd.f32 v16, v12;
	v7 =	vadd.f32 v7, v15  }
0x345: {  	v11 =	vadd.f32 v13, v11;
	v13 =	vunpack.i.l.bf16.f32 v10;
	v6 =	vadd.f32 v6, v14  }
0x346: {  	v10 =	vunpack.i.u.bf16.f32 v10;
	v14 =	vld [tilespmem:s0+$0x70];
	v12 =	vadd.f32 v13, v12;
	v5 =	vadd.f32 v5, v7  }
0x347: {  	v7 =	vadd.f32 v10, v11;
	v10 =	vunpack.i.l.bf16.f32 v8;
	v4 =	vadd.f32 v4, v6  }
0x348: {  	v6 =	vunpack.i.u.bf16.f32 v8;
	v8 =	vadd.f32 v10, v12;
	v3 =	vadd.f32 v3, v5  }
0x349: {  	v5 =	vadd.f32 v6, v7;
	v6 =	vunpack.i.l.bf16.f32 v9;
	v2 =	vadd.f32 v2, v4  }
0x34a: {  	v4 =	vunpack.i.u.bf16.f32 v9;
	v6 =	vadd.f32 v6, v8;
	v1 =	vadd.f32 v1, v3  }
0x34b: {  	v3 =	vadd.f32 v4, v5;
	v4 =	vunpack.i.l.bf16.f32 v14;
	v0 =	vadd.f32 v0, v2  }
0x34c: {  	v2 =	vunpack.i.u.bf16.f32 v14;
	v4 =	vadd.f32 v4, v6;
	[tilespmem:$0x13580] =	vst v1  }
0x34d: {  	v1 =	vadd.f32 v2, v3;
	[tilespmem:$0x13590] =	vst v0  }
0x34e: {  	[tilespmem:$0x135A0] =	vst v4  }
0x34f: {  	[tilespmem:$0x135B0] =	vst v1  }
0x350: {  	_ =	swait.ge [sflag:s23], $0x1000  }
0x351: {  	[sflag:s23] =	ssyncset.done $0x0  }
0x352: {  	[sflag:s23] =	ssyncadd.s32 $0xFFFFF000  }
0x353: {  	_ =	swait.ge [sflag:s23], $0x900  }
0x354: {  	[sflag:s23] =	ssyncset.done $0x0  }
0x355: {  	s0 =	simm.s32 $0x99F0;
	[sflag:s23] =	ssyncadd.s32 $0xFFFFF700  }
0x356: {  	v1 =	vld [tilespmem:s0+$0xFFFFFFF0]  }
0x357: {  	v3 =	vld [tilespmem:s0+$0xFFFFFFD0]  }
0x358: {  	v5 =	vld [tilespmem:s0+$0xFFFFFFB0]  }
0x359: {  	v7 =	vld [tilespmem:s0+$0xFFFFFF90]  }
0x35a: {  	v8 =	vld [tilespmem:s0+$0xFFFFFF70]  }
0x35b: {  	v9 =	vld [tilespmem:s0+$0xFFFFFF50]  }
0x35c: {  	v10 =	vld [tilespmem:s0+$0xFFFFFF30]  }
0x35d: {  	v11 =	vld [tilespmem:s0+$0xFFFFFF10]  }
0x35e: {  	v12 =	vimm.f32 $0.0e+00;
	v13 =	vld [tilespmem:s0+$0xFFFFFF20];
	v0 =	vunpack.i.u.bf16.f32 v1;
	v1 =	vunpack.i.l.bf16.f32 v1  }
0x35f: {  	v4 =	vunpack.i.u.bf16.f32 v5;
	v2 =	vunpack.i.u.bf16.f32 v3;
	v3 =	vunpack.i.l.bf16.f32 v3  }
0x360: {  	v14 =	vld [tilespmem:s0+$0xFFFFFF40];
	v6 =	vunpack.i.u.bf16.f32 v7;
	v7 =	vunpack.i.l.bf16.f32 v7;
	v5 =	vunpack.i.l.bf16.f32 v5  }
0x361: {  	v15 =	vunpack.i.u.bf16.f32 v9;
	v17 =	vunpack.i.u.bf16.f32 v8;
	v18 =	vunpack.i.l.bf16.f32 v8  }
0x362: {  	v16 =	vld [tilespmem:s0+$0xFFFFFF60];
	v8 =	vunpack.i.u.bf16.f32 v10;
	v10 =	vunpack.i.l.bf16.f32 v10;
	v9 =	vunpack.i.l.bf16.f32 v9  }
0x363: {  	v19 =	vunpack.i.u.bf16.f32 v11;
	v11 =	vunpack.i.l.bf16.f32 v11;
	v20 =	vunpack.i.u.bf16.f32 v13  }
0x364: {  	v21 =	vld [tilespmem:s0+$0xFFFFFF80];
	v13 =	vunpack.i.l.bf16.f32 v13;
	v11 =	vadd.f32 v11, v12;
	v19 =	vadd.f32 v19, v12  }
0x365: {  	v62 =	vunpack.i.u.bf16.f32 v14;
	v13 =	vadd.f32 v13, v12;
	v12 =	vadd.f32 v20, v12  }
0x366: {  	v14 =	vunpack.i.l.bf16.f32 v14;
	v11 =	vadd.f32 v10, v11;
	v8 =	vadd.f32 v8, v19;
	v10 =	vld [tilespmem:s0+$0xFFFFFFA0]  }
0x367: {  	v13 =	vadd.f32 v14, v13;
	v14 =	vadd.f32 v62, v12;
	v19 =	vunpack.i.u.bf16.f32 v16  }
0x368: {  	v12 =	vunpack.i.l.bf16.f32 v16;
	v9 =	vadd.f32 v9, v11;
	v63 =	vadd.f32 v15, v8;
	v8 =	vld [tilespmem:s0+$0xFFFFFFC0]  }
0x369: {  	v16 =	vunpack.i.l.bf16.f32 v21;
	v12 =	vadd.f32 v12, v13;
	v11 =	vadd.f32 v19, v14  }
0x36a: {  	s4 =	simm.s32 $0x0;
	s5 =	simm.s32 $0x9AF0;
	v13 =	vunpack.i.u.bf16.f32 v21;
	v15 =	vadd.f32 v18, v9;
	v14 =	vadd.f32 v17, v63;
	v9 =	vld [tilespmem:s0+$0xFFFFFFE0]  }
.LBB2_22:
0x36b: {  	v17 =	vld [tilespmem:s5+$0xFFFFFFF0];
	v12 =	vadd.f32 v16, v12;
	v11 =	vadd.f32 v13, v11;
	v13 =	vunpack.i.u.bf16.f32 v10  }
0x36c: {  	v10 =	vunpack.i.l.bf16.f32 v10;
	v7 =	vadd.f32 v7, v15;
	v6 =	vadd.f32 v6, v14;
	v14 =	vld [tilespmem:s0+$0x0];
	s0 =	smov.u32 s5  }
0x36d: {  	v15 =	vld [tilespmem:s5+$0xFFFFFFD0];
	v10 =	vadd.f32 v10, v12;
	v11 =	vadd.f32 v13, v11;
	v12 =	vunpack.i.u.bf16.f32 v8  }
0x36e: {  	v8 =	vunpack.i.l.bf16.f32 v8;
	v13 =	vld [tilespmem:s5+$0xFFFFFFB0];
	v5 =	vadd.f32 v5, v7;
	v4 =	vadd.f32 v4, v6  }
0x36f: {  	v7 =	vld [tilespmem:s5+$0xFFFFFF90];
	v6 =	vadd.f32 v8, v10;
	v8 =	vadd.f32 v12, v11;
	v10 =	vunpack.i.u.bf16.f32 v9  }
0x370: {  	v9 =	vunpack.i.l.bf16.f32 v9;
	v11 =	vld [tilespmem:s5+$0xFFFFFF70];
	v3 =	vadd.f32 v3, v5;
	v2 =	vadd.f32 v2, v4  }
0x371: {  	v12 =	vld [tilespmem:s5+$0xFFFFFF50];
	v4 =	vadd.f32 v9, v6;
	v5 =	vadd.f32 v10, v8;
	v6 =	vunpack.i.u.bf16.f32 v14  }
0x372: {  	v9 =	vunpack.i.l.bf16.f32 v14;
	v8 =	vld [tilespmem:s5+$0xFFFFFF30];
	v10 =	vadd.f32 v1, v3;
	v14 =	vadd.f32 v0, v2  }
0x373: {  	v16 =	vld [tilespmem:s5+$0xFFFFFF10];
	v9 =	vadd.f32 v9, v4;
	v18 =	vadd.f32 v6, v5  }
0x374: {  	v0 =	vunpack.i.u.bf16.f32 v17;
	v1 =	vunpack.i.l.bf16.f32 v17;
	v19 =	vld [tilespmem:s5+$0xFFFFFF20]  }
0x375: {  	s4 =	sadd.s32 $0x8, s4;
	v2 =	vunpack.i.u.bf16.f32 v15;
	v3 =	vunpack.i.l.bf16.f32 v15;
	v4 =	vunpack.i.u.bf16.f32 v13  }
0x376: {  	p0 =	slt.u32 s4, $0xC0;
	v5 =	vunpack.i.l.bf16.f32 v13;
	v6 =	vunpack.i.u.bf16.f32 v7;
	v7 =	vunpack.i.l.bf16.f32 v7;
	v15 =	vld [tilespmem:s5+$0xFFFFFF40]  }
0x377: {  	v17 =	vunpack.i.u.bf16.f32 v11;
	v20 =	vunpack.i.l.bf16.f32 v11;
	v13 =	vunpack.i.u.bf16.f32 v12  }
0x378: {  	v12 =	vunpack.i.l.bf16.f32 v12;
	v11 =	vunpack.i.u.bf16.f32 v8;
	v8 =	vunpack.i.l.bf16.f32 v8;
	v21 =	vld [tilespmem:s5+$0xFFFFFF60]  }
0x379: {  	v22 =	vunpack.i.u.bf16.f32 v16;
	v16 =	vunpack.i.l.bf16.f32 v16;
	v23 =	vunpack.i.u.bf16.f32 v19  }
0x37a: {  	v19 =	vunpack.i.l.bf16.f32 v19;
	v10 =	vadd.f32 v16, v10;
	v14 =	vadd.f32 v22, v14;
	v16 =	vld [tilespmem:s5+$0xFFFFFF80]  }
0x37b: {  	v9 =	vadd.f32 v19, v9;
	v18 =	vadd.f32 v23, v18;
	v19 =	vunpack.i.u.bf16.f32 v15  }
.Ltmp10:
0x37c: {  	v15 =	vunpack.i.l.bf16.f32 v15;
	v8 =	vadd.f32 v8, v10;
	v11 =	vadd.f32 v11, v14;
	v10 =	vld [tilespmem:s5+$0xFFFFFFA0];
	(pc) =	sbr.rel @p0 .LBB2_22-.Ltmp10, $4  }
0x37d: {  	v9 =	vadd.f32 v15, v9;
	v14 =	vadd.f32 v19, v18;
	v15 =	vunpack.i.u.bf16.f32 v21  }
0x37e: {  	v18 =	vunpack.i.l.bf16.f32 v21;
	v19 =	vadd.f32 v12, v8;
	v21 =	vadd.f32 v13, v11;
	v8 =	vld [tilespmem:s5+$0xFFFFFFC0]  }
0x37f: {  	v12 =	vadd.f32 v18, v9;
	v11 =	vadd.f32 v15, v14;
	v13 =	vunpack.i.u.bf16.f32 v16  }
0x380: {  	s5 =	sadd.s32 $0x100, s5;
	v16 =	vunpack.i.l.bf16.f32 v16;
	v15 =	vadd.f32 v20, v19;
	v14 =	vadd.f32 v17, v21;
	v9 =	vld [tilespmem:s0+$0xFFFFFFE0]  }
0x381: {  	_ = 	snop  }
0x382: {  	v12 =	vadd.f32 v16, v12;
	v7 =	vadd.f32 v7, v15  }
0x383: {  	v11 =	vadd.f32 v13, v11;
	v53 =	vunpack.i.l.bf16.f32 v10;
	v6 =	vadd.f32 v6, v14  }
0x384: {  	v54 =	vunpack.i.u.bf16.f32 v10;
	v55 =	vld [tilespmem:s0+$0x0];
	v12 =	vadd.f32 v53, v12;
	v5 =	vadd.f32 v5, v7  }
0x385: {  	v56 =	vadd.f32 v54, v11;
	v57 =	vunpack.i.l.bf16.f32 v8;
	v4 =	vadd.f32 v4, v6  }
0x386: {  	v58 =	vunpack.i.u.bf16.f32 v8;
	v59 =	vadd.f32 v57, v12;
	v3 =	vadd.f32 v3, v5  }
0x387: {  	v60 =	vadd.f32 v58, v56;
	v61 =	vunpack.i.l.bf16.f32 v9;
	v2 =	vadd.f32 v2, v4  }
0x388: {  	v62 =	vunpack.i.u.bf16.f32 v9;
	v6 =	vadd.f32 v61, v59;
	v1 =	vadd.f32 v1, v3  }
0x389: {  	v63 =	vunpack.i.l.bf16.f32 v55;
	v3 =	vadd.f32 v62, v60;
	v0 =	vadd.f32 v0, v2  }
0x38a: {  	v2 =	vunpack.i.u.bf16.f32 v55;
	v4 =	vadd.f32 v63, v6;
	[tilespmem:$0x135C0] =	vst v1  }
0x38b: {  	v1 =	vadd.f32 v2, v3;
	[tilespmem:$0x135D0] =	vst v0  }
0x38c: {  	[tilespmem:$0x135E0] =	vst v4  }
0x38d: {  	s31 =	simm.s32 $0x11600;
	[tilespmem:$0x135F0] =	vst v1  }
0x38e: {  	[hbm4b:s7+s2] =	stream.linear.scatter [tilespmem:s31], [sflag:$0x8], $0x2000, $0x38;
	[tilespmem:$0x16680] =	vst v63  }
0x38f: {  	_ =	swait.ge [sflag:s10], $0x2000  }
0x390: {  	[sflag:s10] =	ssyncset.done $0x0  }
0x391: {  	[sflag:s10] =	ssyncadd.s32 $0xFFFFE000  }
0x392: {  	_ =	swait.ge [sflag:s30], $0x1000  }
0x393: {  	[sflag:s30] =	ssyncset.done $0x0  }
0x394: {  	s11 =	simm.s32 $0x136C0;
	[sflag:s30] =	ssyncadd.s32 $0xFFFFF000  }
0x395: {  	v0 =	vld [tilespmem:s11+$0xFFFFFFD0]  }
0x396: {  	v1 =	vld [tilespmem:s11+$0xFFFFFFC0];
	_ =	sdelay $0x3  }
0x397: {  	s0 =	simm.s32 $0x14700;
	v2 =	vunpack.i.u.bf16.f32 v0  }
0x398: {  	v3 =	vunpack.i.u.bf16.f32 v1;
	[tilespmem:s0+$0xFFFFFFB0] =	vst v2  }
0x399: {  	v0 =	vunpack.i.l.bf16.f32 v0;
	[tilespmem:s0+$0xFFFFFF90] =	vst v3  }
0x39a: {  	v1 =	vunpack.i.l.bf16.f32 v1;
	[tilespmem:s0+$0xFFFFFFA0] =	vst v0  }
0x39b: {  	[tilespmem:s0+$0xFFFFFF80] =	vst v1  }
0x39c: {  	v0 =	vld [tilespmem:s11+$0xFFFFFFE0]  }
0x39d: {  	v1 =	vld [tilespmem:s11+$0xFFFFFFF0];
	_ =	sdelay $0x3  }
0x39e: {  	v2 =	vunpack.i.u.bf16.f32 v0  }
0x39f: {  	v3 =	vunpack.i.l.bf16.f32 v1;
	[tilespmem:s0+$0xFFFFFFD0] =	vst v2  }
0x3a0: {  	v0 =	vunpack.i.l.bf16.f32 v0;
	[tilespmem:s0+$0xFFFFFFE0] =	vst v3  }
0x3a1: {  	v1 =	vunpack.i.u.bf16.f32 v1;
	[tilespmem:s0+$0xFFFFFFC0] =	vst v0  }
0x3a2: {  	[tilespmem:s0+$0xFFFFFFF0] =	vst v1  }
0x3a3: {  	v0 =	vld [tilespmem:s11+$0x0]  }
0x3a4: {  	v2 =	vld [tilespmem:s11+$0x10];
	_ =	sdelay $0x3  }
0x3a5: {  	v3 =	vunpack.i.l.bf16.f32 v0  }
0x3a6: {  	s4 =	simm.s32 $0x0;
	s12 =	simm.s32 $0x14700;
	s5 =	simm.s32 $0x136C0;
	v0 =	vunpack.i.u.bf16.f32 v0;
	v1 =	vunpack.i.u.bf16.f32 v2;
	v2 =	vunpack.i.l.bf16.f32 v2;
	[tilespmem:s0+$0x0] =	vst v3  }
.LBB2_24:
0x3a7: {  	s4 =	sadd.s32 $0x4, s4;
	[tilespmem:s0+$0x20] =	vst v2;
	s11 =	sadd.s32 $0x80, s11;
	s12 =	sadd.s32 $0x100, s12  }
0x3a8: {  	p0 =	slt.u32 s4, $0x7C;
	[tilespmem:s0+$0x10] =	vst v0  }
0x3a9: {  	[tilespmem:s0+$0x30] =	vst v1  }
0x3aa: {  	v0 =	vld [tilespmem:s5+$0x20]  }
0x3ab: {  	v1 =	vld [tilespmem:s5+$0x30];
	s5 =	smov.u32 s11;
	_ =	sdelay $0x3  }
0x3ac: {  	v2 =	vunpack.i.u.bf16.f32 v0;
	v0 =	vunpack.i.l.bf16.f32 v0  }
0x3ad: {  	v3 =	vunpack.i.u.bf16.f32 v1;
	v1 =	vunpack.i.l.bf16.f32 v1;
	[tilespmem:s0+$0x40] =	vst v0  }
0x3ae: {  	[tilespmem:s0+$0x60] =	vst v1  }
0x3af: {  	[tilespmem:s0+$0x50] =	vst v2  }
0x3b0: {  	[tilespmem:s0+$0x70] =	vst v3;
	s0 =	smov.u32 s12  }
0x3b1: {  	v0 =	vld [tilespmem:s11+$0xFFFFFFD0]  }
0x3b2: {  	v1 =	vld [tilespmem:s11+$0xFFFFFFC0];
	_ =	sdelay $0x3  }
0x3b3: {  	v2 =	vunpack.i.u.bf16.f32 v0;
	v0 =	vunpack.i.l.bf16.f32 v0  }
0x3b4: {  	v3 =	vunpack.i.u.bf16.f32 v1;
	v1 =	vunpack.i.l.bf16.f32 v1;
	[tilespmem:s12+$0xFFFFFFB0] =	vst v2  }
0x3b5: {  	[tilespmem:s12+$0xFFFFFF90] =	vst v3  }
0x3b6: {  	[tilespmem:s12+$0xFFFFFFA0] =	vst v0  }
0x3b7: {  	[tilespmem:s12+$0xFFFFFF80] =	vst v1  }
0x3b8: {  	v0 =	vld [tilespmem:s11+$0xFFFFFFE0]  }
0x3b9: {  	v1 =	vld [tilespmem:s11+$0xFFFFFFF0];
	_ =	sdelay $0x3  }
0x3ba: {  	v2 =	vunpack.i.u.bf16.f32 v0;
	v0 =	vunpack.i.l.bf16.f32 v0  }
0x3bb: {  	v3 =	vunpack.i.u.bf16.f32 v1;
	v1 =	vunpack.i.l.bf16.f32 v1;
	[tilespmem:s12+$0xFFFFFFD0] =	vst v2  }
0x3bc: {  	[tilespmem:s12+$0xFFFFFFE0] =	vst v1  }
0x3bd: {  	[tilespmem:s12+$0xFFFFFFC0] =	vst v0  }
0x3be: {  	[tilespmem:s12+$0xFFFFFFF0] =	vst v3  }
0x3bf: {  	v1 =	vld [tilespmem:s11+$0x0]  }
0x3c0: {  	v2 =	vld [tilespmem:s11+$0x10]  }
.Ltmp11:
0x3c1: {  	(pc) =	sbr.rel @p0 .LBB2_24-.Ltmp11, $3  }
0x3c2: {  	_ =	sdelay $0x1  }
0x3c3: {  	v0 =	vunpack.i.u.bf16.f32 v1;
	v3 =	vunpack.i.l.bf16.f32 v1  }
0x3c4: {  	v1 =	vunpack.i.u.bf16.f32 v2;
	v2 =	vunpack.i.l.bf16.f32 v2;
	[tilespmem:s12+$0x0] =	vst v3  }
0x3c5: {  	[tilespmem:s0+$0x20] =	vst v2  }
0x3c6: {  	[tilespmem:s0+$0x10] =	vst v0  }
0x3c7: {  	[tilespmem:s0+$0x30] =	vst v1  }
0x3c8: {  	v0 =	vld [tilespmem:s5+$0x20]  }
0x3c9: {  	v1 =	vld [tilespmem:s5+$0x30];
	_ =	sdelay $0x3  }
0x3ca: {  	v63 =	vunpack.i.l.bf16.f32 v0  }
0x3cb: {  	v3 =	vunpack.i.l.bf16.f32 v1;
	[tilespmem:s0+$0x40] =	vst v63  }
0x3cc: {  	s1 =	sadd.s32 $0x1, s1;
	v0 =	vunpack.i.u.bf16.f32 v0;
	[tilespmem:s0+$0x60] =	vst v3  }
0x3cd: {  	p0 =	sne.s32 s1, s9;
	v1 =	vunpack.i.u.bf16.f32 v1;
	[tilespmem:s0+$0x50] =	vst v0  }
.Ltmp12:
0x3ce: {  	s31 =	simm.s32 $0x14680;
	[tilespmem:s0+$0x70] =	vst v1;
	(pc) =	sbr.rel @p0 .LBB2_1-.Ltmp12, $4  }
0x3cf: {  	[hbm4b:s8+s2] =	stream.linear.scatter [tilespmem:s31], [sflag:$0x8], $0x2000, $0x38;
	[tilespmem:$0x16680] =	vst v63  }
0x3d0: {  	_ =	swait.ge [sflag:s10], $0x2000  }
0x3d1: {  	[sflag:s10] =	ssyncset.done $0x0  }
0x3d2: {  	s4 =	simm.s32 $0x4000;
	s5 =	simm.s32 $0x13600;
	[sflag:s10] =	ssyncadd.s32 $0xFFFFE000  }
0x3d3: {  	_ =	sfence.sel $0x180000  }
0x3d4: {  	[bflag:$0x0] =	sbarrier.arrive $0xFFFF  }
0x3d5: {  	_ =	strace $0x90000047  }
0x3d6: {  	s0 =	stileid.u32;
	[bflag:$0x2] =	sbarrier.arrive $0xFFFF  }
0x3d7: {  	p0 =	sne.s32 s0, $0x0;
	s0 =	rddreg [dreg:$0x4]  }
0x3d8: {  	s0 =	sadd.s32 @!p0 $0x100000, s0  }
0x3d9: {  	[sflag:s0] =	ssyncadd.tile.s32 @!p0 $0x1;
	_ =	shalt  }
.Lfunc_end2:
_tile_overlayer_lowered:
.L_overlay_start_2:
0x3da: {  	(tag) =	ssettag $0x2  }
0x3db: {  	s0 =	rddreg [dreg:$0x0];
	s2 =	stileid.u32  }
0x3dc: {  	s1 =	rddreg [dreg:$0x1];
	p0 =	sne.s32 s2, $0x0  }
0x3dd: {  	s3 =	rddreg [dreg:$0x2];
	[bflag:$0x3] =	sbarrier.arrive $0xFFFF;
	s2 =	simm.s32 @!p0 $0x1C08  }
0x3de: {  	[timem:s3], [sflag:s2] =	dma.local @!p0 [hbm:s0], s1  }
0x3df: {  	s0 =	simm.s32 @!p0 $0x8  }
0x3e0: {  	_ =	swait.ge @!p0 [sflag:s0], s1  }
0x3e1: {  	s1 =	ssub.s32 @!p0 $0x0, s1;
	[sflag:s0] =	ssyncset.done @!p0 $0x0  }
0x3e2: {  	[sflag:s0] =	ssyncadd.s32 @!p0 s1  }
0x3e3: {  	[bflag:$0x3] =	sbarrier.arrive $0xFFFF  }
0x3e4: {  	_ =	shalt  }

</sc_bundles>
